<compile_context>
chip_gen: v7x
topology: tpu7x:2x2x1
jax: 0.10.2.dev20260603
libtpu: 0.0.44.dev20260713+nightly
codegen_flags: <defaults>
</compile_context>

<pallas_src>
import jax
import jax.numpy as jnp
from jax import lax
from jax.experimental import pallas as pl
from jax.experimental.pallas import tpu as pltpu
from jax.experimental.pallas import tpu_sc as plsc

N = 10000
E = 320000
F_IN = 128
DP = 40
ONES_COL = 36

NC = 2
NS = 16
NW = NC * NS
CHUNK = 125
NCHUNKS = E // CHUNK
CH_PER_W = NCHUNKS // NW
KSLOT = 16
AHEAD = 8
N_PAD = 10240
ROWS_PER_TILE = N_PAD // NS




def _sc_agg_body(p_hbm, src_hbm, dst_hbm, zeros_hbm, out_hbm,
                 sidx, didx, rows, agg, sem_g, sem_s, sem_i):
    c = lax.axis_index("c")
    s = lax.axis_index("s")
    w = s * NC + c

    hi1 = pltpu.async_copy(src_hbm.at[pl.ds(w * CH_PER_W, CH_PER_W)], sidx, sem_i)
    hi2 = pltpu.async_copy(dst_hbm.at[pl.ds(w * CH_PER_W, CH_PER_W)], didx, sem_i)
    pltpu.sync_copy(zeros_hbm.at[pl.ds(s * ROWS_PER_TILE, ROWS_PER_TILE)],
                    agg.at[pl.ds(s * ROWS_PER_TILE, ROWS_PER_TILE)])
    hi1.wait()
    hi2.wait()

    def _fire(slot, chunk):
        pltpu.async_copy(p_hbm.at[sidx.at[chunk]], rows.at[slot], sem_g)

    def _wait_gather(slot, chunk):
        pltpu.make_async_copy(p_hbm.at[sidx.at[chunk]], rows.at[slot],
                              sem_g).wait()

    def _scatter(slot, chunk):
        pltpu.async_copy(rows.at[slot], agg.at[didx.at[chunk]], sem_s, add=True)

    def _wait_scatter(slot, chunk):
        pltpu.make_async_copy(rows.at[slot], agg.at[didx.at[chunk]],
                              sem_s).wait()

    for b in range(AHEAD):
        _fire(b, b)
    plsc.subcore_barrier()

    def _group(g, carry):
        i0 = g * KSLOT
        for b in range(KSLOT):
            chunk = i0 + b
            _wait_gather(b, chunk)
            _scatter(b, chunk)
            prev = chunk - AHEAD

            @pl.when(prev >= 0)
            def _():
                _wait_scatter((b - AHEAD) % KSLOT, prev)
            nxt = chunk + AHEAD

            @pl.when(nxt < CH_PER_W)
            def _():
                _fire((b + AHEAD) % KSLOT, nxt)
        return carry

    lax.fori_loop(0, CH_PER_W // KSLOT, _group, 0)

    for b in range(AHEAD):
        chunk = CH_PER_W - AHEAD + b
        _wait_scatter(chunk % KSLOT, chunk)

    plsc.subcore_barrier()
    pltpu.sync_copy(agg.at[pl.ds(s * ROWS_PER_TILE, ROWS_PER_TILE)],
                    out_hbm.at[c, pl.ds(s * ROWS_PER_TILE, ROWS_PER_TILE)])


_sc_agg = pl.kernel(
    _sc_agg_body,
    out_type=jax.ShapeDtypeStruct((NC, N_PAD, DP), jnp.float32),
    mesh=plsc.VectorSubcoreMesh(core_axis_name="c", subcore_axis_name="s"),
    scratch_types=[
        pltpu.VMEM((CH_PER_W, CHUNK), jnp.int32),
        pltpu.VMEM((CH_PER_W, CHUNK), jnp.int32),
        pltpu.VMEM((KSLOT, CHUNK, DP), jnp.float32),
        pltpu.VMEM_SHARED((N_PAD, DP), jnp.float32),
        pltpu.SemaphoreType.DMA,
        pltpu.SemaphoreType.DMA,
        pltpu.SemaphoreType.DMA,
    ],
    compiler_params=pltpu.CompilerParams(use_tc_tiling_on_sc=False),
)




def _tc_a_body(x_ref, w1l_ref, w1r_ref, p1_ref, r1_ref):
    x = x_ref[...]
    xw = jnp.dot(x, w1l_ref[...], preferred_element_type=jnp.float32)
    col = lax.broadcasted_iota(jnp.int32, (N, DP), 1)
    p1_ref[...] = jnp.where(col == ONES_COL, 1.0, xw)
    r1_ref[...] = jnp.dot(x, w1r_ref[...], preferred_element_type=jnp.float32)


def _tc_b_body(parts_ref, r1_ref, b1_ref, w2l_ref, w2r_ref, e36_ref,
               p2_ref, r2_ref, deg_ref):
    agg = parts_ref[0, :N] + parts_ref[1, :N]
    deg = jnp.maximum(
        jnp.dot(agg, e36_ref[...], preferred_element_type=jnp.float32), 1.0)
    h = jnp.maximum(agg / deg + r1_ref[...] + b1_ref[...], 0.0)
    p2_ref[...] = jnp.dot(h, w2l_ref[...], preferred_element_type=jnp.float32)
    r2_ref[...] = jnp.dot(h, w2r_ref[...], preferred_element_type=jnp.float32)
    deg_ref[...] = deg


def _tc_c_body(parts_ref, r2_ref, deg_ref, b2_ref, out_ref):
    agg = parts_ref[0, :N] + parts_ref[1, :N]
    out_ref[...] = agg / deg_ref[...] + r2_ref[...] + b2_ref[...]


_tc_a = pl.pallas_call(
    _tc_a_body,
    out_shape=[jax.ShapeDtypeStruct((N, DP), jnp.float32),
               jax.ShapeDtypeStruct((N, DP), jnp.float32)],
)

_tc_b = pl.pallas_call(
    _tc_b_body,
    out_shape=[jax.ShapeDtypeStruct((N, DP), jnp.float32),
               jax.ShapeDtypeStruct((N, DP), jnp.float32),
               jax.ShapeDtypeStruct((N, 1), jnp.float32)],
)

_tc_c = pl.pallas_call(
    _tc_c_body,
    out_shape=jax.ShapeDtypeStruct((N, DP), jnp.float32),
)




def kernel(x, edge_index, W1_l, b1, W1_r, W2_l, b2, W2_r):
    src = edge_index[0].reshape(NCHUNKS, CHUNK)
    dst = edge_index[1].reshape(NCHUNKS, CHUNK)

    w1l = jnp.zeros((F_IN, DP), jnp.float32).at[:, :36].set(W1_l)
    w1r = jnp.zeros((F_IN, DP), jnp.float32).at[:, :36].set(W1_r)
    b1p = jnp.zeros((1, DP), jnp.float32).at[0, :36].set(b1)
    w2l = jnp.zeros((DP, DP), jnp.float32).at[:36, :40].set(W2_l)
    w2r = jnp.zeros((DP, DP), jnp.float32).at[:36, :40].set(W2_r)
    b2p = jnp.zeros((1, DP), jnp.float32).at[0, :40].set(b2)
    e36 = jnp.zeros((DP, 1), jnp.float32).at[ONES_COL, 0].set(1.0)
    zeros = jnp.zeros((N_PAD, DP), jnp.float32)

    p1, r1 = _tc_a(x, w1l, w1r)
    parts1 = _sc_agg(p1, src, dst, zeros)
    p2, r2, deg = _tc_b(parts1, r1, b1p, w2l, w2r, e36)
    parts2 = _sc_agg(p2, src, dst, zeros)
    return _tc_c(parts2, r2, deg, b2p)

# --- scband reference (transcript-rebuilt; emitter-appended) ---
"""Pipeline reference for scband-sage-30210799960810 (READ-ONLY COPY).

The authoritative reference and input builder live on the scoring server;
editing this copy changes nothing except your own understanding.
"""

import jax, jax.numpy as jnp
import numpy as np

N = 10000
E = 320000
F_IN = 128
NH1 = 36
NC = 40


def setup_inputs(seed: int = 0) -> dict:
    key = jax.random.key(seed)
    ks = jax.random.split(key, 10)
    x = jax.random.normal(ks[0], (N, F_IN), dtype=jnp.float32)
    edge_index = jax.random.randint(ks[1], (2, E), 0, N, dtype=jnp.int32)
    # SAGEConv params: out = lin_l(mean_aggr(x_src -> dst)) + lin_r(x)
    W1_l = jax.random.normal(ks[2], (F_IN, NH1), dtype=jnp.float32) * 0.05
    b1 = jnp.zeros((NH1,), dtype=jnp.float32)
    W1_r = jax.random.normal(ks[3], (F_IN, NH1), dtype=jnp.float32) * 0.05
    W2_l = jax.random.normal(ks[4], (NH1, NC), dtype=jnp.float32) * 0.05
    b2 = jnp.zeros((NC,), dtype=jnp.float32)
    W2_r = jax.random.normal(ks[5], (NH1, NC), dtype=jnp.float32) * 0.05
    return {"x": x, "edge_index": edge_index, "W1_l": W1_l, "b1": b1, "W1_r": W1_r,
            "W2_l": W2_l, "b2": b2, "W2_r": W2_r}


def _sage_conv(x, edge_index, W_l, b, W_r):
    src = edge_index[0]
    dst = edge_index[1]
    n = x.shape[0]
    msg = jnp.take(x, src, axis=0)                       # gather (SparseCore)
    agg = jax.ops.segment_sum(msg, dst, num_segments=n)  # scatter-add
    deg = jax.ops.segment_sum(jnp.ones((edge_index.shape[1],), dtype=x.dtype), dst,
                              num_segments=n)
    mean = agg / jnp.clip(deg, 1.0)[:, None]
    return mean @ W_l + b + x @ W_r


def reference(x, edge_index, W1_l, b1, W1_r, W2_l, b2, W2_r):
    h = _sage_conv(x, edge_index, W1_l, b1, W1_r)
    h = jax.nn.relu(h)
    # dropout is identity in eval mode
    out = _sage_conv(h, edge_index, W2_l, b2, W2_r)
    return out

if __name__ == "__main__":
    import jax
    _d = setup_inputs()
    print(jax.jit(kernel)(*tuple(_d.values())))

</pallas_src>

<mosaic_0001>
#map = affine_map<(d0, d1) -> (0, 0)>
#map1 = affine_map<(d0, d1) -> (0, 0, 0)>
module attributes {stable_mosaic.version = 14 : i64} {
  func.func @_sc_agg_body(%arg0: i32, %arg1: i32, %arg2: memref<10000x40xf32, #tpu.memory_space<hbm>>, %arg3: memref<2560x125xi32, #tpu.memory_space<hbm>>, %arg4: memref<2560x125xi32, #tpu.memory_space<hbm>>, %arg5: memref<10240x40xf32, #tpu.memory_space<hbm>>, %arg6: memref<2x10240x40xf32, #tpu.memory_space<hbm>>, %arg7: memref<80x125xi32, #tpu.memory_space<vmem>>, %arg8: memref<80x125xi32, #tpu.memory_space<vmem>>, %arg9: memref<16x125x40xf32, #tpu.memory_space<vmem>>, %arg10: memref<10240x40xf32, #tpu.memory_space<vmem_shared>>, %arg11: memref<!tpu.dma_semaphore, #tpu.memory_space<semaphore_mem>>, %arg12: memref<!tpu.dma_semaphore, #tpu.memory_space<semaphore_mem>>, %arg13: memref<!tpu.dma_semaphore, #tpu.memory_space<semaphore_mem>>) attributes {dimension_semantics = [#tpu.dimension_semantics<core_parallel>, #tpu.dimension_semantics<subcore_parallel>], iteration_bounds = array<i64: 2, 16>, scalar_prefetch = 0 : i64, scratch_operands = 7 : i64, tpu.core_type = #tpu.core_type<sc_vector_subcore>, window_params = [{transform_indices = #map}, {transform_indices = #map}, {transform_indices = #map}, {transform_indices = #map}, {transform_indices = #map1}]} {
    %mul3A = arith.constant 40 : i32
    %mul3A_0 = arith.muli %arg1, %mul3A : i32
    %add3A = arith.addi %mul3A_0, %arg0 : i32
    %mul3A_1 = arith.constant 80 : i32
    %mul3A_2 = arith.muli %add3A, %mul3A_1 : i32
    %dma_start3A = arith.constant 0 : i32
    %dma_start3A_3 = tpu.memref_slice %arg3[%mul3A_2, %dma_start3A] : memref<2560x125xi32, #tpu.memory_space<hbm>> -> memref<80x125xi32, #tpu.memory_space<hbm>>
    %dma_start3A_4 = arith.constant 0 : i32
    %dma_start3A_5 = tpu.memref_slice %arg3[%mul3A_2, %dma_start3A_4] : memref<2560x125xi32, #tpu.memory_space<hbm>> -> memref<80x125xi32, #tpu.memory_space<hbm>>
    tpu.enqueue_dma source(%dma_start3A_5 : memref<80x125xi32, #tpu.memory_space<hbm>>) target(%arg7 : memref<80x125xi32, #tpu.memory_space<vmem>>) target_semaphore(%arg13 : memref<!tpu.dma_semaphore, #tpu.memory_space<semaphore_mem>>)
    %mul3A_6 = arith.constant 80 : i32
    %mul3A_7 = arith.muli %add3A, %mul3A_6 : i32
    %dma_start3A_8 = arith.constant 0 : i32
    %dma_start3A_9 = tpu.memref_slice %arg4[%mul3A_7, %dma_start3A_8] : memref<2560x125xi32, #tpu.memory_space<hbm>> -> memref<80x125xi32, #tpu.memory_space<hbm>>
    %dma_start3A_10 = arith.constant 0 : i32
    %dma_start3A_11 = tpu.memref_slice %arg4[%mul3A_7, %dma_start3A_10] : memref<2560x125xi32, #tpu.memory_space<hbm>> -> memref<80x125xi32, #tpu.memory_space<hbm>>
    tpu.enqueue_dma source(%dma_start3A_11 : memref<80x125xi32, #tpu.memory_space<hbm>>) target(%arg8 : memref<80x125xi32, #tpu.memory_space<vmem>>) target_semaphore(%arg13 : memref<!tpu.dma_semaphore, #tpu.memory_space<semaphore_mem>>)
    %mul3A_12 = arith.constant 640 : i32
    %mul3A_13 = arith.muli %arg1, %mul3A_12 : i32
    %mul3A_14 = arith.constant 640 : i32
    %mul3A_15 = arith.muli %arg1, %mul3A_14 : i32
    "tpu.region"() ({
      %run_scoped3A = tpu.sem_alloc : memref<!tpu.dma_semaphore, #tpu.memory_space<semaphore_mem>>
      %dma_start3A_225 = arith.constant 0 : i32
      %dma_start3A_226 = tpu.memref_slice %arg10[%mul3A_15, %dma_start3A_225] : memref<10240x40xf32, #tpu.memory_space<vmem_shared>> -> memref<640x40xf32, #tpu.memory_space<vmem_shared>>
      %dma_start3A_227 = arith.constant 0 : i32
      %dma_start3A_228 = tpu.memref_slice %arg5[%mul3A_13, %dma_start3A_227] : memref<10240x40xf32, #tpu.memory_space<hbm>> -> memref<640x40xf32, #tpu.memory_space<hbm>>
      tpu.enqueue_dma source(%dma_start3A_228 : memref<640x40xf32, #tpu.memory_space<hbm>>) target(%dma_start3A_226 : memref<640x40xf32, #tpu.memory_space<vmem_shared>>) target_semaphore(%run_scoped3A : memref<!tpu.dma_semaphore, #tpu.memory_space<semaphore_mem>>)
      %dma_wait3A_229 = arith.constant 0 : i32
      %dma_wait3A_230 = tpu.memref_slice %arg10[%mul3A_15, %dma_wait3A_229] : memref<10240x40xf32, #tpu.memory_space<vmem_shared>> -> memref<640x40xf32, #tpu.memory_space<vmem_shared>>
      %dma_wait3A_231 = arith.constant 0 : i32
      %dma_wait3A_232 = tpu.memref_slice %arg5[%mul3A_13, %dma_wait3A_231] : memref<10240x40xf32, #tpu.memory_space<hbm>> -> memref<640x40xf32, #tpu.memory_space<hbm>>
      tpu.wait_dma2 semaphore(%run_scoped3A : memref<!tpu.dma_semaphore, #tpu.memory_space<semaphore_mem>>) src(%dma_wait3A_232 : memref<640x40xf32, #tpu.memory_space<hbm>>) dst(%dma_wait3A_230 : memref<640x40xf32, #tpu.memory_space<vmem_shared>>)
      tpu.yield
    }) : () -> ()
    %dma_wait3A = arith.constant 0 : i32
    %dma_wait3A_16 = tpu.memref_slice %arg3[%mul3A_2, %dma_wait3A] : memref<2560x125xi32, #tpu.memory_space<hbm>> -> memref<80x125xi32, #tpu.memory_space<hbm>>
    %dma_wait3A_17 = arith.constant 0 : i32
    %dma_wait3A_18 = tpu.memref_slice %arg3[%mul3A_2, %dma_wait3A_17] : memref<2560x125xi32, #tpu.memory_space<hbm>> -> memref<80x125xi32, #tpu.memory_space<hbm>>
    tpu.wait_dma2 semaphore(%arg13 : memref<!tpu.dma_semaphore, #tpu.memory_space<semaphore_mem>>) src(%dma_wait3A_18 : memref<80x125xi32, #tpu.memory_space<hbm>>) dst(%arg7 : memref<80x125xi32, #tpu.memory_space<vmem>>)
    %dma_wait3A_19 = arith.constant 0 : i32
    %dma_wait3A_20 = tpu.memref_slice %arg4[%mul3A_7, %dma_wait3A_19] : memref<2560x125xi32, #tpu.memory_space<hbm>> -> memref<80x125xi32, #tpu.memory_space<hbm>>
    %dma_wait3A_21 = arith.constant 0 : i32
    %dma_wait3A_22 = tpu.memref_slice %arg4[%mul3A_7, %dma_wait3A_21] : memref<2560x125xi32, #tpu.memory_space<hbm>> -> memref<80x125xi32, #tpu.memory_space<hbm>>
    tpu.wait_dma2 semaphore(%arg13 : memref<!tpu.dma_semaphore, #tpu.memory_space<semaphore_mem>>) src(%dma_wait3A_22 : memref<80x125xi32, #tpu.memory_space<hbm>>) dst(%arg8 : memref<80x125xi32, #tpu.memory_space<vmem>>)
    %dma_start3A_23 = arith.constant 0 : i32
    %dma_start3A_24 = arith.constant 0 : i32
    %dma_start3A_25 = arith.constant 0 : i32
    %dma_start3A_26 = arith.constant 0 : i32
    %dma_start3A_27 = tpu.memref_slice %arg9[%dma_start3A_24, %dma_start3A_25, %dma_start3A_26] : memref<16x125x40xf32, #tpu.memory_space<vmem>> -> memref<1x125x40xf32, #tpu.memory_space<vmem>>
    %dma_start3A_28 = tpu.memref_squeeze %dma_start3A_27 : memref<1x125x40xf32, #tpu.memory_space<vmem>> -> memref<125x40xf32, #tpu.memory_space<vmem>>
    %dma_start3A_29 = arith.constant 0 : i32
    %dma_start3A_30 = tpu.memref_slice %arg7[%dma_start3A_23, %dma_start3A_29] : memref<80x125xi32, #tpu.memory_space<vmem>> -> memref<1x125xi32, #tpu.memory_space<vmem>>
    %dma_start3A_31 = tpu.memref_squeeze %dma_start3A_30 : memref<1x125xi32, #tpu.memory_space<vmem>> -> memref<125xi32, #tpu.memory_space<vmem>>
    %dma_start3A_32 = arith.constant 0 : i32
    %dma_start3A_33 = arith.constant 0 : i32
    %dma_start3A_34 = tpu.memref_slice %arg2[%dma_start3A_32, %dma_start3A_33] : memref<10000x40xf32, #tpu.memory_space<hbm>> -> memref<10000x40xf32, #tpu.memory_space<hbm>>
    tpu.enqueue_indirect_dma source(%dma_start3A_34 : memref<10000x40xf32, #tpu.memory_space<hbm>>) target(%dma_start3A_28 : memref<125x40xf32, #tpu.memory_space<vmem>>) offsets(%dma_start3A_31 : memref<125xi32, #tpu.memory_space<vmem>>) semaphore(%arg11 : memref<!tpu.dma_semaphore, #tpu.memory_space<semaphore_mem>>)
    %dma_start3A_35 = arith.constant 1 : i32
    %dma_start3A_36 = arith.constant 1 : i32
    %dma_start3A_37 = arith.constant 0 : i32
    %dma_start3A_38 = arith.constant 0 : i32
    %dma_start3A_39 = tpu.memref_slice %arg9[%dma_start3A_36, %dma_start3A_37, %dma_start3A_38] : memref<16x125x40xf32, #tpu.memory_space<vmem>> -> memref<1x125x40xf32, #tpu.memory_space<vmem>>
    %dma_start3A_40 = tpu.memref_squeeze %dma_start3A_39 : memref<1x125x40xf32, #tpu.memory_space<vmem>> -> memref<125x40xf32, #tpu.memory_space<vmem>>
    %dma_start3A_41 = arith.constant 0 : i32
    %dma_start3A_42 = tpu.memref_slice %arg7[%dma_start3A_35, %dma_start3A_41] : memref<80x125xi32, #tpu.memory_space<vmem>> -> memref<1x125xi32, #tpu.memory_space<vmem>>
    %dma_start3A_43 = tpu.memref_squeeze %dma_start3A_42 : memref<1x125xi32, #tpu.memory_space<vmem>> -> memref<125xi32, #tpu.memory_space<vmem>>
    %dma_start3A_44 = arith.constant 0 : i32
    %dma_start3A_45 = arith.constant 0 : i32
    %dma_start3A_46 = tpu.memref_slice %arg2[%dma_start3A_44, %dma_start3A_45] : memref<10000x40xf32, #tpu.memory_space<hbm>> -> memref<10000x40xf32, #tpu.memory_space<hbm>>
    tpu.enqueue_indirect_dma source(%dma_start3A_46 : memref<10000x40xf32, #tpu.memory_space<hbm>>) target(%dma_start3A_40 : memref<125x40xf32, #tpu.memory_space<vmem>>) offsets(%dma_start3A_43 : memref<125xi32, #tpu.memory_space<vmem>>) semaphore(%arg11 : memref<!tpu.dma_semaphore, #tpu.memory_space<semaphore_mem>>)
    %dma_start3A_47 = arith.constant 2 : i32
    %dma_start3A_48 = arith.constant 2 : i32
    %dma_start3A_49 = arith.constant 0 : i32
    %dma_start3A_50 = arith.constant 0 : i32
    %dma_start3A_51 = tpu.memref_slice %arg9[%dma_start3A_48, %dma_start3A_49, %dma_start3A_50] : memref<16x125x40xf32, #tpu.memory_space<vmem>> -> memref<1x125x40xf32, #tpu.memory_space<vmem>>
    %dma_start3A_52 = tpu.memref_squeeze %dma_start3A_51 : memref<1x125x40xf32, #tpu.memory_space<vmem>> -> memref<125x40xf32, #tpu.memory_space<vmem>>
    %dma_start3A_53 = arith.constant 0 : i32
    %dma_start3A_54 = tpu.memref_slice %arg7[%dma_start3A_47, %dma_start3A_53] : memref<80x125xi32, #tpu.memory_space<vmem>> -> memref<1x125xi32, #tpu.memory_space<vmem>>
    %dma_start3A_55 = tpu.memref_squeeze %dma_start3A_54 : memref<1x125xi32, #tpu.memory_space<vmem>> -> memref<125xi32, #tpu.memory_space<vmem>>
    %dma_start3A_56 = arith.constant 0 : i32
    %dma_start3A_57 = arith.constant 0 : i32
    %dma_start3A_58 = tpu.memref_slice %arg2[%dma_start3A_56, %dma_start3A_57] : memref<10000x40xf32, #tpu.memory_space<hbm>> -> memref<10000x40xf32, #tpu.memory_space<hbm>>
    tpu.enqueue_indirect_dma source(%dma_start3A_58 : memref<10000x40xf32, #tpu.memory_space<hbm>>) target(%dma_start3A_52 : memref<125x40xf32, #tpu.memory_space<vmem>>) offsets(%dma_start3A_55 : memref<125xi32, #tpu.memory_space<vmem>>) semaphore(%arg11 : memref<!tpu.dma_semaphore, #tpu.memory_space<semaphore_mem>>)
    %dma_start3A_59 = arith.constant 3 : i32
    %dma_start3A_60 = arith.constant 3 : i32
    %dma_start3A_61 = arith.constant 0 : i32
    %dma_start3A_62 = arith.constant 0 : i32
    %dma_start3A_63 = tpu.memref_slice %arg9[%dma_start3A_60, %dma_start3A_61, %dma_start3A_62] : memref<16x125x40xf32, #tpu.memory_space<vmem>> -> memref<1x125x40xf32, #tpu.memory_space<vmem>>
    %dma_start3A_64 = tpu.memref_squeeze %dma_start3A_63 : memref<1x125x40xf32, #tpu.memory_space<vmem>> -> memref<125x40xf32, #tpu.memory_space<vmem>>
    %dma_start3A_65 = arith.constant 0 : i32
    %dma_start3A_66 = tpu.memref_slice %arg7[%dma_start3A_59, %dma_start3A_65] : memref<80x125xi32, #tpu.memory_space<vmem>> -> memref<1x125xi32, #tpu.memory_space<vmem>>
    %dma_start3A_67 = tpu.memref_squeeze %dma_start3A_66 : memref<1x125xi32, #tpu.memory_space<vmem>> -> memref<125xi32, #tpu.memory_space<vmem>>
    %dma_start3A_68 = arith.constant 0 : i32
    %dma_start3A_69 = arith.constant 0 : i32
    %dma_start3A_70 = tpu.memref_slice %arg2[%dma_start3A_68, %dma_start3A_69] : memref<10000x40xf32, #tpu.memory_space<hbm>> -> memref<10000x40xf32, #tpu.memory_space<hbm>>
    tpu.enqueue_indirect_dma source(%dma_start3A_70 : memref<10000x40xf32, #tpu.memory_space<hbm>>) target(%dma_start3A_64 : memref<125x40xf32, #tpu.memory_space<vmem>>) offsets(%dma_start3A_67 : memref<125xi32, #tpu.memory_space<vmem>>) semaphore(%arg11 : memref<!tpu.dma_semaphore, #tpu.memory_space<semaphore_mem>>)
    %dma_start3A_71 = arith.constant 4 : i32
    %dma_start3A_72 = arith.constant 4 : i32
    %dma_start3A_73 = arith.constant 0 : i32
    %dma_start3A_74 = arith.constant 0 : i32
    %dma_start3A_75 = tpu.memref_slice %arg9[%dma_start3A_72, %dma_start3A_73, %dma_start3A_74] : memref<16x125x40xf32, #tpu.memory_space<vmem>> -> memref<1x125x40xf32, #tpu.memory_space<vmem>>
    %dma_start3A_76 = tpu.memref_squeeze %dma_start3A_75 : memref<1x125x40xf32, #tpu.memory_space<vmem>> -> memref<125x40xf32, #tpu.memory_space<vmem>>
    %dma_start3A_77 = arith.constant 0 : i32
    %dma_start3A_78 = tpu.memref_slice %arg7[%dma_start3A_71, %dma_start3A_77] : memref<80x125xi32, #tpu.memory_space<vmem>> -> memref<1x125xi32, #tpu.memory_space<vmem>>
    %dma_start3A_79 = tpu.memref_squeeze %dma_start3A_78 : memref<1x125xi32, #tpu.memory_space<vmem>> -> memref<125xi32, #tpu.memory_space<vmem>>
    %dma_start3A_80 = arith.constant 0 : i32
    %dma_start3A_81 = arith.constant 0 : i32
    %dma_start3A_82 = tpu.memref_slice %arg2[%dma_start3A_80, %dma_start3A_81] : memref<10000x40xf32, #tpu.memory_space<hbm>> -> memref<10000x40xf32, #tpu.memory_space<hbm>>
    tpu.enqueue_indirect_dma source(%dma_start3A_82 : memref<10000x40xf32, #tpu.memory_space<hbm>>) target(%dma_start3A_76 : memref<125x40xf32, #tpu.memory_space<vmem>>) offsets(%dma_start3A_79 : memref<125xi32, #tpu.memory_space<vmem>>) semaphore(%arg11 : memref<!tpu.dma_semaphore, #tpu.memory_space<semaphore_mem>>)
    %dma_start3A_83 = arith.constant 5 : i32
    %dma_start3A_84 = arith.constant 5 : i32
    %dma_start3A_85 = arith.constant 0 : i32
    %dma_start3A_86 = arith.constant 0 : i32
    %dma_start3A_87 = tpu.memref_slice %arg9[%dma_start3A_84, %dma_start3A_85, %dma_start3A_86] : memref<16x125x40xf32, #tpu.memory_space<vmem>> -> memref<1x125x40xf32, #tpu.memory_space<vmem>>
    %dma_start3A_88 = tpu.memref_squeeze %dma_start3A_87 : memref<1x125x40xf32, #tpu.memory_space<vmem>> -> memref<125x40xf32, #tpu.memory_space<vmem>>
    %dma_start3A_89 = arith.constant 0 : i32
    %dma_start3A_90 = tpu.memref_slice %arg7[%dma_start3A_83, %dma_start3A_89] : memref<80x125xi32, #tpu.memory_space<vmem>> -> memref<1x125xi32, #tpu.memory_space<vmem>>
    %dma_start3A_91 = tpu.memref_squeeze %dma_start3A_90 : memref<1x125xi32, #tpu.memory_space<vmem>> -> memref<125xi32, #tpu.memory_space<vmem>>
    %dma_start3A_92 = arith.constant 0 : i32
    %dma_start3A_93 = arith.constant 0 : i32
    %dma_start3A_94 = tpu.memref_slice %arg2[%dma_start3A_92, %dma_start3A_93] : memref<10000x40xf32, #tpu.memory_space<hbm>> -> memref<10000x40xf32, #tpu.memory_space<hbm>>
    tpu.enqueue_indirect_dma source(%dma_start3A_94 : memref<10000x40xf32, #tpu.memory_space<hbm>>) target(%dma_start3A_88 : memref<125x40xf32, #tpu.memory_space<vmem>>) offsets(%dma_start3A_91 : memref<125xi32, #tpu.memory_space<vmem>>) semaphore(%arg11 : memref<!tpu.dma_semaphore, #tpu.memory_space<semaphore_mem>>)
    %dma_start3A_95 = arith.constant 6 : i32
    %dma_start3A_96 = arith.constant 6 : i32
    %dma_start3A_97 = arith.constant 0 : i32
    %dma_start3A_98 = arith.constant 0 : i32
    %dma_start3A_99 = tpu.memref_slice %arg9[%dma_start3A_96, %dma_start3A_97, %dma_start3A_98] : memref<16x125x40xf32, #tpu.memory_space<vmem>> -> memref<1x125x40xf32, #tpu.memory_space<vmem>>
    %dma_start3A_100 = tpu.memref_squeeze %dma_start3A_99 : memref<1x125x40xf32, #tpu.memory_space<vmem>> -> memref<125x40xf32, #tpu.memory_space<vmem>>
    %dma_start3A_101 = arith.constant 0 : i32
    %dma_start3A_102 = tpu.memref_slice %arg7[%dma_start3A_95, %dma_start3A_101] : memref<80x125xi32, #tpu.memory_space<vmem>> -> memref<1x125xi32, #tpu.memory_space<vmem>>
    %dma_start3A_103 = tpu.memref_squeeze %dma_start3A_102 : memref<1x125xi32, #tpu.memory_space<vmem>> -> memref<125xi32, #tpu.memory_space<vmem>>
    %dma_start3A_104 = arith.constant 0 : i32
    %dma_start3A_105 = arith.constant 0 : i32
    %dma_start3A_106 = tpu.memref_slice %arg2[%dma_start3A_104, %dma_start3A_105] : memref<10000x40xf32, #tpu.memory_space<hbm>> -> memref<10000x40xf32, #tpu.memory_space<hbm>>
    tpu.enqueue_indirect_dma source(%dma_start3A_106 : memref<10000x40xf32, #tpu.memory_space<hbm>>) target(%dma_start3A_100 : memref<125x40xf32, #tpu.memory_space<vmem>>) offsets(%dma_start3A_103 : memref<125xi32, #tpu.memory_space<vmem>>) semaphore(%arg11 : memref<!tpu.dma_semaphore, #tpu.memory_space<semaphore_mem>>)
    %dma_start3A_107 = arith.constant 7 : i32
    %dma_start3A_108 = arith.constant 7 : i32
    %dma_start3A_109 = arith.constant 0 : i32
    %dma_start3A_110 = arith.constant 0 : i32
    %dma_start3A_111 = tpu.memref_slice %arg9[%dma_start3A_108, %dma_start3A_109, %dma_start3A_110] : memref<16x125x40xf32, #tpu.memory_space<vmem>> -> memref<1x125x40xf32, #tpu.memory_space<vmem>>
    %dma_start3A_112 = tpu.memref_squeeze %dma_start3A_111 : memref<1x125x40xf32, #tpu.memory_space<vmem>> -> memref<125x40xf32, #tpu.memory_space<vmem>>
    %dma_start3A_113 = arith.constant 0 : i32
    %dma_start3A_114 = tpu.memref_slice %arg7[%dma_start3A_107, %dma_start3A_113] : memref<80x125xi32, #tpu.memory_space<vmem>> -> memref<1x125xi32, #tpu.memory_space<vmem>>
    %dma_start3A_115 = tpu.memref_squeeze %dma_start3A_114 : memref<1x125xi32, #tpu.memory_space<vmem>> -> memref<125xi32, #tpu.memory_space<vmem>>
    %dma_start3A_116 = arith.constant 0 : i32
    %dma_start3A_117 = arith.constant 0 : i32
    %dma_start3A_118 = tpu.memref_slice %arg2[%dma_start3A_116, %dma_start3A_117] : memref<10000x40xf32, #tpu.memory_space<hbm>> -> memref<10000x40xf32, #tpu.memory_space<hbm>>
    tpu.enqueue_indirect_dma source(%dma_start3A_118 : memref<10000x40xf32, #tpu.memory_space<hbm>>) target(%dma_start3A_112 : memref<125x40xf32, #tpu.memory_space<vmem>>) offsets(%dma_start3A_115 : memref<125xi32, #tpu.memory_space<vmem>>) semaphore(%arg11 : memref<!tpu.dma_semaphore, #tpu.memory_space<semaphore_mem>>)
    %barrier3A = arith.constant 0 : index
    tpu.barrier barrier_id(%barrier3A)
    %scan3A = arith.constant 0 : i32
    %scan3A_119 = arith.constant 0 : i32
    %scan3A_120 = arith.constant 5 : i32
    %scan3A_121 = arith.addi %scan3A_119, %scan3A_120 : i32
    %scan3A_122 = arith.constant 1 : i32
    scf.for %scan3A_225 = %scan3A_119 to %scan3A_121 step %scan3A_122  : i32 {
      %mul3A_226 = arith.constant 16 : i32
      %mul3A_227 = arith.muli %scan3A_225, %mul3A_226 : i32
      %add3A_228 = arith.constant 0 : i32
      %add3A_229 = arith.addi %mul3A_227, %add3A_228 : i32
      %dma_wait3A_230 = arith.constant 0 : i32
      %dma_wait3A_231 = arith.constant 0 : i32
      %dma_wait3A_232 = arith.constant 0 : i32
      %dma_wait3A_233 = tpu.memref_slice %arg9[%dma_wait3A_230, %dma_wait3A_231, %dma_wait3A_232] : memref<16x125x40xf32, #tpu.memory_space<vmem>> -> memref<1x125x40xf32, #tpu.memory_space<vmem>>
      %dma_wait3A_234 = tpu.memref_squeeze %dma_wait3A_233 : memref<1x125x40xf32, #tpu.memory_space<vmem>> -> memref<125x40xf32, #tpu.memory_space<vmem>>
      %dma_wait3A_235 = arith.constant 0 : i32
      %dma_wait3A_236 = tpu.memref_slice %arg7[%add3A_229, %dma_wait3A_235] : memref<80x125xi32, #tpu.memory_space<vmem>> -> memref<1x125xi32, #tpu.memory_space<vmem>>
      %dma_wait3A_237 = tpu.memref_squeeze %dma_wait3A_236 : memref<1x125xi32, #tpu.memory_space<vmem>> -> memref<125xi32, #tpu.memory_space<vmem>>
      %dma_wait3A_238 = arith.constant 0 : i32
      %dma_wait3A_239 = arith.constant 0 : i32
      %dma_wait3A_240 = tpu.memref_slice %arg2[%dma_wait3A_238, %dma_wait3A_239] : memref<10000x40xf32, #tpu.memory_space<hbm>> -> memref<10000x40xf32, #tpu.memory_space<hbm>>
      tpu.wait_indirect_dma semaphore(%arg11 : memref<!tpu.dma_semaphore, #tpu.memory_space<semaphore_mem>>) src(%dma_wait3A_240 : memref<10000x40xf32, #tpu.memory_space<hbm>>) dst(%dma_wait3A_234 : memref<125x40xf32, #tpu.memory_space<vmem>>)
      %dma_start3A_241 = arith.constant 0 : i32
      %dma_start3A_242 = arith.constant 0 : i32
      %dma_start3A_243 = arith.constant 0 : i32
      %dma_start3A_244 = tpu.memref_slice %arg9[%dma_start3A_241, %dma_start3A_242, %dma_start3A_243] : memref<16x125x40xf32, #tpu.memory_space<vmem>> -> memref<1x125x40xf32, #tpu.memory_space<vmem>>
      %dma_start3A_245 = tpu.memref_squeeze %dma_start3A_244 : memref<1x125x40xf32, #tpu.memory_space<vmem>> -> memref<125x40xf32, #tpu.memory_space<vmem>>
      %dma_start3A_246 = arith.constant 0 : i32
      %dma_start3A_247 = tpu.memref_slice %arg8[%add3A_229, %dma_start3A_246] : memref<80x125xi32, #tpu.memory_space<vmem>> -> memref<1x125xi32, #tpu.memory_space<vmem>>
      %dma_start3A_248 = tpu.memref_squeeze %dma_start3A_247 : memref<1x125xi32, #tpu.memory_space<vmem>> -> memref<125xi32, #tpu.memory_space<vmem>>
      %dma_start3A_249 = arith.constant 0 : i32
      %dma_start3A_250 = arith.constant 0 : i32
      %dma_start3A_251 = tpu.memref_slice %arg10[%dma_start3A_249, %dma_start3A_250] : memref<10240x40xf32, #tpu.memory_space<vmem_shared>> -> memref<10240x40xf32, #tpu.memory_space<vmem_shared>>
      tpu.enqueue_indirect_dma source(%dma_start3A_245 : memref<125x40xf32, #tpu.memory_space<vmem>>) target(%dma_start3A_251 : memref<10240x40xf32, #tpu.memory_space<vmem_shared>>) offsets(%dma_start3A_248 : memref<125xi32, #tpu.memory_space<vmem>>) semaphore(%arg12 : memref<!tpu.dma_semaphore, #tpu.memory_space<semaphore_mem>>) {add = true}
      %sub3A = arith.constant 8 : i32
      %sub3A_252 = arith.subi %add3A_229, %sub3A : i32
      %ge3A = arith.constant 0 : i32
      %ge3A_253 = arith.cmpi sge, %sub3A_252, %ge3A : i32
      %convert_element_type3A = arith.extui %ge3A_253 : i1 to i32
      %cond3A = arith.constant 0 : i32
      %cond3A_254 = arith.cmpi ne, %convert_element_type3A, %cond3A : i32
      scf.if %cond3A_254 {
        %dma_wait3A_831 = arith.constant 8 : i32
        %dma_wait3A_832 = arith.constant 0 : i32
        %dma_wait3A_833 = arith.constant 0 : i32
        %dma_wait3A_834 = tpu.memref_slice %arg9[%dma_wait3A_831, %dma_wait3A_832, %dma_wait3A_833] : memref<16x125x40xf32, #tpu.memory_space<vmem>> -> memref<1x125x40xf32, #tpu.memory_space<vmem>>
        %dma_wait3A_835 = tpu.memref_squeeze %dma_wait3A_834 : memref<1x125x40xf32, #tpu.memory_space<vmem>> -> memref<125x40xf32, #tpu.memory_space<vmem>>
        %dma_wait3A_836 = arith.constant 0 : i32
        %dma_wait3A_837 = tpu.memref_slice %arg8[%sub3A_252, %dma_wait3A_836] : memref<80x125xi32, #tpu.memory_space<vmem>> -> memref<1x125xi32, #tpu.memory_space<vmem>>
        %dma_wait3A_838 = tpu.memref_squeeze %dma_wait3A_837 : memref<1x125xi32, #tpu.memory_space<vmem>> -> memref<125xi32, #tpu.memory_space<vmem>>
        %dma_wait3A_839 = arith.constant 0 : i32
        %dma_wait3A_840 = arith.constant 0 : i32
        %dma_wait3A_841 = tpu.memref_slice %arg10[%dma_wait3A_839, %dma_wait3A_840] : memref<10240x40xf32, #tpu.memory_space<vmem_shared>> -> memref<10240x40xf32, #tpu.memory_space<vmem_shared>>
        tpu.wait_indirect_dma semaphore(%arg12 : memref<!tpu.dma_semaphore, #tpu.memory_space<semaphore_mem>>) src(%dma_wait3A_835 : memref<125x40xf32, #tpu.memory_space<vmem>>) dst(%dma_wait3A_841 : memref<10240x40xf32, #tpu.memory_space<vmem_shared>>)
      } else {
      }
      %add3A_255 = arith.constant 8 : i32
      %add3A_256 = arith.addi %add3A_229, %add3A_255 : i32
      %lt3A = arith.constant 80 : i32
      %lt3A_257 = arith.cmpi slt, %add3A_256, %lt3A : i32
      %convert_element_type3A_258 = arith.extui %lt3A_257 : i1 to i32
      %cond3A_259 = arith.constant 0 : i32
      %cond3A_260 = arith.cmpi ne, %convert_element_type3A_258, %cond3A_259 : i32
      scf.if %cond3A_260 {
        %dma_start3A_831 = arith.constant 8 : i32
        %dma_start3A_832 = arith.constant 0 : i32
        %dma_start3A_833 = arith.constant 0 : i32
        %dma_start3A_834 = tpu.memref_slice %arg9[%dma_start3A_831, %dma_start3A_832, %dma_start3A_833] : memref<16x125x40xf32, #tpu.memory_space<vmem>> -> memref<1x125x40xf32, #tpu.memory_space<vmem>>
        %dma_start3A_835 = tpu.memref_squeeze %dma_start3A_834 : memref<1x125x40xf32, #tpu.memory_space<vmem>> -> memref<125x40xf32, #tpu.memory_space<vmem>>
        %dma_start3A_836 = arith.constant 0 : i32
        %dma_start3A_837 = tpu.memref_slice %arg7[%add3A_256, %dma_start3A_836] : memref<80x125xi32, #tpu.memory_space<vmem>> -> memref<1x125xi32, #tpu.memory_space<vmem>>
        %dma_start3A_838 = tpu.memref_squeeze %dma_start3A_837 : memref<1x125xi32, #tpu.memory_space<vmem>> -> memref<125xi32, #tpu.memory_space<vmem>>
        %dma_start3A_839 = arith.constant 0 : i32
        %dma_start3A_840 = arith.constant 0 : i32
        %dma_start3A_841 = tpu.memref_slice %arg2[%dma_start3A_839, %dma_start3A_840] : memref<10000x40xf32, #tpu.memory_space<hbm>> -> memref<10000x40xf32, #tpu.memory_space<hbm>>
        tpu.enqueue_indirect_dma source(%dma_start3A_841 : memref<10000x40xf32, #tpu.memory_space<hbm>>) target(%dma_start3A_835 : memref<125x40xf32, #tpu.memory_space<vmem>>) offsets(%dma_start3A_838 : memref<125xi32, #tpu.memory_space<vmem>>) semaphore(%arg11 : memref<!tpu.dma_semaphore, #tpu.memory_space<semaphore_mem>>)
      } else {
      }
      %add3A_261 = arith.constant 1 : i32
      %add3A_262 = arith.addi %mul3A_227, %add3A_261 : i32
      %dma_wait3A_263 = arith.constant 1 : i32
      %dma_wait3A_264 = arith.constant 0 : i32
      %dma_wait3A_265 = arith.constant 0 : i32
      %dma_wait3A_266 = tpu.memref_slice %arg9[%dma_wait3A_263, %dma_wait3A_264, %dma_wait3A_265] : memref<16x125x40xf32, #tpu.memory_space<vmem>> -> memref<1x125x40xf32, #tpu.memory_space<vmem>>
      %dma_wait3A_267 = tpu.memref_squeeze %dma_wait3A_266 : memref<1x125x40xf32, #tpu.memory_space<vmem>> -> memref<125x40xf32, #tpu.memory_space<vmem>>
      %dma_wait3A_268 = arith.constant 0 : i32
      %dma_wait3A_269 = tpu.memref_slice %arg7[%add3A_262, %dma_wait3A_268] : memref<80x125xi32, #tpu.memory_space<vmem>> -> memref<1x125xi32, #tpu.memory_space<vmem>>
      %dma_wait3A_270 = tpu.memref_squeeze %dma_wait3A_269 : memref<1x125xi32, #tpu.memory_space<vmem>> -> memref<125xi32, #tpu.memory_space<vmem>>
      %dma_wait3A_271 = arith.constant 0 : i32
      %dma_wait3A_272 = arith.constant 0 : i32
      %dma_wait3A_273 = tpu.memref_slice %arg2[%dma_wait3A_271, %dma_wait3A_272] : memref<10000x40xf32, #tpu.memory_space<hbm>> -> memref<10000x40xf32, #tpu.memory_space<hbm>>
      tpu.wait_indirect_dma semaphore(%arg11 : memref<!tpu.dma_semaphore, #tpu.memory_space<semaphore_mem>>) src(%dma_wait3A_273 : memref<10000x40xf32, #tpu.memory_space<hbm>>) dst(%dma_wait3A_267 : memref<125x40xf32, #tpu.memory_space<vmem>>)
      %dma_start3A_274 = arith.constant 1 : i32
      %dma_start3A_275 = arith.constant 0 : i32
      %dma_start3A_276 = arith.constant 0 : i32
      %dma_start3A_277 = tpu.memref_slice %arg9[%dma_start3A_274, %dma_start3A_275, %dma_start3A_276] : memref<16x125x40xf32, #tpu.memory_space<vmem>> -> memref<1x125x40xf32, #tpu.memory_space<vmem>>
      %dma_start3A_278 = tpu.memref_squeeze %dma_start3A_277 : memref<1x125x40xf32, #tpu.memory_space<vmem>> -> memref<125x40xf32, #tpu.memory_space<vmem>>
      %dma_start3A_279 = arith.constant 0 : i32
      %dma_start3A_280 = tpu.memref_slice %arg8[%add3A_262, %dma_start3A_279] : memref<80x125xi32, #tpu.memory_space<vmem>> -> memref<1x125xi32, #tpu.memory_space<vmem>>
      %dma_start3A_281 = tpu.memref_squeeze %dma_start3A_280 : memref<1x125xi32, #tpu.memory_space<vmem>> -> memref<125xi32, #tpu.memory_space<vmem>>
      %dma_start3A_282 = arith.constant 0 : i32
      %dma_start3A_283 = arith.constant 0 : i32
      %dma_start3A_284 = tpu.memref_slice %arg10[%dma_start3A_282, %dma_start3A_283] : memref<10240x40xf32, #tpu.memory_space<vmem_shared>> -> memref<10240x40xf32, #tpu.memory_space<vmem_shared>>
      tpu.enqueue_indirect_dma source(%dma_start3A_278 : memref<125x40xf32, #tpu.memory_space<vmem>>) target(%dma_start3A_284 : memref<10240x40xf32, #tpu.memory_space<vmem_shared>>) offsets(%dma_start3A_281 : memref<125xi32, #tpu.memory_space<vmem>>) semaphore(%arg12 : memref<!tpu.dma_semaphore, #tpu.memory_space<semaphore_mem>>) {add = true}
      %sub3A_285 = arith.constant 8 : i32
      %sub3A_286 = arith.subi %add3A_262, %sub3A_285 : i32
      %ge3A_287 = arith.constant 0 : i32
      %ge3A_288 = arith.cmpi sge, %sub3A_286, %ge3A_287 : i32
      %convert_element_type3A_289 = arith.extui %ge3A_288 : i1 to i32
      %cond3A_290 = arith.constant 0 : i32
      %cond3A_291 = arith.cmpi ne, %convert_element_type3A_289, %cond3A_290 : i32
      scf.if %cond3A_291 {
        %dma_wait3A_831 = arith.constant 9 : i32
        %dma_wait3A_832 = arith.constant 0 : i32
        %dma_wait3A_833 = arith.constant 0 : i32
        %dma_wait3A_834 = tpu.memref_slice %arg9[%dma_wait3A_831, %dma_wait3A_832, %dma_wait3A_833] : memref<16x125x40xf32, #tpu.memory_space<vmem>> -> memref<1x125x40xf32, #tpu.memory_space<vmem>>
        %dma_wait3A_835 = tpu.memref_squeeze %dma_wait3A_834 : memref<1x125x40xf32, #tpu.memory_space<vmem>> -> memref<125x40xf32, #tpu.memory_space<vmem>>
        %dma_wait3A_836 = arith.constant 0 : i32
        %dma_wait3A_837 = tpu.memref_slice %arg8[%sub3A_286, %dma_wait3A_836] : memref<80x125xi32, #tpu.memory_space<vmem>> -> memref<1x125xi32, #tpu.memory_space<vmem>>
        %dma_wait3A_838 = tpu.memref_squeeze %dma_wait3A_837 : memref<1x125xi32, #tpu.memory_space<vmem>> -> memref<125xi32, #tpu.memory_space<vmem>>
        %dma_wait3A_839 = arith.constant 0 : i32
        %dma_wait3A_840 = arith.constant 0 : i32
        %dma_wait3A_841 = tpu.memref_slice %arg10[%dma_wait3A_839, %dma_wait3A_840] : memref<10240x40xf32, #tpu.memory_space<vmem_shared>> -> memref<10240x40xf32, #tpu.memory_space<vmem_shared>>
        tpu.wait_indirect_dma semaphore(%arg12 : memref<!tpu.dma_semaphore, #tpu.memory_space<semaphore_mem>>) src(%dma_wait3A_835 : memref<125x40xf32, #tpu.memory_space<vmem>>) dst(%dma_wait3A_841 : memref<10240x40xf32, #tpu.memory_space<vmem_shared>>)
      } else {
      }
      %add3A_292 = arith.constant 8 : i32
      %add3A_293 = arith.addi %add3A_262, %add3A_292 : i32
      %lt3A_294 = arith.constant 80 : i32
      %lt3A_295 = arith.cmpi slt, %add3A_293, %lt3A_294 : i32
      %convert_element_type3A_296 = arith.extui %lt3A_295 : i1 to i32
      %cond3A_297 = arith.constant 0 : i32
      %cond3A_298 = arith.cmpi ne, %convert_element_type3A_296, %cond3A_297 : i32
      scf.if %cond3A_298 {
        %dma_start3A_831 = arith.constant 9 : i32
        %dma_start3A_832 = arith.constant 0 : i32
        %dma_start3A_833 = arith.constant 0 : i32
        %dma_start3A_834 = tpu.memref_slice %arg9[%dma_start3A_831, %dma_start3A_832, %dma_start3A_833] : memref<16x125x40xf32, #tpu.memory_space<vmem>> -> memref<1x125x40xf32, #tpu.memory_space<vmem>>
        %dma_start3A_835 = tpu.memref_squeeze %dma_start3A_834 : memref<1x125x40xf32, #tpu.memory_space<vmem>> -> memref<125x40xf32, #tpu.memory_space<vmem>>
        %dma_start3A_836 = arith.constant 0 : i32
        %dma_start3A_837 = tpu.memref_slice %arg7[%add3A_293, %dma_start3A_836] : memref<80x125xi32, #tpu.memory_space<vmem>> -> memref<1x125xi32, #tpu.memory_space<vmem>>
        %dma_start3A_838 = tpu.memref_squeeze %dma_start3A_837 : memref<1x125xi32, #tpu.memory_space<vmem>> -> memref<125xi32, #tpu.memory_space<vmem>>
        %dma_start3A_839 = arith.constant 0 : i32
        %dma_start3A_840 = arith.constant 0 : i32
        %dma_start3A_841 = tpu.memref_slice %arg2[%dma_start3A_839, %dma_start3A_840] : memref<10000x40xf32, #tpu.memory_space<hbm>> -> memref<10000x40xf32, #tpu.memory_space<hbm>>
        tpu.enqueue_indirect_dma source(%dma_start3A_841 : memref<10000x40xf32, #tpu.memory_space<hbm>>) target(%dma_start3A_835 : memref<125x40xf32, #tpu.memory_space<vmem>>) offsets(%dma_start3A_838 : memref<125xi32, #tpu.memory_space<vmem>>) semaphore(%arg11 : memref<!tpu.dma_semaphore, #tpu.memory_space<semaphore_mem>>)
      } else {
      }
      %add3A_299 = arith.constant 2 : i32
      %add3A_300 = arith.addi %mul3A_227, %add3A_299 : i32
      %dma_wait3A_301 = arith.constant 2 : i32
      %dma_wait3A_302 = arith.constant 0 : i32
      %dma_wait3A_303 = arith.constant 0 : i32
      %dma_wait3A_304 = tpu.memref_slice %arg9[%dma_wait3A_301, %dma_wait3A_302, %dma_wait3A_303] : memref<16x125x40xf32, #tpu.memory_space<vmem>> -> memref<1x125x40xf32, #tpu.memory_space<vmem>>
      %dma_wait3A_305 = tpu.memref_squeeze %dma_wait3A_304 : memref<1x125x40xf32, #tpu.memory_space<vmem>> -> memref<125x40xf32, #tpu.memory_space<vmem>>
      %dma_wait3A_306 = arith.constant 0 : i32
      %dma_wait3A_307 = tpu.memref_slice %arg7[%add3A_300, %dma_wait3A_306] : memref<80x125xi32, #tpu.memory_space<vmem>> -> memref<1x125xi32, #tpu.memory_space<vmem>>
      %dma_wait3A_308 = tpu.memref_squeeze %dma_wait3A_307 : memref<1x125xi32, #tpu.memory_space<vmem>> -> memref<125xi32, #tpu.memory_space<vmem>>
      %dma_wait3A_309 = arith.constant 0 : i32
      %dma_wait3A_310 = arith.constant 0 : i32
      %dma_wait3A_311 = tpu.memref_slice %arg2[%dma_wait3A_309, %dma_wait3A_310] : memref<10000x40xf32, #tpu.memory_space<hbm>> -> memref<10000x40xf32, #tpu.memory_space<hbm>>
      tpu.wait_indirect_dma semaphore(%arg11 : memref<!tpu.dma_semaphore, #tpu.memory_space<semaphore_mem>>) src(%dma_wait3A_311 : memref<10000x40xf32, #tpu.memory_space<hbm>>) dst(%dma_wait3A_305 : memref<125x40xf32, #tpu.memory_space<vmem>>)
      %dma_start3A_312 = arith.constant 2 : i32
      %dma_start3A_313 = arith.constant 0 : i32
      %dma_start3A_314 = arith.constant 0 : i32
      %dma_start3A_315 = tpu.memref_slice %arg9[%dma_start3A_312, %dma_start3A_313, %dma_start3A_314] : memref<16x125x40xf32, #tpu.memory_space<vmem>> -> memref<1x125x40xf32, #tpu.memory_space<vmem>>
      %dma_start3A_316 = tpu.memref_squeeze %dma_start3A_315 : memref<1x125x40xf32, #tpu.memory_space<vmem>> -> memref<125x40xf32, #tpu.memory_space<vmem>>
      %dma_start3A_317 = arith.constant 0 : i32
      %dma_start3A_318 = tpu.memref_slice %arg8[%add3A_300, %dma_start3A_317] : memref<80x125xi32, #tpu.memory_space<vmem>> -> memref<1x125xi32, #tpu.memory_space<vmem>>
      %dma_start3A_319 = tpu.memref_squeeze %dma_start3A_318 : memref<1x125xi32, #tpu.memory_space<vmem>> -> memref<125xi32, #tpu.memory_space<vmem>>
      %dma_start3A_320 = arith.constant 0 : i32
      %dma_start3A_321 = arith.constant 0 : i32
      %dma_start3A_322 = tpu.memref_slice %arg10[%dma_start3A_320, %dma_start3A_321] : memref<10240x40xf32, #tpu.memory_space<vmem_shared>> -> memref<10240x40xf32, #tpu.memory_space<vmem_shared>>
      tpu.enqueue_indirect_dma source(%dma_start3A_316 : memref<125x40xf32, #tpu.memory_space<vmem>>) target(%dma_start3A_322 : memref<10240x40xf32, #tpu.memory_space<vmem_shared>>) offsets(%dma_start3A_319 : memref<125xi32, #tpu.memory_space<vmem>>) semaphore(%arg12 : memref<!tpu.dma_semaphore, #tpu.memory_space<semaphore_mem>>) {add = true}
      %sub3A_323 = arith.constant 8 : i32
      %sub3A_324 = arith.subi %add3A_300, %sub3A_323 : i32
      %ge3A_325 = arith.constant 0 : i32
      %ge3A_326 = arith.cmpi sge, %sub3A_324, %ge3A_325 : i32
      %convert_element_type3A_327 = arith.extui %ge3A_326 : i1 to i32
      %cond3A_328 = arith.constant 0 : i32
      %cond3A_329 = arith.cmpi ne, %convert_element_type3A_327, %cond3A_328 : i32
      scf.if %cond3A_329 {
        %dma_wait3A_831 = arith.constant 10 : i32
        %dma_wait3A_832 = arith.constant 0 : i32
        %dma_wait3A_833 = arith.constant 0 : i32
        %dma_wait3A_834 = tpu.memref_slice %arg9[%dma_wait3A_831, %dma_wait3A_832, %dma_wait3A_833] : memref<16x125x40xf32, #tpu.memory_space<vmem>> -> memref<1x125x40xf32, #tpu.memory_space<vmem>>
        %dma_wait3A_835 = tpu.memref_squeeze %dma_wait3A_834 : memref<1x125x40xf32, #tpu.memory_space<vmem>> -> memref<125x40xf32, #tpu.memory_space<vmem>>
        %dma_wait3A_836 = arith.constant 0 : i32
        %dma_wait3A_837 = tpu.memref_slice %arg8[%sub3A_324, %dma_wait3A_836] : memref<80x125xi32, #tpu.memory_space<vmem>> -> memref<1x125xi32, #tpu.memory_space<vmem>>
        %dma_wait3A_838 = tpu.memref_squeeze %dma_wait3A_837 : memref<1x125xi32, #tpu.memory_space<vmem>> -> memref<125xi32, #tpu.memory_space<vmem>>
        %dma_wait3A_839 = arith.constant 0 : i32
        %dma_wait3A_840 = arith.constant 0 : i32
        %dma_wait3A_841 = tpu.memref_slice %arg10[%dma_wait3A_839, %dma_wait3A_840] : memref<10240x40xf32, #tpu.memory_space<vmem_shared>> -> memref<10240x40xf32, #tpu.memory_space<vmem_shared>>
        tpu.wait_indirect_dma semaphore(%arg12 : memref<!tpu.dma_semaphore, #tpu.memory_space<semaphore_mem>>) src(%dma_wait3A_835 : memref<125x40xf32, #tpu.memory_space<vmem>>) dst(%dma_wait3A_841 : memref<10240x40xf32, #tpu.memory_space<vmem_shared>>)
      } else {
      }
      %add3A_330 = arith.constant 8 : i32
      %add3A_331 = arith.addi %add3A_300, %add3A_330 : i32
      %lt3A_332 = arith.constant 80 : i32
      %lt3A_333 = arith.cmpi slt, %add3A_331, %lt3A_332 : i32
      %convert_element_type3A_334 = arith.extui %lt3A_333 : i1 to i32
      %cond3A_335 = arith.constant 0 : i32
      %cond3A_336 = arith.cmpi ne, %convert_element_type3A_334, %cond3A_335 : i32
      scf.if %cond3A_336 {
        %dma_start3A_831 = arith.constant 10 : i32
        %dma_start3A_832 = arith.constant 0 : i32
        %dma_start3A_833 = arith.constant 0 : i32
        %dma_start3A_834 = tpu.memref_slice %arg9[%dma_start3A_831, %dma_start3A_832, %dma_start3A_833] : memref<16x125x40xf32, #tpu.memory_space<vmem>> -> memref<1x125x40xf32, #tpu.memory_space<vmem>>
        %dma_start3A_835 = tpu.memref_squeeze %dma_start3A_834 : memref<1x125x40xf32, #tpu.memory_space<vmem>> -> memref<125x40xf32, #tpu.memory_space<vmem>>
        %dma_start3A_836 = arith.constant 0 : i32
        %dma_start3A_837 = tpu.memref_slice %arg7[%add3A_331, %dma_start3A_836] : memref<80x125xi32, #tpu.memory_space<vmem>> -> memref<1x125xi32, #tpu.memory_space<vmem>>
        %dma_start3A_838 = tpu.memref_squeeze %dma_start3A_837 : memref<1x125xi32, #tpu.memory_space<vmem>> -> memref<125xi32, #tpu.memory_space<vmem>>
        %dma_start3A_839 = arith.constant 0 : i32
        %dma_start3A_840 = arith.constant 0 : i32
        %dma_start3A_841 = tpu.memref_slice %arg2[%dma_start3A_839, %dma_start3A_840] : memref<10000x40xf32, #tpu.memory_space<hbm>> -> memref<10000x40xf32, #tpu.memory_space<hbm>>
        tpu.enqueue_indirect_dma source(%dma_start3A_841 : memref<10000x40xf32, #tpu.memory_space<hbm>>) target(%dma_start3A_835 : memref<125x40xf32, #tpu.memory_space<vmem>>) offsets(%dma_start3A_838 : memref<125xi32, #tpu.memory_space<vmem>>) semaphore(%arg11 : memref<!tpu.dma_semaphore, #tpu.memory_space<semaphore_mem>>)
      } else {
      }
      %add3A_337 = arith.constant 3 : i32
      %add3A_338 = arith.addi %mul3A_227, %add3A_337 : i32
      %dma_wait3A_339 = arith.constant 3 : i32
      %dma_wait3A_340 = arith.constant 0 : i32
      %dma_wait3A_341 = arith.constant 0 : i32
      %dma_wait3A_342 = tpu.memref_slice %arg9[%dma_wait3A_339, %dma_wait3A_340, %dma_wait3A_341] : memref<16x125x40xf32, #tpu.memory_space<vmem>> -> memref<1x125x40xf32, #tpu.memory_space<vmem>>
      %dma_wait3A_343 = tpu.memref_squeeze %dma_wait3A_342 : memref<1x125x40xf32, #tpu.memory_space<vmem>> -> memref<125x40xf32, #tpu.memory_space<vmem>>
      %dma_wait3A_344 = arith.constant 0 : i32
      %dma_wait3A_345 = tpu.memref_slice %arg7[%add3A_338, %dma_wait3A_344] : memref<80x125xi32, #tpu.memory_space<vmem>> -> memref<1x125xi32, #tpu.memory_space<vmem>>
      %dma_wait3A_346 = tpu.memref_squeeze %dma_wait3A_345 : memref<1x125xi32, #tpu.memory_space<vmem>> -> memref<125xi32, #tpu.memory_space<vmem>>
      %dma_wait3A_347 = arith.constant 0 : i32
      %dma_wait3A_348 = arith.constant 0 : i32
      %dma_wait3A_349 = tpu.memref_slice %arg2[%dma_wait3A_347, %dma_wait3A_348] : memref<10000x40xf32, #tpu.memory_space<hbm>> -> memref<10000x40xf32, #tpu.memory_space<hbm>>
      tpu.wait_indirect_dma semaphore(%arg11 : memref<!tpu.dma_semaphore, #tpu.memory_space<semaphore_mem>>) src(%dma_wait3A_349 : memref<10000x40xf32, #tpu.memory_space<hbm>>) dst(%dma_wait3A_343 : memref<125x40xf32, #tpu.memory_space<vmem>>)
      %dma_start3A_350 = arith.constant 3 : i32
      %dma_start3A_351 = arith.constant 0 : i32
      %dma_start3A_352 = arith.constant 0 : i32
      %dma_start3A_353 = tpu.memref_slice %arg9[%dma_start3A_350, %dma_start3A_351, %dma_start3A_352] : memref<16x125x40xf32, #tpu.memory_space<vmem>> -> memref<1x125x40xf32, #tpu.memory_space<vmem>>
      %dma_start3A_354 = tpu.memref_squeeze %dma_start3A_353 : memref<1x125x40xf32, #tpu.memory_space<vmem>> -> memref<125x40xf32, #tpu.memory_space<vmem>>
      %dma_start3A_355 = arith.constant 0 : i32
      %dma_start3A_356 = tpu.memref_slice %arg8[%add3A_338, %dma_start3A_355] : memref<80x125xi32, #tpu.memory_space<vmem>> -> memref<1x125xi32, #tpu.memory_space<vmem>>
      %dma_start3A_357 = tpu.memref_squeeze %dma_start3A_356 : memref<1x125xi32, #tpu.memory_space<vmem>> -> memref<125xi32, #tpu.memory_space<vmem>>
      %dma_start3A_358 = arith.constant 0 : i32
      %dma_start3A_359 = arith.constant 0 : i32
      %dma_start3A_360 = tpu.memref_slice %arg10[%dma_start3A_358, %dma_start3A_359] : memref<10240x40xf32, #tpu.memory_space<vmem_shared>> -> memref<10240x40xf32, #tpu.memory_space<vmem_shared>>
      tpu.enqueue_indirect_dma source(%dma_start3A_354 : memref<125x40xf32, #tpu.memory_space<vmem>>) target(%dma_start3A_360 : memref<10240x40xf32, #tpu.memory_space<vmem_shared>>) offsets(%dma_start3A_357 : memref<125xi32, #tpu.memory_space<vmem>>) semaphore(%arg12 : memref<!tpu.dma_semaphore, #tpu.memory_space<semaphore_mem>>) {add = true}
      %sub3A_361 = arith.constant 8 : i32
      %sub3A_362 = arith.subi %add3A_338, %sub3A_361 : i32
      %ge3A_363 = arith.constant 0 : i32
      %ge3A_364 = arith.cmpi sge, %sub3A_362, %ge3A_363 : i32
      %convert_element_type3A_365 = arith.extui %ge3A_364 : i1 to i32
      %cond3A_366 = arith.constant 0 : i32
      %cond3A_367 = arith.cmpi ne, %convert_element_type3A_365, %cond3A_366 : i32
      scf.if %cond3A_367 {
        %dma_wait3A_831 = arith.constant 11 : i32
        %dma_wait3A_832 = arith.constant 0 : i32
        %dma_wait3A_833 = arith.constant 0 : i32
        %dma_wait3A_834 = tpu.memref_slice %arg9[%dma_wait3A_831, %dma_wait3A_832, %dma_wait3A_833] : memref<16x125x40xf32, #tpu.memory_space<vmem>> -> memref<1x125x40xf32, #tpu.memory_space<vmem>>
        %dma_wait3A_835 = tpu.memref_squeeze %dma_wait3A_834 : memref<1x125x40xf32, #tpu.memory_space<vmem>> -> memref<125x40xf32, #tpu.memory_space<vmem>>
        %dma_wait3A_836 = arith.constant 0 : i32
        %dma_wait3A_837 = tpu.memref_slice %arg8[%sub3A_362, %dma_wait3A_836] : memref<80x125xi32, #tpu.memory_space<vmem>> -> memref<1x125xi32, #tpu.memory_space<vmem>>
        %dma_wait3A_838 = tpu.memref_squeeze %dma_wait3A_837 : memref<1x125xi32, #tpu.memory_space<vmem>> -> memref<125xi32, #tpu.memory_space<vmem>>
        %dma_wait3A_839 = arith.constant 0 : i32
        %dma_wait3A_840 = arith.constant 0 : i32
        %dma_wait3A_841 = tpu.memref_slice %arg10[%dma_wait3A_839, %dma_wait3A_840] : memref<10240x40xf32, #tpu.memory_space<vmem_shared>> -> memref<10240x40xf32, #tpu.memory_space<vmem_shared>>
        tpu.wait_indirect_dma semaphore(%arg12 : memref<!tpu.dma_semaphore, #tpu.memory_space<semaphore_mem>>) src(%dma_wait3A_835 : memref<125x40xf32, #tpu.memory_space<vmem>>) dst(%dma_wait3A_841 : memref<10240x40xf32, #tpu.memory_space<vmem_shared>>)
      } else {
      }
      %add3A_368 = arith.constant 8 : i32
      %add3A_369 = arith.addi %add3A_338, %add3A_368 : i32
      %lt3A_370 = arith.constant 80 : i32
      %lt3A_371 = arith.cmpi slt, %add3A_369, %lt3A_370 : i32
      %convert_element_type3A_372 = arith.extui %lt3A_371 : i1 to i32
      %cond3A_373 = arith.constant 0 : i32
      %cond3A_374 = arith.cmpi ne, %convert_element_type3A_372, %cond3A_373 : i32
      scf.if %cond3A_374 {
        %dma_start3A_831 = arith.constant 11 : i32
        %dma_start3A_832 = arith.constant 0 : i32
        %dma_start3A_833 = arith.constant 0 : i32
        %dma_start3A_834 = tpu.memref_slice %arg9[%dma_start3A_831, %dma_start3A_832, %dma_start3A_833] : memref<16x125x40xf32, #tpu.memory_space<vmem>> -> memref<1x125x40xf32, #tpu.memory_space<vmem>>
        %dma_start3A_835 = tpu.memref_squeeze %dma_start3A_834 : memref<1x125x40xf32, #tpu.memory_space<vmem>> -> memref<125x40xf32, #tpu.memory_space<vmem>>
        %dma_start3A_836 = arith.constant 0 : i32
        %dma_start3A_837 = tpu.memref_slice %arg7[%add3A_369, %dma_start3A_836] : memref<80x125xi32, #tpu.memory_space<vmem>> -> memref<1x125xi32, #tpu.memory_space<vmem>>
        %dma_start3A_838 = tpu.memref_squeeze %dma_start3A_837 : memref<1x125xi32, #tpu.memory_space<vmem>> -> memref<125xi32, #tpu.memory_space<vmem>>
        %dma_start3A_839 = arith.constant 0 : i32
        %dma_start3A_840 = arith.constant 0 : i32
        %dma_start3A_841 = tpu.memref_slice %arg2[%dma_start3A_839, %dma_start3A_840] : memref<10000x40xf32, #tpu.memory_space<hbm>> -> memref<10000x40xf32, #tpu.memory_space<hbm>>
        tpu.enqueue_indirect_dma source(%dma_start3A_841 : memref<10000x40xf32, #tpu.memory_space<hbm>>) target(%dma_start3A_835 : memref<125x40xf32, #tpu.memory_space<vmem>>) offsets(%dma_start3A_838 : memref<125xi32, #tpu.memory_space<vmem>>) semaphore(%arg11 : memref<!tpu.dma_semaphore, #tpu.memory_space<semaphore_mem>>)
      } else {
      }
      %add3A_375 = arith.constant 4 : i32
      %add3A_376 = arith.addi %mul3A_227, %add3A_375 : i32
      %dma_wait3A_377 = arith.constant 4 : i32
      %dma_wait3A_378 = arith.constant 0 : i32
      %dma_wait3A_379 = arith.constant 0 : i32
      %dma_wait3A_380 = tpu.memref_slice %arg9[%dma_wait3A_377, %dma_wait3A_378, %dma_wait3A_379] : memref<16x125x40xf32, #tpu.memory_space<vmem>> -> memref<1x125x40xf32, #tpu.memory_space<vmem>>
      %dma_wait3A_381 = tpu.memref_squeeze %dma_wait3A_380 : memref<1x125x40xf32, #tpu.memory_space<vmem>> -> memref<125x40xf32, #tpu.memory_space<vmem>>
      %dma_wait3A_382 = arith.constant 0 : i32
      %dma_wait3A_383 = tpu.memref_slice %arg7[%add3A_376, %dma_wait3A_382] : memref<80x125xi32, #tpu.memory_space<vmem>> -> memref<1x125xi32, #tpu.memory_space<vmem>>
      %dma_wait3A_384 = tpu.memref_squeeze %dma_wait3A_383 : memref<1x125xi32, #tpu.memory_space<vmem>> -> memref<125xi32, #tpu.memory_space<vmem>>
      %dma_wait3A_385 = arith.constant 0 : i32
      %dma_wait3A_386 = arith.constant 0 : i32
      %dma_wait3A_387 = tpu.memref_slice %arg2[%dma_wait3A_385, %dma_wait3A_386] : memref<10000x40xf32, #tpu.memory_space<hbm>> -> memref<10000x40xf32, #tpu.memory_space<hbm>>
      tpu.wait_indirect_dma semaphore(%arg11 : memref<!tpu.dma_semaphore, #tpu.memory_space<semaphore_mem>>) src(%dma_wait3A_387 : memref<10000x40xf32, #tpu.memory_space<hbm>>) dst(%dma_wait3A_381 : memref<125x40xf32, #tpu.memory_space<vmem>>)
      %dma_start3A_388 = arith.constant 4 : i32
      %dma_start3A_389 = arith.constant 0 : i32
      %dma_start3A_390 = arith.constant 0 : i32
      %dma_start3A_391 = tpu.memref_slice %arg9[%dma_start3A_388, %dma_start3A_389, %dma_start3A_390] : memref<16x125x40xf32, #tpu.memory_space<vmem>> -> memref<1x125x40xf32, #tpu.memory_space<vmem>>
      %dma_start3A_392 = tpu.memref_squeeze %dma_start3A_391 : memref<1x125x40xf32, #tpu.memory_space<vmem>> -> memref<125x40xf32, #tpu.memory_space<vmem>>
      %dma_start3A_393 = arith.constant 0 : i32
      %dma_start3A_394 = tpu.memref_slice %arg8[%add3A_376, %dma_start3A_393] : memref<80x125xi32, #tpu.memory_space<vmem>> -> memref<1x125xi32, #tpu.memory_space<vmem>>
      %dma_start3A_395 = tpu.memref_squeeze %dma_start3A_394 : memref<1x125xi32, #tpu.memory_space<vmem>> -> memref<125xi32, #tpu.memory_space<vmem>>
      %dma_start3A_396 = arith.constant 0 : i32
      %dma_start3A_397 = arith.constant 0 : i32
      %dma_start3A_398 = tpu.memref_slice %arg10[%dma_start3A_396, %dma_start3A_397] : memref<10240x40xf32, #tpu.memory_space<vmem_shared>> -> memref<10240x40xf32, #tpu.memory_space<vmem_shared>>
      tpu.enqueue_indirect_dma source(%dma_start3A_392 : memref<125x40xf32, #tpu.memory_space<vmem>>) target(%dma_start3A_398 : memref<10240x40xf32, #tpu.memory_space<vmem_shared>>) offsets(%dma_start3A_395 : memref<125xi32, #tpu.memory_space<vmem>>) semaphore(%arg12 : memref<!tpu.dma_semaphore, #tpu.memory_space<semaphore_mem>>) {add = true}
      %sub3A_399 = arith.constant 8 : i32
      %sub3A_400 = arith.subi %add3A_376, %sub3A_399 : i32
      %ge3A_401 = arith.constant 0 : i32
      %ge3A_402 = arith.cmpi sge, %sub3A_400, %ge3A_401 : i32
      %convert_element_type3A_403 = arith.extui %ge3A_402 : i1 to i32
      %cond3A_404 = arith.constant 0 : i32
      %cond3A_405 = arith.cmpi ne, %convert_element_type3A_403, %cond3A_404 : i32
      scf.if %cond3A_405 {
        %dma_wait3A_831 = arith.constant 12 : i32
        %dma_wait3A_832 = arith.constant 0 : i32
        %dma_wait3A_833 = arith.constant 0 : i32
        %dma_wait3A_834 = tpu.memref_slice %arg9[%dma_wait3A_831, %dma_wait3A_832, %dma_wait3A_833] : memref<16x125x40xf32, #tpu.memory_space<vmem>> -> memref<1x125x40xf32, #tpu.memory_space<vmem>>
        %dma_wait3A_835 = tpu.memref_squeeze %dma_wait3A_834 : memref<1x125x40xf32, #tpu.memory_space<vmem>> -> memref<125x40xf32, #tpu.memory_space<vmem>>
        %dma_wait3A_836 = arith.constant 0 : i32
        %dma_wait3A_837 = tpu.memref_slice %arg8[%sub3A_400, %dma_wait3A_836] : memref<80x125xi32, #tpu.memory_space<vmem>> -> memref<1x125xi32, #tpu.memory_space<vmem>>
        %dma_wait3A_838 = tpu.memref_squeeze %dma_wait3A_837 : memref<1x125xi32, #tpu.memory_space<vmem>> -> memref<125xi32, #tpu.memory_space<vmem>>
        %dma_wait3A_839 = arith.constant 0 : i32
        %dma_wait3A_840 = arith.constant 0 : i32
        %dma_wait3A_841 = tpu.memref_slice %arg10[%dma_wait3A_839, %dma_wait3A_840] : memref<10240x40xf32, #tpu.memory_space<vmem_shared>> -> memref<10240x40xf32, #tpu.memory_space<vmem_shared>>
        tpu.wait_indirect_dma semaphore(%arg12 : memref<!tpu.dma_semaphore, #tpu.memory_space<semaphore_mem>>) src(%dma_wait3A_835 : memref<125x40xf32, #tpu.memory_space<vmem>>) dst(%dma_wait3A_841 : memref<10240x40xf32, #tpu.memory_space<vmem_shared>>)
      } else {
      }
      %add3A_406 = arith.constant 8 : i32
      %add3A_407 = arith.addi %add3A_376, %add3A_406 : i32
      %lt3A_408 = arith.constant 80 : i32
      %lt3A_409 = arith.cmpi slt, %add3A_407, %lt3A_408 : i32
      %convert_element_type3A_410 = arith.extui %lt3A_409 : i1 to i32
      %cond3A_411 = arith.constant 0 : i32
      %cond3A_412 = arith.cmpi ne, %convert_element_type3A_410, %cond3A_411 : i32
      scf.if %cond3A_412 {
        %dma_start3A_831 = arith.constant 12 : i32
        %dma_start3A_832 = arith.constant 0 : i32
        %dma_start3A_833 = arith.constant 0 : i32
        %dma_start3A_834 = tpu.memref_slice %arg9[%dma_start3A_831, %dma_start3A_832, %dma_start3A_833] : memref<16x125x40xf32, #tpu.memory_space<vmem>> -> memref<1x125x40xf32, #tpu.memory_space<vmem>>
        %dma_start3A_835 = tpu.memref_squeeze %dma_start3A_834 : memref<1x125x40xf32, #tpu.memory_space<vmem>> -> memref<125x40xf32, #tpu.memory_space<vmem>>
        %dma_start3A_836 = arith.constant 0 : i32
        %dma_start3A_837 = tpu.memref_slice %arg7[%add3A_407, %dma_start3A_836] : memref<80x125xi32, #tpu.memory_space<vmem>> -> memref<1x125xi32, #tpu.memory_space<vmem>>
        %dma_start3A_838 = tpu.memref_squeeze %dma_start3A_837 : memref<1x125xi32, #tpu.memory_space<vmem>> -> memref<125xi32, #tpu.memory_space<vmem>>
        %dma_start3A_839 = arith.constant 0 : i32
        %dma_start3A_840 = arith.constant 0 : i32
        %dma_start3A_841 = tpu.memref_slice %arg2[%dma_start3A_839, %dma_start3A_840] : memref<10000x40xf32, #tpu.memory_space<hbm>> -> memref<10000x40xf32, #tpu.memory_space<hbm>>
        tpu.enqueue_indirect_dma source(%dma_start3A_841 : memref<10000x40xf32, #tpu.memory_space<hbm>>) target(%dma_start3A_835 : memref<125x40xf32, #tpu.memory_space<vmem>>) offsets(%dma_start3A_838 : memref<125xi32, #tpu.memory_space<vmem>>) semaphore(%arg11 : memref<!tpu.dma_semaphore, #tpu.memory_space<semaphore_mem>>)
      } else {
      }
      %add3A_413 = arith.constant 5 : i32
      %add3A_414 = arith.addi %mul3A_227, %add3A_413 : i32
      %dma_wait3A_415 = arith.constant 5 : i32
      %dma_wait3A_416 = arith.constant 0 : i32
      %dma_wait3A_417 = arith.constant 0 : i32
      %dma_wait3A_418 = tpu.memref_slice %arg9[%dma_wait3A_415, %dma_wait3A_416, %dma_wait3A_417] : memref<16x125x40xf32, #tpu.memory_space<vmem>> -> memref<1x125x40xf32, #tpu.memory_space<vmem>>
      %dma_wait3A_419 = tpu.memref_squeeze %dma_wait3A_418 : memref<1x125x40xf32, #tpu.memory_space<vmem>> -> memref<125x40xf32, #tpu.memory_space<vmem>>
      %dma_wait3A_420 = arith.constant 0 : i32
      %dma_wait3A_421 = tpu.memref_slice %arg7[%add3A_414, %dma_wait3A_420] : memref<80x125xi32, #tpu.memory_space<vmem>> -> memref<1x125xi32, #tpu.memory_space<vmem>>
      %dma_wait3A_422 = tpu.memref_squeeze %dma_wait3A_421 : memref<1x125xi32, #tpu.memory_space<vmem>> -> memref<125xi32, #tpu.memory_space<vmem>>
      %dma_wait3A_423 = arith.constant 0 : i32
      %dma_wait3A_424 = arith.constant 0 : i32
      %dma_wait3A_425 = tpu.memref_slice %arg2[%dma_wait3A_423, %dma_wait3A_424] : memref<10000x40xf32, #tpu.memory_space<hbm>> -> memref<10000x40xf32, #tpu.memory_space<hbm>>
      tpu.wait_indirect_dma semaphore(%arg11 : memref<!tpu.dma_semaphore, #tpu.memory_space<semaphore_mem>>) src(%dma_wait3A_425 : memref<10000x40xf32, #tpu.memory_space<hbm>>) dst(%dma_wait3A_419 : memref<125x40xf32, #tpu.memory_space<vmem>>)
      %dma_start3A_426 = arith.constant 5 : i32
      %dma_start3A_427 = arith.constant 0 : i32
      %dma_start3A_428 = arith.constant 0 : i32
      %dma_start3A_429 = tpu.memref_slice %arg9[%dma_start3A_426, %dma_start3A_427, %dma_start3A_428] : memref<16x125x40xf32, #tpu.memory_space<vmem>> -> memref<1x125x40xf32, #tpu.memory_space<vmem>>
      %dma_start3A_430 = tpu.memref_squeeze %dma_start3A_429 : memref<1x125x40xf32, #tpu.memory_space<vmem>> -> memref<125x40xf32, #tpu.memory_space<vmem>>
      %dma_start3A_431 = arith.constant 0 : i32
      %dma_start3A_432 = tpu.memref_slice %arg8[%add3A_414, %dma_start3A_431] : memref<80x125xi32, #tpu.memory_space<vmem>> -> memref<1x125xi32, #tpu.memory_space<vmem>>
      %dma_start3A_433 = tpu.memref_squeeze %dma_start3A_432 : memref<1x125xi32, #tpu.memory_space<vmem>> -> memref<125xi32, #tpu.memory_space<vmem>>
      %dma_start3A_434 = arith.constant 0 : i32
      %dma_start3A_435 = arith.constant 0 : i32
      %dma_start3A_436 = tpu.memref_slice %arg10[%dma_start3A_434, %dma_start3A_435] : memref<10240x40xf32, #tpu.memory_space<vmem_shared>> -> memref<10240x40xf32, #tpu.memory_space<vmem_shared>>
      tpu.enqueue_indirect_dma source(%dma_start3A_430 : memref<125x40xf32, #tpu.memory_space<vmem>>) target(%dma_start3A_436 : memref<10240x40xf32, #tpu.memory_space<vmem_shared>>) offsets(%dma_start3A_433 : memref<125xi32, #tpu.memory_space<vmem>>) semaphore(%arg12 : memref<!tpu.dma_semaphore, #tpu.memory_space<semaphore_mem>>) {add = true}
      %sub3A_437 = arith.constant 8 : i32
      %sub3A_438 = arith.subi %add3A_414, %sub3A_437 : i32
      %ge3A_439 = arith.constant 0 : i32
      %ge3A_440 = arith.cmpi sge, %sub3A_438, %ge3A_439 : i32
      %convert_element_type3A_441 = arith.extui %ge3A_440 : i1 to i32
      %cond3A_442 = arith.constant 0 : i32
      %cond3A_443 = arith.cmpi ne, %convert_element_type3A_441, %cond3A_442 : i32
      scf.if %cond3A_443 {
        %dma_wait3A_831 = arith.constant 13 : i32
        %dma_wait3A_832 = arith.constant 0 : i32
        %dma_wait3A_833 = arith.constant 0 : i32
        %dma_wait3A_834 = tpu.memref_slice %arg9[%dma_wait3A_831, %dma_wait3A_832, %dma_wait3A_833] : memref<16x125x40xf32, #tpu.memory_space<vmem>> -> memref<1x125x40xf32, #tpu.memory_space<vmem>>
        %dma_wait3A_835 = tpu.memref_squeeze %dma_wait3A_834 : memref<1x125x40xf32, #tpu.memory_space<vmem>> -> memref<125x40xf32, #tpu.memory_space<vmem>>
        %dma_wait3A_836 = arith.constant 0 : i32
        %dma_wait3A_837 = tpu.memref_slice %arg8[%sub3A_438, %dma_wait3A_836] : memref<80x125xi32, #tpu.memory_space<vmem>> -> memref<1x125xi32, #tpu.memory_space<vmem>>
        %dma_wait3A_838 = tpu.memref_squeeze %dma_wait3A_837 : memref<1x125xi32, #tpu.memory_space<vmem>> -> memref<125xi32, #tpu.memory_space<vmem>>
        %dma_wait3A_839 = arith.constant 0 : i32
        %dma_wait3A_840 = arith.constant 0 : i32
        %dma_wait3A_841 = tpu.memref_slice %arg10[%dma_wait3A_839, %dma_wait3A_840] : memref<10240x40xf32, #tpu.memory_space<vmem_shared>> -> memref<10240x40xf32, #tpu.memory_space<vmem_shared>>
        tpu.wait_indirect_dma semaphore(%arg12 : memref<!tpu.dma_semaphore, #tpu.memory_space<semaphore_mem>>) src(%dma_wait3A_835 : memref<125x40xf32, #tpu.memory_space<vmem>>) dst(%dma_wait3A_841 : memref<10240x40xf32, #tpu.memory_space<vmem_shared>>)
      } else {
      }
      %add3A_444 = arith.constant 8 : i32
      %add3A_445 = arith.addi %add3A_414, %add3A_444 : i32
      %lt3A_446 = arith.constant 80 : i32
      %lt3A_447 = arith.cmpi slt, %add3A_445, %lt3A_446 : i32
      %convert_element_type3A_448 = arith.extui %lt3A_447 : i1 to i32
      %cond3A_449 = arith.constant 0 : i32
      %cond3A_450 = arith.cmpi ne, %convert_element_type3A_448, %cond3A_449 : i32
      scf.if %cond3A_450 {
        %dma_start3A_831 = arith.constant 13 : i32
        %dma_start3A_832 = arith.constant 0 : i32
        %dma_start3A_833 = arith.constant 0 : i32
        %dma_start3A_834 = tpu.memref_slice %arg9[%dma_start3A_831, %dma_start3A_832, %dma_start3A_833] : memref<16x125x40xf32, #tpu.memory_space<vmem>> -> memref<1x125x40xf32, #tpu.memory_space<vmem>>
        %dma_start3A_835 = tpu.memref_squeeze %dma_start3A_834 : memref<1x125x40xf32, #tpu.memory_space<vmem>> -> memref<125x40xf32, #tpu.memory_space<vmem>>
        %dma_start3A_836 = arith.constant 0 : i32
        %dma_start3A_837 = tpu.memref_slice %arg7[%add3A_445, %dma_start3A_836] : memref<80x125xi32, #tpu.memory_space<vmem>> -> memref<1x125xi32, #tpu.memory_space<vmem>>
        %dma_start3A_838 = tpu.memref_squeeze %dma_start3A_837 : memref<1x125xi32, #tpu.memory_space<vmem>> -> memref<125xi32, #tpu.memory_space<vmem>>
        %dma_start3A_839 = arith.constant 0 : i32
        %dma_start3A_840 = arith.constant 0 : i32
        %dma_start3A_841 = tpu.memref_slice %arg2[%dma_start3A_839, %dma_start3A_840] : memref<10000x40xf32, #tpu.memory_space<hbm>> -> memref<10000x40xf32, #tpu.memory_space<hbm>>
        tpu.enqueue_indirect_dma source(%dma_start3A_841 : memref<10000x40xf32, #tpu.memory_space<hbm>>) target(%dma_start3A_835 : memref<125x40xf32, #tpu.memory_space<vmem>>) offsets(%dma_start3A_838 : memref<125xi32, #tpu.memory_space<vmem>>) semaphore(%arg11 : memref<!tpu.dma_semaphore, #tpu.memory_space<semaphore_mem>>)
      } else {
      }
      %add3A_451 = arith.constant 6 : i32
      %add3A_452 = arith.addi %mul3A_227, %add3A_451 : i32
      %dma_wait3A_453 = arith.constant 6 : i32
      %dma_wait3A_454 = arith.constant 0 : i32
      %dma_wait3A_455 = arith.constant 0 : i32
      %dma_wait3A_456 = tpu.memref_slice %arg9[%dma_wait3A_453, %dma_wait3A_454, %dma_wait3A_455] : memref<16x125x40xf32, #tpu.memory_space<vmem>> -> memref<1x125x40xf32, #tpu.memory_space<vmem>>
      %dma_wait3A_457 = tpu.memref_squeeze %dma_wait3A_456 : memref<1x125x40xf32, #tpu.memory_space<vmem>> -> memref<125x40xf32, #tpu.memory_space<vmem>>
      %dma_wait3A_458 = arith.constant 0 : i32
      %dma_wait3A_459 = tpu.memref_slice %arg7[%add3A_452, %dma_wait3A_458] : memref<80x125xi32, #tpu.memory_space<vmem>> -> memref<1x125xi32, #tpu.memory_space<vmem>>
      %dma_wait3A_460 = tpu.memref_squeeze %dma_wait3A_459 : memref<1x125xi32, #tpu.memory_space<vmem>> -> memref<125xi32, #tpu.memory_space<vmem>>
      %dma_wait3A_461 = arith.constant 0 : i32
      %dma_wait3A_462 = arith.constant 0 : i32
      %dma_wait3A_463 = tpu.memref_slice %arg2[%dma_wait3A_461, %dma_wait3A_462] : memref<10000x40xf32, #tpu.memory_space<hbm>> -> memref<10000x40xf32, #tpu.memory_space<hbm>>
      tpu.wait_indirect_dma semaphore(%arg11 : memref<!tpu.dma_semaphore, #tpu.memory_space<semaphore_mem>>) src(%dma_wait3A_463 : memref<10000x40xf32, #tpu.memory_space<hbm>>) dst(%dma_wait3A_457 : memref<125x40xf32, #tpu.memory_space<vmem>>)
      %dma_start3A_464 = arith.constant 6 : i32
      %dma_start3A_465 = arith.constant 0 : i32
      %dma_start3A_466 = arith.constant 0 : i32
      %dma_start3A_467 = tpu.memref_slice %arg9[%dma_start3A_464, %dma_start3A_465, %dma_start3A_466] : memref<16x125x40xf32, #tpu.memory_space<vmem>> -> memref<1x125x40xf32, #tpu.memory_space<vmem>>
      %dma_start3A_468 = tpu.memref_squeeze %dma_start3A_467 : memref<1x125x40xf32, #tpu.memory_space<vmem>> -> memref<125x40xf32, #tpu.memory_space<vmem>>
      %dma_start3A_469 = arith.constant 0 : i32
      %dma_start3A_470 = tpu.memref_slice %arg8[%add3A_452, %dma_start3A_469] : memref<80x125xi32, #tpu.memory_space<vmem>> -> memref<1x125xi32, #tpu.memory_space<vmem>>
      %dma_start3A_471 = tpu.memref_squeeze %dma_start3A_470 : memref<1x125xi32, #tpu.memory_space<vmem>> -> memref<125xi32, #tpu.memory_space<vmem>>
      %dma_start3A_472 = arith.constant 0 : i32
      %dma_start3A_473 = arith.constant 0 : i32
      %dma_start3A_474 = tpu.memref_slice %arg10[%dma_start3A_472, %dma_start3A_473] : memref<10240x40xf32, #tpu.memory_space<vmem_shared>> -> memref<10240x40xf32, #tpu.memory_space<vmem_shared>>
      tpu.enqueue_indirect_dma source(%dma_start3A_468 : memref<125x40xf32, #tpu.memory_space<vmem>>) target(%dma_start3A_474 : memref<10240x40xf32, #tpu.memory_space<vmem_shared>>) offsets(%dma_start3A_471 : memref<125xi32, #tpu.memory_space<vmem>>) semaphore(%arg12 : memref<!tpu.dma_semaphore, #tpu.memory_space<semaphore_mem>>) {add = true}
      %sub3A_475 = arith.constant 8 : i32
      %sub3A_476 = arith.subi %add3A_452, %sub3A_475 : i32
      %ge3A_477 = arith.constant 0 : i32
      %ge3A_478 = arith.cmpi sge, %sub3A_476, %ge3A_477 : i32
      %convert_element_type3A_479 = arith.extui %ge3A_478 : i1 to i32
      %cond3A_480 = arith.constant 0 : i32
      %cond3A_481 = arith.cmpi ne, %convert_element_type3A_479, %cond3A_480 : i32
      scf.if %cond3A_481 {
        %dma_wait3A_831 = arith.constant 14 : i32
        %dma_wait3A_832 = arith.constant 0 : i32
        %dma_wait3A_833 = arith.constant 0 : i32
        %dma_wait3A_834 = tpu.memref_slice %arg9[%dma_wait3A_831, %dma_wait3A_832, %dma_wait3A_833] : memref<16x125x40xf32, #tpu.memory_space<vmem>> -> memref<1x125x40xf32, #tpu.memory_space<vmem>>
        %dma_wait3A_835 = tpu.memref_squeeze %dma_wait3A_834 : memref<1x125x40xf32, #tpu.memory_space<vmem>> -> memref<125x40xf32, #tpu.memory_space<vmem>>
        %dma_wait3A_836 = arith.constant 0 : i32
        %dma_wait3A_837 = tpu.memref_slice %arg8[%sub3A_476, %dma_wait3A_836] : memref<80x125xi32, #tpu.memory_space<vmem>> -> memref<1x125xi32, #tpu.memory_space<vmem>>
        %dma_wait3A_838 = tpu.memref_squeeze %dma_wait3A_837 : memref<1x125xi32, #tpu.memory_space<vmem>> -> memref<125xi32, #tpu.memory_space<vmem>>
        %dma_wait3A_839 = arith.constant 0 : i32
        %dma_wait3A_840 = arith.constant 0 : i32
        %dma_wait3A_841 = tpu.memref_slice %arg10[%dma_wait3A_839, %dma_wait3A_840] : memref<10240x40xf32, #tpu.memory_space<vmem_shared>> -> memref<10240x40xf32, #tpu.memory_space<vmem_shared>>
        tpu.wait_indirect_dma semaphore(%arg12 : memref<!tpu.dma_semaphore, #tpu.memory_space<semaphore_mem>>) src(%dma_wait3A_835 : memref<125x40xf32, #tpu.memory_space<vmem>>) dst(%dma_wait3A_841 : memref<10240x40xf32, #tpu.memory_space<vmem_shared>>)
      } else {
      }
      %add3A_482 = arith.constant 8 : i32
      %add3A_483 = arith.addi %add3A_452, %add3A_482 : i32
      %lt3A_484 = arith.constant 80 : i32
      %lt3A_485 = arith.cmpi slt, %add3A_483, %lt3A_484 : i32
      %convert_element_type3A_486 = arith.extui %lt3A_485 : i1 to i32
      %cond3A_487 = arith.constant 0 : i32
      %cond3A_488 = arith.cmpi ne, %convert_element_type3A_486, %cond3A_487 : i32
      scf.if %cond3A_488 {
        %dma_start3A_831 = arith.constant 14 : i32
        %dma_start3A_832 = arith.constant 0 : i32
        %dma_start3A_833 = arith.constant 0 : i32
        %dma_start3A_834 = tpu.memref_slice %arg9[%dma_start3A_831, %dma_start3A_832, %dma_start3A_833] : memref<16x125x40xf32, #tpu.memory_space<vmem>> -> memref<1x125x40xf32, #tpu.memory_space<vmem>>
        %dma_start3A_835 = tpu.memref_squeeze %dma_start3A_834 : memref<1x125x40xf32, #tpu.memory_space<vmem>> -> memref<125x40xf32, #tpu.memory_space<vmem>>
        %dma_start3A_836 = arith.constant 0 : i32
        %dma_start3A_837 = tpu.memref_slice %arg7[%add3A_483, %dma_start3A_836] : memref<80x125xi32, #tpu.memory_space<vmem>> -> memref<1x125xi32, #tpu.memory_space<vmem>>
        %dma_start3A_838 = tpu.memref_squeeze %dma_start3A_837 : memref<1x125xi32, #tpu.memory_space<vmem>> -> memref<125xi32, #tpu.memory_space<vmem>>
        %dma_start3A_839 = arith.constant 0 : i32
        %dma_start3A_840 = arith.constant 0 : i32
        %dma_start3A_841 = tpu.memref_slice %arg2[%dma_start3A_839, %dma_start3A_840] : memref<10000x40xf32, #tpu.memory_space<hbm>> -> memref<10000x40xf32, #tpu.memory_space<hbm>>
        tpu.enqueue_indirect_dma source(%dma_start3A_841 : memref<10000x40xf32, #tpu.memory_space<hbm>>) target(%dma_start3A_835 : memref<125x40xf32, #tpu.memory_space<vmem>>) offsets(%dma_start3A_838 : memref<125xi32, #tpu.memory_space<vmem>>) semaphore(%arg11 : memref<!tpu.dma_semaphore, #tpu.memory_space<semaphore_mem>>)
      } else {
      }
      %add3A_489 = arith.constant 7 : i32
      %add3A_490 = arith.addi %mul3A_227, %add3A_489 : i32
      %dma_wait3A_491 = arith.constant 7 : i32
      %dma_wait3A_492 = arith.constant 0 : i32
      %dma_wait3A_493 = arith.constant 0 : i32
      %dma_wait3A_494 = tpu.memref_slice %arg9[%dma_wait3A_491, %dma_wait3A_492, %dma_wait3A_493] : memref<16x125x40xf32, #tpu.memory_space<vmem>> -> memref<1x125x40xf32, #tpu.memory_space<vmem>>
      %dma_wait3A_495 = tpu.memref_squeeze %dma_wait3A_494 : memref<1x125x40xf32, #tpu.memory_space<vmem>> -> memref<125x40xf32, #tpu.memory_space<vmem>>
      %dma_wait3A_496 = arith.constant 0 : i32
      %dma_wait3A_497 = tpu.memref_slice %arg7[%add3A_490, %dma_wait3A_496] : memref<80x125xi32, #tpu.memory_space<vmem>> -> memref<1x125xi32, #tpu.memory_space<vmem>>
      %dma_wait3A_498 = tpu.memref_squeeze %dma_wait3A_497 : memref<1x125xi32, #tpu.memory_space<vmem>> -> memref<125xi32, #tpu.memory_space<vmem>>
      %dma_wait3A_499 = arith.constant 0 : i32
      %dma_wait3A_500 = arith.constant 0 : i32
      %dma_wait3A_501 = tpu.memref_slice %arg2[%dma_wait3A_499, %dma_wait3A_500] : memref<10000x40xf32, #tpu.memory_space<hbm>> -> memref<10000x40xf32, #tpu.memory_space<hbm>>
      tpu.wait_indirect_dma semaphore(%arg11 : memref<!tpu.dma_semaphore, #tpu.memory_space<semaphore_mem>>) src(%dma_wait3A_501 : memref<10000x40xf32, #tpu.memory_space<hbm>>) dst(%dma_wait3A_495 : memref<125x40xf32, #tpu.memory_space<vmem>>)
      %dma_start3A_502 = arith.constant 7 : i32
      %dma_start3A_503 = arith.constant 0 : i32
      %dma_start3A_504 = arith.constant 0 : i32
      %dma_start3A_505 = tpu.memref_slice %arg9[%dma_start3A_502, %dma_start3A_503, %dma_start3A_504] : memref<16x125x40xf32, #tpu.memory_space<vmem>> -> memref<1x125x40xf32, #tpu.memory_space<vmem>>
      %dma_start3A_506 = tpu.memref_squeeze %dma_start3A_505 : memref<1x125x40xf32, #tpu.memory_space<vmem>> -> memref<125x40xf32, #tpu.memory_space<vmem>>
      %dma_start3A_507 = arith.constant 0 : i32
      %dma_start3A_508 = tpu.memref_slice %arg8[%add3A_490, %dma_start3A_507] : memref<80x125xi32, #tpu.memory_space<vmem>> -> memref<1x125xi32, #tpu.memory_space<vmem>>
      %dma_start3A_509 = tpu.memref_squeeze %dma_start3A_508 : memref<1x125xi32, #tpu.memory_space<vmem>> -> memref<125xi32, #tpu.memory_space<vmem>>
      %dma_start3A_510 = arith.constant 0 : i32
      %dma_start3A_511 = arith.constant 0 : i32
      %dma_start3A_512 = tpu.memref_slice %arg10[%dma_start3A_510, %dma_start3A_511] : memref<10240x40xf32, #tpu.memory_space<vmem_shared>> -> memref<10240x40xf32, #tpu.memory_space<vmem_shared>>
      tpu.enqueue_indirect_dma source(%dma_start3A_506 : memref<125x40xf32, #tpu.memory_space<vmem>>) target(%dma_start3A_512 : memref<10240x40xf32, #tpu.memory_space<vmem_shared>>) offsets(%dma_start3A_509 : memref<125xi32, #tpu.memory_space<vmem>>) semaphore(%arg12 : memref<!tpu.dma_semaphore, #tpu.memory_space<semaphore_mem>>) {add = true}
      %sub3A_513 = arith.constant 8 : i32
      %sub3A_514 = arith.subi %add3A_490, %sub3A_513 : i32
      %ge3A_515 = arith.constant 0 : i32
      %ge3A_516 = arith.cmpi sge, %sub3A_514, %ge3A_515 : i32
      %convert_element_type3A_517 = arith.extui %ge3A_516 : i1 to i32
      %cond3A_518 = arith.constant 0 : i32
      %cond3A_519 = arith.cmpi ne, %convert_element_type3A_517, %cond3A_518 : i32
      scf.if %cond3A_519 {
        %dma_wait3A_831 = arith.constant 15 : i32
        %dma_wait3A_832 = arith.constant 0 : i32
        %dma_wait3A_833 = arith.constant 0 : i32
        %dma_wait3A_834 = tpu.memref_slice %arg9[%dma_wait3A_831, %dma_wait3A_832, %dma_wait3A_833] : memref<16x125x40xf32, #tpu.memory_space<vmem>> -> memref<1x125x40xf32, #tpu.memory_space<vmem>>
        %dma_wait3A_835 = tpu.memref_squeeze %dma_wait3A_834 : memref<1x125x40xf32, #tpu.memory_space<vmem>> -> memref<125x40xf32, #tpu.memory_space<vmem>>
        %dma_wait3A_836 = arith.constant 0 : i32
        %dma_wait3A_837 = tpu.memref_slice %arg8[%sub3A_514, %dma_wait3A_836] : memref<80x125xi32, #tpu.memory_space<vmem>> -> memref<1x125xi32, #tpu.memory_space<vmem>>
        %dma_wait3A_838 = tpu.memref_squeeze %dma_wait3A_837 : memref<1x125xi32, #tpu.memory_space<vmem>> -> memref<125xi32, #tpu.memory_space<vmem>>
        %dma_wait3A_839 = arith.constant 0 : i32
        %dma_wait3A_840 = arith.constant 0 : i32
        %dma_wait3A_841 = tpu.memref_slice %arg10[%dma_wait3A_839, %dma_wait3A_840] : memref<10240x40xf32, #tpu.memory_space<vmem_shared>> -> memref<10240x40xf32, #tpu.memory_space<vmem_shared>>
        tpu.wait_indirect_dma semaphore(%arg12 : memref<!tpu.dma_semaphore, #tpu.memory_space<semaphore_mem>>) src(%dma_wait3A_835 : memref<125x40xf32, #tpu.memory_space<vmem>>) dst(%dma_wait3A_841 : memref<10240x40xf32, #tpu.memory_space<vmem_shared>>)
      } else {
      }
      %add3A_520 = arith.constant 8 : i32
      %add3A_521 = arith.addi %add3A_490, %add3A_520 : i32
      %lt3A_522 = arith.constant 80 : i32
      %lt3A_523 = arith.cmpi slt, %add3A_521, %lt3A_522 : i32
      %convert_element_type3A_524 = arith.extui %lt3A_523 : i1 to i32
      %cond3A_525 = arith.constant 0 : i32
      %cond3A_526 = arith.cmpi ne, %convert_element_type3A_524, %cond3A_525 : i32
      scf.if %cond3A_526 {
        %dma_start3A_831 = arith.constant 15 : i32
        %dma_start3A_832 = arith.constant 0 : i32
        %dma_start3A_833 = arith.constant 0 : i32
        %dma_start3A_834 = tpu.memref_slice %arg9[%dma_start3A_831, %dma_start3A_832, %dma_start3A_833] : memref<16x125x40xf32, #tpu.memory_space<vmem>> -> memref<1x125x40xf32, #tpu.memory_space<vmem>>
        %dma_start3A_835 = tpu.memref_squeeze %dma_start3A_834 : memref<1x125x40xf32, #tpu.memory_space<vmem>> -> memref<125x40xf32, #tpu.memory_space<vmem>>
        %dma_start3A_836 = arith.constant 0 : i32
        %dma_start3A_837 = tpu.memref_slice %arg7[%add3A_521, %dma_start3A_836] : memref<80x125xi32, #tpu.memory_space<vmem>> -> memref<1x125xi32, #tpu.memory_space<vmem>>
        %dma_start3A_838 = tpu.memref_squeeze %dma_start3A_837 : memref<1x125xi32, #tpu.memory_space<vmem>> -> memref<125xi32, #tpu.memory_space<vmem>>
        %dma_start3A_839 = arith.constant 0 : i32
        %dma_start3A_840 = arith.constant 0 : i32
        %dma_start3A_841 = tpu.memref_slice %arg2[%dma_start3A_839, %dma_start3A_840] : memref<10000x40xf32, #tpu.memory_space<hbm>> -> memref<10000x40xf32, #tpu.memory_space<hbm>>
        tpu.enqueue_indirect_dma source(%dma_start3A_841 : memref<10000x40xf32, #tpu.memory_space<hbm>>) target(%dma_start3A_835 : memref<125x40xf32, #tpu.memory_space<vmem>>) offsets(%dma_start3A_838 : memref<125xi32, #tpu.memory_space<vmem>>) semaphore(%arg11 : memref<!tpu.dma_semaphore, #tpu.memory_space<semaphore_mem>>)
      } else {
      }
      %add3A_527 = arith.constant 8 : i32
      %add3A_528 = arith.addi %mul3A_227, %add3A_527 : i32
      %dma_wait3A_529 = arith.constant 8 : i32
      %dma_wait3A_530 = arith.constant 0 : i32
      %dma_wait3A_531 = arith.constant 0 : i32
      %dma_wait3A_532 = tpu.memref_slice %arg9[%dma_wait3A_529, %dma_wait3A_530, %dma_wait3A_531] : memref<16x125x40xf32, #tpu.memory_space<vmem>> -> memref<1x125x40xf32, #tpu.memory_space<vmem>>
      %dma_wait3A_533 = tpu.memref_squeeze %dma_wait3A_532 : memref<1x125x40xf32, #tpu.memory_space<vmem>> -> memref<125x40xf32, #tpu.memory_space<vmem>>
      %dma_wait3A_534 = arith.constant 0 : i32
      %dma_wait3A_535 = tpu.memref_slice %arg7[%add3A_528, %dma_wait3A_534] : memref<80x125xi32, #tpu.memory_space<vmem>> -> memref<1x125xi32, #tpu.memory_space<vmem>>
      %dma_wait3A_536 = tpu.memref_squeeze %dma_wait3A_535 : memref<1x125xi32, #tpu.memory_space<vmem>> -> memref<125xi32, #tpu.memory_space<vmem>>
      %dma_wait3A_537 = arith.constant 0 : i32
      %dma_wait3A_538 = arith.constant 0 : i32
      %dma_wait3A_539 = tpu.memref_slice %arg2[%dma_wait3A_537, %dma_wait3A_538] : memref<10000x40xf32, #tpu.memory_space<hbm>> -> memref<10000x40xf32, #tpu.memory_space<hbm>>
      tpu.wait_indirect_dma semaphore(%arg11 : memref<!tpu.dma_semaphore, #tpu.memory_space<semaphore_mem>>) src(%dma_wait3A_539 : memref<10000x40xf32, #tpu.memory_space<hbm>>) dst(%dma_wait3A_533 : memref<125x40xf32, #tpu.memory_space<vmem>>)
      %dma_start3A_540 = arith.constant 8 : i32
      %dma_start3A_541 = arith.constant 0 : i32
      %dma_start3A_542 = arith.constant 0 : i32
      %dma_start3A_543 = tpu.memref_slice %arg9[%dma_start3A_540, %dma_start3A_541, %dma_start3A_542] : memref<16x125x40xf32, #tpu.memory_space<vmem>> -> memref<1x125x40xf32, #tpu.memory_space<vmem>>
      %dma_start3A_544 = tpu.memref_squeeze %dma_start3A_543 : memref<1x125x40xf32, #tpu.memory_space<vmem>> -> memref<125x40xf32, #tpu.memory_space<vmem>>
      %dma_start3A_545 = arith.constant 0 : i32
      %dma_start3A_546 = tpu.memref_slice %arg8[%add3A_528, %dma_start3A_545] : memref<80x125xi32, #tpu.memory_space<vmem>> -> memref<1x125xi32, #tpu.memory_space<vmem>>
      %dma_start3A_547 = tpu.memref_squeeze %dma_start3A_546 : memref<1x125xi32, #tpu.memory_space<vmem>> -> memref<125xi32, #tpu.memory_space<vmem>>
      %dma_start3A_548 = arith.constant 0 : i32
      %dma_start3A_549 = arith.constant 0 : i32
      %dma_start3A_550 = tpu.memref_slice %arg10[%dma_start3A_548, %dma_start3A_549] : memref<10240x40xf32, #tpu.memory_space<vmem_shared>> -> memref<10240x40xf32, #tpu.memory_space<vmem_shared>>
      tpu.enqueue_indirect_dma source(%dma_start3A_544 : memref<125x40xf32, #tpu.memory_space<vmem>>) target(%dma_start3A_550 : memref<10240x40xf32, #tpu.memory_space<vmem_shared>>) offsets(%dma_start3A_547 : memref<125xi32, #tpu.memory_space<vmem>>) semaphore(%arg12 : memref<!tpu.dma_semaphore, #tpu.memory_space<semaphore_mem>>) {add = true}
      %sub3A_551 = arith.constant 8 : i32
      %sub3A_552 = arith.subi %add3A_528, %sub3A_551 : i32
      %ge3A_553 = arith.constant 0 : i32
      %ge3A_554 = arith.cmpi sge, %sub3A_552, %ge3A_553 : i32
      %convert_element_type3A_555 = arith.extui %ge3A_554 : i1 to i32
      %cond3A_556 = arith.constant 0 : i32
      %cond3A_557 = arith.cmpi ne, %convert_element_type3A_555, %cond3A_556 : i32
      scf.if %cond3A_557 {
        %dma_wait3A_831 = arith.constant 0 : i32
        %dma_wait3A_832 = arith.constant 0 : i32
        %dma_wait3A_833 = arith.constant 0 : i32
        %dma_wait3A_834 = tpu.memref_slice %arg9[%dma_wait3A_831, %dma_wait3A_832, %dma_wait3A_833] : memref<16x125x40xf32, #tpu.memory_space<vmem>> -> memref<1x125x40xf32, #tpu.memory_space<vmem>>
        %dma_wait3A_835 = tpu.memref_squeeze %dma_wait3A_834 : memref<1x125x40xf32, #tpu.memory_space<vmem>> -> memref<125x40xf32, #tpu.memory_space<vmem>>
        %dma_wait3A_836 = arith.constant 0 : i32
        %dma_wait3A_837 = tpu.memref_slice %arg8[%sub3A_552, %dma_wait3A_836] : memref<80x125xi32, #tpu.memory_space<vmem>> -> memref<1x125xi32, #tpu.memory_space<vmem>>
        %dma_wait3A_838 = tpu.memref_squeeze %dma_wait3A_837 : memref<1x125xi32, #tpu.memory_space<vmem>> -> memref<125xi32, #tpu.memory_space<vmem>>
        %dma_wait3A_839 = arith.constant 0 : i32
        %dma_wait3A_840 = arith.constant 0 : i32
        %dma_wait3A_841 = tpu.memref_slice %arg10[%dma_wait3A_839, %dma_wait3A_840] : memref<10240x40xf32, #tpu.memory_space<vmem_shared>> -> memref<10240x40xf32, #tpu.memory_space<vmem_shared>>
        tpu.wait_indirect_dma semaphore(%arg12 : memref<!tpu.dma_semaphore, #tpu.memory_space<semaphore_mem>>) src(%dma_wait3A_835 : memref<125x40xf32, #tpu.memory_space<vmem>>) dst(%dma_wait3A_841 : memref<10240x40xf32, #tpu.memory_space<vmem_shared>>)
      } else {
      }
      %add3A_558 = arith.constant 8 : i32
      %add3A_559 = arith.addi %add3A_528, %add3A_558 : i32
      %lt3A_560 = arith.constant 80 : i32
      %lt3A_561 = arith.cmpi slt, %add3A_559, %lt3A_560 : i32
      %convert_element_type3A_562 = arith.extui %lt3A_561 : i1 to i32
      %cond3A_563 = arith.constant 0 : i32
      %cond3A_564 = arith.cmpi ne, %convert_element_type3A_562, %cond3A_563 : i32
      scf.if %cond3A_564 {
        %dma_start3A_831 = arith.constant 0 : i32
        %dma_start3A_832 = arith.constant 0 : i32
        %dma_start3A_833 = arith.constant 0 : i32
        %dma_start3A_834 = tpu.memref_slice %arg9[%dma_start3A_831, %dma_start3A_832, %dma_start3A_833] : memref<16x125x40xf32, #tpu.memory_space<vmem>> -> memref<1x125x40xf32, #tpu.memory_space<vmem>>
        %dma_start3A_835 = tpu.memref_squeeze %dma_start3A_834 : memref<1x125x40xf32, #tpu.memory_space<vmem>> -> memref<125x40xf32, #tpu.memory_space<vmem>>
        %dma_start3A_836 = arith.constant 0 : i32
        %dma_start3A_837 = tpu.memref_slice %arg7[%add3A_559, %dma_start3A_836] : memref<80x125xi32, #tpu.memory_space<vmem>> -> memref<1x125xi32, #tpu.memory_space<vmem>>
        %dma_start3A_838 = tpu.memref_squeeze %dma_start3A_837 : memref<1x125xi32, #tpu.memory_space<vmem>> -> memref<125xi32, #tpu.memory_space<vmem>>
        %dma_start3A_839 = arith.constant 0 : i32
        %dma_start3A_840 = arith.constant 0 : i32
        %dma_start3A_841 = tpu.memref_slice %arg2[%dma_start3A_839, %dma_start3A_840] : memref<10000x40xf32, #tpu.memory_space<hbm>> -> memref<10000x40xf32, #tpu.memory_space<hbm>>
        tpu.enqueue_indirect_dma source(%dma_start3A_841 : memref<10000x40xf32, #tpu.memory_space<hbm>>) target(%dma_start3A_835 : memref<125x40xf32, #tpu.memory_space<vmem>>) offsets(%dma_start3A_838 : memref<125xi32, #tpu.memory_space<vmem>>) semaphore(%arg11 : memref<!tpu.dma_semaphore, #tpu.memory_space<semaphore_mem>>)
      } else {
      }
      %add3A_565 = arith.constant 9 : i32
      %add3A_566 = arith.addi %mul3A_227, %add3A_565 : i32
      %dma_wait3A_567 = arith.constant 9 : i32
      %dma_wait3A_568 = arith.constant 0 : i32
      %dma_wait3A_569 = arith.constant 0 : i32
      %dma_wait3A_570 = tpu.memref_slice %arg9[%dma_wait3A_567, %dma_wait3A_568, %dma_wait3A_569] : memref<16x125x40xf32, #tpu.memory_space<vmem>> -> memref<1x125x40xf32, #tpu.memory_space<vmem>>
      %dma_wait3A_571 = tpu.memref_squeeze %dma_wait3A_570 : memref<1x125x40xf32, #tpu.memory_space<vmem>> -> memref<125x40xf32, #tpu.memory_space<vmem>>
      %dma_wait3A_572 = arith.constant 0 : i32
      %dma_wait3A_573 = tpu.memref_slice %arg7[%add3A_566, %dma_wait3A_572] : memref<80x125xi32, #tpu.memory_space<vmem>> -> memref<1x125xi32, #tpu.memory_space<vmem>>
      %dma_wait3A_574 = tpu.memref_squeeze %dma_wait3A_573 : memref<1x125xi32, #tpu.memory_space<vmem>> -> memref<125xi32, #tpu.memory_space<vmem>>
      %dma_wait3A_575 = arith.constant 0 : i32
      %dma_wait3A_576 = arith.constant 0 : i32
      %dma_wait3A_577 = tpu.memref_slice %arg2[%dma_wait3A_575, %dma_wait3A_576] : memref<10000x40xf32, #tpu.memory_space<hbm>> -> memref<10000x40xf32, #tpu.memory_space<hbm>>
      tpu.wait_indirect_dma semaphore(%arg11 : memref<!tpu.dma_semaphore, #tpu.memory_space<semaphore_mem>>) src(%dma_wait3A_577 : memref<10000x40xf32, #tpu.memory_space<hbm>>) dst(%dma_wait3A_571 : memref<125x40xf32, #tpu.memory_space<vmem>>)
      %dma_start3A_578 = arith.constant 9 : i32
      %dma_start3A_579 = arith.constant 0 : i32
      %dma_start3A_580 = arith.constant 0 : i32
      %dma_start3A_581 = tpu.memref_slice %arg9[%dma_start3A_578, %dma_start3A_579, %dma_start3A_580] : memref<16x125x40xf32, #tpu.memory_space<vmem>> -> memref<1x125x40xf32, #tpu.memory_space<vmem>>
      %dma_start3A_582 = tpu.memref_squeeze %dma_start3A_581 : memref<1x125x40xf32, #tpu.memory_space<vmem>> -> memref<125x40xf32, #tpu.memory_space<vmem>>
      %dma_start3A_583 = arith.constant 0 : i32
      %dma_start3A_584 = tpu.memref_slice %arg8[%add3A_566, %dma_start3A_583] : memref<80x125xi32, #tpu.memory_space<vmem>> -> memref<1x125xi32, #tpu.memory_space<vmem>>
      %dma_start3A_585 = tpu.memref_squeeze %dma_start3A_584 : memref<1x125xi32, #tpu.memory_space<vmem>> -> memref<125xi32, #tpu.memory_space<vmem>>
      %dma_start3A_586 = arith.constant 0 : i32
      %dma_start3A_587 = arith.constant 0 : i32
      %dma_start3A_588 = tpu.memref_slice %arg10[%dma_start3A_586, %dma_start3A_587] : memref<10240x40xf32, #tpu.memory_space<vmem_shared>> -> memref<10240x40xf32, #tpu.memory_space<vmem_shared>>
      tpu.enqueue_indirect_dma source(%dma_start3A_582 : memref<125x40xf32, #tpu.memory_space<vmem>>) target(%dma_start3A_588 : memref<10240x40xf32, #tpu.memory_space<vmem_shared>>) offsets(%dma_start3A_585 : memref<125xi32, #tpu.memory_space<vmem>>) semaphore(%arg12 : memref<!tpu.dma_semaphore, #tpu.memory_space<semaphore_mem>>) {add = true}
      %sub3A_589 = arith.constant 8 : i32
      %sub3A_590 = arith.subi %add3A_566, %sub3A_589 : i32
      %ge3A_591 = arith.constant 0 : i32
      %ge3A_592 = arith.cmpi sge, %sub3A_590, %ge3A_591 : i32
      %convert_element_type3A_593 = arith.extui %ge3A_592 : i1 to i32
      %cond3A_594 = arith.constant 0 : i32
      %cond3A_595 = arith.cmpi ne, %convert_element_type3A_593, %cond3A_594 : i32
      scf.if %cond3A_595 {
        %dma_wait3A_831 = arith.constant 1 : i32
        %dma_wait3A_832 = arith.constant 0 : i32
        %dma_wait3A_833 = arith.constant 0 : i32
        %dma_wait3A_834 = tpu.memref_slice %arg9[%dma_wait3A_831, %dma_wait3A_832, %dma_wait3A_833] : memref<16x125x40xf32, #tpu.memory_space<vmem>> -> memref<1x125x40xf32, #tpu.memory_space<vmem>>
        %dma_wait3A_835 = tpu.memref_squeeze %dma_wait3A_834 : memref<1x125x40xf32, #tpu.memory_space<vmem>> -> memref<125x40xf32, #tpu.memory_space<vmem>>
        %dma_wait3A_836 = arith.constant 0 : i32
        %dma_wait3A_837 = tpu.memref_slice %arg8[%sub3A_590, %dma_wait3A_836] : memref<80x125xi32, #tpu.memory_space<vmem>> -> memref<1x125xi32, #tpu.memory_space<vmem>>
        %dma_wait3A_838 = tpu.memref_squeeze %dma_wait3A_837 : memref<1x125xi32, #tpu.memory_space<vmem>> -> memref<125xi32, #tpu.memory_space<vmem>>
        %dma_wait3A_839 = arith.constant 0 : i32
        %dma_wait3A_840 = arith.constant 0 : i32
        %dma_wait3A_841 = tpu.memref_slice %arg10[%dma_wait3A_839, %dma_wait3A_840] : memref<10240x40xf32, #tpu.memory_space<vmem_shared>> -> memref<10240x40xf32, #tpu.memory_space<vmem_shared>>
        tpu.wait_indirect_dma semaphore(%arg12 : memref<!tpu.dma_semaphore, #tpu.memory_space<semaphore_mem>>) src(%dma_wait3A_835 : memref<125x40xf32, #tpu.memory_space<vmem>>) dst(%dma_wait3A_841 : memref<10240x40xf32, #tpu.memory_space<vmem_shared>>)
      } else {
      }
      %add3A_596 = arith.constant 8 : i32
      %add3A_597 = arith.addi %add3A_566, %add3A_596 : i32
      %lt3A_598 = arith.constant 80 : i32
      %lt3A_599 = arith.cmpi slt, %add3A_597, %lt3A_598 : i32
      %convert_element_type3A_600 = arith.extui %lt3A_599 : i1 to i32
      %cond3A_601 = arith.constant 0 : i32
      %cond3A_602 = arith.cmpi ne, %convert_element_type3A_600, %cond3A_601 : i32
      scf.if %cond3A_602 {
        %dma_start3A_831 = arith.constant 1 : i32
        %dma_start3A_832 = arith.constant 0 : i32
        %dma_start3A_833 = arith.constant 0 : i32
        %dma_start3A_834 = tpu.memref_slice %arg9[%dma_start3A_831, %dma_start3A_832, %dma_start3A_833] : memref<16x125x40xf32, #tpu.memory_space<vmem>> -> memref<1x125x40xf32, #tpu.memory_space<vmem>>
        %dma_start3A_835 = tpu.memref_squeeze %dma_start3A_834 : memref<1x125x40xf32, #tpu.memory_space<vmem>> -> memref<125x40xf32, #tpu.memory_space<vmem>>
        %dma_start3A_836 = arith.constant 0 : i32
        %dma_start3A_837 = tpu.memref_slice %arg7[%add3A_597, %dma_start3A_836] : memref<80x125xi32, #tpu.memory_space<vmem>> -> memref<1x125xi32, #tpu.memory_space<vmem>>
        %dma_start3A_838 = tpu.memref_squeeze %dma_start3A_837 : memref<1x125xi32, #tpu.memory_space<vmem>> -> memref<125xi32, #tpu.memory_space<vmem>>
        %dma_start3A_839 = arith.constant 0 : i32
        %dma_start3A_840 = arith.constant 0 : i32
        %dma_start3A_841 = tpu.memref_slice %arg2[%dma_start3A_839, %dma_start3A_840] : memref<10000x40xf32, #tpu.memory_space<hbm>> -> memref<10000x40xf32, #tpu.memory_space<hbm>>
        tpu.enqueue_indirect_dma source(%dma_start3A_841 : memref<10000x40xf32, #tpu.memory_space<hbm>>) target(%dma_start3A_835 : memref<125x40xf32, #tpu.memory_space<vmem>>) offsets(%dma_start3A_838 : memref<125xi32, #tpu.memory_space<vmem>>) semaphore(%arg11 : memref<!tpu.dma_semaphore, #tpu.memory_space<semaphore_mem>>)
      } else {
      }
      %add3A_603 = arith.constant 10 : i32
      %add3A_604 = arith.addi %mul3A_227, %add3A_603 : i32
      %dma_wait3A_605 = arith.constant 10 : i32
      %dma_wait3A_606 = arith.constant 0 : i32
      %dma_wait3A_607 = arith.constant 0 : i32
      %dma_wait3A_608 = tpu.memref_slice %arg9[%dma_wait3A_605, %dma_wait3A_606, %dma_wait3A_607] : memref<16x125x40xf32, #tpu.memory_space<vmem>> -> memref<1x125x40xf32, #tpu.memory_space<vmem>>
      %dma_wait3A_609 = tpu.memref_squeeze %dma_wait3A_608 : memref<1x125x40xf32, #tpu.memory_space<vmem>> -> memref<125x40xf32, #tpu.memory_space<vmem>>
      %dma_wait3A_610 = arith.constant 0 : i32
      %dma_wait3A_611 = tpu.memref_slice %arg7[%add3A_604, %dma_wait3A_610] : memref<80x125xi32, #tpu.memory_space<vmem>> -> memref<1x125xi32, #tpu.memory_space<vmem>>
      %dma_wait3A_612 = tpu.memref_squeeze %dma_wait3A_611 : memref<1x125xi32, #tpu.memory_space<vmem>> -> memref<125xi32, #tpu.memory_space<vmem>>
      %dma_wait3A_613 = arith.constant 0 : i32
      %dma_wait3A_614 = arith.constant 0 : i32
      %dma_wait3A_615 = tpu.memref_slice %arg2[%dma_wait3A_613, %dma_wait3A_614] : memref<10000x40xf32, #tpu.memory_space<hbm>> -> memref<10000x40xf32, #tpu.memory_space<hbm>>
      tpu.wait_indirect_dma semaphore(%arg11 : memref<!tpu.dma_semaphore, #tpu.memory_space<semaphore_mem>>) src(%dma_wait3A_615 : memref<10000x40xf32, #tpu.memory_space<hbm>>) dst(%dma_wait3A_609 : memref<125x40xf32, #tpu.memory_space<vmem>>)
      %dma_start3A_616 = arith.constant 10 : i32
      %dma_start3A_617 = arith.constant 0 : i32
      %dma_start3A_618 = arith.constant 0 : i32
      %dma_start3A_619 = tpu.memref_slice %arg9[%dma_start3A_616, %dma_start3A_617, %dma_start3A_618] : memref<16x125x40xf32, #tpu.memory_space<vmem>> -> memref<1x125x40xf32, #tpu.memory_space<vmem>>
      %dma_start3A_620 = tpu.memref_squeeze %dma_start3A_619 : memref<1x125x40xf32, #tpu.memory_space<vmem>> -> memref<125x40xf32, #tpu.memory_space<vmem>>
      %dma_start3A_621 = arith.constant 0 : i32
      %dma_start3A_622 = tpu.memref_slice %arg8[%add3A_604, %dma_start3A_621] : memref<80x125xi32, #tpu.memory_space<vmem>> -> memref<1x125xi32, #tpu.memory_space<vmem>>
      %dma_start3A_623 = tpu.memref_squeeze %dma_start3A_622 : memref<1x125xi32, #tpu.memory_space<vmem>> -> memref<125xi32, #tpu.memory_space<vmem>>
      %dma_start3A_624 = arith.constant 0 : i32
      %dma_start3A_625 = arith.constant 0 : i32
      %dma_start3A_626 = tpu.memref_slice %arg10[%dma_start3A_624, %dma_start3A_625] : memref<10240x40xf32, #tpu.memory_space<vmem_shared>> -> memref<10240x40xf32, #tpu.memory_space<vmem_shared>>
      tpu.enqueue_indirect_dma source(%dma_start3A_620 : memref<125x40xf32, #tpu.memory_space<vmem>>) target(%dma_start3A_626 : memref<10240x40xf32, #tpu.memory_space<vmem_shared>>) offsets(%dma_start3A_623 : memref<125xi32, #tpu.memory_space<vmem>>) semaphore(%arg12 : memref<!tpu.dma_semaphore, #tpu.memory_space<semaphore_mem>>) {add = true}
      %sub3A_627 = arith.constant 8 : i32
      %sub3A_628 = arith.subi %add3A_604, %sub3A_627 : i32
      %ge3A_629 = arith.constant 0 : i32
      %ge3A_630 = arith.cmpi sge, %sub3A_628, %ge3A_629 : i32
      %convert_element_type3A_631 = arith.extui %ge3A_630 : i1 to i32
      %cond3A_632 = arith.constant 0 : i32
      %cond3A_633 = arith.cmpi ne, %convert_element_type3A_631, %cond3A_632 : i32
      scf.if %cond3A_633 {
        %dma_wait3A_831 = arith.constant 2 : i32
        %dma_wait3A_832 = arith.constant 0 : i32
        %dma_wait3A_833 = arith.constant 0 : i32
        %dma_wait3A_834 = tpu.memref_slice %arg9[%dma_wait3A_831, %dma_wait3A_832, %dma_wait3A_833] : memref<16x125x40xf32, #tpu.memory_space<vmem>> -> memref<1x125x40xf32, #tpu.memory_space<vmem>>
        %dma_wait3A_835 = tpu.memref_squeeze %dma_wait3A_834 : memref<1x125x40xf32, #tpu.memory_space<vmem>> -> memref<125x40xf32, #tpu.memory_space<vmem>>
        %dma_wait3A_836 = arith.constant 0 : i32
        %dma_wait3A_837 = tpu.memref_slice %arg8[%sub3A_628, %dma_wait3A_836] : memref<80x125xi32, #tpu.memory_space<vmem>> -> memref<1x125xi32, #tpu.memory_space<vmem>>
        %dma_wait3A_838 = tpu.memref_squeeze %dma_wait3A_837 : memref<1x125xi32, #tpu.memory_space<vmem>> -> memref<125xi32, #tpu.memory_space<vmem>>
        %dma_wait3A_839 = arith.constant 0 : i32
        %dma_wait3A_840 = arith.constant 0 : i32
        %dma_wait3A_841 = tpu.memref_slice %arg10[%dma_wait3A_839, %dma_wait3A_840] : memref<10240x40xf32, #tpu.memory_space<vmem_shared>> -> memref<10240x40xf32, #tpu.memory_space<vmem_shared>>
        tpu.wait_indirect_dma semaphore(%arg12 : memref<!tpu.dma_semaphore, #tpu.memory_space<semaphore_mem>>) src(%dma_wait3A_835 : memref<125x40xf32, #tpu.memory_space<vmem>>) dst(%dma_wait3A_841 : memref<10240x40xf32, #tpu.memory_space<vmem_shared>>)
      } else {
      }
      %add3A_634 = arith.constant 8 : i32
      %add3A_635 = arith.addi %add3A_604, %add3A_634 : i32
      %lt3A_636 = arith.constant 80 : i32
      %lt3A_637 = arith.cmpi slt, %add3A_635, %lt3A_636 : i32
      %convert_element_type3A_638 = arith.extui %lt3A_637 : i1 to i32
      %cond3A_639 = arith.constant 0 : i32
      %cond3A_640 = arith.cmpi ne, %convert_element_type3A_638, %cond3A_639 : i32
      scf.if %cond3A_640 {
        %dma_start3A_831 = arith.constant 2 : i32
        %dma_start3A_832 = arith.constant 0 : i32
        %dma_start3A_833 = arith.constant 0 : i32
        %dma_start3A_834 = tpu.memref_slice %arg9[%dma_start3A_831, %dma_start3A_832, %dma_start3A_833] : memref<16x125x40xf32, #tpu.memory_space<vmem>> -> memref<1x125x40xf32, #tpu.memory_space<vmem>>
        %dma_start3A_835 = tpu.memref_squeeze %dma_start3A_834 : memref<1x125x40xf32, #tpu.memory_space<vmem>> -> memref<125x40xf32, #tpu.memory_space<vmem>>
        %dma_start3A_836 = arith.constant 0 : i32
        %dma_start3A_837 = tpu.memref_slice %arg7[%add3A_635, %dma_start3A_836] : memref<80x125xi32, #tpu.memory_space<vmem>> -> memref<1x125xi32, #tpu.memory_space<vmem>>
        %dma_start3A_838 = tpu.memref_squeeze %dma_start3A_837 : memref<1x125xi32, #tpu.memory_space<vmem>> -> memref<125xi32, #tpu.memory_space<vmem>>
        %dma_start3A_839 = arith.constant 0 : i32
        %dma_start3A_840 = arith.constant 0 : i32
        %dma_start3A_841 = tpu.memref_slice %arg2[%dma_start3A_839, %dma_start3A_840] : memref<10000x40xf32, #tpu.memory_space<hbm>> -> memref<10000x40xf32, #tpu.memory_space<hbm>>
        tpu.enqueue_indirect_dma source(%dma_start3A_841 : memref<10000x40xf32, #tpu.memory_space<hbm>>) target(%dma_start3A_835 : memref<125x40xf32, #tpu.memory_space<vmem>>) offsets(%dma_start3A_838 : memref<125xi32, #tpu.memory_space<vmem>>) semaphore(%arg11 : memref<!tpu.dma_semaphore, #tpu.memory_space<semaphore_mem>>)
      } else {
      }
      %add3A_641 = arith.constant 11 : i32
      %add3A_642 = arith.addi %mul3A_227, %add3A_641 : i32
      %dma_wait3A_643 = arith.constant 11 : i32
      %dma_wait3A_644 = arith.constant 0 : i32
      %dma_wait3A_645 = arith.constant 0 : i32
      %dma_wait3A_646 = tpu.memref_slice %arg9[%dma_wait3A_643, %dma_wait3A_644, %dma_wait3A_645] : memref<16x125x40xf32, #tpu.memory_space<vmem>> -> memref<1x125x40xf32, #tpu.memory_space<vmem>>
      %dma_wait3A_647 = tpu.memref_squeeze %dma_wait3A_646 : memref<1x125x40xf32, #tpu.memory_space<vmem>> -> memref<125x40xf32, #tpu.memory_space<vmem>>
      %dma_wait3A_648 = arith.constant 0 : i32
      %dma_wait3A_649 = tpu.memref_slice %arg7[%add3A_642, %dma_wait3A_648] : memref<80x125xi32, #tpu.memory_space<vmem>> -> memref<1x125xi32, #tpu.memory_space<vmem>>
      %dma_wait3A_650 = tpu.memref_squeeze %dma_wait3A_649 : memref<1x125xi32, #tpu.memory_space<vmem>> -> memref<125xi32, #tpu.memory_space<vmem>>
      %dma_wait3A_651 = arith.constant 0 : i32
      %dma_wait3A_652 = arith.constant 0 : i32
      %dma_wait3A_653 = tpu.memref_slice %arg2[%dma_wait3A_651, %dma_wait3A_652] : memref<10000x40xf32, #tpu.memory_space<hbm>> -> memref<10000x40xf32, #tpu.memory_space<hbm>>
      tpu.wait_indirect_dma semaphore(%arg11 : memref<!tpu.dma_semaphore, #tpu.memory_space<semaphore_mem>>) src(%dma_wait3A_653 : memref<10000x40xf32, #tpu.memory_space<hbm>>) dst(%dma_wait3A_647 : memref<125x40xf32, #tpu.memory_space<vmem>>)
      %dma_start3A_654 = arith.constant 11 : i32
      %dma_start3A_655 = arith.constant 0 : i32
      %dma_start3A_656 = arith.constant 0 : i32
      %dma_start3A_657 = tpu.memref_slice %arg9[%dma_start3A_654, %dma_start3A_655, %dma_start3A_656] : memref<16x125x40xf32, #tpu.memory_space<vmem>> -> memref<1x125x40xf32, #tpu.memory_space<vmem>>
      %dma_start3A_658 = tpu.memref_squeeze %dma_start3A_657 : memref<1x125x40xf32, #tpu.memory_space<vmem>> -> memref<125x40xf32, #tpu.memory_space<vmem>>
      %dma_start3A_659 = arith.constant 0 : i32
      %dma_start3A_660 = tpu.memref_slice %arg8[%add3A_642, %dma_start3A_659] : memref<80x125xi32, #tpu.memory_space<vmem>> -> memref<1x125xi32, #tpu.memory_space<vmem>>
      %dma_start3A_661 = tpu.memref_squeeze %dma_start3A_660 : memref<1x125xi32, #tpu.memory_space<vmem>> -> memref<125xi32, #tpu.memory_space<vmem>>
      %dma_start3A_662 = arith.constant 0 : i32
      %dma_start3A_663 = arith.constant 0 : i32
      %dma_start3A_664 = tpu.memref_slice %arg10[%dma_start3A_662, %dma_start3A_663] : memref<10240x40xf32, #tpu.memory_space<vmem_shared>> -> memref<10240x40xf32, #tpu.memory_space<vmem_shared>>
      tpu.enqueue_indirect_dma source(%dma_start3A_658 : memref<125x40xf32, #tpu.memory_space<vmem>>) target(%dma_start3A_664 : memref<10240x40xf32, #tpu.memory_space<vmem_shared>>) offsets(%dma_start3A_661 : memref<125xi32, #tpu.memory_space<vmem>>) semaphore(%arg12 : memref<!tpu.dma_semaphore, #tpu.memory_space<semaphore_mem>>) {add = true}
      %sub3A_665 = arith.constant 8 : i32
      %sub3A_666 = arith.subi %add3A_642, %sub3A_665 : i32
      %ge3A_667 = arith.constant 0 : i32
      %ge3A_668 = arith.cmpi sge, %sub3A_666, %ge3A_667 : i32
      %convert_element_type3A_669 = arith.extui %ge3A_668 : i1 to i32
      %cond3A_670 = arith.constant 0 : i32
      %cond3A_671 = arith.cmpi ne, %convert_element_type3A_669, %cond3A_670 : i32
      scf.if %cond3A_671 {
        %dma_wait3A_831 = arith.constant 3 : i32
        %dma_wait3A_832 = arith.constant 0 : i32
        %dma_wait3A_833 = arith.constant 0 : i32
        %dma_wait3A_834 = tpu.memref_slice %arg9[%dma_wait3A_831, %dma_wait3A_832, %dma_wait3A_833] : memref<16x125x40xf32, #tpu.memory_space<vmem>> -> memref<1x125x40xf32, #tpu.memory_space<vmem>>
        %dma_wait3A_835 = tpu.memref_squeeze %dma_wait3A_834 : memref<1x125x40xf32, #tpu.memory_space<vmem>> -> memref<125x40xf32, #tpu.memory_space<vmem>>
        %dma_wait3A_836 = arith.constant 0 : i32
        %dma_wait3A_837 = tpu.memref_slice %arg8[%sub3A_666, %dma_wait3A_836] : memref<80x125xi32, #tpu.memory_space<vmem>> -> memref<1x125xi32, #tpu.memory_space<vmem>>
        %dma_wait3A_838 = tpu.memref_squeeze %dma_wait3A_837 : memref<1x125xi32, #tpu.memory_space<vmem>> -> memref<125xi32, #tpu.memory_space<vmem>>
        %dma_wait3A_839 = arith.constant 0 : i32
        %dma_wait3A_840 = arith.constant 0 : i32
        %dma_wait3A_841 = tpu.memref_slice %arg10[%dma_wait3A_839, %dma_wait3A_840] : memref<10240x40xf32, #tpu.memory_space<vmem_shared>> -> memref<10240x40xf32, #tpu.memory_space<vmem_shared>>
        tpu.wait_indirect_dma semaphore(%arg12 : memref<!tpu.dma_semaphore, #tpu.memory_space<semaphore_mem>>) src(%dma_wait3A_835 : memref<125x40xf32, #tpu.memory_space<vmem>>) dst(%dma_wait3A_841 : memref<10240x40xf32, #tpu.memory_space<vmem_shared>>)
      } else {
      }
      %add3A_672 = arith.constant 8 : i32
      %add3A_673 = arith.addi %add3A_642, %add3A_672 : i32
      %lt3A_674 = arith.constant 80 : i32
      %lt3A_675 = arith.cmpi slt, %add3A_673, %lt3A_674 : i32
      %convert_element_type3A_676 = arith.extui %lt3A_675 : i1 to i32
      %cond3A_677 = arith.constant 0 : i32
      %cond3A_678 = arith.cmpi ne, %convert_element_type3A_676, %cond3A_677 : i32
      scf.if %cond3A_678 {
        %dma_start3A_831 = arith.constant 3 : i32
        %dma_start3A_832 = arith.constant 0 : i32
        %dma_start3A_833 = arith.constant 0 : i32
        %dma_start3A_834 = tpu.memref_slice %arg9[%dma_start3A_831, %dma_start3A_832, %dma_start3A_833] : memref<16x125x40xf32, #tpu.memory_space<vmem>> -> memref<1x125x40xf32, #tpu.memory_space<vmem>>
        %dma_start3A_835 = tpu.memref_squeeze %dma_start3A_834 : memref<1x125x40xf32, #tpu.memory_space<vmem>> -> memref<125x40xf32, #tpu.memory_space<vmem>>
        %dma_start3A_836 = arith.constant 0 : i32
        %dma_start3A_837 = tpu.memref_slice %arg7[%add3A_673, %dma_start3A_836] : memref<80x125xi32, #tpu.memory_space<vmem>> -> memref<1x125xi32, #tpu.memory_space<vmem>>
        %dma_start3A_838 = tpu.memref_squeeze %dma_start3A_837 : memref<1x125xi32, #tpu.memory_space<vmem>> -> memref<125xi32, #tpu.memory_space<vmem>>
        %dma_start3A_839 = arith.constant 0 : i32
        %dma_start3A_840 = arith.constant 0 : i32
        %dma_start3A_841 = tpu.memref_slice %arg2[%dma_start3A_839, %dma_start3A_840] : memref<10000x40xf32, #tpu.memory_space<hbm>> -> memref<10000x40xf32, #tpu.memory_space<hbm>>
        tpu.enqueue_indirect_dma source(%dma_start3A_841 : memref<10000x40xf32, #tpu.memory_space<hbm>>) target(%dma_start3A_835 : memref<125x40xf32, #tpu.memory_space<vmem>>) offsets(%dma_start3A_838 : memref<125xi32, #tpu.memory_space<vmem>>) semaphore(%arg11 : memref<!tpu.dma_semaphore, #tpu.memory_space<semaphore_mem>>)
      } else {
      }
      %add3A_679 = arith.constant 12 : i32
      %add3A_680 = arith.addi %mul3A_227, %add3A_679 : i32
      %dma_wait3A_681 = arith.constant 12 : i32
      %dma_wait3A_682 = arith.constant 0 : i32
      %dma_wait3A_683 = arith.constant 0 : i32
      %dma_wait3A_684 = tpu.memref_slice %arg9[%dma_wait3A_681, %dma_wait3A_682, %dma_wait3A_683] : memref<16x125x40xf32, #tpu.memory_space<vmem>> -> memref<1x125x40xf32, #tpu.memory_space<vmem>>
      %dma_wait3A_685 = tpu.memref_squeeze %dma_wait3A_684 : memref<1x125x40xf32, #tpu.memory_space<vmem>> -> memref<125x40xf32, #tpu.memory_space<vmem>>
      %dma_wait3A_686 = arith.constant 0 : i32
      %dma_wait3A_687 = tpu.memref_slice %arg7[%add3A_680, %dma_wait3A_686] : memref<80x125xi32, #tpu.memory_space<vmem>> -> memref<1x125xi32, #tpu.memory_space<vmem>>
      %dma_wait3A_688 = tpu.memref_squeeze %dma_wait3A_687 : memref<1x125xi32, #tpu.memory_space<vmem>> -> memref<125xi32, #tpu.memory_space<vmem>>
      %dma_wait3A_689 = arith.constant 0 : i32
      %dma_wait3A_690 = arith.constant 0 : i32
      %dma_wait3A_691 = tpu.memref_slice %arg2[%dma_wait3A_689, %dma_wait3A_690] : memref<10000x40xf32, #tpu.memory_space<hbm>> -> memref<10000x40xf32, #tpu.memory_space<hbm>>
      tpu.wait_indirect_dma semaphore(%arg11 : memref<!tpu.dma_semaphore, #tpu.memory_space<semaphore_mem>>) src(%dma_wait3A_691 : memref<10000x40xf32, #tpu.memory_space<hbm>>) dst(%dma_wait3A_685 : memref<125x40xf32, #tpu.memory_space<vmem>>)
      %dma_start3A_692 = arith.constant 12 : i32
      %dma_start3A_693 = arith.constant 0 : i32
      %dma_start3A_694 = arith.constant 0 : i32
      %dma_start3A_695 = tpu.memref_slice %arg9[%dma_start3A_692, %dma_start3A_693, %dma_start3A_694] : memref<16x125x40xf32, #tpu.memory_space<vmem>> -> memref<1x125x40xf32, #tpu.memory_space<vmem>>
      %dma_start3A_696 = tpu.memref_squeeze %dma_start3A_695 : memref<1x125x40xf32, #tpu.memory_space<vmem>> -> memref<125x40xf32, #tpu.memory_space<vmem>>
      %dma_start3A_697 = arith.constant 0 : i32
      %dma_start3A_698 = tpu.memref_slice %arg8[%add3A_680, %dma_start3A_697] : memref<80x125xi32, #tpu.memory_space<vmem>> -> memref<1x125xi32, #tpu.memory_space<vmem>>
      %dma_start3A_699 = tpu.memref_squeeze %dma_start3A_698 : memref<1x125xi32, #tpu.memory_space<vmem>> -> memref<125xi32, #tpu.memory_space<vmem>>
      %dma_start3A_700 = arith.constant 0 : i32
      %dma_start3A_701 = arith.constant 0 : i32
      %dma_start3A_702 = tpu.memref_slice %arg10[%dma_start3A_700, %dma_start3A_701] : memref<10240x40xf32, #tpu.memory_space<vmem_shared>> -> memref<10240x40xf32, #tpu.memory_space<vmem_shared>>
      tpu.enqueue_indirect_dma source(%dma_start3A_696 : memref<125x40xf32, #tpu.memory_space<vmem>>) target(%dma_start3A_702 : memref<10240x40xf32, #tpu.memory_space<vmem_shared>>) offsets(%dma_start3A_699 : memref<125xi32, #tpu.memory_space<vmem>>) semaphore(%arg12 : memref<!tpu.dma_semaphore, #tpu.memory_space<semaphore_mem>>) {add = true}
      %sub3A_703 = arith.constant 8 : i32
      %sub3A_704 = arith.subi %add3A_680, %sub3A_703 : i32
      %ge3A_705 = arith.constant 0 : i32
      %ge3A_706 = arith.cmpi sge, %sub3A_704, %ge3A_705 : i32
      %convert_element_type3A_707 = arith.extui %ge3A_706 : i1 to i32
      %cond3A_708 = arith.constant 0 : i32
      %cond3A_709 = arith.cmpi ne, %convert_element_type3A_707, %cond3A_708 : i32
      scf.if %cond3A_709 {
        %dma_wait3A_831 = arith.constant 4 : i32
        %dma_wait3A_832 = arith.constant 0 : i32
        %dma_wait3A_833 = arith.constant 0 : i32
        %dma_wait3A_834 = tpu.memref_slice %arg9[%dma_wait3A_831, %dma_wait3A_832, %dma_wait3A_833] : memref<16x125x40xf32, #tpu.memory_space<vmem>> -> memref<1x125x40xf32, #tpu.memory_space<vmem>>
        %dma_wait3A_835 = tpu.memref_squeeze %dma_wait3A_834 : memref<1x125x40xf32, #tpu.memory_space<vmem>> -> memref<125x40xf32, #tpu.memory_space<vmem>>
        %dma_wait3A_836 = arith.constant 0 : i32
        %dma_wait3A_837 = tpu.memref_slice %arg8[%sub3A_704, %dma_wait3A_836] : memref<80x125xi32, #tpu.memory_space<vmem>> -> memref<1x125xi32, #tpu.memory_space<vmem>>
        %dma_wait3A_838 = tpu.memref_squeeze %dma_wait3A_837 : memref<1x125xi32, #tpu.memory_space<vmem>> -> memref<125xi32, #tpu.memory_space<vmem>>
        %dma_wait3A_839 = arith.constant 0 : i32
        %dma_wait3A_840 = arith.constant 0 : i32
        %dma_wait3A_841 = tpu.memref_slice %arg10[%dma_wait3A_839, %dma_wait3A_840] : memref<10240x40xf32, #tpu.memory_space<vmem_shared>> -> memref<10240x40xf32, #tpu.memory_space<vmem_shared>>
        tpu.wait_indirect_dma semaphore(%arg12 : memref<!tpu.dma_semaphore, #tpu.memory_space<semaphore_mem>>) src(%dma_wait3A_835 : memref<125x40xf32, #tpu.memory_space<vmem>>) dst(%dma_wait3A_841 : memref<10240x40xf32, #tpu.memory_space<vmem_shared>>)
      } else {
      }
      %add3A_710 = arith.constant 8 : i32
      %add3A_711 = arith.addi %add3A_680, %add3A_710 : i32
      %lt3A_712 = arith.constant 80 : i32
      %lt3A_713 = arith.cmpi slt, %add3A_711, %lt3A_712 : i32
      %convert_element_type3A_714 = arith.extui %lt3A_713 : i1 to i32
      %cond3A_715 = arith.constant 0 : i32
      %cond3A_716 = arith.cmpi ne, %convert_element_type3A_714, %cond3A_715 : i32
      scf.if %cond3A_716 {
        %dma_start3A_831 = arith.constant 4 : i32
        %dma_start3A_832 = arith.constant 0 : i32
        %dma_start3A_833 = arith.constant 0 : i32
        %dma_start3A_834 = tpu.memref_slice %arg9[%dma_start3A_831, %dma_start3A_832, %dma_start3A_833] : memref<16x125x40xf32, #tpu.memory_space<vmem>> -> memref<1x125x40xf32, #tpu.memory_space<vmem>>
        %dma_start3A_835 = tpu.memref_squeeze %dma_start3A_834 : memref<1x125x40xf32, #tpu.memory_space<vmem>> -> memref<125x40xf32, #tpu.memory_space<vmem>>
        %dma_start3A_836 = arith.constant 0 : i32
        %dma_start3A_837 = tpu.memref_slice %arg7[%add3A_711, %dma_start3A_836] : memref<80x125xi32, #tpu.memory_space<vmem>> -> memref<1x125xi32, #tpu.memory_space<vmem>>
        %dma_start3A_838 = tpu.memref_squeeze %dma_start3A_837 : memref<1x125xi32, #tpu.memory_space<vmem>> -> memref<125xi32, #tpu.memory_space<vmem>>
        %dma_start3A_839 = arith.constant 0 : i32
        %dma_start3A_840 = arith.constant 0 : i32
        %dma_start3A_841 = tpu.memref_slice %arg2[%dma_start3A_839, %dma_start3A_840] : memref<10000x40xf32, #tpu.memory_space<hbm>> -> memref<10000x40xf32, #tpu.memory_space<hbm>>
        tpu.enqueue_indirect_dma source(%dma_start3A_841 : memref<10000x40xf32, #tpu.memory_space<hbm>>) target(%dma_start3A_835 : memref<125x40xf32, #tpu.memory_space<vmem>>) offsets(%dma_start3A_838 : memref<125xi32, #tpu.memory_space<vmem>>) semaphore(%arg11 : memref<!tpu.dma_semaphore, #tpu.memory_space<semaphore_mem>>)
      } else {
      }
      %add3A_717 = arith.constant 13 : i32
      %add3A_718 = arith.addi %mul3A_227, %add3A_717 : i32
      %dma_wait3A_719 = arith.constant 13 : i32
      %dma_wait3A_720 = arith.constant 0 : i32
      %dma_wait3A_721 = arith.constant 0 : i32
      %dma_wait3A_722 = tpu.memref_slice %arg9[%dma_wait3A_719, %dma_wait3A_720, %dma_wait3A_721] : memref<16x125x40xf32, #tpu.memory_space<vmem>> -> memref<1x125x40xf32, #tpu.memory_space<vmem>>
      %dma_wait3A_723 = tpu.memref_squeeze %dma_wait3A_722 : memref<1x125x40xf32, #tpu.memory_space<vmem>> -> memref<125x40xf32, #tpu.memory_space<vmem>>
      %dma_wait3A_724 = arith.constant 0 : i32
      %dma_wait3A_725 = tpu.memref_slice %arg7[%add3A_718, %dma_wait3A_724] : memref<80x125xi32, #tpu.memory_space<vmem>> -> memref<1x125xi32, #tpu.memory_space<vmem>>
      %dma_wait3A_726 = tpu.memref_squeeze %dma_wait3A_725 : memref<1x125xi32, #tpu.memory_space<vmem>> -> memref<125xi32, #tpu.memory_space<vmem>>
      %dma_wait3A_727 = arith.constant 0 : i32
      %dma_wait3A_728 = arith.constant 0 : i32
      %dma_wait3A_729 = tpu.memref_slice %arg2[%dma_wait3A_727, %dma_wait3A_728] : memref<10000x40xf32, #tpu.memory_space<hbm>> -> memref<10000x40xf32, #tpu.memory_space<hbm>>
      tpu.wait_indirect_dma semaphore(%arg11 : memref<!tpu.dma_semaphore, #tpu.memory_space<semaphore_mem>>) src(%dma_wait3A_729 : memref<10000x40xf32, #tpu.memory_space<hbm>>) dst(%dma_wait3A_723 : memref<125x40xf32, #tpu.memory_space<vmem>>)
      %dma_start3A_730 = arith.constant 13 : i32
      %dma_start3A_731 = arith.constant 0 : i32
      %dma_start3A_732 = arith.constant 0 : i32
      %dma_start3A_733 = tpu.memref_slice %arg9[%dma_start3A_730, %dma_start3A_731, %dma_start3A_732] : memref<16x125x40xf32, #tpu.memory_space<vmem>> -> memref<1x125x40xf32, #tpu.memory_space<vmem>>
      %dma_start3A_734 = tpu.memref_squeeze %dma_start3A_733 : memref<1x125x40xf32, #tpu.memory_space<vmem>> -> memref<125x40xf32, #tpu.memory_space<vmem>>
      %dma_start3A_735 = arith.constant 0 : i32
      %dma_start3A_736 = tpu.memref_slice %arg8[%add3A_718, %dma_start3A_735] : memref<80x125xi32, #tpu.memory_space<vmem>> -> memref<1x125xi32, #tpu.memory_space<vmem>>
      %dma_start3A_737 = tpu.memref_squeeze %dma_start3A_736 : memref<1x125xi32, #tpu.memory_space<vmem>> -> memref<125xi32, #tpu.memory_space<vmem>>
      %dma_start3A_738 = arith.constant 0 : i32
      %dma_start3A_739 = arith.constant 0 : i32
      %dma_start3A_740 = tpu.memref_slice %arg10[%dma_start3A_738, %dma_start3A_739] : memref<10240x40xf32, #tpu.memory_space<vmem_shared>> -> memref<10240x40xf32, #tpu.memory_space<vmem_shared>>
      tpu.enqueue_indirect_dma source(%dma_start3A_734 : memref<125x40xf32, #tpu.memory_space<vmem>>) target(%dma_start3A_740 : memref<10240x40xf32, #tpu.memory_space<vmem_shared>>) offsets(%dma_start3A_737 : memref<125xi32, #tpu.memory_space<vmem>>) semaphore(%arg12 : memref<!tpu.dma_semaphore, #tpu.memory_space<semaphore_mem>>) {add = true}
      %sub3A_741 = arith.constant 8 : i32
      %sub3A_742 = arith.subi %add3A_718, %sub3A_741 : i32
      %ge3A_743 = arith.constant 0 : i32
      %ge3A_744 = arith.cmpi sge, %sub3A_742, %ge3A_743 : i32
      %convert_element_type3A_745 = arith.extui %ge3A_744 : i1 to i32
      %cond3A_746 = arith.constant 0 : i32
      %cond3A_747 = arith.cmpi ne, %convert_element_type3A_745, %cond3A_746 : i32
      scf.if %cond3A_747 {
        %dma_wait3A_831 = arith.constant 5 : i32
        %dma_wait3A_832 = arith.constant 0 : i32
        %dma_wait3A_833 = arith.constant 0 : i32
        %dma_wait3A_834 = tpu.memref_slice %arg9[%dma_wait3A_831, %dma_wait3A_832, %dma_wait3A_833] : memref<16x125x40xf32, #tpu.memory_space<vmem>> -> memref<1x125x40xf32, #tpu.memory_space<vmem>>
        %dma_wait3A_835 = tpu.memref_squeeze %dma_wait3A_834 : memref<1x125x40xf32, #tpu.memory_space<vmem>> -> memref<125x40xf32, #tpu.memory_space<vmem>>
        %dma_wait3A_836 = arith.constant 0 : i32
        %dma_wait3A_837 = tpu.memref_slice %arg8[%sub3A_742, %dma_wait3A_836] : memref<80x125xi32, #tpu.memory_space<vmem>> -> memref<1x125xi32, #tpu.memory_space<vmem>>
        %dma_wait3A_838 = tpu.memref_squeeze %dma_wait3A_837 : memref<1x125xi32, #tpu.memory_space<vmem>> -> memref<125xi32, #tpu.memory_space<vmem>>
        %dma_wait3A_839 = arith.constant 0 : i32
        %dma_wait3A_840 = arith.constant 0 : i32
        %dma_wait3A_841 = tpu.memref_slice %arg10[%dma_wait3A_839, %dma_wait3A_840] : memref<10240x40xf32, #tpu.memory_space<vmem_shared>> -> memref<10240x40xf32, #tpu.memory_space<vmem_shared>>
        tpu.wait_indirect_dma semaphore(%arg12 : memref<!tpu.dma_semaphore, #tpu.memory_space<semaphore_mem>>) src(%dma_wait3A_835 : memref<125x40xf32, #tpu.memory_space<vmem>>) dst(%dma_wait3A_841 : memref<10240x40xf32, #tpu.memory_space<vmem_shared>>)
      } else {
      }
      %add3A_748 = arith.constant 8 : i32
      %add3A_749 = arith.addi %add3A_718, %add3A_748 : i32
      %lt3A_750 = arith.constant 80 : i32
      %lt3A_751 = arith.cmpi slt, %add3A_749, %lt3A_750 : i32
      %convert_element_type3A_752 = arith.extui %lt3A_751 : i1 to i32
      %cond3A_753 = arith.constant 0 : i32
      %cond3A_754 = arith.cmpi ne, %convert_element_type3A_752, %cond3A_753 : i32
      scf.if %cond3A_754 {
        %dma_start3A_831 = arith.constant 5 : i32
        %dma_start3A_832 = arith.constant 0 : i32
        %dma_start3A_833 = arith.constant 0 : i32
        %dma_start3A_834 = tpu.memref_slice %arg9[%dma_start3A_831, %dma_start3A_832, %dma_start3A_833] : memref<16x125x40xf32, #tpu.memory_space<vmem>> -> memref<1x125x40xf32, #tpu.memory_space<vmem>>
        %dma_start3A_835 = tpu.memref_squeeze %dma_start3A_834 : memref<1x125x40xf32, #tpu.memory_space<vmem>> -> memref<125x40xf32, #tpu.memory_space<vmem>>
        %dma_start3A_836 = arith.constant 0 : i32
        %dma_start3A_837 = tpu.memref_slice %arg7[%add3A_749, %dma_start3A_836] : memref<80x125xi32, #tpu.memory_space<vmem>> -> memref<1x125xi32, #tpu.memory_space<vmem>>
        %dma_start3A_838 = tpu.memref_squeeze %dma_start3A_837 : memref<1x125xi32, #tpu.memory_space<vmem>> -> memref<125xi32, #tpu.memory_space<vmem>>
        %dma_start3A_839 = arith.constant 0 : i32
        %dma_start3A_840 = arith.constant 0 : i32
        %dma_start3A_841 = tpu.memref_slice %arg2[%dma_start3A_839, %dma_start3A_840] : memref<10000x40xf32, #tpu.memory_space<hbm>> -> memref<10000x40xf32, #tpu.memory_space<hbm>>
        tpu.enqueue_indirect_dma source(%dma_start3A_841 : memref<10000x40xf32, #tpu.memory_space<hbm>>) target(%dma_start3A_835 : memref<125x40xf32, #tpu.memory_space<vmem>>) offsets(%dma_start3A_838 : memref<125xi32, #tpu.memory_space<vmem>>) semaphore(%arg11 : memref<!tpu.dma_semaphore, #tpu.memory_space<semaphore_mem>>)
      } else {
      }
      %add3A_755 = arith.constant 14 : i32
      %add3A_756 = arith.addi %mul3A_227, %add3A_755 : i32
      %dma_wait3A_757 = arith.constant 14 : i32
      %dma_wait3A_758 = arith.constant 0 : i32
      %dma_wait3A_759 = arith.constant 0 : i32
      %dma_wait3A_760 = tpu.memref_slice %arg9[%dma_wait3A_757, %dma_wait3A_758, %dma_wait3A_759] : memref<16x125x40xf32, #tpu.memory_space<vmem>> -> memref<1x125x40xf32, #tpu.memory_space<vmem>>
      %dma_wait3A_761 = tpu.memref_squeeze %dma_wait3A_760 : memref<1x125x40xf32, #tpu.memory_space<vmem>> -> memref<125x40xf32, #tpu.memory_space<vmem>>
      %dma_wait3A_762 = arith.constant 0 : i32
      %dma_wait3A_763 = tpu.memref_slice %arg7[%add3A_756, %dma_wait3A_762] : memref<80x125xi32, #tpu.memory_space<vmem>> -> memref<1x125xi32, #tpu.memory_space<vmem>>
      %dma_wait3A_764 = tpu.memref_squeeze %dma_wait3A_763 : memref<1x125xi32, #tpu.memory_space<vmem>> -> memref<125xi32, #tpu.memory_space<vmem>>
      %dma_wait3A_765 = arith.constant 0 : i32
      %dma_wait3A_766 = arith.constant 0 : i32
      %dma_wait3A_767 = tpu.memref_slice %arg2[%dma_wait3A_765, %dma_wait3A_766] : memref<10000x40xf32, #tpu.memory_space<hbm>> -> memref<10000x40xf32, #tpu.memory_space<hbm>>
      tpu.wait_indirect_dma semaphore(%arg11 : memref<!tpu.dma_semaphore, #tpu.memory_space<semaphore_mem>>) src(%dma_wait3A_767 : memref<10000x40xf32, #tpu.memory_space<hbm>>) dst(%dma_wait3A_761 : memref<125x40xf32, #tpu.memory_space<vmem>>)
      %dma_start3A_768 = arith.constant 14 : i32
      %dma_start3A_769 = arith.constant 0 : i32
      %dma_start3A_770 = arith.constant 0 : i32
      %dma_start3A_771 = tpu.memref_slice %arg9[%dma_start3A_768, %dma_start3A_769, %dma_start3A_770] : memref<16x125x40xf32, #tpu.memory_space<vmem>> -> memref<1x125x40xf32, #tpu.memory_space<vmem>>
      %dma_start3A_772 = tpu.memref_squeeze %dma_start3A_771 : memref<1x125x40xf32, #tpu.memory_space<vmem>> -> memref<125x40xf32, #tpu.memory_space<vmem>>
      %dma_start3A_773 = arith.constant 0 : i32
      %dma_start3A_774 = tpu.memref_slice %arg8[%add3A_756, %dma_start3A_773] : memref<80x125xi32, #tpu.memory_space<vmem>> -> memref<1x125xi32, #tpu.memory_space<vmem>>
      %dma_start3A_775 = tpu.memref_squeeze %dma_start3A_774 : memref<1x125xi32, #tpu.memory_space<vmem>> -> memref<125xi32, #tpu.memory_space<vmem>>
      %dma_start3A_776 = arith.constant 0 : i32
      %dma_start3A_777 = arith.constant 0 : i32
      %dma_start3A_778 = tpu.memref_slice %arg10[%dma_start3A_776, %dma_start3A_777] : memref<10240x40xf32, #tpu.memory_space<vmem_shared>> -> memref<10240x40xf32, #tpu.memory_space<vmem_shared>>
      tpu.enqueue_indirect_dma source(%dma_start3A_772 : memref<125x40xf32, #tpu.memory_space<vmem>>) target(%dma_start3A_778 : memref<10240x40xf32, #tpu.memory_space<vmem_shared>>) offsets(%dma_start3A_775 : memref<125xi32, #tpu.memory_space<vmem>>) semaphore(%arg12 : memref<!tpu.dma_semaphore, #tpu.memory_space<semaphore_mem>>) {add = true}
      %sub3A_779 = arith.constant 8 : i32
      %sub3A_780 = arith.subi %add3A_756, %sub3A_779 : i32
      %ge3A_781 = arith.constant 0 : i32
      %ge3A_782 = arith.cmpi sge, %sub3A_780, %ge3A_781 : i32
      %convert_element_type3A_783 = arith.extui %ge3A_782 : i1 to i32
      %cond3A_784 = arith.constant 0 : i32
      %cond3A_785 = arith.cmpi ne, %convert_element_type3A_783, %cond3A_784 : i32
      scf.if %cond3A_785 {
        %dma_wait3A_831 = arith.constant 6 : i32
        %dma_wait3A_832 = arith.constant 0 : i32
        %dma_wait3A_833 = arith.constant 0 : i32
        %dma_wait3A_834 = tpu.memref_slice %arg9[%dma_wait3A_831, %dma_wait3A_832, %dma_wait3A_833] : memref<16x125x40xf32, #tpu.memory_space<vmem>> -> memref<1x125x40xf32, #tpu.memory_space<vmem>>
        %dma_wait3A_835 = tpu.memref_squeeze %dma_wait3A_834 : memref<1x125x40xf32, #tpu.memory_space<vmem>> -> memref<125x40xf32, #tpu.memory_space<vmem>>
        %dma_wait3A_836 = arith.constant 0 : i32
        %dma_wait3A_837 = tpu.memref_slice %arg8[%sub3A_780, %dma_wait3A_836] : memref<80x125xi32, #tpu.memory_space<vmem>> -> memref<1x125xi32, #tpu.memory_space<vmem>>
        %dma_wait3A_838 = tpu.memref_squeeze %dma_wait3A_837 : memref<1x125xi32, #tpu.memory_space<vmem>> -> memref<125xi32, #tpu.memory_space<vmem>>
        %dma_wait3A_839 = arith.constant 0 : i32
        %dma_wait3A_840 = arith.constant 0 : i32
        %dma_wait3A_841 = tpu.memref_slice %arg10[%dma_wait3A_839, %dma_wait3A_840] : memref<10240x40xf32, #tpu.memory_space<vmem_shared>> -> memref<10240x40xf32, #tpu.memory_space<vmem_shared>>
        tpu.wait_indirect_dma semaphore(%arg12 : memref<!tpu.dma_semaphore, #tpu.memory_space<semaphore_mem>>) src(%dma_wait3A_835 : memref<125x40xf32, #tpu.memory_space<vmem>>) dst(%dma_wait3A_841 : memref<10240x40xf32, #tpu.memory_space<vmem_shared>>)
      } else {
      }
      %add3A_786 = arith.constant 8 : i32
      %add3A_787 = arith.addi %add3A_756, %add3A_786 : i32
      %lt3A_788 = arith.constant 80 : i32
      %lt3A_789 = arith.cmpi slt, %add3A_787, %lt3A_788 : i32
      %convert_element_type3A_790 = arith.extui %lt3A_789 : i1 to i32
      %cond3A_791 = arith.constant 0 : i32
      %cond3A_792 = arith.cmpi ne, %convert_element_type3A_790, %cond3A_791 : i32
      scf.if %cond3A_792 {
        %dma_start3A_831 = arith.constant 6 : i32
        %dma_start3A_832 = arith.constant 0 : i32
        %dma_start3A_833 = arith.constant 0 : i32
        %dma_start3A_834 = tpu.memref_slice %arg9[%dma_start3A_831, %dma_start3A_832, %dma_start3A_833] : memref<16x125x40xf32, #tpu.memory_space<vmem>> -> memref<1x125x40xf32, #tpu.memory_space<vmem>>
        %dma_start3A_835 = tpu.memref_squeeze %dma_start3A_834 : memref<1x125x40xf32, #tpu.memory_space<vmem>> -> memref<125x40xf32, #tpu.memory_space<vmem>>
        %dma_start3A_836 = arith.constant 0 : i32
        %dma_start3A_837 = tpu.memref_slice %arg7[%add3A_787, %dma_start3A_836] : memref<80x125xi32, #tpu.memory_space<vmem>> -> memref<1x125xi32, #tpu.memory_space<vmem>>
        %dma_start3A_838 = tpu.memref_squeeze %dma_start3A_837 : memref<1x125xi32, #tpu.memory_space<vmem>> -> memref<125xi32, #tpu.memory_space<vmem>>
        %dma_start3A_839 = arith.constant 0 : i32
        %dma_start3A_840 = arith.constant 0 : i32
        %dma_start3A_841 = tpu.memref_slice %arg2[%dma_start3A_839, %dma_start3A_840] : memref<10000x40xf32, #tpu.memory_space<hbm>> -> memref<10000x40xf32, #tpu.memory_space<hbm>>
        tpu.enqueue_indirect_dma source(%dma_start3A_841 : memref<10000x40xf32, #tpu.memory_space<hbm>>) target(%dma_start3A_835 : memref<125x40xf32, #tpu.memory_space<vmem>>) offsets(%dma_start3A_838 : memref<125xi32, #tpu.memory_space<vmem>>) semaphore(%arg11 : memref<!tpu.dma_semaphore, #tpu.memory_space<semaphore_mem>>)
      } else {
      }
      %add3A_793 = arith.constant 15 : i32
      %add3A_794 = arith.addi %mul3A_227, %add3A_793 : i32
      %dma_wait3A_795 = arith.constant 15 : i32
      %dma_wait3A_796 = arith.constant 0 : i32
      %dma_wait3A_797 = arith.constant 0 : i32
      %dma_wait3A_798 = tpu.memref_slice %arg9[%dma_wait3A_795, %dma_wait3A_796, %dma_wait3A_797] : memref<16x125x40xf32, #tpu.memory_space<vmem>> -> memref<1x125x40xf32, #tpu.memory_space<vmem>>
      %dma_wait3A_799 = tpu.memref_squeeze %dma_wait3A_798 : memref<1x125x40xf32, #tpu.memory_space<vmem>> -> memref<125x40xf32, #tpu.memory_space<vmem>>
      %dma_wait3A_800 = arith.constant 0 : i32
      %dma_wait3A_801 = tpu.memref_slice %arg7[%add3A_794, %dma_wait3A_800] : memref<80x125xi32, #tpu.memory_space<vmem>> -> memref<1x125xi32, #tpu.memory_space<vmem>>
      %dma_wait3A_802 = tpu.memref_squeeze %dma_wait3A_801 : memref<1x125xi32, #tpu.memory_space<vmem>> -> memref<125xi32, #tpu.memory_space<vmem>>
      %dma_wait3A_803 = arith.constant 0 : i32
      %dma_wait3A_804 = arith.constant 0 : i32
      %dma_wait3A_805 = tpu.memref_slice %arg2[%dma_wait3A_803, %dma_wait3A_804] : memref<10000x40xf32, #tpu.memory_space<hbm>> -> memref<10000x40xf32, #tpu.memory_space<hbm>>
      tpu.wait_indirect_dma semaphore(%arg11 : memref<!tpu.dma_semaphore, #tpu.memory_space<semaphore_mem>>) src(%dma_wait3A_805 : memref<10000x40xf32, #tpu.memory_space<hbm>>) dst(%dma_wait3A_799 : memref<125x40xf32, #tpu.memory_space<vmem>>)
      %dma_start3A_806 = arith.constant 15 : i32
      %dma_start3A_807 = arith.constant 0 : i32
      %dma_start3A_808 = arith.constant 0 : i32
      %dma_start3A_809 = tpu.memref_slice %arg9[%dma_start3A_806, %dma_start3A_807, %dma_start3A_808] : memref<16x125x40xf32, #tpu.memory_space<vmem>> -> memref<1x125x40xf32, #tpu.memory_space<vmem>>
      %dma_start3A_810 = tpu.memref_squeeze %dma_start3A_809 : memref<1x125x40xf32, #tpu.memory_space<vmem>> -> memref<125x40xf32, #tpu.memory_space<vmem>>
      %dma_start3A_811 = arith.constant 0 : i32
      %dma_start3A_812 = tpu.memref_slice %arg8[%add3A_794, %dma_start3A_811] : memref<80x125xi32, #tpu.memory_space<vmem>> -> memref<1x125xi32, #tpu.memory_space<vmem>>
      %dma_start3A_813 = tpu.memref_squeeze %dma_start3A_812 : memref<1x125xi32, #tpu.memory_space<vmem>> -> memref<125xi32, #tpu.memory_space<vmem>>
      %dma_start3A_814 = arith.constant 0 : i32
      %dma_start3A_815 = arith.constant 0 : i32
      %dma_start3A_816 = tpu.memref_slice %arg10[%dma_start3A_814, %dma_start3A_815] : memref<10240x40xf32, #tpu.memory_space<vmem_shared>> -> memref<10240x40xf32, #tpu.memory_space<vmem_shared>>
      tpu.enqueue_indirect_dma source(%dma_start3A_810 : memref<125x40xf32, #tpu.memory_space<vmem>>) target(%dma_start3A_816 : memref<10240x40xf32, #tpu.memory_space<vmem_shared>>) offsets(%dma_start3A_813 : memref<125xi32, #tpu.memory_space<vmem>>) semaphore(%arg12 : memref<!tpu.dma_semaphore, #tpu.memory_space<semaphore_mem>>) {add = true}
      %sub3A_817 = arith.constant 8 : i32
      %sub3A_818 = arith.subi %add3A_794, %sub3A_817 : i32
      %ge3A_819 = arith.constant 0 : i32
      %ge3A_820 = arith.cmpi sge, %sub3A_818, %ge3A_819 : i32
      %convert_element_type3A_821 = arith.extui %ge3A_820 : i1 to i32
      %cond3A_822 = arith.constant 0 : i32
      %cond3A_823 = arith.cmpi ne, %convert_element_type3A_821, %cond3A_822 : i32
      scf.if %cond3A_823 {
        %dma_wait3A_831 = arith.constant 7 : i32
        %dma_wait3A_832 = arith.constant 0 : i32
        %dma_wait3A_833 = arith.constant 0 : i32
        %dma_wait3A_834 = tpu.memref_slice %arg9[%dma_wait3A_831, %dma_wait3A_832, %dma_wait3A_833] : memref<16x125x40xf32, #tpu.memory_space<vmem>> -> memref<1x125x40xf32, #tpu.memory_space<vmem>>
        %dma_wait3A_835 = tpu.memref_squeeze %dma_wait3A_834 : memref<1x125x40xf32, #tpu.memory_space<vmem>> -> memref<125x40xf32, #tpu.memory_space<vmem>>
        %dma_wait3A_836 = arith.constant 0 : i32
        %dma_wait3A_837 = tpu.memref_slice %arg8[%sub3A_818, %dma_wait3A_836] : memref<80x125xi32, #tpu.memory_space<vmem>> -> memref<1x125xi32, #tpu.memory_space<vmem>>
        %dma_wait3A_838 = tpu.memref_squeeze %dma_wait3A_837 : memref<1x125xi32, #tpu.memory_space<vmem>> -> memref<125xi32, #tpu.memory_space<vmem>>
        %dma_wait3A_839 = arith.constant 0 : i32
        %dma_wait3A_840 = arith.constant 0 : i32
        %dma_wait3A_841 = tpu.memref_slice %arg10[%dma_wait3A_839, %dma_wait3A_840] : memref<10240x40xf32, #tpu.memory_space<vmem_shared>> -> memref<10240x40xf32, #tpu.memory_space<vmem_shared>>
        tpu.wait_indirect_dma semaphore(%arg12 : memref<!tpu.dma_semaphore, #tpu.memory_space<semaphore_mem>>) src(%dma_wait3A_835 : memref<125x40xf32, #tpu.memory_space<vmem>>) dst(%dma_wait3A_841 : memref<10240x40xf32, #tpu.memory_space<vmem_shared>>)
      } else {
      }
      %add3A_824 = arith.constant 8 : i32
      %add3A_825 = arith.addi %add3A_794, %add3A_824 : i32
      %lt3A_826 = arith.constant 80 : i32
      %lt3A_827 = arith.cmpi slt, %add3A_825, %lt3A_826 : i32
      %convert_element_type3A_828 = arith.extui %lt3A_827 : i1 to i32
      %cond3A_829 = arith.constant 0 : i32
      %cond3A_830 = arith.cmpi ne, %convert_element_type3A_828, %cond3A_829 : i32
      scf.if %cond3A_830 {
        %dma_start3A_831 = arith.constant 7 : i32
        %dma_start3A_832 = arith.constant 0 : i32
        %dma_start3A_833 = arith.constant 0 : i32
        %dma_start3A_834 = tpu.memref_slice %arg9[%dma_start3A_831, %dma_start3A_832, %dma_start3A_833] : memref<16x125x40xf32, #tpu.memory_space<vmem>> -> memref<1x125x40xf32, #tpu.memory_space<vmem>>
        %dma_start3A_835 = tpu.memref_squeeze %dma_start3A_834 : memref<1x125x40xf32, #tpu.memory_space<vmem>> -> memref<125x40xf32, #tpu.memory_space<vmem>>
        %dma_start3A_836 = arith.constant 0 : i32
        %dma_start3A_837 = tpu.memref_slice %arg7[%add3A_825, %dma_start3A_836] : memref<80x125xi32, #tpu.memory_space<vmem>> -> memref<1x125xi32, #tpu.memory_space<vmem>>
        %dma_start3A_838 = tpu.memref_squeeze %dma_start3A_837 : memref<1x125xi32, #tpu.memory_space<vmem>> -> memref<125xi32, #tpu.memory_space<vmem>>
        %dma_start3A_839 = arith.constant 0 : i32
        %dma_start3A_840 = arith.constant 0 : i32
        %dma_start3A_841 = tpu.memref_slice %arg2[%dma_start3A_839, %dma_start3A_840] : memref<10000x40xf32, #tpu.memory_space<hbm>> -> memref<10000x40xf32, #tpu.memory_space<hbm>>
        tpu.enqueue_indirect_dma source(%dma_start3A_841 : memref<10000x40xf32, #tpu.memory_space<hbm>>) target(%dma_start3A_835 : memref<125x40xf32, #tpu.memory_space<vmem>>) offsets(%dma_start3A_838 : memref<125xi32, #tpu.memory_space<vmem>>) semaphore(%arg11 : memref<!tpu.dma_semaphore, #tpu.memory_space<semaphore_mem>>)
      } else {
      }
    }
    %scan3A_123 = arith.constant 5 : i32
    %dma_wait3A_124 = arith.constant 8 : i32
    %dma_wait3A_125 = arith.constant 72 : i32
    %dma_wait3A_126 = arith.constant 0 : i32
    %dma_wait3A_127 = arith.constant 0 : i32
    %dma_wait3A_128 = tpu.memref_slice %arg9[%dma_wait3A_124, %dma_wait3A_126, %dma_wait3A_127] : memref<16x125x40xf32, #tpu.memory_space<vmem>> -> memref<1x125x40xf32, #tpu.memory_space<vmem>>
    %dma_wait3A_129 = tpu.memref_squeeze %dma_wait3A_128 : memref<1x125x40xf32, #tpu.memory_space<vmem>> -> memref<125x40xf32, #tpu.memory_space<vmem>>
    %dma_wait3A_130 = arith.constant 0 : i32
    %dma_wait3A_131 = tpu.memref_slice %arg8[%dma_wait3A_125, %dma_wait3A_130] : memref<80x125xi32, #tpu.memory_space<vmem>> -> memref<1x125xi32, #tpu.memory_space<vmem>>
    %dma_wait3A_132 = tpu.memref_squeeze %dma_wait3A_131 : memref<1x125xi32, #tpu.memory_space<vmem>> -> memref<125xi32, #tpu.memory_space<vmem>>
    %dma_wait3A_133 = arith.constant 0 : i32
    %dma_wait3A_134 = arith.constant 0 : i32
    %dma_wait3A_135 = tpu.memref_slice %arg10[%dma_wait3A_133, %dma_wait3A_134] : memref<10240x40xf32, #tpu.memory_space<vmem_shared>> -> memref<10240x40xf32, #tpu.memory_space<vmem_shared>>
    tpu.wait_indirect_dma semaphore(%arg12 : memref<!tpu.dma_semaphore, #tpu.memory_space<semaphore_mem>>) src(%dma_wait3A_129 : memref<125x40xf32, #tpu.memory_space<vmem>>) dst(%dma_wait3A_135 : memref<10240x40xf32, #tpu.memory_space<vmem_shared>>)
    %dma_wait3A_136 = arith.constant 9 : i32
    %dma_wait3A_137 = arith.constant 73 : i32
    %dma_wait3A_138 = arith.constant 0 : i32
    %dma_wait3A_139 = arith.constant 0 : i32
    %dma_wait3A_140 = tpu.memref_slice %arg9[%dma_wait3A_136, %dma_wait3A_138, %dma_wait3A_139] : memref<16x125x40xf32, #tpu.memory_space<vmem>> -> memref<1x125x40xf32, #tpu.memory_space<vmem>>
    %dma_wait3A_141 = tpu.memref_squeeze %dma_wait3A_140 : memref<1x125x40xf32, #tpu.memory_space<vmem>> -> memref<125x40xf32, #tpu.memory_space<vmem>>
    %dma_wait3A_142 = arith.constant 0 : i32
    %dma_wait3A_143 = tpu.memref_slice %arg8[%dma_wait3A_137, %dma_wait3A_142] : memref<80x125xi32, #tpu.memory_space<vmem>> -> memref<1x125xi32, #tpu.memory_space<vmem>>
    %dma_wait3A_144 = tpu.memref_squeeze %dma_wait3A_143 : memref<1x125xi32, #tpu.memory_space<vmem>> -> memref<125xi32, #tpu.memory_space<vmem>>
    %dma_wait3A_145 = arith.constant 0 : i32
    %dma_wait3A_146 = arith.constant 0 : i32
    %dma_wait3A_147 = tpu.memref_slice %arg10[%dma_wait3A_145, %dma_wait3A_146] : memref<10240x40xf32, #tpu.memory_space<vmem_shared>> -> memref<10240x40xf32, #tpu.memory_space<vmem_shared>>
    tpu.wait_indirect_dma semaphore(%arg12 : memref<!tpu.dma_semaphore, #tpu.memory_space<semaphore_mem>>) src(%dma_wait3A_141 : memref<125x40xf32, #tpu.memory_space<vmem>>) dst(%dma_wait3A_147 : memref<10240x40xf32, #tpu.memory_space<vmem_shared>>)
    %dma_wait3A_148 = arith.constant 10 : i32
    %dma_wait3A_149 = arith.constant 74 : i32
    %dma_wait3A_150 = arith.constant 0 : i32
    %dma_wait3A_151 = arith.constant 0 : i32
    %dma_wait3A_152 = tpu.memref_slice %arg9[%dma_wait3A_148, %dma_wait3A_150, %dma_wait3A_151] : memref<16x125x40xf32, #tpu.memory_space<vmem>> -> memref<1x125x40xf32, #tpu.memory_space<vmem>>
    %dma_wait3A_153 = tpu.memref_squeeze %dma_wait3A_152 : memref<1x125x40xf32, #tpu.memory_space<vmem>> -> memref<125x40xf32, #tpu.memory_space<vmem>>
    %dma_wait3A_154 = arith.constant 0 : i32
    %dma_wait3A_155 = tpu.memref_slice %arg8[%dma_wait3A_149, %dma_wait3A_154] : memref<80x125xi32, #tpu.memory_space<vmem>> -> memref<1x125xi32, #tpu.memory_space<vmem>>
    %dma_wait3A_156 = tpu.memref_squeeze %dma_wait3A_155 : memref<1x125xi32, #tpu.memory_space<vmem>> -> memref<125xi32, #tpu.memory_space<vmem>>
    %dma_wait3A_157 = arith.constant 0 : i32
    %dma_wait3A_158 = arith.constant 0 : i32
    %dma_wait3A_159 = tpu.memref_slice %arg10[%dma_wait3A_157, %dma_wait3A_158] : memref<10240x40xf32, #tpu.memory_space<vmem_shared>> -> memref<10240x40xf32, #tpu.memory_space<vmem_shared>>
    tpu.wait_indirect_dma semaphore(%arg12 : memref<!tpu.dma_semaphore, #tpu.memory_space<semaphore_mem>>) src(%dma_wait3A_153 : memref<125x40xf32, #tpu.memory_space<vmem>>) dst(%dma_wait3A_159 : memref<10240x40xf32, #tpu.memory_space<vmem_shared>>)
    %dma_wait3A_160 = arith.constant 11 : i32
    %dma_wait3A_161 = arith.constant 75 : i32
    %dma_wait3A_162 = arith.constant 0 : i32
    %dma_wait3A_163 = arith.constant 0 : i32
    %dma_wait3A_164 = tpu.memref_slice %arg9[%dma_wait3A_160, %dma_wait3A_162, %dma_wait3A_163] : memref<16x125x40xf32, #tpu.memory_space<vmem>> -> memref<1x125x40xf32, #tpu.memory_space<vmem>>
    %dma_wait3A_165 = tpu.memref_squeeze %dma_wait3A_164 : memref<1x125x40xf32, #tpu.memory_space<vmem>> -> memref<125x40xf32, #tpu.memory_space<vmem>>
    %dma_wait3A_166 = arith.constant 0 : i32
    %dma_wait3A_167 = tpu.memref_slice %arg8[%dma_wait3A_161, %dma_wait3A_166] : memref<80x125xi32, #tpu.memory_space<vmem>> -> memref<1x125xi32, #tpu.memory_space<vmem>>
    %dma_wait3A_168 = tpu.memref_squeeze %dma_wait3A_167 : memref<1x125xi32, #tpu.memory_space<vmem>> -> memref<125xi32, #tpu.memory_space<vmem>>
    %dma_wait3A_169 = arith.constant 0 : i32
    %dma_wait3A_170 = arith.constant 0 : i32
    %dma_wait3A_171 = tpu.memref_slice %arg10[%dma_wait3A_169, %dma_wait3A_170] : memref<10240x40xf32, #tpu.memory_space<vmem_shared>> -> memref<10240x40xf32, #tpu.memory_space<vmem_shared>>
    tpu.wait_indirect_dma semaphore(%arg12 : memref<!tpu.dma_semaphore, #tpu.memory_space<semaphore_mem>>) src(%dma_wait3A_165 : memref<125x40xf32, #tpu.memory_space<vmem>>) dst(%dma_wait3A_171 : memref<10240x40xf32, #tpu.memory_space<vmem_shared>>)
    %dma_wait3A_172 = arith.constant 12 : i32
    %dma_wait3A_173 = arith.constant 76 : i32
    %dma_wait3A_174 = arith.constant 0 : i32
    %dma_wait3A_175 = arith.constant 0 : i32
    %dma_wait3A_176 = tpu.memref_slice %arg9[%dma_wait3A_172, %dma_wait3A_174, %dma_wait3A_175] : memref<16x125x40xf32, #tpu.memory_space<vmem>> -> memref<1x125x40xf32, #tpu.memory_space<vmem>>
    %dma_wait3A_177 = tpu.memref_squeeze %dma_wait3A_176 : memref<1x125x40xf32, #tpu.memory_space<vmem>> -> memref<125x40xf32, #tpu.memory_space<vmem>>
    %dma_wait3A_178 = arith.constant 0 : i32
    %dma_wait3A_179 = tpu.memref_slice %arg8[%dma_wait3A_173, %dma_wait3A_178] : memref<80x125xi32, #tpu.memory_space<vmem>> -> memref<1x125xi32, #tpu.memory_space<vmem>>
    %dma_wait3A_180 = tpu.memref_squeeze %dma_wait3A_179 : memref<1x125xi32, #tpu.memory_space<vmem>> -> memref<125xi32, #tpu.memory_space<vmem>>
    %dma_wait3A_181 = arith.constant 0 : i32
    %dma_wait3A_182 = arith.constant 0 : i32
    %dma_wait3A_183 = tpu.memref_slice %arg10[%dma_wait3A_181, %dma_wait3A_182] : memref<10240x40xf32, #tpu.memory_space<vmem_shared>> -> memref<10240x40xf32, #tpu.memory_space<vmem_shared>>
    tpu.wait_indirect_dma semaphore(%arg12 : memref<!tpu.dma_semaphore, #tpu.memory_space<semaphore_mem>>) src(%dma_wait3A_177 : memref<125x40xf32, #tpu.memory_space<vmem>>) dst(%dma_wait3A_183 : memref<10240x40xf32, #tpu.memory_space<vmem_shared>>)
    %dma_wait3A_184 = arith.constant 13 : i32
    %dma_wait3A_185 = arith.constant 77 : i32
    %dma_wait3A_186 = arith.constant 0 : i32
    %dma_wait3A_187 = arith.constant 0 : i32
    %dma_wait3A_188 = tpu.memref_slice %arg9[%dma_wait3A_184, %dma_wait3A_186, %dma_wait3A_187] : memref<16x125x40xf32, #tpu.memory_space<vmem>> -> memref<1x125x40xf32, #tpu.memory_space<vmem>>
    %dma_wait3A_189 = tpu.memref_squeeze %dma_wait3A_188 : memref<1x125x40xf32, #tpu.memory_space<vmem>> -> memref<125x40xf32, #tpu.memory_space<vmem>>
    %dma_wait3A_190 = arith.constant 0 : i32
    %dma_wait3A_191 = tpu.memref_slice %arg8[%dma_wait3A_185, %dma_wait3A_190] : memref<80x125xi32, #tpu.memory_space<vmem>> -> memref<1x125xi32, #tpu.memory_space<vmem>>
    %dma_wait3A_192 = tpu.memref_squeeze %dma_wait3A_191 : memref<1x125xi32, #tpu.memory_space<vmem>> -> memref<125xi32, #tpu.memory_space<vmem>>
    %dma_wait3A_193 = arith.constant 0 : i32
    %dma_wait3A_194 = arith.constant 0 : i32
    %dma_wait3A_195 = tpu.memref_slice %arg10[%dma_wait3A_193, %dma_wait3A_194] : memref<10240x40xf32, #tpu.memory_space<vmem_shared>> -> memref<10240x40xf32, #tpu.memory_space<vmem_shared>>
    tpu.wait_indirect_dma semaphore(%arg12 : memref<!tpu.dma_semaphore, #tpu.memory_space<semaphore_mem>>) src(%dma_wait3A_189 : memref<125x40xf32, #tpu.memory_space<vmem>>) dst(%dma_wait3A_195 : memref<10240x40xf32, #tpu.memory_space<vmem_shared>>)
    %dma_wait3A_196 = arith.constant 14 : i32
    %dma_wait3A_197 = arith.constant 78 : i32
    %dma_wait3A_198 = arith.constant 0 : i32
    %dma_wait3A_199 = arith.constant 0 : i32
    %dma_wait3A_200 = tpu.memref_slice %arg9[%dma_wait3A_196, %dma_wait3A_198, %dma_wait3A_199] : memref<16x125x40xf32, #tpu.memory_space<vmem>> -> memref<1x125x40xf32, #tpu.memory_space<vmem>>
    %dma_wait3A_201 = tpu.memref_squeeze %dma_wait3A_200 : memref<1x125x40xf32, #tpu.memory_space<vmem>> -> memref<125x40xf32, #tpu.memory_space<vmem>>
    %dma_wait3A_202 = arith.constant 0 : i32
    %dma_wait3A_203 = tpu.memref_slice %arg8[%dma_wait3A_197, %dma_wait3A_202] : memref<80x125xi32, #tpu.memory_space<vmem>> -> memref<1x125xi32, #tpu.memory_space<vmem>>
    %dma_wait3A_204 = tpu.memref_squeeze %dma_wait3A_203 : memref<1x125xi32, #tpu.memory_space<vmem>> -> memref<125xi32, #tpu.memory_space<vmem>>
    %dma_wait3A_205 = arith.constant 0 : i32
    %dma_wait3A_206 = arith.constant 0 : i32
    %dma_wait3A_207 = tpu.memref_slice %arg10[%dma_wait3A_205, %dma_wait3A_206] : memref<10240x40xf32, #tpu.memory_space<vmem_shared>> -> memref<10240x40xf32, #tpu.memory_space<vmem_shared>>
    tpu.wait_indirect_dma semaphore(%arg12 : memref<!tpu.dma_semaphore, #tpu.memory_space<semaphore_mem>>) src(%dma_wait3A_201 : memref<125x40xf32, #tpu.memory_space<vmem>>) dst(%dma_wait3A_207 : memref<10240x40xf32, #tpu.memory_space<vmem_shared>>)
    %dma_wait3A_208 = arith.constant 15 : i32
    %dma_wait3A_209 = arith.constant 79 : i32
    %dma_wait3A_210 = arith.constant 0 : i32
    %dma_wait3A_211 = arith.constant 0 : i32
    %dma_wait3A_212 = tpu.memref_slice %arg9[%dma_wait3A_208, %dma_wait3A_210, %dma_wait3A_211] : memref<16x125x40xf32, #tpu.memory_space<vmem>> -> memref<1x125x40xf32, #tpu.memory_space<vmem>>
    %dma_wait3A_213 = tpu.memref_squeeze %dma_wait3A_212 : memref<1x125x40xf32, #tpu.memory_space<vmem>> -> memref<125x40xf32, #tpu.memory_space<vmem>>
    %dma_wait3A_214 = arith.constant 0 : i32
    %dma_wait3A_215 = tpu.memref_slice %arg8[%dma_wait3A_209, %dma_wait3A_214] : memref<80x125xi32, #tpu.memory_space<vmem>> -> memref<1x125xi32, #tpu.memory_space<vmem>>
    %dma_wait3A_216 = tpu.memref_squeeze %dma_wait3A_215 : memref<1x125xi32, #tpu.memory_space<vmem>> -> memref<125xi32, #tpu.memory_space<vmem>>
    %dma_wait3A_217 = arith.constant 0 : i32
    %dma_wait3A_218 = arith.constant 0 : i32
    %dma_wait3A_219 = tpu.memref_slice %arg10[%dma_wait3A_217, %dma_wait3A_218] : memref<10240x40xf32, #tpu.memory_space<vmem_shared>> -> memref<10240x40xf32, #tpu.memory_space<vmem_shared>>
    tpu.wait_indirect_dma semaphore(%arg12 : memref<!tpu.dma_semaphore, #tpu.memory_space<semaphore_mem>>) src(%dma_wait3A_213 : memref<125x40xf32, #tpu.memory_space<vmem>>) dst(%dma_wait3A_219 : memref<10240x40xf32, #tpu.memory_space<vmem_shared>>)
    %barrier3A_220 = arith.constant 0 : index
    tpu.barrier barrier_id(%barrier3A_220)
    %mul3A_221 = arith.constant 640 : i32
    %mul3A_222 = arith.muli %arg1, %mul3A_221 : i32
    %mul3A_223 = arith.constant 640 : i32
    %mul3A_224 = arith.muli %arg1, %mul3A_223 : i32
    "tpu.region"() ({
      %run_scoped3A = tpu.sem_alloc : memref<!tpu.dma_semaphore, #tpu.memory_space<semaphore_mem>>
      %dma_start3A_225 = arith.constant 0 : i32
      %dma_start3A_226 = tpu.memref_slice %arg6[%arg0, %mul3A_224, %dma_start3A_225] : memref<2x10240x40xf32, #tpu.memory_space<hbm>> -> memref<1x640x40xf32, #tpu.memory_space<hbm>>
      %dma_start3A_227 = tpu.memref_squeeze %dma_start3A_226 : memref<1x640x40xf32, #tpu.memory_space<hbm>> -> memref<640x40xf32, #tpu.memory_space<hbm>>
      %dma_start3A_228 = arith.constant 0 : i32
      %dma_start3A_229 = tpu.memref_slice %arg10[%mul3A_222, %dma_start3A_228] : memref<10240x40xf32, #tpu.memory_space<vmem_shared>> -> memref<640x40xf32, #tpu.memory_space<vmem_shared>>
      tpu.enqueue_dma source(%dma_start3A_229 : memref<640x40xf32, #tpu.memory_space<vmem_shared>>) target(%dma_start3A_227 : memref<640x40xf32, #tpu.memory_space<hbm>>) target_semaphore(%run_scoped3A : memref<!tpu.dma_semaphore, #tpu.memory_space<semaphore_mem>>)
      %dma_wait3A_230 = arith.constant 0 : i32
      %dma_wait3A_231 = tpu.memref_slice %arg6[%arg0, %mul3A_224, %dma_wait3A_230] : memref<2x10240x40xf32, #tpu.memory_space<hbm>> -> memref<1x640x40xf32, #tpu.memory_space<hbm>>
      %dma_wait3A_232 = tpu.memref_squeeze %dma_wait3A_231 : memref<1x640x40xf32, #tpu.memory_space<hbm>> -> memref<640x40xf32, #tpu.memory_space<hbm>>
      %dma_wait3A_233 = arith.constant 0 : i32
      %dma_wait3A_234 = tpu.memref_slice %arg10[%mul3A_222, %dma_wait3A_233] : memref<10240x40xf32, #tpu.memory_space<vmem_shared>> -> memref<640x40xf32, #tpu.memory_space<vmem_shared>>
      tpu.wait_dma2 semaphore(%run_scoped3A : memref<!tpu.dma_semaphore, #tpu.memory_space<semaphore_mem>>) src(%dma_wait3A_234 : memref<640x40xf32, #tpu.memory_space<vmem_shared>>) dst(%dma_wait3A_232 : memref<640x40xf32, #tpu.memory_space<hbm>>)
      tpu.yield
    }) : () -> ()
    return
  }
}

#map = affine_map<(d0, d1) -> (0, 0)>
#map1 = affine_map<(d0, d1) -> (0, 0, 0)>
module attributes {stable_mosaic.version = 14 : i64} {
  func.func @_sc_agg_body(%arg0: i32, %arg1: i32, %arg2: memref<10000x40xf32, #tpu.memory_space<hbm>>, %arg3: memref<2560x125xi32, #tpu.memory_space<hbm>>, %arg4: memref<2560x125xi32, #tpu.memory_space<hbm>>, %arg5: memref<10240x40xf32, #tpu.memory_space<hbm>>, %arg6: memref<2x10240x40xf32, #tpu.memory_space<hbm>>, %arg7: memref<80x125xi32, #tpu.memory_space<vmem>>, %arg8: memref<80x125xi32, #tpu.memory_space<vmem>>, %arg9: memref<16x125x40xf32, #tpu.memory_space<vmem>>, %arg10: memref<10240x40xf32, #tpu.memory_space<vmem_shared>>, %arg11: memref<!tpu.dma_semaphore, #tpu.memory_space<semaphore_mem>>, %arg12: memref<!tpu.dma_semaphore, #tpu.memory_space<semaphore_mem>>, %arg13: memref<!tpu.dma_semaphore, #tpu.memory_space<semaphore_mem>>) attributes {dimension_semantics = [#tpu.dimension_semantics<core_parallel>, #tpu.dimension_semantics<subcore_parallel>], iteration_bounds = array<i64: 2, 16>, scalar_prefetch = 0 : i64, scratch_operands = 7 : i64, tpu.core_type = #tpu.core_type<sc_vector_subcore>, window_params = [{transform_indices = #map}, {transform_indices = #map}, {transform_indices = #map}, {transform_indices = #map}, {transform_indices = #map1}]} {
    %mul3A = arith.constant 40 : i32
    %mul3A_0 = arith.muli %arg1, %mul3A : i32
    %add3A = arith.addi %mul3A_0, %arg0 : i32
    %mul3A_1 = arith.constant 80 : i32
    %mul3A_2 = arith.muli %add3A, %mul3A_1 : i32
    %dma_start3A = arith.constant 0 : i32
    %dma_start3A_3 = tpu.memref_slice %arg3[%mul3A_2, %dma_start3A] : memref<2560x125xi32, #tpu.memory_space<hbm>> -> memref<80x125xi32, #tpu.memory_space<hbm>>
    %dma_start3A_4 = arith.constant 0 : i32
    %dma_start3A_5 = tpu.memref_slice %arg3[%mul3A_2, %dma_start3A_4] : memref<2560x125xi32, #tpu.memory_space<hbm>> -> memref<80x125xi32, #tpu.memory_space<hbm>>
    tpu.enqueue_dma source(%dma_start3A_5 : memref<80x125xi32, #tpu.memory_space<hbm>>) target(%arg7 : memref<80x125xi32, #tpu.memory_space<vmem>>) target_semaphore(%arg13 : memref<!tpu.dma_semaphore, #tpu.memory_space<semaphore_mem>>)
    %mul3A_6 = arith.constant 80 : i32
    %mul3A_7 = arith.muli %add3A, %mul3A_6 : i32
    %dma_start3A_8 = arith.constant 0 : i32
    %dma_start3A_9 = tpu.memref_slice %arg4[%mul3A_7, %dma_start3A_8] : memref<2560x125xi32, #tpu.memory_space<hbm>> -> memref<80x125xi32, #tpu.memory_space<hbm>>
    %dma_start3A_10 = arith.constant 0 : i32
    %dma_start3A_11 = tpu.memref_slice %arg4[%mul3A_7, %dma_start3A_10] : memref<2560x125xi32, #tpu.memory_space<hbm>> -> memref<80x125xi32, #tpu.memory_space<hbm>>
    tpu.enqueue_dma source(%dma_start3A_11 : memref<80x125xi32, #tpu.memory_space<hbm>>) target(%arg8 : memref<80x125xi32, #tpu.memory_space<vmem>>) target_semaphore(%arg13 : memref<!tpu.dma_semaphore, #tpu.memory_space<semaphore_mem>>)
    %mul3A_12 = arith.constant 640 : i32
    %mul3A_13 = arith.muli %arg1, %mul3A_12 : i32
    %mul3A_14 = arith.constant 640 : i32
    %mul3A_15 = arith.muli %arg1, %mul3A_14 : i32
    "tpu.region"() ({
      %run_scoped3A = tpu.sem_alloc : memref<!tpu.dma_semaphore, #tpu.memory_space<semaphore_mem>>
      %dma_start3A_225 = arith.constant 0 : i32
      %dma_start3A_226 = tpu.memref_slice %arg10[%mul3A_15, %dma_start3A_225] : memref<10240x40xf32, #tpu.memory_space<vmem_shared>> -> memref<640x40xf32, #tpu.memory_space<vmem_shared>>
      %dma_start3A_227 = arith.constant 0 : i32
      %dma_start3A_228 = tpu.memref_slice %arg5[%mul3A_13, %dma_start3A_227] : memref<10240x40xf32, #tpu.memory_space<hbm>> -> memref<640x40xf32, #tpu.memory_space<hbm>>
      tpu.enqueue_dma source(%dma_start3A_228 : memref<640x40xf32, #tpu.memory_space<hbm>>) target(%dma_start3A_226 : memref<640x40xf32, #tpu.memory_space<vmem_shared>>) target_semaphore(%run_scoped3A : memref<!tpu.dma_semaphore, #tpu.memory_space<semaphore_mem>>)
      %dma_wait3A_229 = arith.constant 0 : i32
      %dma_wait3A_230 = tpu.memref_slice %arg10[%mul3A_15, %dma_wait3A_229] : memref<10240x40xf32, #tpu.memory_space<vmem_shared>> -> memref<640x40xf32, #tpu.memory_space<vmem_shared>>
      %dma_wait3A_231 = arith.constant 0 : i32
      %dma_wait3A_232 = tpu.memref_slice %arg5[%mul3A_13, %dma_wait3A_231] : memref<10240x40xf32, #tpu.memory_space<hbm>> -> memref<640x40xf32, #tpu.memory_space<hbm>>
      tpu.wait_dma2 semaphore(%run_scoped3A : memref<!tpu.dma_semaphore, #tpu.memory_space<semaphore_mem>>) src(%dma_wait3A_232 : memref<640x40xf32, #tpu.memory_space<hbm>>) dst(%dma_wait3A_230 : memref<640x40xf32, #tpu.memory_space<vmem_shared>>)
      tpu.yield
    }) : () -> ()
    %dma_wait3A = arith.constant 0 : i32
    %dma_wait3A_16 = tpu.memref_slice %arg3[%mul3A_2, %dma_wait3A] : memref<2560x125xi32, #tpu.memory_space<hbm>> -> memref<80x125xi32, #tpu.memory_space<hbm>>
    %dma_wait3A_17 = arith.constant 0 : i32
    %dma_wait3A_18 = tpu.memref_slice %arg3[%mul3A_2, %dma_wait3A_17] : memref<2560x125xi32, #tpu.memory_space<hbm>> -> memref<80x125xi32, #tpu.memory_space<hbm>>
    tpu.wait_dma2 semaphore(%arg13 : memref<!tpu.dma_semaphore, #tpu.memory_space<semaphore_mem>>) src(%dma_wait3A_18 : memref<80x125xi32, #tpu.memory_space<hbm>>) dst(%arg7 : memref<80x125xi32, #tpu.memory_space<vmem>>)
    %dma_wait3A_19 = arith.constant 0 : i32
    %dma_wait3A_20 = tpu.memref_slice %arg4[%mul3A_7, %dma_wait3A_19] : memref<2560x125xi32, #tpu.memory_space<hbm>> -> memref<80x125xi32, #tpu.memory_space<hbm>>
    %dma_wait3A_21 = arith.constant 0 : i32
    %dma_wait3A_22 = tpu.memref_slice %arg4[%mul3A_7, %dma_wait3A_21] : memref<2560x125xi32, #tpu.memory_space<hbm>> -> memref<80x125xi32, #tpu.memory_space<hbm>>
    tpu.wait_dma2 semaphore(%arg13 : memref<!tpu.dma_semaphore, #tpu.memory_space<semaphore_mem>>) src(%dma_wait3A_22 : memref<80x125xi32, #tpu.memory_space<hbm>>) dst(%arg8 : memref<80x125xi32, #tpu.memory_space<vmem>>)
    %dma_start3A_23 = arith.constant 0 : i32
    %dma_start3A_24 = arith.constant 0 : i32
    %dma_start3A_25 = arith.constant 0 : i32
    %dma_start3A_26 = arith.constant 0 : i32
    %dma_start3A_27 = tpu.memref_slice %arg9[%dma_start3A_24, %dma_start3A_25, %dma_start3A_26] : memref<16x125x40xf32, #tpu.memory_space<vmem>> -> memref<1x125x40xf32, #tpu.memory_space<vmem>>
    %dma_start3A_28 = tpu.memref_squeeze %dma_start3A_27 : memref<1x125x40xf32, #tpu.memory_space<vmem>> -> memref<125x40xf32, #tpu.memory_space<vmem>>
    %dma_start3A_29 = arith.constant 0 : i32
    %dma_start3A_30 = tpu.memref_slice %arg7[%dma_start3A_23, %dma_start3A_29] : memref<80x125xi32, #tpu.memory_space<vmem>> -> memref<1x125xi32, #tpu.memory_space<vmem>>
    %dma_start3A_31 = tpu.memref_squeeze %dma_start3A_30 : memref<1x125xi32, #tpu.memory_space<vmem>> -> memref<125xi32, #tpu.memory_space<vmem>>
    %dma_start3A_32 = arith.constant 0 : i32
    %dma_start3A_33 = arith.constant 0 : i32
    %dma_start3A_34 = tpu.memref_slice %arg2[%dma_start3A_32, %dma_start3A_33] : memref<10000x40xf32, #tpu.memory_space<hbm>> -> memref<10000x40xf32, #tpu.memory_space<hbm>>
    tpu.enqueue_indirect_dma source(%dma_start3A_34 : memref<10000x40xf32, #tpu.memory_space<hbm>>) target(%dma_start3A_28 : memref<125x40xf32, #tpu.memory_space<vmem>>) offsets(%dma_start3A_31 : memref<125xi32, #tpu.memory_space<vmem>>) semaphore(%arg11 : memref<!tpu.dma_semaphore, #tpu.memory_space<semaphore_mem>>)
    %dma_start3A_35 = arith.constant 1 : i32
    %dma_start3A_36 = arith.constant 1 : i32
    %dma_start3A_37 = arith.constant 0 : i32
    %dma_start3A_38 = arith.constant 0 : i32
    %dma_start3A_39 = tpu.memref_slice %arg9[%dma_start3A_36, %dma_start3A_37, %dma_start3A_38] : memref<16x125x40xf32, #tpu.memory_space<vmem>> -> memref<1x125x40xf32, #tpu.memory_space<vmem>>
    %dma_start3A_40 = tpu.memref_squeeze %dma_start3A_39 : memref<1x125x40xf32, #tpu.memory_space<vmem>> -> memref<125x40xf32, #tpu.memory_space<vmem>>
    %dma_start3A_41 = arith.constant 0 : i32
    %dma_start3A_42 = tpu.memref_slice %arg7[%dma_start3A_35, %dma_start3A_41] : memref<80x125xi32, #tpu.memory_space<vmem>> -> memref<1x125xi32, #tpu.memory_space<vmem>>
    %dma_start3A_43 = tpu.memref_squeeze %dma_start3A_42 : memref<1x125xi32, #tpu.memory_space<vmem>> -> memref<125xi32, #tpu.memory_space<vmem>>
    %dma_start3A_44 = arith.constant 0 : i32
    %dma_start3A_45 = arith.constant 0 : i32
    %dma_start3A_46 = tpu.memref_slice %arg2[%dma_start3A_44, %dma_start3A_45] : memref<10000x40xf32, #tpu.memory_space<hbm>> -> memref<10000x40xf32, #tpu.memory_space<hbm>>
    tpu.enqueue_indirect_dma source(%dma_start3A_46 : memref<10000x40xf32, #tpu.memory_space<hbm>>) target(%dma_start3A_40 : memref<125x40xf32, #tpu.memory_space<vmem>>) offsets(%dma_start3A_43 : memref<125xi32, #tpu.memory_space<vmem>>) semaphore(%arg11 : memref<!tpu.dma_semaphore, #tpu.memory_space<semaphore_mem>>)
    %dma_start3A_47 = arith.constant 2 : i32
    %dma_start3A_48 = arith.constant 2 : i32
    %dma_start3A_49 = arith.constant 0 : i32
    %dma_start3A_50 = arith.constant 0 : i32
    %dma_start3A_51 = tpu.memref_slice %arg9[%dma_start3A_48, %dma_start3A_49, %dma_start3A_50] : memref<16x125x40xf32, #tpu.memory_space<vmem>> -> memref<1x125x40xf32, #tpu.memory_space<vmem>>
    %dma_start3A_52 = tpu.memref_squeeze %dma_start3A_51 : memref<1x125x40xf32, #tpu.memory_space<vmem>> -> memref<125x40xf32, #tpu.memory_space<vmem>>
    %dma_start3A_53 = arith.constant 0 : i32
    %dma_start3A_54 = tpu.memref_slice %arg7[%dma_start3A_47, %dma_start3A_53] : memref<80x125xi32, #tpu.memory_space<vmem>> -> memref<1x125xi32, #tpu.memory_space<vmem>>
    %dma_start3A_55 = tpu.memref_squeeze %dma_start3A_54 : memref<1x125xi32, #tpu.memory_space<vmem>> -> memref<125xi32, #tpu.memory_space<vmem>>
    %dma_start3A_56 = arith.constant 0 : i32
    %dma_start3A_57 = arith.constant 0 : i32
    %dma_start3A_58 = tpu.memref_slice %arg2[%dma_start3A_56, %dma_start3A_57] : memref<10000x40xf32, #tpu.memory_space<hbm>> -> memref<10000x40xf32, #tpu.memory_space<hbm>>
    tpu.enqueue_indirect_dma source(%dma_start3A_58 : memref<10000x40xf32, #tpu.memory_space<hbm>>) target(%dma_start3A_52 : memref<125x40xf32, #tpu.memory_space<vmem>>) offsets(%dma_start3A_55 : memref<125xi32, #tpu.memory_space<vmem>>) semaphore(%arg11 : memref<!tpu.dma_semaphore, #tpu.memory_space<semaphore_mem>>)
    %dma_start3A_59 = arith.constant 3 : i32
    %dma_start3A_60 = arith.constant 3 : i32
    %dma_start3A_61 = arith.constant 0 : i32
    %dma_start3A_62 = arith.constant 0 : i32
    %dma_start3A_63 = tpu.memref_slice %arg9[%dma_start3A_60, %dma_start3A_61, %dma_start3A_62] : memref<16x125x40xf32, #tpu.memory_space<vmem>> -> memref<1x125x40xf32, #tpu.memory_space<vmem>>
    %dma_start3A_64 = tpu.memref_squeeze %dma_start3A_63 : memref<1x125x40xf32, #tpu.memory_space<vmem>> -> memref<125x40xf32, #tpu.memory_space<vmem>>
    %dma_start3A_65 = arith.constant 0 : i32
    %dma_start3A_66 = tpu.memref_slice %arg7[%dma_start3A_59, %dma_start3A_65] : memref<80x125xi32, #tpu.memory_space<vmem>> -> memref<1x125xi32, #tpu.memory_space<vmem>>
    %dma_start3A_67 = tpu.memref_squeeze %dma_start3A_66 : memref<1x125xi32, #tpu.memory_space<vmem>> -> memref<125xi32, #tpu.memory_space<vmem>>
    %dma_start3A_68 = arith.constant 0 : i32
    %dma_start3A_69 = arith.constant 0 : i32
    %dma_start3A_70 = tpu.memref_slice %arg2[%dma_start3A_68, %dma_start3A_69] : memref<10000x40xf32, #tpu.memory_space<hbm>> -> memref<10000x40xf32, #tpu.memory_space<hbm>>
    tpu.enqueue_indirect_dma source(%dma_start3A_70 : memref<10000x40xf32, #tpu.memory_space<hbm>>) target(%dma_start3A_64 : memref<125x40xf32, #tpu.memory_space<vmem>>) offsets(%dma_start3A_67 : memref<125xi32, #tpu.memory_space<vmem>>) semaphore(%arg11 : memref<!tpu.dma_semaphore, #tpu.memory_space<semaphore_mem>>)
    %dma_start3A_71 = arith.constant 4 : i32
    %dma_start3A_72 = arith.constant 4 : i32
    %dma_start3A_73 = arith.constant 0 : i32
    %dma_start3A_74 = arith.constant 0 : i32
    %dma_start3A_75 = tpu.memref_slice %arg9[%dma_start3A_72, %dma_start3A_73, %dma_start3A_74] : memref<16x125x40xf32, #tpu.memory_space<vmem>> -> memref<1x125x40xf32, #tpu.memory_space<vmem>>
    %dma_start3A_76 = tpu.memref_squeeze %dma_start3A_75 : memref<1x125x40xf32, #tpu.memory_space<vmem>> -> memref<125x40xf32, #tpu.memory_space<vmem>>
    %dma_start3A_77 = arith.constant 0 : i32
    %dma_start3A_78 = tpu.memref_slice %arg7[%dma_start3A_71, %dma_start3A_77] : memref<80x125xi32, #tpu.memory_space<vmem>> -> memref<1x125xi32, #tpu.memory_space<vmem>>
    %dma_start3A_79 = tpu.memref_squeeze %dma_start3A_78 : memref<1x125xi32, #tpu.memory_space<vmem>> -> memref<125xi32, #tpu.memory_space<vmem>>
    %dma_start3A_80 = arith.constant 0 : i32
    %dma_start3A_81 = arith.constant 0 : i32
    %dma_start3A_82 = tpu.memref_slice %arg2[%dma_start3A_80, %dma_start3A_81] : memref<10000x40xf32, #tpu.memory_space<hbm>> -> memref<10000x40xf32, #tpu.memory_space<hbm>>
    tpu.enqueue_indirect_dma source(%dma_start3A_82 : memref<10000x40xf32, #tpu.memory_space<hbm>>) target(%dma_start3A_76 : memref<125x40xf32, #tpu.memory_space<vmem>>) offsets(%dma_start3A_79 : memref<125xi32, #tpu.memory_space<vmem>>) semaphore(%arg11 : memref<!tpu.dma_semaphore, #tpu.memory_space<semaphore_mem>>)
    %dma_start3A_83 = arith.constant 5 : i32
    %dma_start3A_84 = arith.constant 5 : i32
    %dma_start3A_85 = arith.constant 0 : i32
    %dma_start3A_86 = arith.constant 0 : i32
    %dma_start3A_87 = tpu.memref_slice %arg9[%dma_start3A_84, %dma_start3A_85, %dma_start3A_86] : memref<16x125x40xf32, #tpu.memory_space<vmem>> -> memref<1x125x40xf32, #tpu.memory_space<vmem>>
    %dma_start3A_88 = tpu.memref_squeeze %dma_start3A_87 : memref<1x125x40xf32, #tpu.memory_space<vmem>> -> memref<125x40xf32, #tpu.memory_space<vmem>>
    %dma_start3A_89 = arith.constant 0 : i32
    %dma_start3A_90 = tpu.memref_slice %arg7[%dma_start3A_83, %dma_start3A_89] : memref<80x125xi32, #tpu.memory_space<vmem>> -> memref<1x125xi32, #tpu.memory_space<vmem>>
    %dma_start3A_91 = tpu.memref_squeeze %dma_start3A_90 : memref<1x125xi32, #tpu.memory_space<vmem>> -> memref<125xi32, #tpu.memory_space<vmem>>
    %dma_start3A_92 = arith.constant 0 : i32
    %dma_start3A_93 = arith.constant 0 : i32
    %dma_start3A_94 = tpu.memref_slice %arg2[%dma_start3A_92, %dma_start3A_93] : memref<10000x40xf32, #tpu.memory_space<hbm>> -> memref<10000x40xf32, #tpu.memory_space<hbm>>
    tpu.enqueue_indirect_dma source(%dma_start3A_94 : memref<10000x40xf32, #tpu.memory_space<hbm>>) target(%dma_start3A_88 : memref<125x40xf32, #tpu.memory_space<vmem>>) offsets(%dma_start3A_91 : memref<125xi32, #tpu.memory_space<vmem>>) semaphore(%arg11 : memref<!tpu.dma_semaphore, #tpu.memory_space<semaphore_mem>>)
    %dma_start3A_95 = arith.constant 6 : i32
    %dma_start3A_96 = arith.constant 6 : i32
    %dma_start3A_97 = arith.constant 0 : i32
    %dma_start3A_98 = arith.constant 0 : i32
    %dma_start3A_99 = tpu.memref_slice %arg9[%dma_start3A_96, %dma_start3A_97, %dma_start3A_98] : memref<16x125x40xf32, #tpu.memory_space<vmem>> -> memref<1x125x40xf32, #tpu.memory_space<vmem>>
    %dma_start3A_100 = tpu.memref_squeeze %dma_start3A_99 : memref<1x125x40xf32, #tpu.memory_space<vmem>> -> memref<125x40xf32, #tpu.memory_space<vmem>>
    %dma_start3A_101 = arith.constant 0 : i32
    %dma_start3A_102 = tpu.memref_slice %arg7[%dma_start3A_95, %dma_start3A_101] : memref<80x125xi32, #tpu.memory_space<vmem>> -> memref<1x125xi32, #tpu.memory_space<vmem>>
    %dma_start3A_103 = tpu.memref_squeeze %dma_start3A_102 : memref<1x125xi32, #tpu.memory_space<vmem>> -> memref<125xi32, #tpu.memory_space<vmem>>
    %dma_start3A_104 = arith.constant 0 : i32
    %dma_start3A_105 = arith.constant 0 : i32
    %dma_start3A_106 = tpu.memref_slice %arg2[%dma_start3A_104, %dma_start3A_105] : memref<10000x40xf32, #tpu.memory_space<hbm>> -> memref<10000x40xf32, #tpu.memory_space<hbm>>
    tpu.enqueue_indirect_dma source(%dma_start3A_106 : memref<10000x40xf32, #tpu.memory_space<hbm>>) target(%dma_start3A_100 : memref<125x40xf32, #tpu.memory_space<vmem>>) offsets(%dma_start3A_103 : memref<125xi32, #tpu.memory_space<vmem>>) semaphore(%arg11 : memref<!tpu.dma_semaphore, #tpu.memory_space<semaphore_mem>>)
    %dma_start3A_107 = arith.constant 7 : i32
    %dma_start3A_108 = arith.constant 7 : i32
    %dma_start3A_109 = arith.constant 0 : i32
    %dma_start3A_110 = arith.constant 0 : i32
    %dma_start3A_111 = tpu.memref_slice %arg9[%dma_start3A_108, %dma_start3A_109, %dma_start3A_110] : memref<16x125x40xf32, #tpu.memory_space<vmem>> -> memref<1x125x40xf32, #tpu.memory_space<vmem>>
    %dma_start3A_112 = tpu.memref_squeeze %dma_start3A_111 : memref<1x125x40xf32, #tpu.memory_space<vmem>> -> memref<125x40xf32, #tpu.memory_space<vmem>>
    %dma_start3A_113 = arith.constant 0 : i32
    %dma_start3A_114 = tpu.memref_slice %arg7[%dma_start3A_107, %dma_start3A_113] : memref<80x125xi32, #tpu.memory_space<vmem>> -> memref<1x125xi32, #tpu.memory_space<vmem>>
    %dma_start3A_115 = tpu.memref_squeeze %dma_start3A_114 : memref<1x125xi32, #tpu.memory_space<vmem>> -> memref<125xi32, #tpu.memory_space<vmem>>
    %dma_start3A_116 = arith.constant 0 : i32
    %dma_start3A_117 = arith.constant 0 : i32
    %dma_start3A_118 = tpu.memref_slice %arg2[%dma_start3A_116, %dma_start3A_117] : memref<10000x40xf32, #tpu.memory_space<hbm>> -> memref<10000x40xf32, #tpu.memory_space<hbm>>
    tpu.enqueue_indirect_dma source(%dma_start3A_118 : memref<10000x40xf32, #tpu.memory_space<hbm>>) target(%dma_start3A_112 : memref<125x40xf32, #tpu.memory_space<vmem>>) offsets(%dma_start3A_115 : memref<125xi32, #tpu.memory_space<vmem>>) semaphore(%arg11 : memref<!tpu.dma_semaphore, #tpu.memory_space<semaphore_mem>>)
    %barrier3A = arith.constant 0 : index
    tpu.barrier barrier_id(%barrier3A)
    %scan3A = arith.constant 0 : i32
    %scan3A_119 = arith.constant 0 : i32
    %scan3A_120 = arith.constant 5 : i32
    %scan3A_121 = arith.addi %scan3A_119, %scan3A_120 : i32
    %scan3A_122 = arith.constant 1 : i32
    scf.for %scan3A_225 = %scan3A_119 to %scan3A_121 step %scan3A_122  : i32 {
      %mul3A_226 = arith.constant 16 : i32
      %mul3A_227 = arith.muli %scan3A_225, %mul3A_226 : i32
      %add3A_228 = arith.constant 0 : i32
      %add3A_229 = arith.addi %mul3A_227, %add3A_228 : i32
      %dma_wait3A_230 = arith.constant 0 : i32
      %dma_wait3A_231 = arith.constant 0 : i32
      %dma_wait3A_232 = arith.constant 0 : i32
      %dma_wait3A_233 = tpu.memref_slice %arg9[%dma_wait3A_230, %dma_wait3A_231, %dma_wait3A_232] : memref<16x125x40xf32, #tpu.memory_space<vmem>> -> memref<1x125x40xf32, #tpu.memory_space<vmem>>
      %dma_wait3A_234 = tpu.memref_squeeze %dma_wait3A_233 : memref<1x125x40xf32, #tpu.memory_space<vmem>> -> memref<125x40xf32, #tpu.memory_space<vmem>>
      %dma_wait3A_235 = arith.constant 0 : i32
      %dma_wait3A_236 = tpu.memref_slice %arg7[%add3A_229, %dma_wait3A_235] : memref<80x125xi32, #tpu.memory_space<vmem>> -> memref<1x125xi32, #tpu.memory_space<vmem>>
      %dma_wait3A_237 = tpu.memref_squeeze %dma_wait3A_236 : memref<1x125xi32, #tpu.memory_space<vmem>> -> memref<125xi32, #tpu.memory_space<vmem>>
      %dma_wait3A_238 = arith.constant 0 : i32
      %dma_wait3A_239 = arith.constant 0 : i32
      %dma_wait3A_240 = tpu.memref_slice %arg2[%dma_wait3A_238, %dma_wait3A_239] : memref<10000x40xf32, #tpu.memory_space<hbm>> -> memref<10000x40xf32, #tpu.memory_space<hbm>>
      tpu.wait_indirect_dma semaphore(%arg11 : memref<!tpu.dma_semaphore, #tpu.memory_space<semaphore_mem>>) src(%dma_wait3A_240 : memref<10000x40xf32, #tpu.memory_space<hbm>>) dst(%dma_wait3A_234 : memref<125x40xf32, #tpu.memory_space<vmem>>)
      %dma_start3A_241 = arith.constant 0 : i32
      %dma_start3A_242 = arith.constant 0 : i32
      %dma_start3A_243 = arith.constant 0 : i32
      %dma_start3A_244 = tpu.memref_slice %arg9[%dma_start3A_241, %dma_start3A_242, %dma_start3A_243] : memref<16x125x40xf32, #tpu.memory_space<vmem>> -> memref<1x125x40xf32, #tpu.memory_space<vmem>>
      %dma_start3A_245 = tpu.memref_squeeze %dma_start3A_244 : memref<1x125x40xf32, #tpu.memory_space<vmem>> -> memref<125x40xf32, #tpu.memory_space<vmem>>
      %dma_start3A_246 = arith.constant 0 : i32
      %dma_start3A_247 = tpu.memref_slice %arg8[%add3A_229, %dma_start3A_246] : memref<80x125xi32, #tpu.memory_space<vmem>> -> memref<1x125xi32, #tpu.memory_space<vmem>>
      %dma_start3A_248 = tpu.memref_squeeze %dma_start3A_247 : memref<1x125xi32, #tpu.memory_space<vmem>> -> memref<125xi32, #tpu.memory_space<vmem>>
      %dma_start3A_249 = arith.constant 0 : i32
      %dma_start3A_250 = arith.constant 0 : i32
      %dma_start3A_251 = tpu.memref_slice %arg10[%dma_start3A_249, %dma_start3A_250] : memref<10240x40xf32, #tpu.memory_space<vmem_shared>> -> memref<10240x40xf32, #tpu.memory_space<vmem_shared>>
      tpu.enqueue_indirect_dma source(%dma_start3A_245 : memref<125x40xf32, #tpu.memory_space<vmem>>) target(%dma_start3A_251 : memref<10240x40xf32, #tpu.memory_space<vmem_shared>>) offsets(%dma_start3A_248 : memref<125xi32, #tpu.memory_space<vmem>>) semaphore(%arg12 : memref<!tpu.dma_semaphore, #tpu.memory_space<semaphore_mem>>) {add = true}
      %sub3A = arith.constant 8 : i32
      %sub3A_252 = arith.subi %add3A_229, %sub3A : i32
      %ge3A = arith.constant 0 : i32
      %ge3A_253 = arith.cmpi sge, %sub3A_252, %ge3A : i32
      %convert_element_type3A = arith.extui %ge3A_253 : i1 to i32
      %cond3A = arith.constant 0 : i32
      %cond3A_254 = arith.cmpi ne, %convert_element_type3A, %cond3A : i32
      scf.if %cond3A_254 {
        %dma_wait3A_831 = arith.constant 8 : i32
        %dma_wait3A_832 = arith.constant 0 : i32
        %dma_wait3A_833 = arith.constant 0 : i32
        %dma_wait3A_834 = tpu.memref_slice %arg9[%dma_wait3A_831, %dma_wait3A_832, %dma_wait3A_833] : memref<16x125x40xf32, #tpu.memory_space<vmem>> -> memref<1x125x40xf32, #tpu.memory_space<vmem>>
        %dma_wait3A_835 = tpu.memref_squeeze %dma_wait3A_834 : memref<1x125x40xf32, #tpu.memory_space<vmem>> -> memref<125x40xf32, #tpu.memory_space<vmem>>
        %dma_wait3A_836 = arith.constant 0 : i32
        %dma_wait3A_837 = tpu.memref_slice %arg8[%sub3A_252, %dma_wait3A_836] : memref<80x125xi32, #tpu.memory_space<vmem>> -> memref<1x125xi32, #tpu.memory_space<vmem>>
        %dma_wait3A_838 = tpu.memref_squeeze %dma_wait3A_837 : memref<1x125xi32, #tpu.memory_space<vmem>> -> memref<125xi32, #tpu.memory_space<vmem>>
        %dma_wait3A_839 = arith.constant 0 : i32
        %dma_wait3A_840 = arith.constant 0 : i32
        %dma_wait3A_841 = tpu.memref_slice %arg10[%dma_wait3A_839, %dma_wait3A_840] : memref<10240x40xf32, #tpu.memory_space<vmem_shared>> -> memref<10240x40xf32, #tpu.memory_space<vmem_shared>>
        tpu.wait_indirect_dma semaphore(%arg12 : memref<!tpu.dma_semaphore, #tpu.memory_space<semaphore_mem>>) src(%dma_wait3A_835 : memref<125x40xf32, #tpu.memory_space<vmem>>) dst(%dma_wait3A_841 : memref<10240x40xf32, #tpu.memory_space<vmem_shared>>)
      } else {
      }
      %add3A_255 = arith.constant 8 : i32
      %add3A_256 = arith.addi %add3A_229, %add3A_255 : i32
      %lt3A = arith.constant 80 : i32
      %lt3A_257 = arith.cmpi slt, %add3A_256, %lt3A : i32
      %convert_element_type3A_258 = arith.extui %lt3A_257 : i1 to i32
      %cond3A_259 = arith.constant 0 : i32
      %cond3A_260 = arith.cmpi ne, %convert_element_type3A_258, %cond3A_259 : i32
      scf.if %cond3A_260 {
        %dma_start3A_831 = arith.constant 8 : i32
        %dma_start3A_832 = arith.constant 0 : i32
        %dma_start3A_833 = arith.constant 0 : i32
        %dma_start3A_834 = tpu.memref_slice %arg9[%dma_start3A_831, %dma_start3A_832, %dma_start3A_833] : memref<16x125x40xf32, #tpu.memory_space<vmem>> -> memref<1x125x40xf32, #tpu.memory_space<vmem>>
        %dma_start3A_835 = tpu.memref_squeeze %dma_start3A_834 : memref<1x125x40xf32, #tpu.memory_space<vmem>> -> memref<125x40xf32, #tpu.memory_space<vmem>>
        %dma_start3A_836 = arith.constant 0 : i32
        %dma_start3A_837 = tpu.memref_slice %arg7[%add3A_256, %dma_start3A_836] : memref<80x125xi32, #tpu.memory_space<vmem>> -> memref<1x125xi32, #tpu.memory_space<vmem>>
        %dma_start3A_838 = tpu.memref_squeeze %dma_start3A_837 : memref<1x125xi32, #tpu.memory_space<vmem>> -> memref<125xi32, #tpu.memory_space<vmem>>
        %dma_start3A_839 = arith.constant 0 : i32
        %dma_start3A_840 = arith.constant 0 : i32
        %dma_start3A_841 = tpu.memref_slice %arg2[%dma_start3A_839, %dma_start3A_840] : memref<10000x40xf32, #tpu.memory_space<hbm>> -> memref<10000x40xf32, #tpu.memory_space<hbm>>
        tpu.enqueue_indirect_dma source(%dma_start3A_841 : memref<10000x40xf32, #tpu.memory_space<hbm>>) target(%dma_start3A_835 : memref<125x40xf32, #tpu.memory_space<vmem>>) offsets(%dma_start3A_838 : memref<125xi32, #tpu.memory_space<vmem>>) semaphore(%arg11 : memref<!tpu.dma_semaphore, #tpu.memory_space<semaphore_mem>>)
      } else {
      }
      %add3A_261 = arith.constant 1 : i32
      %add3A_262 = arith.addi %mul3A_227, %add3A_261 : i32
      %dma_wait3A_263 = arith.constant 1 : i32
      %dma_wait3A_264 = arith.constant 0 : i32
      %dma_wait3A_265 = arith.constant 0 : i32
      %dma_wait3A_266 = tpu.memref_slice %arg9[%dma_wait3A_263, %dma_wait3A_264, %dma_wait3A_265] : memref<16x125x40xf32, #tpu.memory_space<vmem>> -> memref<1x125x40xf32, #tpu.memory_space<vmem>>
      %dma_wait3A_267 = tpu.memref_squeeze %dma_wait3A_266 : memref<1x125x40xf32, #tpu.memory_space<vmem>> -> memref<125x40xf32, #tpu.memory_space<vmem>>
      %dma_wait3A_268 = arith.constant 0 : i32
      %dma_wait3A_269 = tpu.memref_slice %arg7[%add3A_262, %dma_wait3A_268] : memref<80x125xi32, #tpu.memory_space<vmem>> -> memref<1x125xi32, #tpu.memory_space<vmem>>
      %dma_wait3A_270 = tpu.memref_squeeze %dma_wait3A_269 : memref<1x125xi32, #tpu.memory_space<vmem>> -> memref<125xi32, #tpu.memory_space<vmem>>
      %dma_wait3A_271 = arith.constant 0 : i32
      %dma_wait3A_272 = arith.constant 0 : i32
      %dma_wait3A_273 = tpu.memref_slice %arg2[%dma_wait3A_271, %dma_wait3A_272] : memref<10000x40xf32, #tpu.memory_space<hbm>> -> memref<10000x40xf32, #tpu.memory_space<hbm>>
      tpu.wait_indirect_dma semaphore(%arg11 : memref<!tpu.dma_semaphore, #tpu.memory_space<semaphore_mem>>) src(%dma_wait3A_273 : memref<10000x40xf32, #tpu.memory_space<hbm>>) dst(%dma_wait3A_267 : memref<125x40xf32, #tpu.memory_space<vmem>>)
      %dma_start3A_274 = arith.constant 1 : i32
      %dma_start3A_275 = arith.constant 0 : i32
      %dma_start3A_276 = arith.constant 0 : i32
      %dma_start3A_277 = tpu.memref_slice %arg9[%dma_start3A_274, %dma_start3A_275, %dma_start3A_276] : memref<16x125x40xf32, #tpu.memory_space<vmem>> -> memref<1x125x40xf32, #tpu.memory_space<vmem>>
      %dma_start3A_278 = tpu.memref_squeeze %dma_start3A_277 : memref<1x125x40xf32, #tpu.memory_space<vmem>> -> memref<125x40xf32, #tpu.memory_space<vmem>>
      %dma_start3A_279 = arith.constant 0 : i32
      %dma_start3A_280 = tpu.memref_slice %arg8[%add3A_262, %dma_start3A_279] : memref<80x125xi32, #tpu.memory_space<vmem>> -> memref<1x125xi32, #tpu.memory_space<vmem>>
      %dma_start3A_281 = tpu.memref_squeeze %dma_start3A_280 : memref<1x125xi32, #tpu.memory_space<vmem>> -> memref<125xi32, #tpu.memory_space<vmem>>
      %dma_start3A_282 = arith.constant 0 : i32
      %dma_start3A_283 = arith.constant 0 : i32
      %dma_start3A_284 = tpu.memref_slice %arg10[%dma_start3A_282, %dma_start3A_283] : memref<10240x40xf32, #tpu.memory_space<vmem_shared>> -> memref<10240x40xf32, #tpu.memory_space<vmem_shared>>
      tpu.enqueue_indirect_dma source(%dma_start3A_278 : memref<125x40xf32, #tpu.memory_space<vmem>>) target(%dma_start3A_284 : memref<10240x40xf32, #tpu.memory_space<vmem_shared>>) offsets(%dma_start3A_281 : memref<125xi32, #tpu.memory_space<vmem>>) semaphore(%arg12 : memref<!tpu.dma_semaphore, #tpu.memory_space<semaphore_mem>>) {add = true}
      %sub3A_285 = arith.constant 8 : i32
      %sub3A_286 = arith.subi %add3A_262, %sub3A_285 : i32
      %ge3A_287 = arith.constant 0 : i32
      %ge3A_288 = arith.cmpi sge, %sub3A_286, %ge3A_287 : i32
      %convert_element_type3A_289 = arith.extui %ge3A_288 : i1 to i32
      %cond3A_290 = arith.constant 0 : i32
      %cond3A_291 = arith.cmpi ne, %convert_element_type3A_289, %cond3A_290 : i32
      scf.if %cond3A_291 {
        %dma_wait3A_831 = arith.constant 9 : i32
        %dma_wait3A_832 = arith.constant 0 : i32
        %dma_wait3A_833 = arith.constant 0 : i32
        %dma_wait3A_834 = tpu.memref_slice %arg9[%dma_wait3A_831, %dma_wait3A_832, %dma_wait3A_833] : memref<16x125x40xf32, #tpu.memory_space<vmem>> -> memref<1x125x40xf32, #tpu.memory_space<vmem>>
        %dma_wait3A_835 = tpu.memref_squeeze %dma_wait3A_834 : memref<1x125x40xf32, #tpu.memory_space<vmem>> -> memref<125x40xf32, #tpu.memory_space<vmem>>
        %dma_wait3A_836 = arith.constant 0 : i32
        %dma_wait3A_837 = tpu.memref_slice %arg8[%sub3A_286, %dma_wait3A_836] : memref<80x125xi32, #tpu.memory_space<vmem>> -> memref<1x125xi32, #tpu.memory_space<vmem>>
        %dma_wait3A_838 = tpu.memref_squeeze %dma_wait3A_837 : memref<1x125xi32, #tpu.memory_space<vmem>> -> memref<125xi32, #tpu.memory_space<vmem>>
        %dma_wait3A_839 = arith.constant 0 : i32
        %dma_wait3A_840 = arith.constant 0 : i32
        %dma_wait3A_841 = tpu.memref_slice %arg10[%dma_wait3A_839, %dma_wait3A_840] : memref<10240x40xf32, #tpu.memory_space<vmem_shared>> -> memref<10240x40xf32, #tpu.memory_space<vmem_shared>>
        tpu.wait_indirect_dma semaphore(%arg12 : memref<!tpu.dma_semaphore, #tpu.memory_space<semaphore_mem>>) src(%dma_wait3A_835 : memref<125x40xf32, #tpu.memory_space<vmem>>) dst(%dma_wait3A_841 : memref<10240x40xf32, #tpu.memory_space<vmem_shared>>)
      } else {
      }
      %add3A_292 = arith.constant 8 : i32
      %add3A_293 = arith.addi %add3A_262, %add3A_292 : i32
      %lt3A_294 = arith.constant 80 : i32
      %lt3A_295 = arith.cmpi slt, %add3A_293, %lt3A_294 : i32
      %convert_element_type3A_296 = arith.extui %lt3A_295 : i1 to i32
      %cond3A_297 = arith.constant 0 : i32
      %cond3A_298 = arith.cmpi ne, %convert_element_type3A_296, %cond3A_297 : i32
      scf.if %cond3A_298 {
        %dma_start3A_831 = arith.constant 9 : i32
        %dma_start3A_832 = arith.constant 0 : i32
        %dma_start3A_833 = arith.constant 0 : i32
        %dma_start3A_834 = tpu.memref_slice %arg9[%dma_start3A_831, %dma_start3A_832, %dma_start3A_833] : memref<16x125x40xf32, #tpu.memory_space<vmem>> -> memref<1x125x40xf32, #tpu.memory_space<vmem>>
        %dma_start3A_835 = tpu.memref_squeeze %dma_start3A_834 : memref<1x125x40xf32, #tpu.memory_space<vmem>> -> memref<125x40xf32, #tpu.memory_space<vmem>>
        %dma_start3A_836 = arith.constant 0 : i32
        %dma_start3A_837 = tpu.memref_slice %arg7[%add3A_293, %dma_start3A_836] : memref<80x125xi32, #tpu.memory_space<vmem>> -> memref<1x125xi32, #tpu.memory_space<vmem>>
        %dma_start3A_838 = tpu.memref_squeeze %dma_start3A_837 : memref<1x125xi32, #tpu.memory_space<vmem>> -> memref<125xi32, #tpu.memory_space<vmem>>
        %dma_start3A_839 = arith.constant 0 : i32
        %dma_start3A_840 = arith.constant 0 : i32
        %dma_start3A_841 = tpu.memref_slice %arg2[%dma_start3A_839, %dma_start3A_840] : memref<10000x40xf32, #tpu.memory_space<hbm>> -> memref<10000x40xf32, #tpu.memory_space<hbm>>
        tpu.enqueue_indirect_dma source(%dma_start3A_841 : memref<10000x40xf32, #tpu.memory_space<hbm>>) target(%dma_start3A_835 : memref<125x40xf32, #tpu.memory_space<vmem>>) offsets(%dma_start3A_838 : memref<125xi32, #tpu.memory_space<vmem>>) semaphore(%arg11 : memref<!tpu.dma_semaphore, #tpu.memory_space<semaphore_mem>>)
      } else {
      }
      %add3A_299 = arith.constant 2 : i32
      %add3A_300 = arith.addi %mul3A_227, %add3A_299 : i32
      %dma_wait3A_301 = arith.constant 2 : i32
      %dma_wait3A_302 = arith.constant 0 : i32
      %dma_wait3A_303 = arith.constant 0 : i32
      %dma_wait3A_304 = tpu.memref_slice %arg9[%dma_wait3A_301, %dma_wait3A_302, %dma_wait3A_303] : memref<16x125x40xf32, #tpu.memory_space<vmem>> -> memref<1x125x40xf32, #tpu.memory_space<vmem>>
      %dma_wait3A_305 = tpu.memref_squeeze %dma_wait3A_304 : memref<1x125x40xf32, #tpu.memory_space<vmem>> -> memref<125x40xf32, #tpu.memory_space<vmem>>
      %dma_wait3A_306 = arith.constant 0 : i32
      %dma_wait3A_307 = tpu.memref_slice %arg7[%add3A_300, %dma_wait3A_306] : memref<80x125xi32, #tpu.memory_space<vmem>> -> memref<1x125xi32, #tpu.memory_space<vmem>>
      %dma_wait3A_308 = tpu.memref_squeeze %dma_wait3A_307 : memref<1x125xi32, #tpu.memory_space<vmem>> -> memref<125xi32, #tpu.memory_space<vmem>>
      %dma_wait3A_309 = arith.constant 0 : i32
      %dma_wait3A_310 = arith.constant 0 : i32
      %dma_wait3A_311 = tpu.memref_slice %arg2[%dma_wait3A_309, %dma_wait3A_310] : memref<10000x40xf32, #tpu.memory_space<hbm>> -> memref<10000x40xf32, #tpu.memory_space<hbm>>
      tpu.wait_indirect_dma semaphore(%arg11 : memref<!tpu.dma_semaphore, #tpu.memory_space<semaphore_mem>>) src(%dma_wait3A_311 : memref<10000x40xf32, #tpu.memory_space<hbm>>) dst(%dma_wait3A_305 : memref<125x40xf32, #tpu.memory_space<vmem>>)
      %dma_start3A_312 = arith.constant 2 : i32
      %dma_start3A_313 = arith.constant 0 : i32
      %dma_start3A_314 = arith.constant 0 : i32
      %dma_start3A_315 = tpu.memref_slice %arg9[%dma_start3A_312, %dma_start3A_313, %dma_start3A_314] : memref<16x125x40xf32, #tpu.memory_space<vmem>> -> memref<1x125x40xf32, #tpu.memory_space<vmem>>
      %dma_start3A_316 = tpu.memref_squeeze %dma_start3A_315 : memref<1x125x40xf32, #tpu.memory_space<vmem>> -> memref<125x40xf32, #tpu.memory_space<vmem>>
      %dma_start3A_317 = arith.constant 0 : i32
      %dma_start3A_318 = tpu.memref_slice %arg8[%add3A_300, %dma_start3A_317] : memref<80x125xi32, #tpu.memory_space<vmem>> -> memref<1x125xi32, #tpu.memory_space<vmem>>
      %dma_start3A_319 = tpu.memref_squeeze %dma_start3A_318 : memref<1x125xi32, #tpu.memory_space<vmem>> -> memref<125xi32, #tpu.memory_space<vmem>>
      %dma_start3A_320 = arith.constant 0 : i32
      %dma_start3A_321 = arith.constant 0 : i32
      %dma_start3A_322 = tpu.memref_slice %arg10[%dma_start3A_320, %dma_start3A_321] : memref<10240x40xf32, #tpu.memory_space<vmem_shared>> -> memref<10240x40xf32, #tpu.memory_space<vmem_shared>>
      tpu.enqueue_indirect_dma source(%dma_start3A_316 : memref<125x40xf32, #tpu.memory_space<vmem>>) target(%dma_start3A_322 : memref<10240x40xf32, #tpu.memory_space<vmem_shared>>) offsets(%dma_start3A_319 : memref<125xi32, #tpu.memory_space<vmem>>) semaphore(%arg12 : memref<!tpu.dma_semaphore, #tpu.memory_space<semaphore_mem>>) {add = true}
      %sub3A_323 = arith.constant 8 : i32
      %sub3A_324 = arith.subi %add3A_300, %sub3A_323 : i32
      %ge3A_325 = arith.constant 0 : i32
      %ge3A_326 = arith.cmpi sge, %sub3A_324, %ge3A_325 : i32
      %convert_element_type3A_327 = arith.extui %ge3A_326 : i1 to i32
      %cond3A_328 = arith.constant 0 : i32
      %cond3A_329 = arith.cmpi ne, %convert_element_type3A_327, %cond3A_328 : i32
      scf.if %cond3A_329 {
        %dma_wait3A_831 = arith.constant 10 : i32
        %dma_wait3A_832 = arith.constant 0 : i32
        %dma_wait3A_833 = arith.constant 0 : i32
        %dma_wait3A_834 = tpu.memref_slice %arg9[%dma_wait3A_831, %dma_wait3A_832, %dma_wait3A_833] : memref<16x125x40xf32, #tpu.memory_space<vmem>> -> memref<1x125x40xf32, #tpu.memory_space<vmem>>
        %dma_wait3A_835 = tpu.memref_squeeze %dma_wait3A_834 : memref<1x125x40xf32, #tpu.memory_space<vmem>> -> memref<125x40xf32, #tpu.memory_space<vmem>>
        %dma_wait3A_836 = arith.constant 0 : i32
        %dma_wait3A_837 = tpu.memref_slice %arg8[%sub3A_324, %dma_wait3A_836] : memref<80x125xi32, #tpu.memory_space<vmem>> -> memref<1x125xi32, #tpu.memory_space<vmem>>
        %dma_wait3A_838 = tpu.memref_squeeze %dma_wait3A_837 : memref<1x125xi32, #tpu.memory_space<vmem>> -> memref<125xi32, #tpu.memory_space<vmem>>
        %dma_wait3A_839 = arith.constant 0 : i32
        %dma_wait3A_840 = arith.constant 0 : i32
        %dma_wait3A_841 = tpu.memref_slice %arg10[%dma_wait3A_839, %dma_wait3A_840] : memref<10240x40xf32, #tpu.memory_space<vmem_shared>> -> memref<10240x40xf32, #tpu.memory_space<vmem_shared>>
        tpu.wait_indirect_dma semaphore(%arg12 : memref<!tpu.dma_semaphore, #tpu.memory_space<semaphore_mem>>) src(%dma_wait3A_835 : memref<125x40xf32, #tpu.memory_space<vmem>>) dst(%dma_wait3A_841 : memref<10240x40xf32, #tpu.memory_space<vmem_shared>>)
      } else {
      }
      %add3A_330 = arith.constant 8 : i32
      %add3A_331 = arith.addi %add3A_300, %add3A_330 : i32
      %lt3A_332 = arith.constant 80 : i32
      %lt3A_333 = arith.cmpi slt, %add3A_331, %lt3A_332 : i32
      %convert_element_type3A_334 = arith.extui %lt3A_333 : i1 to i32
      %cond3A_335 = arith.constant 0 : i32
      %cond3A_336 = arith.cmpi ne, %convert_element_type3A_334, %cond3A_335 : i32
      scf.if %cond3A_336 {
        %dma_start3A_831 = arith.constant 10 : i32
        %dma_start3A_832 = arith.constant 0 : i32
        %dma_start3A_833 = arith.constant 0 : i32
        %dma_start3A_834 = tpu.memref_slice %arg9[%dma_start3A_831, %dma_start3A_832, %dma_start3A_833] : memref<16x125x40xf32, #tpu.memory_space<vmem>> -> memref<1x125x40xf32, #tpu.memory_space<vmem>>
        %dma_start3A_835 = tpu.memref_squeeze %dma_start3A_834 : memref<1x125x40xf32, #tpu.memory_space<vmem>> -> memref<125x40xf32, #tpu.memory_space<vmem>>
        %dma_start3A_836 = arith.constant 0 : i32
        %dma_start3A_837 = tpu.memref_slice %arg7[%add3A_331, %dma_start3A_836] : memref<80x125xi32, #tpu.memory_space<vmem>> -> memref<1x125xi32, #tpu.memory_space<vmem>>
        %dma_start3A_838 = tpu.memref_squeeze %dma_start3A_837 : memref<1x125xi32, #tpu.memory_space<vmem>> -> memref<125xi32, #tpu.memory_space<vmem>>
        %dma_start3A_839 = arith.constant 0 : i32
        %dma_start3A_840 = arith.constant 0 : i32
        %dma_start3A_841 = tpu.memref_slice %arg2[%dma_start3A_839, %dma_start3A_840] : memref<10000x40xf32, #tpu.memory_space<hbm>> -> memref<10000x40xf32, #tpu.memory_space<hbm>>
        tpu.enqueue_indirect_dma source(%dma_start3A_841 : memref<10000x40xf32, #tpu.memory_space<hbm>>) target(%dma_start3A_835 : memref<125x40xf32, #tpu.memory_space<vmem>>) offsets(%dma_start3A_838 : memref<125xi32, #tpu.memory_space<vmem>>) semaphore(%arg11 : memref<!tpu.dma_semaphore, #tpu.memory_space<semaphore_mem>>)
      } else {
      }
      %add3A_337 = arith.constant 3 : i32
      %add3A_338 = arith.addi %mul3A_227, %add3A_337 : i32
      %dma_wait3A_339 = arith.constant 3 : i32
      %dma_wait3A_340 = arith.constant 0 : i32
      %dma_wait3A_341 = arith.constant 0 : i32
      %dma_wait3A_342 = tpu.memref_slice %arg9[%dma_wait3A_339, %dma_wait3A_340, %dma_wait3A_341] : memref<16x125x40xf32, #tpu.memory_space<vmem>> -> memref<1x125x40xf32, #tpu.memory_space<vmem>>
      %dma_wait3A_343 = tpu.memref_squeeze %dma_wait3A_342 : memref<1x125x40xf32, #tpu.memory_space<vmem>> -> memref<125x40xf32, #tpu.memory_space<vmem>>
      %dma_wait3A_344 = arith.constant 0 : i32
      %dma_wait3A_345 = tpu.memref_slice %arg7[%add3A_338, %dma_wait3A_344] : memref<80x125xi32, #tpu.memory_space<vmem>> -> memref<1x125xi32, #tpu.memory_space<vmem>>
      %dma_wait3A_346 = tpu.memref_squeeze %dma_wait3A_345 : memref<1x125xi32, #tpu.memory_space<vmem>> -> memref<125xi32, #tpu.memory_space<vmem>>
      %dma_wait3A_347 = arith.constant 0 : i32
      %dma_wait3A_348 = arith.constant 0 : i32
      %dma_wait3A_349 = tpu.memref_slice %arg2[%dma_wait3A_347, %dma_wait3A_348] : memref<10000x40xf32, #tpu.memory_space<hbm>> -> memref<10000x40xf32, #tpu.memory_space<hbm>>
      tpu.wait_indirect_dma semaphore(%arg11 : memref<!tpu.dma_semaphore, #tpu.memory_space<semaphore_mem>>) src(%dma_wait3A_349 : memref<10000x40xf32, #tpu.memory_space<hbm>>) dst(%dma_wait3A_343 : memref<125x40xf32, #tpu.memory_space<vmem>>)
      %dma_start3A_350 = arith.constant 3 : i32
      %dma_start3A_351 = arith.constant 0 : i32
      %dma_start3A_352 = arith.constant 0 : i32
      %dma_start3A_353 = tpu.memref_slice %arg9[%dma_start3A_350, %dma_start3A_351, %dma_start3A_352] : memref<16x125x40xf32, #tpu.memory_space<vmem>> -> memref<1x125x40xf32, #tpu.memory_space<vmem>>
      %dma_start3A_354 = tpu.memref_squeeze %dma_start3A_353 : memref<1x125x40xf32, #tpu.memory_space<vmem>> -> memref<125x40xf32, #tpu.memory_space<vmem>>
      %dma_start3A_355 = arith.constant 0 : i32
      %dma_start3A_356 = tpu.memref_slice %arg8[%add3A_338, %dma_start3A_355] : memref<80x125xi32, #tpu.memory_space<vmem>> -> memref<1x125xi32, #tpu.memory_space<vmem>>
      %dma_start3A_357 = tpu.memref_squeeze %dma_start3A_356 : memref<1x125xi32, #tpu.memory_space<vmem>> -> memref<125xi32, #tpu.memory_space<vmem>>
      %dma_start3A_358 = arith.constant 0 : i32
      %dma_start3A_359 = arith.constant 0 : i32
      %dma_start3A_360 = tpu.memref_slice %arg10[%dma_start3A_358, %dma_start3A_359] : memref<10240x40xf32, #tpu.memory_space<vmem_shared>> -> memref<10240x40xf32, #tpu.memory_space<vmem_shared>>
      tpu.enqueue_indirect_dma source(%dma_start3A_354 : memref<125x40xf32, #tpu.memory_space<vmem>>) target(%dma_start3A_360 : memref<10240x40xf32, #tpu.memory_space<vmem_shared>>) offsets(%dma_start3A_357 : memref<125xi32, #tpu.memory_space<vmem>>) semaphore(%arg12 : memref<!tpu.dma_semaphore, #tpu.memory_space<semaphore_mem>>) {add = true}
      %sub3A_361 = arith.constant 8 : i32
      %sub3A_362 = arith.subi %add3A_338, %sub3A_361 : i32
      %ge3A_363 = arith.constant 0 : i32
      %ge3A_364 = arith.cmpi sge, %sub3A_362, %ge3A_363 : i32
      %convert_element_type3A_365 = arith.extui %ge3A_364 : i1 to i32
      %cond3A_366 = arith.constant 0 : i32
      %cond3A_367 = arith.cmpi ne, %convert_element_type3A_365, %cond3A_366 : i32
      scf.if %cond3A_367 {
        %dma_wait3A_831 = arith.constant 11 : i32
        %dma_wait3A_832 = arith.constant 0 : i32
        %dma_wait3A_833 = arith.constant 0 : i32
        %dma_wait3A_834 = tpu.memref_slice %arg9[%dma_wait3A_831, %dma_wait3A_832, %dma_wait3A_833] : memref<16x125x40xf32, #tpu.memory_space<vmem>> -> memref<1x125x40xf32, #tpu.memory_space<vmem>>
        %dma_wait3A_835 = tpu.memref_squeeze %dma_wait3A_834 : memref<1x125x40xf32, #tpu.memory_space<vmem>> -> memref<125x40xf32, #tpu.memory_space<vmem>>
        %dma_wait3A_836 = arith.constant 0 : i32
        %dma_wait3A_837 = tpu.memref_slice %arg8[%sub3A_362, %dma_wait3A_836] : memref<80x125xi32, #tpu.memory_space<vmem>> -> memref<1x125xi32, #tpu.memory_space<vmem>>
        %dma_wait3A_838 = tpu.memref_squeeze %dma_wait3A_837 : memref<1x125xi32, #tpu.memory_space<vmem>> -> memref<125xi32, #tpu.memory_space<vmem>>
        %dma_wait3A_839 = arith.constant 0 : i32
        %dma_wait3A_840 = arith.constant 0 : i32
        %dma_wait3A_841 = tpu.memref_slice %arg10[%dma_wait3A_839, %dma_wait3A_840] : memref<10240x40xf32, #tpu.memory_space<vmem_shared>> -> memref<10240x40xf32, #tpu.memory_space<vmem_shared>>
        tpu.wait_indirect_dma semaphore(%arg12 : memref<!tpu.dma_semaphore, #tpu.memory_space<semaphore_mem>>) src(%dma_wait3A_835 : memref<125x40xf32, #tpu.memory_space<vmem>>) dst(%dma_wait3A_841 : memref<10240x40xf32, #tpu.memory_space<vmem_shared>>)
      } else {
      }
      %add3A_368 = arith.constant 8 : i32
      %add3A_369 = arith.addi %add3A_338, %add3A_368 : i32
      %lt3A_370 = arith.constant 80 : i32
      %lt3A_371 = arith.cmpi slt, %add3A_369, %lt3A_370 : i32
      %convert_element_type3A_372 = arith.extui %lt3A_371 : i1 to i32
      %cond3A_373 = arith.constant 0 : i32
      %cond3A_374 = arith.cmpi ne, %convert_element_type3A_372, %cond3A_373 : i32
      scf.if %cond3A_374 {
        %dma_start3A_831 = arith.constant 11 : i32
        %dma_start3A_832 = arith.constant 0 : i32
        %dma_start3A_833 = arith.constant 0 : i32
        %dma_start3A_834 = tpu.memref_slice %arg9[%dma_start3A_831, %dma_start3A_832, %dma_start3A_833] : memref<16x125x40xf32, #tpu.memory_space<vmem>> -> memref<1x125x40xf32, #tpu.memory_space<vmem>>
        %dma_start3A_835 = tpu.memref_squeeze %dma_start3A_834 : memref<1x125x40xf32, #tpu.memory_space<vmem>> -> memref<125x40xf32, #tpu.memory_space<vmem>>
        %dma_start3A_836 = arith.constant 0 : i32
        %dma_start3A_837 = tpu.memref_slice %arg7[%add3A_369, %dma_start3A_836] : memref<80x125xi32, #tpu.memory_space<vmem>> -> memref<1x125xi32, #tpu.memory_space<vmem>>
        %dma_start3A_838 = tpu.memref_squeeze %dma_start3A_837 : memref<1x125xi32, #tpu.memory_space<vmem>> -> memref<125xi32, #tpu.memory_space<vmem>>
        %dma_start3A_839 = arith.constant 0 : i32
        %dma_start3A_840 = arith.constant 0 : i32
        %dma_start3A_841 = tpu.memref_slice %arg2[%dma_start3A_839, %dma_start3A_840] : memref<10000x40xf32, #tpu.memory_space<hbm>> -> memref<10000x40xf32, #tpu.memory_space<hbm>>
        tpu.enqueue_indirect_dma source(%dma_start3A_841 : memref<10000x40xf32, #tpu.memory_space<hbm>>) target(%dma_start3A_835 : memref<125x40xf32, #tpu.memory_space<vmem>>) offsets(%dma_start3A_838 : memref<125xi32, #tpu.memory_space<vmem>>) semaphore(%arg11 : memref<!tpu.dma_semaphore, #tpu.memory_space<semaphore_mem>>)
      } else {
      }
      %add3A_375 = arith.constant 4 : i32
      %add3A_376 = arith.addi %mul3A_227, %add3A_375 : i32
      %dma_wait3A_377 = arith.constant 4 : i32
      %dma_wait3A_378 = arith.constant 0 : i32
      %dma_wait3A_379 = arith.constant 0 : i32
      %dma_wait3A_380 = tpu.memref_slice %arg9[%dma_wait3A_377, %dma_wait3A_378, %dma_wait3A_379] : memref<16x125x40xf32, #tpu.memory_space<vmem>> -> memref<1x125x40xf32, #tpu.memory_space<vmem>>
      %dma_wait3A_381 = tpu.memref_squeeze %dma_wait3A_380 : memref<1x125x40xf32, #tpu.memory_space<vmem>> -> memref<125x40xf32, #tpu.memory_space<vmem>>
      %dma_wait3A_382 = arith.constant 0 : i32
      %dma_wait3A_383 = tpu.memref_slice %arg7[%add3A_376, %dma_wait3A_382] : memref<80x125xi32, #tpu.memory_space<vmem>> -> memref<1x125xi32, #tpu.memory_space<vmem>>
      %dma_wait3A_384 = tpu.memref_squeeze %dma_wait3A_383 : memref<1x125xi32, #tpu.memory_space<vmem>> -> memref<125xi32, #tpu.memory_space<vmem>>
      %dma_wait3A_385 = arith.constant 0 : i32
      %dma_wait3A_386 = arith.constant 0 : i32
      %dma_wait3A_387 = tpu.memref_slice %arg2[%dma_wait3A_385, %dma_wait3A_386] : memref<10000x40xf32, #tpu.memory_space<hbm>> -> memref<10000x40xf32, #tpu.memory_space<hbm>>
      tpu.wait_indirect_dma semaphore(%arg11 : memref<!tpu.dma_semaphore, #tpu.memory_space<semaphore_mem>>) src(%dma_wait3A_387 : memref<10000x40xf32, #tpu.memory_space<hbm>>) dst(%dma_wait3A_381 : memref<125x40xf32, #tpu.memory_space<vmem>>)
      %dma_start3A_388 = arith.constant 4 : i32
      %dma_start3A_389 = arith.constant 0 : i32
      %dma_start3A_390 = arith.constant 0 : i32
      %dma_start3A_391 = tpu.memref_slice %arg9[%dma_start3A_388, %dma_start3A_389, %dma_start3A_390] : memref<16x125x40xf32, #tpu.memory_space<vmem>> -> memref<1x125x40xf32, #tpu.memory_space<vmem>>
      %dma_start3A_392 = tpu.memref_squeeze %dma_start3A_391 : memref<1x125x40xf32, #tpu.memory_space<vmem>> -> memref<125x40xf32, #tpu.memory_space<vmem>>
      %dma_start3A_393 = arith.constant 0 : i32
      %dma_start3A_394 = tpu.memref_slice %arg8[%add3A_376, %dma_start3A_393] : memref<80x125xi32, #tpu.memory_space<vmem>> -> memref<1x125xi32, #tpu.memory_space<vmem>>
      %dma_start3A_395 = tpu.memref_squeeze %dma_start3A_394 : memref<1x125xi32, #tpu.memory_space<vmem>> -> memref<125xi32, #tpu.memory_space<vmem>>
      %dma_start3A_396 = arith.constant 0 : i32
      %dma_start3A_397 = arith.constant 0 : i32
      %dma_start3A_398 = tpu.memref_slice %arg10[%dma_start3A_396, %dma_start3A_397] : memref<10240x40xf32, #tpu.memory_space<vmem_shared>> -> memref<10240x40xf32, #tpu.memory_space<vmem_shared>>
      tpu.enqueue_indirect_dma source(%dma_start3A_392 : memref<125x40xf32, #tpu.memory_space<vmem>>) target(%dma_start3A_398 : memref<10240x40xf32, #tpu.memory_space<vmem_shared>>) offsets(%dma_start3A_395 : memref<125xi32, #tpu.memory_space<vmem>>) semaphore(%arg12 : memref<!tpu.dma_semaphore, #tpu.memory_space<semaphore_mem>>) {add = true}
      %sub3A_399 = arith.constant 8 : i32
      %sub3A_400 = arith.subi %add3A_376, %sub3A_399 : i32
      %ge3A_401 = arith.constant 0 : i32
      %ge3A_402 = arith.cmpi sge, %sub3A_400, %ge3A_401 : i32
      %convert_element_type3A_403 = arith.extui %ge3A_402 : i1 to i32
      %cond3A_404 = arith.constant 0 : i32
      %cond3A_405 = arith.cmpi ne, %convert_element_type3A_403, %cond3A_404 : i32
      scf.if %cond3A_405 {
        %dma_wait3A_831 = arith.constant 12 : i32
        %dma_wait3A_832 = arith.constant 0 : i32
        %dma_wait3A_833 = arith.constant 0 : i32
        %dma_wait3A_834 = tpu.memref_slice %arg9[%dma_wait3A_831, %dma_wait3A_832, %dma_wait3A_833] : memref<16x125x40xf32, #tpu.memory_space<vmem>> -> memref<1x125x40xf32, #tpu.memory_space<vmem>>
        %dma_wait3A_835 = tpu.memref_squeeze %dma_wait3A_834 : memref<1x125x40xf32, #tpu.memory_space<vmem>> -> memref<125x40xf32, #tpu.memory_space<vmem>>
        %dma_wait3A_836 = arith.constant 0 : i32
        %dma_wait3A_837 = tpu.memref_slice %arg8[%sub3A_400, %dma_wait3A_836] : memref<80x125xi32, #tpu.memory_space<vmem>> -> memref<1x125xi32, #tpu.memory_space<vmem>>
        %dma_wait3A_838 = tpu.memref_squeeze %dma_wait3A_837 : memref<1x125xi32, #tpu.memory_space<vmem>> -> memref<125xi32, #tpu.memory_space<vmem>>
        %dma_wait3A_839 = arith.constant 0 : i32
        %dma_wait3A_840 = arith.constant 0 : i32
        %dma_wait3A_841 = tpu.memref_slice %arg10[%dma_wait3A_839, %dma_wait3A_840] : memref<10240x40xf32, #tpu.memory_space<vmem_shared>> -> memref<10240x40xf32, #tpu.memory_space<vmem_shared>>
        tpu.wait_indirect_dma semaphore(%arg12 : memref<!tpu.dma_semaphore, #tpu.memory_space<semaphore_mem>>) src(%dma_wait3A_835 : memref<125x40xf32, #tpu.memory_space<vmem>>) dst(%dma_wait3A_841 : memref<10240x40xf32, #tpu.memory_space<vmem_shared>>)
      } else {
      }
      %add3A_406 = arith.constant 8 : i32
      %add3A_407 = arith.addi %add3A_376, %add3A_406 : i32
      %lt3A_408 = arith.constant 80 : i32
      %lt3A_409 = arith.cmpi slt, %add3A_407, %lt3A_408 : i32
      %convert_element_type3A_410 = arith.extui %lt3A_409 : i1 to i32
      %cond3A_411 = arith.constant 0 : i32
      %cond3A_412 = arith.cmpi ne, %convert_element_type3A_410, %cond3A_411 : i32
      scf.if %cond3A_412 {
        %dma_start3A_831 = arith.constant 12 : i32
        %dma_start3A_832 = arith.constant 0 : i32
        %dma_start3A_833 = arith.constant 0 : i32
        %dma_start3A_834 = tpu.memref_slice %arg9[%dma_start3A_831, %dma_start3A_832, %dma_start3A_833] : memref<16x125x40xf32, #tpu.memory_space<vmem>> -> memref<1x125x40xf32, #tpu.memory_space<vmem>>
        %dma_start3A_835 = tpu.memref_squeeze %dma_start3A_834 : memref<1x125x40xf32, #tpu.memory_space<vmem>> -> memref<125x40xf32, #tpu.memory_space<vmem>>
        %dma_start3A_836 = arith.constant 0 : i32
        %dma_start3A_837 = tpu.memref_slice %arg7[%add3A_407, %dma_start3A_836] : memref<80x125xi32, #tpu.memory_space<vmem>> -> memref<1x125xi32, #tpu.memory_space<vmem>>
        %dma_start3A_838 = tpu.memref_squeeze %dma_start3A_837 : memref<1x125xi32, #tpu.memory_space<vmem>> -> memref<125xi32, #tpu.memory_space<vmem>>
        %dma_start3A_839 = arith.constant 0 : i32
        %dma_start3A_840 = arith.constant 0 : i32
        %dma_start3A_841 = tpu.memref_slice %arg2[%dma_start3A_839, %dma_start3A_840] : memref<10000x40xf32, #tpu.memory_space<hbm>> -> memref<10000x40xf32, #tpu.memory_space<hbm>>
        tpu.enqueue_indirect_dma source(%dma_start3A_841 : memref<10000x40xf32, #tpu.memory_space<hbm>>) target(%dma_start3A_835 : memref<125x40xf32, #tpu.memory_space<vmem>>) offsets(%dma_start3A_838 : memref<125xi32, #tpu.memory_space<vmem>>) semaphore(%arg11 : memref<!tpu.dma_semaphore, #tpu.memory_space<semaphore_mem>>)
      } else {
      }
      %add3A_413 = arith.constant 5 : i32
      %add3A_414 = arith.addi %mul3A_227, %add3A_413 : i32
      %dma_wait3A_415 = arith.constant 5 : i32
      %dma_wait3A_416 = arith.constant 0 : i32
      %dma_wait3A_417 = arith.constant 0 : i32
      %dma_wait3A_418 = tpu.memref_slice %arg9[%dma_wait3A_415, %dma_wait3A_416, %dma_wait3A_417] : memref<16x125x40xf32, #tpu.memory_space<vmem>> -> memref<1x125x40xf32, #tpu.memory_space<vmem>>
      %dma_wait3A_419 = tpu.memref_squeeze %dma_wait3A_418 : memref<1x125x40xf32, #tpu.memory_space<vmem>> -> memref<125x40xf32, #tpu.memory_space<vmem>>
      %dma_wait3A_420 = arith.constant 0 : i32
      %dma_wait3A_421 = tpu.memref_slice %arg7[%add3A_414, %dma_wait3A_420] : memref<80x125xi32, #tpu.memory_space<vmem>> -> memref<1x125xi32, #tpu.memory_space<vmem>>
      %dma_wait3A_422 = tpu.memref_squeeze %dma_wait3A_421 : memref<1x125xi32, #tpu.memory_space<vmem>> -> memref<125xi32, #tpu.memory_space<vmem>>
      %dma_wait3A_423 = arith.constant 0 : i32
      %dma_wait3A_424 = arith.constant 0 : i32
      %dma_wait3A_425 = tpu.memref_slice %arg2[%dma_wait3A_423, %dma_wait3A_424] : memref<10000x40xf32, #tpu.memory_space<hbm>> -> memref<10000x40xf32, #tpu.memory_space<hbm>>
      tpu.wait_indirect_dma semaphore(%arg11 : memref<!tpu.dma_semaphore, #tpu.memory_space<semaphore_mem>>) src(%dma_wait3A_425 : memref<10000x40xf32, #tpu.memory_space<hbm>>) dst(%dma_wait3A_419 : memref<125x40xf32, #tpu.memory_space<vmem>>)
      %dma_start3A_426 = arith.constant 5 : i32
      %dma_start3A_427 = arith.constant 0 : i32
      %dma_start3A_428 = arith.constant 0 : i32
      %dma_start3A_429 = tpu.memref_slice %arg9[%dma_start3A_426, %dma_start3A_427, %dma_start3A_428] : memref<16x125x40xf32, #tpu.memory_space<vmem>> -> memref<1x125x40xf32, #tpu.memory_space<vmem>>
      %dma_start3A_430 = tpu.memref_squeeze %dma_start3A_429 : memref<1x125x40xf32, #tpu.memory_space<vmem>> -> memref<125x40xf32, #tpu.memory_space<vmem>>
      %dma_start3A_431 = arith.constant 0 : i32
      %dma_start3A_432 = tpu.memref_slice %arg8[%add3A_414, %dma_start3A_431] : memref<80x125xi32, #tpu.memory_space<vmem>> -> memref<1x125xi32, #tpu.memory_space<vmem>>
      %dma_start3A_433 = tpu.memref_squeeze %dma_start3A_432 : memref<1x125xi32, #tpu.memory_space<vmem>> -> memref<125xi32, #tpu.memory_space<vmem>>
      %dma_start3A_434 = arith.constant 0 : i32
      %dma_start3A_435 = arith.constant 0 : i32
      %dma_start3A_436 = tpu.memref_slice %arg10[%dma_start3A_434, %dma_start3A_435] : memref<10240x40xf32, #tpu.memory_space<vmem_shared>> -> memref<10240x40xf32, #tpu.memory_space<vmem_shared>>
      tpu.enqueue_indirect_dma source(%dma_start3A_430 : memref<125x40xf32, #tpu.memory_space<vmem>>) target(%dma_start3A_436 : memref<10240x40xf32, #tpu.memory_space<vmem_shared>>) offsets(%dma_start3A_433 : memref<125xi32, #tpu.memory_space<vmem>>) semaphore(%arg12 : memref<!tpu.dma_semaphore, #tpu.memory_space<semaphore_mem>>) {add = true}
      %sub3A_437 = arith.constant 8 : i32
      %sub3A_438 = arith.subi %add3A_414, %sub3A_437 : i32
      %ge3A_439 = arith.constant 0 : i32
      %ge3A_440 = arith.cmpi sge, %sub3A_438, %ge3A_439 : i32
      %convert_element_type3A_441 = arith.extui %ge3A_440 : i1 to i32
      %cond3A_442 = arith.constant 0 : i32
      %cond3A_443 = arith.cmpi ne, %convert_element_type3A_441, %cond3A_442 : i32
      scf.if %cond3A_443 {
        %dma_wait3A_831 = arith.constant 13 : i32
        %dma_wait3A_832 = arith.constant 0 : i32
        %dma_wait3A_833 = arith.constant 0 : i32
        %dma_wait3A_834 = tpu.memref_slice %arg9[%dma_wait3A_831, %dma_wait3A_832, %dma_wait3A_833] : memref<16x125x40xf32, #tpu.memory_space<vmem>> -> memref<1x125x40xf32, #tpu.memory_space<vmem>>
        %dma_wait3A_835 = tpu.memref_squeeze %dma_wait3A_834 : memref<1x125x40xf32, #tpu.memory_space<vmem>> -> memref<125x40xf32, #tpu.memory_space<vmem>>
        %dma_wait3A_836 = arith.constant 0 : i32
        %dma_wait3A_837 = tpu.memref_slice %arg8[%sub3A_438, %dma_wait3A_836] : memref<80x125xi32, #tpu.memory_space<vmem>> -> memref<1x125xi32, #tpu.memory_space<vmem>>
        %dma_wait3A_838 = tpu.memref_squeeze %dma_wait3A_837 : memref<1x125xi32, #tpu.memory_space<vmem>> -> memref<125xi32, #tpu.memory_space<vmem>>
        %dma_wait3A_839 = arith.constant 0 : i32
        %dma_wait3A_840 = arith.constant 0 : i32
        %dma_wait3A_841 = tpu.memref_slice %arg10[%dma_wait3A_839, %dma_wait3A_840] : memref<10240x40xf32, #tpu.memory_space<vmem_shared>> -> memref<10240x40xf32, #tpu.memory_space<vmem_shared>>
        tpu.wait_indirect_dma semaphore(%arg12 : memref<!tpu.dma_semaphore, #tpu.memory_space<semaphore_mem>>) src(%dma_wait3A_835 : memref<125x40xf32, #tpu.memory_space<vmem>>) dst(%dma_wait3A_841 : memref<10240x40xf32, #tpu.memory_space<vmem_shared>>)
      } else {
      }
      %add3A_444 = arith.constant 8 : i32
      %add3A_445 = arith.addi %add3A_414, %add3A_444 : i32
      %lt3A_446 = arith.constant 80 : i32
      %lt3A_447 = arith.cmpi slt, %add3A_445, %lt3A_446 : i32
      %convert_element_type3A_448 = arith.extui %lt3A_447 : i1 to i32
      %cond3A_449 = arith.constant 0 : i32
      %cond3A_450 = arith.cmpi ne, %convert_element_type3A_448, %cond3A_449 : i32
      scf.if %cond3A_450 {
        %dma_start3A_831 = arith.constant 13 : i32
        %dma_start3A_832 = arith.constant 0 : i32
        %dma_start3A_833 = arith.constant 0 : i32
        %dma_start3A_834 = tpu.memref_slice %arg9[%dma_start3A_831, %dma_start3A_832, %dma_start3A_833] : memref<16x125x40xf32, #tpu.memory_space<vmem>> -> memref<1x125x40xf32, #tpu.memory_space<vmem>>
        %dma_start3A_835 = tpu.memref_squeeze %dma_start3A_834 : memref<1x125x40xf32, #tpu.memory_space<vmem>> -> memref<125x40xf32, #tpu.memory_space<vmem>>
        %dma_start3A_836 = arith.constant 0 : i32
        %dma_start3A_837 = tpu.memref_slice %arg7[%add3A_445, %dma_start3A_836] : memref<80x125xi32, #tpu.memory_space<vmem>> -> memref<1x125xi32, #tpu.memory_space<vmem>>
        %dma_start3A_838 = tpu.memref_squeeze %dma_start3A_837 : memref<1x125xi32, #tpu.memory_space<vmem>> -> memref<125xi32, #tpu.memory_space<vmem>>
        %dma_start3A_839 = arith.constant 0 : i32
        %dma_start3A_840 = arith.constant 0 : i32
        %dma_start3A_841 = tpu.memref_slice %arg2[%dma_start3A_839, %dma_start3A_840] : memref<10000x40xf32, #tpu.memory_space<hbm>> -> memref<10000x40xf32, #tpu.memory_space<hbm>>
        tpu.enqueue_indirect_dma source(%dma_start3A_841 : memref<10000x40xf32, #tpu.memory_space<hbm>>) target(%dma_start3A_835 : memref<125x40xf32, #tpu.memory_space<vmem>>) offsets(%dma_start3A_838 : memref<125xi32, #tpu.memory_space<vmem>>) semaphore(%arg11 : memref<!tpu.dma_semaphore, #tpu.memory_space<semaphore_mem>>)
      } else {
      }
      %add3A_451 = arith.constant 6 : i32
      %add3A_452 = arith.addi %mul3A_227, %add3A_451 : i32
      %dma_wait3A_453 = arith.constant 6 : i32
      %dma_wait3A_454 = arith.constant 0 : i32
      %dma_wait3A_455 = arith.constant 0 : i32
      %dma_wait3A_456 = tpu.memref_slice %arg9[%dma_wait3A_453, %dma_wait3A_454, %dma_wait3A_455] : memref<16x125x40xf32, #tpu.memory_space<vmem>> -> memref<1x125x40xf32, #tpu.memory_space<vmem>>
      %dma_wait3A_457 = tpu.memref_squeeze %dma_wait3A_456 : memref<1x125x40xf32, #tpu.memory_space<vmem>> -> memref<125x40xf32, #tpu.memory_space<vmem>>
      %dma_wait3A_458 = arith.constant 0 : i32
      %dma_wait3A_459 = tpu.memref_slice %arg7[%add3A_452, %dma_wait3A_458] : memref<80x125xi32, #tpu.memory_space<vmem>> -> memref<1x125xi32, #tpu.memory_space<vmem>>
      %dma_wait3A_460 = tpu.memref_squeeze %dma_wait3A_459 : memref<1x125xi32, #tpu.memory_space<vmem>> -> memref<125xi32, #tpu.memory_space<vmem>>
      %dma_wait3A_461 = arith.constant 0 : i32
      %dma_wait3A_462 = arith.constant 0 : i32
      %dma_wait3A_463 = tpu.memref_slice %arg2[%dma_wait3A_461, %dma_wait3A_462] : memref<10000x40xf32, #tpu.memory_space<hbm>> -> memref<10000x40xf32, #tpu.memory_space<hbm>>
      tpu.wait_indirect_dma semaphore(%arg11 : memref<!tpu.dma_semaphore, #tpu.memory_space<semaphore_mem>>) src(%dma_wait3A_463 : memref<10000x40xf32, #tpu.memory_space<hbm>>) dst(%dma_wait3A_457 : memref<125x40xf32, #tpu.memory_space<vmem>>)
      %dma_start3A_464 = arith.constant 6 : i32
      %dma_start3A_465 = arith.constant 0 : i32
      %dma_start3A_466 = arith.constant 0 : i32
      %dma_start3A_467 = tpu.memref_slice %arg9[%dma_start3A_464, %dma_start3A_465, %dma_start3A_466] : memref<16x125x40xf32, #tpu.memory_space<vmem>> -> memref<1x125x40xf32, #tpu.memory_space<vmem>>
      %dma_start3A_468 = tpu.memref_squeeze %dma_start3A_467 : memref<1x125x40xf32, #tpu.memory_space<vmem>> -> memref<125x40xf32, #tpu.memory_space<vmem>>
      %dma_start3A_469 = arith.constant 0 : i32
      %dma_start3A_470 = tpu.memref_slice %arg8[%add3A_452, %dma_start3A_469] : memref<80x125xi32, #tpu.memory_space<vmem>> -> memref<1x125xi32, #tpu.memory_space<vmem>>
      %dma_start3A_471 = tpu.memref_squeeze %dma_start3A_470 : memref<1x125xi32, #tpu.memory_space<vmem>> -> memref<125xi32, #tpu.memory_space<vmem>>
      %dma_start3A_472 = arith.constant 0 : i32
      %dma_start3A_473 = arith.constant 0 : i32
      %dma_start3A_474 = tpu.memref_slice %arg10[%dma_start3A_472, %dma_start3A_473] : memref<10240x40xf32, #tpu.memory_space<vmem_shared>> -> memref<10240x40xf32, #tpu.memory_space<vmem_shared>>
      tpu.enqueue_indirect_dma source(%dma_start3A_468 : memref<125x40xf32, #tpu.memory_space<vmem>>) target(%dma_start3A_474 : memref<10240x40xf32, #tpu.memory_space<vmem_shared>>) offsets(%dma_start3A_471 : memref<125xi32, #tpu.memory_space<vmem>>) semaphore(%arg12 : memref<!tpu.dma_semaphore, #tpu.memory_space<semaphore_mem>>) {add = true}
      %sub3A_475 = arith.constant 8 : i32
      %sub3A_476 = arith.subi %add3A_452, %sub3A_475 : i32
      %ge3A_477 = arith.constant 0 : i32
      %ge3A_478 = arith.cmpi sge, %sub3A_476, %ge3A_477 : i32
      %convert_element_type3A_479 = arith.extui %ge3A_478 : i1 to i32
      %cond3A_480 = arith.constant 0 : i32
      %cond3A_481 = arith.cmpi ne, %convert_element_type3A_479, %cond3A_480 : i32
      scf.if %cond3A_481 {
        %dma_wait3A_831 = arith.constant 14 : i32
        %dma_wait3A_832 = arith.constant 0 : i32
        %dma_wait3A_833 = arith.constant 0 : i32
        %dma_wait3A_834 = tpu.memref_slice %arg9[%dma_wait3A_831, %dma_wait3A_832, %dma_wait3A_833] : memref<16x125x40xf32, #tpu.memory_space<vmem>> -> memref<1x125x40xf32, #tpu.memory_space<vmem>>
        %dma_wait3A_835 = tpu.memref_squeeze %dma_wait3A_834 : memref<1x125x40xf32, #tpu.memory_space<vmem>> -> memref<125x40xf32, #tpu.memory_space<vmem>>
        %dma_wait3A_836 = arith.constant 0 : i32
        %dma_wait3A_837 = tpu.memref_slice %arg8[%sub3A_476, %dma_wait3A_836] : memref<80x125xi32, #tpu.memory_space<vmem>> -> memref<1x125xi32, #tpu.memory_space<vmem>>
        %dma_wait3A_838 = tpu.memref_squeeze %dma_wait3A_837 : memref<1x125xi32, #tpu.memory_space<vmem>> -> memref<125xi32, #tpu.memory_space<vmem>>
        %dma_wait3A_839 = arith.constant 0 : i32
        %dma_wait3A_840 = arith.constant 0 : i32
        %dma_wait3A_841 = tpu.memref_slice %arg10[%dma_wait3A_839, %dma_wait3A_840] : memref<10240x40xf32, #tpu.memory_space<vmem_shared>> -> memref<10240x40xf32, #tpu.memory_space<vmem_shared>>
        tpu.wait_indirect_dma semaphore(%arg12 : memref<!tpu.dma_semaphore, #tpu.memory_space<semaphore_mem>>) src(%dma_wait3A_835 : memref<125x40xf32, #tpu.memory_space<vmem>>) dst(%dma_wait3A_841 : memref<10240x40xf32, #tpu.memory_space<vmem_shared>>)
      } else {
      }
      %add3A_482 = arith.constant 8 : i32
      %add3A_483 = arith.addi %add3A_452, %add3A_482 : i32
      %lt3A_484 = arith.constant 80 : i32
      %lt3A_485 = arith.cmpi slt, %add3A_483, %lt3A_484 : i32
      %convert_element_type3A_486 = arith.extui %lt3A_485 : i1 to i32
      %cond3A_487 = arith.constant 0 : i32
      %cond3A_488 = arith.cmpi ne, %convert_element_type3A_486, %cond3A_487 : i32
      scf.if %cond3A_488 {
        %dma_start3A_831 = arith.constant 14 : i32
        %dma_start3A_832 = arith.constant 0 : i32
        %dma_start3A_833 = arith.constant 0 : i32
        %dma_start3A_834 = tpu.memref_slice %arg9[%dma_start3A_831, %dma_start3A_832, %dma_start3A_833] : memref<16x125x40xf32, #tpu.memory_space<vmem>> -> memref<1x125x40xf32, #tpu.memory_space<vmem>>
        %dma_start3A_835 = tpu.memref_squeeze %dma_start3A_834 : memref<1x125x40xf32, #tpu.memory_space<vmem>> -> memref<125x40xf32, #tpu.memory_space<vmem>>
        %dma_start3A_836 = arith.constant 0 : i32
        %dma_start3A_837 = tpu.memref_slice %arg7[%add3A_483, %dma_start3A_836] : memref<80x125xi32, #tpu.memory_space<vmem>> -> memref<1x125xi32, #tpu.memory_space<vmem>>
        %dma_start3A_838 = tpu.memref_squeeze %dma_start3A_837 : memref<1x125xi32, #tpu.memory_space<vmem>> -> memref<125xi32, #tpu.memory_space<vmem>>
        %dma_start3A_839 = arith.constant 0 : i32
        %dma_start3A_840 = arith.constant 0 : i32
        %dma_start3A_841 = tpu.memref_slice %arg2[%dma_start3A_839, %dma_start3A_840] : memref<10000x40xf32, #tpu.memory_space<hbm>> -> memref<10000x40xf32, #tpu.memory_space<hbm>>
        tpu.enqueue_indirect_dma source(%dma_start3A_841 : memref<10000x40xf32, #tpu.memory_space<hbm>>) target(%dma_start3A_835 : memref<125x40xf32, #tpu.memory_space<vmem>>) offsets(%dma_start3A_838 : memref<125xi32, #tpu.memory_space<vmem>>) semaphore(%arg11 : memref<!tpu.dma_semaphore, #tpu.memory_space<semaphore_mem>>)
      } else {
      }
      %add3A_489 = arith.constant 7 : i32
      %add3A_490 = arith.addi %mul3A_227, %add3A_489 : i32
      %dma_wait3A_491 = arith.constant 7 : i32
      %dma_wait3A_492 = arith.constant 0 : i32
      %dma_wait3A_493 = arith.constant 0 : i32
      %dma_wait3A_494 = tpu.memref_slice %arg9[%dma_wait3A_491, %dma_wait3A_492, %dma_wait3A_493] : memref<16x125x40xf32, #tpu.memory_space<vmem>> -> memref<1x125x40xf32, #tpu.memory_space<vmem>>
      %dma_wait3A_495 = tpu.memref_squeeze %dma_wait3A_494 : memref<1x125x40xf32, #tpu.memory_space<vmem>> -> memref<125x40xf32, #tpu.memory_space<vmem>>
      %dma_wait3A_496 = arith.constant 0 : i32
      %dma_wait3A_497 = tpu.memref_slice %arg7[%add3A_490, %dma_wait3A_496] : memref<80x125xi32, #tpu.memory_space<vmem>> -> memref<1x125xi32, #tpu.memory_space<vmem>>
      %dma_wait3A_498 = tpu.memref_squeeze %dma_wait3A_497 : memref<1x125xi32, #tpu.memory_space<vmem>> -> memref<125xi32, #tpu.memory_space<vmem>>
      %dma_wait3A_499 = arith.constant 0 : i32
      %dma_wait3A_500 = arith.constant 0 : i32
      %dma_wait3A_501 = tpu.memref_slice %arg2[%dma_wait3A_499, %dma_wait3A_500] : memref<10000x40xf32, #tpu.memory_space<hbm>> -> memref<10000x40xf32, #tpu.memory_space<hbm>>
      tpu.wait_indirect_dma semaphore(%arg11 : memref<!tpu.dma_semaphore, #tpu.memory_space<semaphore_mem>>) src(%dma_wait3A_501 : memref<10000x40xf32, #tpu.memory_space<hbm>>) dst(%dma_wait3A_495 : memref<125x40xf32, #tpu.memory_space<vmem>>)
      %dma_start3A_502 = arith.constant 7 : i32
      %dma_start3A_503 = arith.constant 0 : i32
      %dma_start3A_504 = arith.constant 0 : i32
      %dma_start3A_505 = tpu.memref_slice %arg9[%dma_start3A_502, %dma_start3A_503, %dma_start3A_504] : memref<16x125x40xf32, #tpu.memory_space<vmem>> -> memref<1x125x40xf32, #tpu.memory_space<vmem>>
      %dma_start3A_506 = tpu.memref_squeeze %dma_start3A_505 : memref<1x125x40xf32, #tpu.memory_space<vmem>> -> memref<125x40xf32, #tpu.memory_space<vmem>>
      %dma_start3A_507 = arith.constant 0 : i32
      %dma_start3A_508 = tpu.memref_slice %arg8[%add3A_490, %dma_start3A_507] : memref<80x125xi32, #tpu.memory_space<vmem>> -> memref<1x125xi32, #tpu.memory_space<vmem>>
      %dma_start3A_509 = tpu.memref_squeeze %dma_start3A_508 : memref<1x125xi32, #tpu.memory_space<vmem>> -> memref<125xi32, #tpu.memory_space<vmem>>
      %dma_start3A_510 = arith.constant 0 : i32
      %dma_start3A_511 = arith.constant 0 : i32
      %dma_start3A_512 = tpu.memref_slice %arg10[%dma_start3A_510, %dma_start3A_511] : memref<10240x40xf32, #tpu.memory_space<vmem_shared>> -> memref<10240x40xf32, #tpu.memory_space<vmem_shared>>
      tpu.enqueue_indirect_dma source(%dma_start3A_506 : memref<125x40xf32, #tpu.memory_space<vmem>>) target(%dma_start3A_512 : memref<10240x40xf32, #tpu.memory_space<vmem_shared>>) offsets(%dma_start3A_509 : memref<125xi32, #tpu.memory_space<vmem>>) semaphore(%arg12 : memref<!tpu.dma_semaphore, #tpu.memory_space<semaphore_mem>>) {add = true}
      %sub3A_513 = arith.constant 8 : i32
      %sub3A_514 = arith.subi %add3A_490, %sub3A_513 : i32
      %ge3A_515 = arith.constant 0 : i32
      %ge3A_516 = arith.cmpi sge, %sub3A_514, %ge3A_515 : i32
      %convert_element_type3A_517 = arith.extui %ge3A_516 : i1 to i32
      %cond3A_518 = arith.constant 0 : i32
      %cond3A_519 = arith.cmpi ne, %convert_element_type3A_517, %cond3A_518 : i32
      scf.if %cond3A_519 {
        %dma_wait3A_831 = arith.constant 15 : i32
        %dma_wait3A_832 = arith.constant 0 : i32
        %dma_wait3A_833 = arith.constant 0 : i32
        %dma_wait3A_834 = tpu.memref_slice %arg9[%dma_wait3A_831, %dma_wait3A_832, %dma_wait3A_833] : memref<16x125x40xf32, #tpu.memory_space<vmem>> -> memref<1x125x40xf32, #tpu.memory_space<vmem>>
        %dma_wait3A_835 = tpu.memref_squeeze %dma_wait3A_834 : memref<1x125x40xf32, #tpu.memory_space<vmem>> -> memref<125x40xf32, #tpu.memory_space<vmem>>
        %dma_wait3A_836 = arith.constant 0 : i32
        %dma_wait3A_837 = tpu.memref_slice %arg8[%sub3A_514, %dma_wait3A_836] : memref<80x125xi32, #tpu.memory_space<vmem>> -> memref<1x125xi32, #tpu.memory_space<vmem>>
        %dma_wait3A_838 = tpu.memref_squeeze %dma_wait3A_837 : memref<1x125xi32, #tpu.memory_space<vmem>> -> memref<125xi32, #tpu.memory_space<vmem>>
        %dma_wait3A_839 = arith.constant 0 : i32
        %dma_wait3A_840 = arith.constant 0 : i32
        %dma_wait3A_841 = tpu.memref_slice %arg10[%dma_wait3A_839, %dma_wait3A_840] : memref<10240x40xf32, #tpu.memory_space<vmem_shared>> -> memref<10240x40xf32, #tpu.memory_space<vmem_shared>>
        tpu.wait_indirect_dma semaphore(%arg12 : memref<!tpu.dma_semaphore, #tpu.memory_space<semaphore_mem>>) src(%dma_wait3A_835 : memref<125x40xf32, #tpu.memory_space<vmem>>) dst(%dma_wait3A_841 : memref<10240x40xf32, #tpu.memory_space<vmem_shared>>)
      } else {
      }
      %add3A_520 = arith.constant 8 : i32
      %add3A_521 = arith.addi %add3A_490, %add3A_520 : i32
      %lt3A_522 = arith.constant 80 : i32
      %lt3A_523 = arith.cmpi slt, %add3A_521, %lt3A_522 : i32
      %convert_element_type3A_524 = arith.extui %lt3A_523 : i1 to i32
      %cond3A_525 = arith.constant 0 : i32
      %cond3A_526 = arith.cmpi ne, %convert_element_type3A_524, %cond3A_525 : i32
      scf.if %cond3A_526 {
        %dma_start3A_831 = arith.constant 15 : i32
        %dma_start3A_832 = arith.constant 0 : i32
        %dma_start3A_833 = arith.constant 0 : i32
        %dma_start3A_834 = tpu.memref_slice %arg9[%dma_start3A_831, %dma_start3A_832, %dma_start3A_833] : memref<16x125x40xf32, #tpu.memory_space<vmem>> -> memref<1x125x40xf32, #tpu.memory_space<vmem>>
        %dma_start3A_835 = tpu.memref_squeeze %dma_start3A_834 : memref<1x125x40xf32, #tpu.memory_space<vmem>> -> memref<125x40xf32, #tpu.memory_space<vmem>>
        %dma_start3A_836 = arith.constant 0 : i32
        %dma_start3A_837 = tpu.memref_slice %arg7[%add3A_521, %dma_start3A_836] : memref<80x125xi32, #tpu.memory_space<vmem>> -> memref<1x125xi32, #tpu.memory_space<vmem>>
        %dma_start3A_838 = tpu.memref_squeeze %dma_start3A_837 : memref<1x125xi32, #tpu.memory_space<vmem>> -> memref<125xi32, #tpu.memory_space<vmem>>
        %dma_start3A_839 = arith.constant 0 : i32
        %dma_start3A_840 = arith.constant 0 : i32
        %dma_start3A_841 = tpu.memref_slice %arg2[%dma_start3A_839, %dma_start3A_840] : memref<10000x40xf32, #tpu.memory_space<hbm>> -> memref<10000x40xf32, #tpu.memory_space<hbm>>
        tpu.enqueue_indirect_dma source(%dma_start3A_841 : memref<10000x40xf32, #tpu.memory_space<hbm>>) target(%dma_start3A_835 : memref<125x40xf32, #tpu.memory_space<vmem>>) offsets(%dma_start3A_838 : memref<125xi32, #tpu.memory_space<vmem>>) semaphore(%arg11 : memref<!tpu.dma_semaphore, #tpu.memory_space<semaphore_mem>>)
      } else {
      }
      %add3A_527 = arith.constant 8 : i32
      %add3A_528 = arith.addi %mul3A_227, %add3A_527 : i32
      %dma_wait3A_529 = arith.constant 8 : i32
      %dma_wait3A_530 = arith.constant 0 : i32
      %dma_wait3A_531 = arith.constant 0 : i32
      %dma_wait3A_532 = tpu.memref_slice %arg9[%dma_wait3A_529, %dma_wait3A_530, %dma_wait3A_531] : memref<16x125x40xf32, #tpu.memory_space<vmem>> -> memref<1x125x40xf32, #tpu.memory_space<vmem>>
      %dma_wait3A_533 = tpu.memref_squeeze %dma_wait3A_532 : memref<1x125x40xf32, #tpu.memory_space<vmem>> -> memref<125x40xf32, #tpu.memory_space<vmem>>
      %dma_wait3A_534 = arith.constant 0 : i32
      %dma_wait3A_535 = tpu.memref_slice %arg7[%add3A_528, %dma_wait3A_534] : memref<80x125xi32, #tpu.memory_space<vmem>> -> memref<1x125xi32, #tpu.memory_space<vmem>>
      %dma_wait3A_536 = tpu.memref_squeeze %dma_wait3A_535 : memref<1x125xi32, #tpu.memory_space<vmem>> -> memref<125xi32, #tpu.memory_space<vmem>>
      %dma_wait3A_537 = arith.constant 0 : i32
      %dma_wait3A_538 = arith.constant 0 : i32
      %dma_wait3A_539 = tpu.memref_slice %arg2[%dma_wait3A_537, %dma_wait3A_538] : memref<10000x40xf32, #tpu.memory_space<hbm>> -> memref<10000x40xf32, #tpu.memory_space<hbm>>
      tpu.wait_indirect_dma semaphore(%arg11 : memref<!tpu.dma_semaphore, #tpu.memory_space<semaphore_mem>>) src(%dma_wait3A_539 : memref<10000x40xf32, #tpu.memory_space<hbm>>) dst(%dma_wait3A_533 : memref<125x40xf32, #tpu.memory_space<vmem>>)
      %dma_start3A_540 = arith.constant 8 : i32
      %dma_start3A_541 = arith.constant 0 : i32
      %dma_start3A_542 = arith.constant 0 : i32
      %dma_start3A_543 = tpu.memref_slice %arg9[%dma_start3A_540, %dma_start3A_541, %dma_start3A_542] : memref<16x125x40xf32, #tpu.memory_space<vmem>> -> memref<1x125x40xf32, #tpu.memory_space<vmem>>
      %dma_start3A_544 = tpu.memref_squeeze %dma_start3A_543 : memref<1x125x40xf32, #tpu.memory_space<vmem>> -> memref<125x40xf32, #tpu.memory_space<vmem>>
      %dma_start3A_545 = arith.constant 0 : i32
      %dma_start3A_546 = tpu.memref_slice %arg8[%add3A_528, %dma_start3A_545] : memref<80x125xi32, #tpu.memory_space<vmem>> -> memref<1x125xi32, #tpu.memory_space<vmem>>
      %dma_start3A_547 = tpu.memref_squeeze %dma_start3A_546 : memref<1x125xi32, #tpu.memory_space<vmem>> -> memref<125xi32, #tpu.memory_space<vmem>>
      %dma_start3A_548 = arith.constant 0 : i32
      %dma_start3A_549 = arith.constant 0 : i32
      %dma_start3A_550 = tpu.memref_slice %arg10[%dma_start3A_548, %dma_start3A_549] : memref<10240x40xf32, #tpu.memory_space<vmem_shared>> -> memref<10240x40xf32, #tpu.memory_space<vmem_shared>>
      tpu.enqueue_indirect_dma source(%dma_start3A_544 : memref<125x40xf32, #tpu.memory_space<vmem>>) target(%dma_start3A_550 : memref<10240x40xf32, #tpu.memory_space<vmem_shared>>) offsets(%dma_start3A_547 : memref<125xi32, #tpu.memory_space<vmem>>) semaphore(%arg12 : memref<!tpu.dma_semaphore, #tpu.memory_space<semaphore_mem>>) {add = true}
      %sub3A_551 = arith.constant 8 : i32
      %sub3A_552 = arith.subi %add3A_528, %sub3A_551 : i32
      %ge3A_553 = arith.constant 0 : i32
      %ge3A_554 = arith.cmpi sge, %sub3A_552, %ge3A_553 : i32
      %convert_element_type3A_555 = arith.extui %ge3A_554 : i1 to i32
      %cond3A_556 = arith.constant 0 : i32
      %cond3A_557 = arith.cmpi ne, %convert_element_type3A_555, %cond3A_556 : i32
      scf.if %cond3A_557 {
        %dma_wait3A_831 = arith.constant 0 : i32
        %dma_wait3A_832 = arith.constant 0 : i32
        %dma_wait3A_833 = arith.constant 0 : i32
        %dma_wait3A_834 = tpu.memref_slice %arg9[%dma_wait3A_831, %dma_wait3A_832, %dma_wait3A_833] : memref<16x125x40xf32, #tpu.memory_space<vmem>> -> memref<1x125x40xf32, #tpu.memory_space<vmem>>
        %dma_wait3A_835 = tpu.memref_squeeze %dma_wait3A_834 : memref<1x125x40xf32, #tpu.memory_space<vmem>> -> memref<125x40xf32, #tpu.memory_space<vmem>>
        %dma_wait3A_836 = arith.constant 0 : i32
        %dma_wait3A_837 = tpu.memref_slice %arg8[%sub3A_552, %dma_wait3A_836] : memref<80x125xi32, #tpu.memory_space<vmem>> -> memref<1x125xi32, #tpu.memory_space<vmem>>
        %dma_wait3A_838 = tpu.memref_squeeze %dma_wait3A_837 : memref<1x125xi32, #tpu.memory_space<vmem>> -> memref<125xi32, #tpu.memory_space<vmem>>
        %dma_wait3A_839 = arith.constant 0 : i32
        %dma_wait3A_840 = arith.constant 0 : i32
        %dma_wait3A_841 = tpu.memref_slice %arg10[%dma_wait3A_839, %dma_wait3A_840] : memref<10240x40xf32, #tpu.memory_space<vmem_shared>> -> memref<10240x40xf32, #tpu.memory_space<vmem_shared>>
        tpu.wait_indirect_dma semaphore(%arg12 : memref<!tpu.dma_semaphore, #tpu.memory_space<semaphore_mem>>) src(%dma_wait3A_835 : memref<125x40xf32, #tpu.memory_space<vmem>>) dst(%dma_wait3A_841 : memref<10240x40xf32, #tpu.memory_space<vmem_shared>>)
      } else {
      }
      %add3A_558 = arith.constant 8 : i32
      %add3A_559 = arith.addi %add3A_528, %add3A_558 : i32
      %lt3A_560 = arith.constant 80 : i32
      %lt3A_561 = arith.cmpi slt, %add3A_559, %lt3A_560 : i32
      %convert_element_type3A_562 = arith.extui %lt3A_561 : i1 to i32
      %cond3A_563 = arith.constant 0 : i32
      %cond3A_564 = arith.cmpi ne, %convert_element_type3A_562, %cond3A_563 : i32
      scf.if %cond3A_564 {
        %dma_start3A_831 = arith.constant 0 : i32
        %dma_start3A_832 = arith.constant 0 : i32
        %dma_start3A_833 = arith.constant 0 : i32
        %dma_start3A_834 = tpu.memref_slice %arg9[%dma_start3A_831, %dma_start3A_832, %dma_start3A_833] : memref<16x125x40xf32, #tpu.memory_space<vmem>> -> memref<1x125x40xf32, #tpu.memory_space<vmem>>
        %dma_start3A_835 = tpu.memref_squeeze %dma_start3A_834 : memref<1x125x40xf32, #tpu.memory_space<vmem>> -> memref<125x40xf32, #tpu.memory_space<vmem>>
        %dma_start3A_836 = arith.constant 0 : i32
        %dma_start3A_837 = tpu.memref_slice %arg7[%add3A_559, %dma_start3A_836] : memref<80x125xi32, #tpu.memory_space<vmem>> -> memref<1x125xi32, #tpu.memory_space<vmem>>
        %dma_start3A_838 = tpu.memref_squeeze %dma_start3A_837 : memref<1x125xi32, #tpu.memory_space<vmem>> -> memref<125xi32, #tpu.memory_space<vmem>>
        %dma_start3A_839 = arith.constant 0 : i32
        %dma_start3A_840 = arith.constant 0 : i32
        %dma_start3A_841 = tpu.memref_slice %arg2[%dma_start3A_839, %dma_start3A_840] : memref<10000x40xf32, #tpu.memory_space<hbm>> -> memref<10000x40xf32, #tpu.memory_space<hbm>>
        tpu.enqueue_indirect_dma source(%dma_start3A_841 : memref<10000x40xf32, #tpu.memory_space<hbm>>) target(%dma_start3A_835 : memref<125x40xf32, #tpu.memory_space<vmem>>) offsets(%dma_start3A_838 : memref<125xi32, #tpu.memory_space<vmem>>) semaphore(%arg11 : memref<!tpu.dma_semaphore, #tpu.memory_space<semaphore_mem>>)
      } else {
      }
      %add3A_565 = arith.constant 9 : i32
      %add3A_566 = arith.addi %mul3A_227, %add3A_565 : i32
      %dma_wait3A_567 = arith.constant 9 : i32
      %dma_wait3A_568 = arith.constant 0 : i32
      %dma_wait3A_569 = arith.constant 0 : i32
      %dma_wait3A_570 = tpu.memref_slice %arg9[%dma_wait3A_567, %dma_wait3A_568, %dma_wait3A_569] : memref<16x125x40xf32, #tpu.memory_space<vmem>> -> memref<1x125x40xf32, #tpu.memory_space<vmem>>
      %dma_wait3A_571 = tpu.memref_squeeze %dma_wait3A_570 : memref<1x125x40xf32, #tpu.memory_space<vmem>> -> memref<125x40xf32, #tpu.memory_space<vmem>>
      %dma_wait3A_572 = arith.constant 0 : i32
      %dma_wait3A_573 = tpu.memref_slice %arg7[%add3A_566, %dma_wait3A_572] : memref<80x125xi32, #tpu.memory_space<vmem>> -> memref<1x125xi32, #tpu.memory_space<vmem>>
      %dma_wait3A_574 = tpu.memref_squeeze %dma_wait3A_573 : memref<1x125xi32, #tpu.memory_space<vmem>> -> memref<125xi32, #tpu.memory_space<vmem>>
      %dma_wait3A_575 = arith.constant 0 : i32
      %dma_wait3A_576 = arith.constant 0 : i32
      %dma_wait3A_577 = tpu.memref_slice %arg2[%dma_wait3A_575, %dma_wait3A_576] : memref<10000x40xf32, #tpu.memory_space<hbm>> -> memref<10000x40xf32, #tpu.memory_space<hbm>>
      tpu.wait_indirect_dma semaphore(%arg11 : memref<!tpu.dma_semaphore, #tpu.memory_space<semaphore_mem>>) src(%dma_wait3A_577 : memref<10000x40xf32, #tpu.memory_space<hbm>>) dst(%dma_wait3A_571 : memref<125x40xf32, #tpu.memory_space<vmem>>)
      %dma_start3A_578 = arith.constant 9 : i32
      %dma_start3A_579 = arith.constant 0 : i32
      %dma_start3A_580 = arith.constant 0 : i32
      %dma_start3A_581 = tpu.memref_slice %arg9[%dma_start3A_578, %dma_start3A_579, %dma_start3A_580] : memref<16x125x40xf32, #tpu.memory_space<vmem>> -> memref<1x125x40xf32, #tpu.memory_space<vmem>>
      %dma_start3A_582 = tpu.memref_squeeze %dma_start3A_581 : memref<1x125x40xf32, #tpu.memory_space<vmem>> -> memref<125x40xf32, #tpu.memory_space<vmem>>
      %dma_start3A_583 = arith.constant 0 : i32
      %dma_start3A_584 = tpu.memref_slice %arg8[%add3A_566, %dma_start3A_583] : memref<80x125xi32, #tpu.memory_space<vmem>> -> memref<1x125xi32, #tpu.memory_space<vmem>>
      %dma_start3A_585 = tpu.memref_squeeze %dma_start3A_584 : memref<1x125xi32, #tpu.memory_space<vmem>> -> memref<125xi32, #tpu.memory_space<vmem>>
      %dma_start3A_586 = arith.constant 0 : i32
      %dma_start3A_587 = arith.constant 0 : i32
      %dma_start3A_588 = tpu.memref_slice %arg10[%dma_start3A_586, %dma_start3A_587] : memref<10240x40xf32, #tpu.memory_space<vmem_shared>> -> memref<10240x40xf32, #tpu.memory_space<vmem_shared>>
      tpu.enqueue_indirect_dma source(%dma_start3A_582 : memref<125x40xf32, #tpu.memory_space<vmem>>) target(%dma_start3A_588 : memref<10240x40xf32, #tpu.memory_space<vmem_shared>>) offsets(%dma_start3A_585 : memref<125xi32, #tpu.memory_space<vmem>>) semaphore(%arg12 : memref<!tpu.dma_semaphore, #tpu.memory_space<semaphore_mem>>) {add = true}
      %sub3A_589 = arith.constant 8 : i32
      %sub3A_590 = arith.subi %add3A_566, %sub3A_589 : i32
      %ge3A_591 = arith.constant 0 : i32
      %ge3A_592 = arith.cmpi sge, %sub3A_590, %ge3A_591 : i32
      %convert_element_type3A_593 = arith.extui %ge3A_592 : i1 to i32
      %cond3A_594 = arith.constant 0 : i32
      %cond3A_595 = arith.cmpi ne, %convert_element_type3A_593, %cond3A_594 : i32
      scf.if %cond3A_595 {
        %dma_wait3A_831 = arith.constant 1 : i32
        %dma_wait3A_832 = arith.constant 0 : i32
        %dma_wait3A_833 = arith.constant 0 : i32
        %dma_wait3A_834 = tpu.memref_slice %arg9[%dma_wait3A_831, %dma_wait3A_832, %dma_wait3A_833] : memref<16x125x40xf32, #tpu.memory_space<vmem>> -> memref<1x125x40xf32, #tpu.memory_space<vmem>>
        %dma_wait3A_835 = tpu.memref_squeeze %dma_wait3A_834 : memref<1x125x40xf32, #tpu.memory_space<vmem>> -> memref<125x40xf32, #tpu.memory_space<vmem>>
        %dma_wait3A_836 = arith.constant 0 : i32
        %dma_wait3A_837 = tpu.memref_slice %arg8[%sub3A_590, %dma_wait3A_836] : memref<80x125xi32, #tpu.memory_space<vmem>> -> memref<1x125xi32, #tpu.memory_space<vmem>>
        %dma_wait3A_838 = tpu.memref_squeeze %dma_wait3A_837 : memref<1x125xi32, #tpu.memory_space<vmem>> -> memref<125xi32, #tpu.memory_space<vmem>>
        %dma_wait3A_839 = arith.constant 0 : i32
        %dma_wait3A_840 = arith.constant 0 : i32
        %dma_wait3A_841 = tpu.memref_slice %arg10[%dma_wait3A_839, %dma_wait3A_840] : memref<10240x40xf32, #tpu.memory_space<vmem_shared>> -> memref<10240x40xf32, #tpu.memory_space<vmem_shared>>
        tpu.wait_indirect_dma semaphore(%arg12 : memref<!tpu.dma_semaphore, #tpu.memory_space<semaphore_mem>>) src(%dma_wait3A_835 : memref<125x40xf32, #tpu.memory_space<vmem>>) dst(%dma_wait3A_841 : memref<10240x40xf32, #tpu.memory_space<vmem_shared>>)
      } else {
      }
      %add3A_596 = arith.constant 8 : i32
      %add3A_597 = arith.addi %add3A_566, %add3A_596 : i32
      %lt3A_598 = arith.constant 80 : i32
      %lt3A_599 = arith.cmpi slt, %add3A_597, %lt3A_598 : i32
      %convert_element_type3A_600 = arith.extui %lt3A_599 : i1 to i32
      %cond3A_601 = arith.constant 0 : i32
      %cond3A_602 = arith.cmpi ne, %convert_element_type3A_600, %cond3A_601 : i32
      scf.if %cond3A_602 {
        %dma_start3A_831 = arith.constant 1 : i32
        %dma_start3A_832 = arith.constant 0 : i32
        %dma_start3A_833 = arith.constant 0 : i32
        %dma_start3A_834 = tpu.memref_slice %arg9[%dma_start3A_831, %dma_start3A_832, %dma_start3A_833] : memref<16x125x40xf32, #tpu.memory_space<vmem>> -> memref<1x125x40xf32, #tpu.memory_space<vmem>>
        %dma_start3A_835 = tpu.memref_squeeze %dma_start3A_834 : memref<1x125x40xf32, #tpu.memory_space<vmem>> -> memref<125x40xf32, #tpu.memory_space<vmem>>
        %dma_start3A_836 = arith.constant 0 : i32
        %dma_start3A_837 = tpu.memref_slice %arg7[%add3A_597, %dma_start3A_836] : memref<80x125xi32, #tpu.memory_space<vmem>> -> memref<1x125xi32, #tpu.memory_space<vmem>>
        %dma_start3A_838 = tpu.memref_squeeze %dma_start3A_837 : memref<1x125xi32, #tpu.memory_space<vmem>> -> memref<125xi32, #tpu.memory_space<vmem>>
        %dma_start3A_839 = arith.constant 0 : i32
        %dma_start3A_840 = arith.constant 0 : i32
        %dma_start3A_841 = tpu.memref_slice %arg2[%dma_start3A_839, %dma_start3A_840] : memref<10000x40xf32, #tpu.memory_space<hbm>> -> memref<10000x40xf32, #tpu.memory_space<hbm>>
        tpu.enqueue_indirect_dma source(%dma_start3A_841 : memref<10000x40xf32, #tpu.memory_space<hbm>>) target(%dma_start3A_835 : memref<125x40xf32, #tpu.memory_space<vmem>>) offsets(%dma_start3A_838 : memref<125xi32, #tpu.memory_space<vmem>>) semaphore(%arg11 : memref<!tpu.dma_semaphore, #tpu.memory_space<semaphore_mem>>)
      } else {
      }
      %add3A_603 = arith.constant 10 : i32
      %add3A_604 = arith.addi %mul3A_227, %add3A_603 : i32
      %dma_wait3A_605 = arith.constant 10 : i32
      %dma_wait3A_606 = arith.constant 0 : i32
      %dma_wait3A_607 = arith.constant 0 : i32
      %dma_wait3A_608 = tpu.memref_slice %arg9[%dma_wait3A_605, %dma_wait3A_606, %dma_wait3A_607] : memref<16x125x40xf32, #tpu.memory_space<vmem>> -> memref<1x125x40xf32, #tpu.memory_space<vmem>>
      %dma_wait3A_609 = tpu.memref_squeeze %dma_wait3A_608 : memref<1x125x40xf32, #tpu.memory_space<vmem>> -> memref<125x40xf32, #tpu.memory_space<vmem>>
      %dma_wait3A_610 = arith.constant 0 : i32
      %dma_wait3A_611 = tpu.memref_slice %arg7[%add3A_604, %dma_wait3A_610] : memref<80x125xi32, #tpu.memory_space<vmem>> -> memref<1x125xi32, #tpu.memory_space<vmem>>
      %dma_wait3A_612 = tpu.memref_squeeze %dma_wait3A_611 : memref<1x125xi32, #tpu.memory_space<vmem>> -> memref<125xi32, #tpu.memory_space<vmem>>
      %dma_wait3A_613 = arith.constant 0 : i32
      %dma_wait3A_614 = arith.constant 0 : i32
      %dma_wait3A_615 = tpu.memref_slice %arg2[%dma_wait3A_613, %dma_wait3A_614] : memref<10000x40xf32, #tpu.memory_space<hbm>> -> memref<10000x40xf32, #tpu.memory_space<hbm>>
      tpu.wait_indirect_dma semaphore(%arg11 : memref<!tpu.dma_semaphore, #tpu.memory_space<semaphore_mem>>) src(%dma_wait3A_615 : memref<10000x40xf32, #tpu.memory_space<hbm>>) dst(%dma_wait3A_609 : memref<125x40xf32, #tpu.memory_space<vmem>>)
      %dma_start3A_616 = arith.constant 10 : i32
      %dma_start3A_617 = arith.constant 0 : i32
      %dma_start3A_618 = arith.constant 0 : i32
      %dma_start3A_619 = tpu.memref_slice %arg9[%dma_start3A_616, %dma_start3A_617, %dma_start3A_618] : memref<16x125x40xf32, #tpu.memory_space<vmem>> -> memref<1x125x40xf32, #tpu.memory_space<vmem>>
      %dma_start3A_620 = tpu.memref_squeeze %dma_start3A_619 : memref<1x125x40xf32, #tpu.memory_space<vmem>> -> memref<125x40xf32, #tpu.memory_space<vmem>>
      %dma_start3A_621 = arith.constant 0 : i32
      %dma_start3A_622 = tpu.memref_slice %arg8[%add3A_604, %dma_start3A_621] : memref<80x125xi32, #tpu.memory_space<vmem>> -> memref<1x125xi32, #tpu.memory_space<vmem>>
      %dma_start3A_623 = tpu.memref_squeeze %dma_start3A_622 : memref<1x125xi32, #tpu.memory_space<vmem>> -> memref<125xi32, #tpu.memory_space<vmem>>
      %dma_start3A_624 = arith.constant 0 : i32
      %dma_start3A_625 = arith.constant 0 : i32
      %dma_start3A_626 = tpu.memref_slice %arg10[%dma_start3A_624, %dma_start3A_625] : memref<10240x40xf32, #tpu.memory_space<vmem_shared>> -> memref<10240x40xf32, #tpu.memory_space<vmem_shared>>
      tpu.enqueue_indirect_dma source(%dma_start3A_620 : memref<125x40xf32, #tpu.memory_space<vmem>>) target(%dma_start3A_626 : memref<10240x40xf32, #tpu.memory_space<vmem_shared>>) offsets(%dma_start3A_623 : memref<125xi32, #tpu.memory_space<vmem>>) semaphore(%arg12 : memref<!tpu.dma_semaphore, #tpu.memory_space<semaphore_mem>>) {add = true}
      %sub3A_627 = arith.constant 8 : i32
      %sub3A_628 = arith.subi %add3A_604, %sub3A_627 : i32
      %ge3A_629 = arith.constant 0 : i32
      %ge3A_630 = arith.cmpi sge, %sub3A_628, %ge3A_629 : i32
      %convert_element_type3A_631 = arith.extui %ge3A_630 : i1 to i32
      %cond3A_632 = arith.constant 0 : i32
      %cond3A_633 = arith.cmpi ne, %convert_element_type3A_631, %cond3A_632 : i32
      scf.if %cond3A_633 {
        %dma_wait3A_831 = arith.constant 2 : i32
        %dma_wait3A_832 = arith.constant 0 : i32
        %dma_wait3A_833 = arith.constant 0 : i32
        %dma_wait3A_834 = tpu.memref_slice %arg9[%dma_wait3A_831, %dma_wait3A_832, %dma_wait3A_833] : memref<16x125x40xf32, #tpu.memory_space<vmem>> -> memref<1x125x40xf32, #tpu.memory_space<vmem>>
        %dma_wait3A_835 = tpu.memref_squeeze %dma_wait3A_834 : memref<1x125x40xf32, #tpu.memory_space<vmem>> -> memref<125x40xf32, #tpu.memory_space<vmem>>
        %dma_wait3A_836 = arith.constant 0 : i32
        %dma_wait3A_837 = tpu.memref_slice %arg8[%sub3A_628, %dma_wait3A_836] : memref<80x125xi32, #tpu.memory_space<vmem>> -> memref<1x125xi32, #tpu.memory_space<vmem>>
        %dma_wait3A_838 = tpu.memref_squeeze %dma_wait3A_837 : memref<1x125xi32, #tpu.memory_space<vmem>> -> memref<125xi32, #tpu.memory_space<vmem>>
        %dma_wait3A_839 = arith.constant 0 : i32
        %dma_wait3A_840 = arith.constant 0 : i32
        %dma_wait3A_841 = tpu.memref_slice %arg10[%dma_wait3A_839, %dma_wait3A_840] : memref<10240x40xf32, #tpu.memory_space<vmem_shared>> -> memref<10240x40xf32, #tpu.memory_space<vmem_shared>>
        tpu.wait_indirect_dma semaphore(%arg12 : memref<!tpu.dma_semaphore, #tpu.memory_space<semaphore_mem>>) src(%dma_wait3A_835 : memref<125x40xf32, #tpu.memory_space<vmem>>) dst(%dma_wait3A_841 : memref<10240x40xf32, #tpu.memory_space<vmem_shared>>)
      } else {
      }
      %add3A_634 = arith.constant 8 : i32
      %add3A_635 = arith.addi %add3A_604, %add3A_634 : i32
      %lt3A_636 = arith.constant 80 : i32
      %lt3A_637 = arith.cmpi slt, %add3A_635, %lt3A_636 : i32
      %convert_element_type3A_638 = arith.extui %lt3A_637 : i1 to i32
      %cond3A_639 = arith.constant 0 : i32
      %cond3A_640 = arith.cmpi ne, %convert_element_type3A_638, %cond3A_639 : i32
      scf.if %cond3A_640 {
        %dma_start3A_831 = arith.constant 2 : i32
        %dma_start3A_832 = arith.constant 0 : i32
        %dma_start3A_833 = arith.constant 0 : i32
        %dma_start3A_834 = tpu.memref_slice %arg9[%dma_start3A_831, %dma_start3A_832, %dma_start3A_833] : memref<16x125x40xf32, #tpu.memory_space<vmem>> -> memref<1x125x40xf32, #tpu.memory_space<vmem>>
        %dma_start3A_835 = tpu.memref_squeeze %dma_start3A_834 : memref<1x125x40xf32, #tpu.memory_space<vmem>> -> memref<125x40xf32, #tpu.memory_space<vmem>>
        %dma_start3A_836 = arith.constant 0 : i32
        %dma_start3A_837 = tpu.memref_slice %arg7[%add3A_635, %dma_start3A_836] : memref<80x125xi32, #tpu.memory_space<vmem>> -> memref<1x125xi32, #tpu.memory_space<vmem>>
        %dma_start3A_838 = tpu.memref_squeeze %dma_start3A_837 : memref<1x125xi32, #tpu.memory_space<vmem>> -> memref<125xi32, #tpu.memory_space<vmem>>
        %dma_start3A_839 = arith.constant 0 : i32
        %dma_start3A_840 = arith.constant 0 : i32
        %dma_start3A_841 = tpu.memref_slice %arg2[%dma_start3A_839, %dma_start3A_840] : memref<10000x40xf32, #tpu.memory_space<hbm>> -> memref<10000x40xf32, #tpu.memory_space<hbm>>
        tpu.enqueue_indirect_dma source(%dma_start3A_841 : memref<10000x40xf32, #tpu.memory_space<hbm>>) target(%dma_start3A_835 : memref<125x40xf32, #tpu.memory_space<vmem>>) offsets(%dma_start3A_838 : memref<125xi32, #tpu.memory_space<vmem>>) semaphore(%arg11 : memref<!tpu.dma_semaphore, #tpu.memory_space<semaphore_mem>>)
      } else {
      }
      %add3A_641 = arith.constant 11 : i32
      %add3A_642 = arith.addi %mul3A_227, %add3A_641 : i32
      %dma_wait3A_643 = arith.constant 11 : i32
      %dma_wait3A_644 = arith.constant 0 : i32
      %dma_wait3A_645 = arith.constant 0 : i32
      %dma_wait3A_646 = tpu.memref_slice %arg9[%dma_wait3A_643, %dma_wait3A_644, %dma_wait3A_645] : memref<16x125x40xf32, #tpu.memory_space<vmem>> -> memref<1x125x40xf32, #tpu.memory_space<vmem>>
      %dma_wait3A_647 = tpu.memref_squeeze %dma_wait3A_646 : memref<1x125x40xf32, #tpu.memory_space<vmem>> -> memref<125x40xf32, #tpu.memory_space<vmem>>
      %dma_wait3A_648 = arith.constant 0 : i32
      %dma_wait3A_649 = tpu.memref_slice %arg7[%add3A_642, %dma_wait3A_648] : memref<80x125xi32, #tpu.memory_space<vmem>> -> memref<1x125xi32, #tpu.memory_space<vmem>>
      %dma_wait3A_650 = tpu.memref_squeeze %dma_wait3A_649 : memref<1x125xi32, #tpu.memory_space<vmem>> -> memref<125xi32, #tpu.memory_space<vmem>>
      %dma_wait3A_651 = arith.constant 0 : i32
      %dma_wait3A_652 = arith.constant 0 : i32
      %dma_wait3A_653 = tpu.memref_slice %arg2[%dma_wait3A_651, %dma_wait3A_652] : memref<10000x40xf32, #tpu.memory_space<hbm>> -> memref<10000x40xf32, #tpu.memory_space<hbm>>
      tpu.wait_indirect_dma semaphore(%arg11 : memref<!tpu.dma_semaphore, #tpu.memory_space<semaphore_mem>>) src(%dma_wait3A_653 : memref<10000x40xf32, #tpu.memory_space<hbm>>) dst(%dma_wait3A_647 : memref<125x40xf32, #tpu.memory_space<vmem>>)
      %dma_start3A_654 = arith.constant 11 : i32
      %dma_start3A_655 = arith.constant 0 : i32
      %dma_start3A_656 = arith.constant 0 : i32
      %dma_start3A_657 = tpu.memref_slice %arg9[%dma_start3A_654, %dma_start3A_655, %dma_start3A_656] : memref<16x125x40xf32, #tpu.memory_space<vmem>> -> memref<1x125x40xf32, #tpu.memory_space<vmem>>
      %dma_start3A_658 = tpu.memref_squeeze %dma_start3A_657 : memref<1x125x40xf32, #tpu.memory_space<vmem>> -> memref<125x40xf32, #tpu.memory_space<vmem>>
      %dma_start3A_659 = arith.constant 0 : i32
      %dma_start3A_660 = tpu.memref_slice %arg8[%add3A_642, %dma_start3A_659] : memref<80x125xi32, #tpu.memory_space<vmem>> -> memref<1x125xi32, #tpu.memory_space<vmem>>
      %dma_start3A_661 = tpu.memref_squeeze %dma_start3A_660 : memref<1x125xi32, #tpu.memory_space<vmem>> -> memref<125xi32, #tpu.memory_space<vmem>>
      %dma_start3A_662 = arith.constant 0 : i32
      %dma_start3A_663 = arith.constant 0 : i32
      %dma_start3A_664 = tpu.memref_slice %arg10[%dma_start3A_662, %dma_start3A_663] : memref<10240x40xf32, #tpu.memory_space<vmem_shared>> -> memref<10240x40xf32, #tpu.memory_space<vmem_shared>>
      tpu.enqueue_indirect_dma source(%dma_start3A_658 : memref<125x40xf32, #tpu.memory_space<vmem>>) target(%dma_start3A_664 : memref<10240x40xf32, #tpu.memory_space<vmem_shared>>) offsets(%dma_start3A_661 : memref<125xi32, #tpu.memory_space<vmem>>) semaphore(%arg12 : memref<!tpu.dma_semaphore, #tpu.memory_space<semaphore_mem>>) {add = true}
      %sub3A_665 = arith.constant 8 : i32
      %sub3A_666 = arith.subi %add3A_642, %sub3A_665 : i32
      %ge3A_667 = arith.constant 0 : i32
      %ge3A_668 = arith.cmpi sge, %sub3A_666, %ge3A_667 : i32
      %convert_element_type3A_669 = arith.extui %ge3A_668 : i1 to i32
      %cond3A_670 = arith.constant 0 : i32
      %cond3A_671 = arith.cmpi ne, %convert_element_type3A_669, %cond3A_670 : i32
      scf.if %cond3A_671 {
        %dma_wait3A_831 = arith.constant 3 : i32
        %dma_wait3A_832 = arith.constant 0 : i32
        %dma_wait3A_833 = arith.constant 0 : i32
        %dma_wait3A_834 = tpu.memref_slice %arg9[%dma_wait3A_831, %dma_wait3A_832, %dma_wait3A_833] : memref<16x125x40xf32, #tpu.memory_space<vmem>> -> memref<1x125x40xf32, #tpu.memory_space<vmem>>
        %dma_wait3A_835 = tpu.memref_squeeze %dma_wait3A_834 : memref<1x125x40xf32, #tpu.memory_space<vmem>> -> memref<125x40xf32, #tpu.memory_space<vmem>>
        %dma_wait3A_836 = arith.constant 0 : i32
        %dma_wait3A_837 = tpu.memref_slice %arg8[%sub3A_666, %dma_wait3A_836] : memref<80x125xi32, #tpu.memory_space<vmem>> -> memref<1x125xi32, #tpu.memory_space<vmem>>
        %dma_wait3A_838 = tpu.memref_squeeze %dma_wait3A_837 : memref<1x125xi32, #tpu.memory_space<vmem>> -> memref<125xi32, #tpu.memory_space<vmem>>
        %dma_wait3A_839 = arith.constant 0 : i32
        %dma_wait3A_840 = arith.constant 0 : i32
        %dma_wait3A_841 = tpu.memref_slice %arg10[%dma_wait3A_839, %dma_wait3A_840] : memref<10240x40xf32, #tpu.memory_space<vmem_shared>> -> memref<10240x40xf32, #tpu.memory_space<vmem_shared>>
        tpu.wait_indirect_dma semaphore(%arg12 : memref<!tpu.dma_semaphore, #tpu.memory_space<semaphore_mem>>) src(%dma_wait3A_835 : memref<125x40xf32, #tpu.memory_space<vmem>>) dst(%dma_wait3A_841 : memref<10240x40xf32, #tpu.memory_space<vmem_shared>>)
      } else {
      }
      %add3A_672 = arith.constant 8 : i32
      %add3A_673 = arith.addi %add3A_642, %add3A_672 : i32
      %lt3A_674 = arith.constant 80 : i32
      %lt3A_675 = arith.cmpi slt, %add3A_673, %lt3A_674 : i32
      %convert_element_type3A_676 = arith.extui %lt3A_675 : i1 to i32
      %cond3A_677 = arith.constant 0 : i32
      %cond3A_678 = arith.cmpi ne, %convert_element_type3A_676, %cond3A_677 : i32
      scf.if %cond3A_678 {
        %dma_start3A_831 = arith.constant 3 : i32
        %dma_start3A_832 = arith.constant 0 : i32
        %dma_start3A_833 = arith.constant 0 : i32
        %dma_start3A_834 = tpu.memref_slice %arg9[%dma_start3A_831, %dma_start3A_832, %dma_start3A_833] : memref<16x125x40xf32, #tpu.memory_space<vmem>> -> memref<1x125x40xf32, #tpu.memory_space<vmem>>
        %dma_start3A_835 = tpu.memref_squeeze %dma_start3A_834 : memref<1x125x40xf32, #tpu.memory_space<vmem>> -> memref<125x40xf32, #tpu.memory_space<vmem>>
        %dma_start3A_836 = arith.constant 0 : i32
        %dma_start3A_837 = tpu.memref_slice %arg7[%add3A_673, %dma_start3A_836] : memref<80x125xi32, #tpu.memory_space<vmem>> -> memref<1x125xi32, #tpu.memory_space<vmem>>
        %dma_start3A_838 = tpu.memref_squeeze %dma_start3A_837 : memref<1x125xi32, #tpu.memory_space<vmem>> -> memref<125xi32, #tpu.memory_space<vmem>>
        %dma_start3A_839 = arith.constant 0 : i32
        %dma_start3A_840 = arith.constant 0 : i32
        %dma_start3A_841 = tpu.memref_slice %arg2[%dma_start3A_839, %dma_start3A_840] : memref<10000x40xf32, #tpu.memory_space<hbm>> -> memref<10000x40xf32, #tpu.memory_space<hbm>>
        tpu.enqueue_indirect_dma source(%dma_start3A_841 : memref<10000x40xf32, #tpu.memory_space<hbm>>) target(%dma_start3A_835 : memref<125x40xf32, #tpu.memory_space<vmem>>) offsets(%dma_start3A_838 : memref<125xi32, #tpu.memory_space<vmem>>) semaphore(%arg11 : memref<!tpu.dma_semaphore, #tpu.memory_space<semaphore_mem>>)
      } else {
      }
      %add3A_679 = arith.constant 12 : i32
      %add3A_680 = arith.addi %mul3A_227, %add3A_679 : i32
      %dma_wait3A_681 = arith.constant 12 : i32
      %dma_wait3A_682 = arith.constant 0 : i32
      %dma_wait3A_683 = arith.constant 0 : i32
      %dma_wait3A_684 = tpu.memref_slice %arg9[%dma_wait3A_681, %dma_wait3A_682, %dma_wait3A_683] : memref<16x125x40xf32, #tpu.memory_space<vmem>> -> memref<1x125x40xf32, #tpu.memory_space<vmem>>
      %dma_wait3A_685 = tpu.memref_squeeze %dma_wait3A_684 : memref<1x125x40xf32, #tpu.memory_space<vmem>> -> memref<125x40xf32, #tpu.memory_space<vmem>>
      %dma_wait3A_686 = arith.constant 0 : i32
      %dma_wait3A_687 = tpu.memref_slice %arg7[%add3A_680, %dma_wait3A_686] : memref<80x125xi32, #tpu.memory_space<vmem>> -> memref<1x125xi32, #tpu.memory_space<vmem>>
      %dma_wait3A_688 = tpu.memref_squeeze %dma_wait3A_687 : memref<1x125xi32, #tpu.memory_space<vmem>> -> memref<125xi32, #tpu.memory_space<vmem>>
      %dma_wait3A_689 = arith.constant 0 : i32
      %dma_wait3A_690 = arith.constant 0 : i32
      %dma_wait3A_691 = tpu.memref_slice %arg2[%dma_wait3A_689, %dma_wait3A_690] : memref<10000x40xf32, #tpu.memory_space<hbm>> -> memref<10000x40xf32, #tpu.memory_space<hbm>>
      tpu.wait_indirect_dma semaphore(%arg11 : memref<!tpu.dma_semaphore, #tpu.memory_space<semaphore_mem>>) src(%dma_wait3A_691 : memref<10000x40xf32, #tpu.memory_space<hbm>>) dst(%dma_wait3A_685 : memref<125x40xf32, #tpu.memory_space<vmem>>)
      %dma_start3A_692 = arith.constant 12 : i32
      %dma_start3A_693 = arith.constant 0 : i32
      %dma_start3A_694 = arith.constant 0 : i32
      %dma_start3A_695 = tpu.memref_slice %arg9[%dma_start3A_692, %dma_start3A_693, %dma_start3A_694] : memref<16x125x40xf32, #tpu.memory_space<vmem>> -> memref<1x125x40xf32, #tpu.memory_space<vmem>>
      %dma_start3A_696 = tpu.memref_squeeze %dma_start3A_695 : memref<1x125x40xf32, #tpu.memory_space<vmem>> -> memref<125x40xf32, #tpu.memory_space<vmem>>
      %dma_start3A_697 = arith.constant 0 : i32
      %dma_start3A_698 = tpu.memref_slice %arg8[%add3A_680, %dma_start3A_697] : memref<80x125xi32, #tpu.memory_space<vmem>> -> memref<1x125xi32, #tpu.memory_space<vmem>>
      %dma_start3A_699 = tpu.memref_squeeze %dma_start3A_698 : memref<1x125xi32, #tpu.memory_space<vmem>> -> memref<125xi32, #tpu.memory_space<vmem>>
      %dma_start3A_700 = arith.constant 0 : i32
      %dma_start3A_701 = arith.constant 0 : i32
      %dma_start3A_702 = tpu.memref_slice %arg10[%dma_start3A_700, %dma_start3A_701] : memref<10240x40xf32, #tpu.memory_space<vmem_shared>> -> memref<10240x40xf32, #tpu.memory_space<vmem_shared>>
      tpu.enqueue_indirect_dma source(%dma_start3A_696 : memref<125x40xf32, #tpu.memory_space<vmem>>) target(%dma_start3A_702 : memref<10240x40xf32, #tpu.memory_space<vmem_shared>>) offsets(%dma_start3A_699 : memref<125xi32, #tpu.memory_space<vmem>>) semaphore(%arg12 : memref<!tpu.dma_semaphore, #tpu.memory_space<semaphore_mem>>) {add = true}
      %sub3A_703 = arith.constant 8 : i32
      %sub3A_704 = arith.subi %add3A_680, %sub3A_703 : i32
      %ge3A_705 = arith.constant 0 : i32
      %ge3A_706 = arith.cmpi sge, %sub3A_704, %ge3A_705 : i32
      %convert_element_type3A_707 = arith.extui %ge3A_706 : i1 to i32
      %cond3A_708 = arith.constant 0 : i32
      %cond3A_709 = arith.cmpi ne, %convert_element_type3A_707, %cond3A_708 : i32
      scf.if %cond3A_709 {
        %dma_wait3A_831 = arith.constant 4 : i32
        %dma_wait3A_832 = arith.constant 0 : i32
        %dma_wait3A_833 = arith.constant 0 : i32
        %dma_wait3A_834 = tpu.memref_slice %arg9[%dma_wait3A_831, %dma_wait3A_832, %dma_wait3A_833] : memref<16x125x40xf32, #tpu.memory_space<vmem>> -> memref<1x125x40xf32, #tpu.memory_space<vmem>>
        %dma_wait3A_835 = tpu.memref_squeeze %dma_wait3A_834 : memref<1x125x40xf32, #tpu.memory_space<vmem>> -> memref<125x40xf32, #tpu.memory_space<vmem>>
        %dma_wait3A_836 = arith.constant 0 : i32
        %dma_wait3A_837 = tpu.memref_slice %arg8[%sub3A_704, %dma_wait3A_836] : memref<80x125xi32, #tpu.memory_space<vmem>> -> memref<1x125xi32, #tpu.memory_space<vmem>>
        %dma_wait3A_838 = tpu.memref_squeeze %dma_wait3A_837 : memref<1x125xi32, #tpu.memory_space<vmem>> -> memref<125xi32, #tpu.memory_space<vmem>>
        %dma_wait3A_839 = arith.constant 0 : i32
        %dma_wait3A_840 = arith.constant 0 : i32
        %dma_wait3A_841 = tpu.memref_slice %arg10[%dma_wait3A_839, %dma_wait3A_840] : memref<10240x40xf32, #tpu.memory_space<vmem_shared>> -> memref<10240x40xf32, #tpu.memory_space<vmem_shared>>
        tpu.wait_indirect_dma semaphore(%arg12 : memref<!tpu.dma_semaphore, #tpu.memory_space<semaphore_mem>>) src(%dma_wait3A_835 : memref<125x40xf32, #tpu.memory_space<vmem>>) dst(%dma_wait3A_841 : memref<10240x40xf32, #tpu.memory_space<vmem_shared>>)
      } else {
      }
      %add3A_710 = arith.constant 8 : i32
      %add3A_711 = arith.addi %add3A_680, %add3A_710 : i32
      %lt3A_712 = arith.constant 80 : i32
      %lt3A_713 = arith.cmpi slt, %add3A_711, %lt3A_712 : i32
      %convert_element_type3A_714 = arith.extui %lt3A_713 : i1 to i32
      %cond3A_715 = arith.constant 0 : i32
      %cond3A_716 = arith.cmpi ne, %convert_element_type3A_714, %cond3A_715 : i32
      scf.if %cond3A_716 {
        %dma_start3A_831 = arith.constant 4 : i32
        %dma_start3A_832 = arith.constant 0 : i32
        %dma_start3A_833 = arith.constant 0 : i32
        %dma_start3A_834 = tpu.memref_slice %arg9[%dma_start3A_831, %dma_start3A_832, %dma_start3A_833] : memref<16x125x40xf32, #tpu.memory_space<vmem>> -> memref<1x125x40xf32, #tpu.memory_space<vmem>>
        %dma_start3A_835 = tpu.memref_squeeze %dma_start3A_834 : memref<1x125x40xf32, #tpu.memory_space<vmem>> -> memref<125x40xf32, #tpu.memory_space<vmem>>
        %dma_start3A_836 = arith.constant 0 : i32
        %dma_start3A_837 = tpu.memref_slice %arg7[%add3A_711, %dma_start3A_836] : memref<80x125xi32, #tpu.memory_space<vmem>> -> memref<1x125xi32, #tpu.memory_space<vmem>>
        %dma_start3A_838 = tpu.memref_squeeze %dma_start3A_837 : memref<1x125xi32, #tpu.memory_space<vmem>> -> memref<125xi32, #tpu.memory_space<vmem>>
        %dma_start3A_839 = arith.constant 0 : i32
        %dma_start3A_840 = arith.constant 0 : i32
        %dma_start3A_841 = tpu.memref_slice %arg2[%dma_start3A_839, %dma_start3A_840] : memref<10000x40xf32, #tpu.memory_space<hbm>> -> memref<10000x40xf32, #tpu.memory_space<hbm>>
        tpu.enqueue_indirect_dma source(%dma_start3A_841 : memref<10000x40xf32, #tpu.memory_space<hbm>>) target(%dma_start3A_835 : memref<125x40xf32, #tpu.memory_space<vmem>>) offsets(%dma_start3A_838 : memref<125xi32, #tpu.memory_space<vmem>>) semaphore(%arg11 : memref<!tpu.dma_semaphore, #tpu.memory_space<semaphore_mem>>)
      } else {
      }
      %add3A_717 = arith.constant 13 : i32
      %add3A_718 = arith.addi %mul3A_227, %add3A_717 : i32
      %dma_wait3A_719 = arith.constant 13 : i32
      %dma_wait3A_720 = arith.constant 0 : i32
      %dma_wait3A_721 = arith.constant 0 : i32
      %dma_wait3A_722 = tpu.memref_slice %arg9[%dma_wait3A_719, %dma_wait3A_720, %dma_wait3A_721] : memref<16x125x40xf32, #tpu.memory_space<vmem>> -> memref<1x125x40xf32, #tpu.memory_space<vmem>>
      %dma_wait3A_723 = tpu.memref_squeeze %dma_wait3A_722 : memref<1x125x40xf32, #tpu.memory_space<vmem>> -> memref<125x40xf32, #tpu.memory_space<vmem>>
      %dma_wait3A_724 = arith.constant 0 : i32
      %dma_wait3A_725 = tpu.memref_slice %arg7[%add3A_718, %dma_wait3A_724] : memref<80x125xi32, #tpu.memory_space<vmem>> -> memref<1x125xi32, #tpu.memory_space<vmem>>
      %dma_wait3A_726 = tpu.memref_squeeze %dma_wait3A_725 : memref<1x125xi32, #tpu.memory_space<vmem>> -> memref<125xi32, #tpu.memory_space<vmem>>
      %dma_wait3A_727 = arith.constant 0 : i32
      %dma_wait3A_728 = arith.constant 0 : i32
      %dma_wait3A_729 = tpu.memref_slice %arg2[%dma_wait3A_727, %dma_wait3A_728] : memref<10000x40xf32, #tpu.memory_space<hbm>> -> memref<10000x40xf32, #tpu.memory_space<hbm>>
      tpu.wait_indirect_dma semaphore(%arg11 : memref<!tpu.dma_semaphore, #tpu.memory_space<semaphore_mem>>) src(%dma_wait3A_729 : memref<10000x40xf32, #tpu.memory_space<hbm>>) dst(%dma_wait3A_723 : memref<125x40xf32, #tpu.memory_space<vmem>>)
      %dma_start3A_730 = arith.constant 13 : i32
      %dma_start3A_731 = arith.constant 0 : i32
      %dma_start3A_732 = arith.constant 0 : i32
      %dma_start3A_733 = tpu.memref_slice %arg9[%dma_start3A_730, %dma_start3A_731, %dma_start3A_732] : memref<16x125x40xf32, #tpu.memory_space<vmem>> -> memref<1x125x40xf32, #tpu.memory_space<vmem>>
      %dma_start3A_734 = tpu.memref_squeeze %dma_start3A_733 : memref<1x125x40xf32, #tpu.memory_space<vmem>> -> memref<125x40xf32, #tpu.memory_space<vmem>>
      %dma_start3A_735 = arith.constant 0 : i32
      %dma_start3A_736 = tpu.memref_slice %arg8[%add3A_718, %dma_start3A_735] : memref<80x125xi32, #tpu.memory_space<vmem>> -> memref<1x125xi32, #tpu.memory_space<vmem>>
      %dma_start3A_737 = tpu.memref_squeeze %dma_start3A_736 : memref<1x125xi32, #tpu.memory_space<vmem>> -> memref<125xi32, #tpu.memory_space<vmem>>
      %dma_start3A_738 = arith.constant 0 : i32
      %dma_start3A_739 = arith.constant 0 : i32
      %dma_start3A_740 = tpu.memref_slice %arg10[%dma_start3A_738, %dma_start3A_739] : memref<10240x40xf32, #tpu.memory_space<vmem_shared>> -> memref<10240x40xf32, #tpu.memory_space<vmem_shared>>
      tpu.enqueue_indirect_dma source(%dma_start3A_734 : memref<125x40xf32, #tpu.memory_space<vmem>>) target(%dma_start3A_740 : memref<10240x40xf32, #tpu.memory_space<vmem_shared>>) offsets(%dma_start3A_737 : memref<125xi32, #tpu.memory_space<vmem>>) semaphore(%arg12 : memref<!tpu.dma_semaphore, #tpu.memory_space<semaphore_mem>>) {add = true}
      %sub3A_741 = arith.constant 8 : i32
      %sub3A_742 = arith.subi %add3A_718, %sub3A_741 : i32
      %ge3A_743 = arith.constant 0 : i32
      %ge3A_744 = arith.cmpi sge, %sub3A_742, %ge3A_743 : i32
      %convert_element_type3A_745 = arith.extui %ge3A_744 : i1 to i32
      %cond3A_746 = arith.constant 0 : i32
      %cond3A_747 = arith.cmpi ne, %convert_element_type3A_745, %cond3A_746 : i32
      scf.if %cond3A_747 {
        %dma_wait3A_831 = arith.constant 5 : i32
        %dma_wait3A_832 = arith.constant 0 : i32
        %dma_wait3A_833 = arith.constant 0 : i32
        %dma_wait3A_834 = tpu.memref_slice %arg9[%dma_wait3A_831, %dma_wait3A_832, %dma_wait3A_833] : memref<16x125x40xf32, #tpu.memory_space<vmem>> -> memref<1x125x40xf32, #tpu.memory_space<vmem>>
        %dma_wait3A_835 = tpu.memref_squeeze %dma_wait3A_834 : memref<1x125x40xf32, #tpu.memory_space<vmem>> -> memref<125x40xf32, #tpu.memory_space<vmem>>
        %dma_wait3A_836 = arith.constant 0 : i32
        %dma_wait3A_837 = tpu.memref_slice %arg8[%sub3A_742, %dma_wait3A_836] : memref<80x125xi32, #tpu.memory_space<vmem>> -> memref<1x125xi32, #tpu.memory_space<vmem>>
        %dma_wait3A_838 = tpu.memref_squeeze %dma_wait3A_837 : memref<1x125xi32, #tpu.memory_space<vmem>> -> memref<125xi32, #tpu.memory_space<vmem>>
        %dma_wait3A_839 = arith.constant 0 : i32
        %dma_wait3A_840 = arith.constant 0 : i32
        %dma_wait3A_841 = tpu.memref_slice %arg10[%dma_wait3A_839, %dma_wait3A_840] : memref<10240x40xf32, #tpu.memory_space<vmem_shared>> -> memref<10240x40xf32, #tpu.memory_space<vmem_shared>>
        tpu.wait_indirect_dma semaphore(%arg12 : memref<!tpu.dma_semaphore, #tpu.memory_space<semaphore_mem>>) src(%dma_wait3A_835 : memref<125x40xf32, #tpu.memory_space<vmem>>) dst(%dma_wait3A_841 : memref<10240x40xf32, #tpu.memory_space<vmem_shared>>)
      } else {
      }
      %add3A_748 = arith.constant 8 : i32
      %add3A_749 = arith.addi %add3A_718, %add3A_748 : i32
      %lt3A_750 = arith.constant 80 : i32
      %lt3A_751 = arith.cmpi slt, %add3A_749, %lt3A_750 : i32
      %convert_element_type3A_752 = arith.extui %lt3A_751 : i1 to i32
      %cond3A_753 = arith.constant 0 : i32
      %cond3A_754 = arith.cmpi ne, %convert_element_type3A_752, %cond3A_753 : i32
      scf.if %cond3A_754 {
        %dma_start3A_831 = arith.constant 5 : i32
        %dma_start3A_832 = arith.constant 0 : i32
        %dma_start3A_833 = arith.constant 0 : i32
        %dma_start3A_834 = tpu.memref_slice %arg9[%dma_start3A_831, %dma_start3A_832, %dma_start3A_833] : memref<16x125x40xf32, #tpu.memory_space<vmem>> -> memref<1x125x40xf32, #tpu.memory_space<vmem>>
        %dma_start3A_835 = tpu.memref_squeeze %dma_start3A_834 : memref<1x125x40xf32, #tpu.memory_space<vmem>> -> memref<125x40xf32, #tpu.memory_space<vmem>>
        %dma_start3A_836 = arith.constant 0 : i32
        %dma_start3A_837 = tpu.memref_slice %arg7[%add3A_749, %dma_start3A_836] : memref<80x125xi32, #tpu.memory_space<vmem>> -> memref<1x125xi32, #tpu.memory_space<vmem>>
        %dma_start3A_838 = tpu.memref_squeeze %dma_start3A_837 : memref<1x125xi32, #tpu.memory_space<vmem>> -> memref<125xi32, #tpu.memory_space<vmem>>
        %dma_start3A_839 = arith.constant 0 : i32
        %dma_start3A_840 = arith.constant 0 : i32
        %dma_start3A_841 = tpu.memref_slice %arg2[%dma_start3A_839, %dma_start3A_840] : memref<10000x40xf32, #tpu.memory_space<hbm>> -> memref<10000x40xf32, #tpu.memory_space<hbm>>
        tpu.enqueue_indirect_dma source(%dma_start3A_841 : memref<10000x40xf32, #tpu.memory_space<hbm>>) target(%dma_start3A_835 : memref<125x40xf32, #tpu.memory_space<vmem>>) offsets(%dma_start3A_838 : memref<125xi32, #tpu.memory_space<vmem>>) semaphore(%arg11 : memref<!tpu.dma_semaphore, #tpu.memory_space<semaphore_mem>>)
      } else {
      }
      %add3A_755 = arith.constant 14 : i32
      %add3A_756 = arith.addi %mul3A_227, %add3A_755 : i32
      %dma_wait3A_757 = arith.constant 14 : i32
      %dma_wait3A_758 = arith.constant 0 : i32
      %dma_wait3A_759 = arith.constant 0 : i32
      %dma_wait3A_760 = tpu.memref_slice %arg9[%dma_wait3A_757, %dma_wait3A_758, %dma_wait3A_759] : memref<16x125x40xf32, #tpu.memory_space<vmem>> -> memref<1x125x40xf32, #tpu.memory_space<vmem>>
      %dma_wait3A_761 = tpu.memref_squeeze %dma_wait3A_760 : memref<1x125x40xf32, #tpu.memory_space<vmem>> -> memref<125x40xf32, #tpu.memory_space<vmem>>
      %dma_wait3A_762 = arith.constant 0 : i32
      %dma_wait3A_763 = tpu.memref_slice %arg7[%add3A_756, %dma_wait3A_762] : memref<80x125xi32, #tpu.memory_space<vmem>> -> memref<1x125xi32, #tpu.memory_space<vmem>>
      %dma_wait3A_764 = tpu.memref_squeeze %dma_wait3A_763 : memref<1x125xi32, #tpu.memory_space<vmem>> -> memref<125xi32, #tpu.memory_space<vmem>>
      %dma_wait3A_765 = arith.constant 0 : i32
      %dma_wait3A_766 = arith.constant 0 : i32
      %dma_wait3A_767 = tpu.memref_slice %arg2[%dma_wait3A_765, %dma_wait3A_766] : memref<10000x40xf32, #tpu.memory_space<hbm>> -> memref<10000x40xf32, #tpu.memory_space<hbm>>
      tpu.wait_indirect_dma semaphore(%arg11 : memref<!tpu.dma_semaphore, #tpu.memory_space<semaphore_mem>>) src(%dma_wait3A_767 : memref<10000x40xf32, #tpu.memory_space<hbm>>) dst(%dma_wait3A_761 : memref<125x40xf32, #tpu.memory_space<vmem>>)
      %dma_start3A_768 = arith.constant 14 : i32
      %dma_start3A_769 = arith.constant 0 : i32
      %dma_start3A_770 = arith.constant 0 : i32
      %dma_start3A_771 = tpu.memref_slice %arg9[%dma_start3A_768, %dma_start3A_769, %dma_start3A_770] : memref<16x125x40xf32, #tpu.memory_space<vmem>> -> memref<1x125x40xf32, #tpu.memory_space<vmem>>
      %dma_start3A_772 = tpu.memref_squeeze %dma_start3A_771 : memref<1x125x40xf32, #tpu.memory_space<vmem>> -> memref<125x40xf32, #tpu.memory_space<vmem>>
      %dma_start3A_773 = arith.constant 0 : i32
      %dma_start3A_774 = tpu.memref_slice %arg8[%add3A_756, %dma_start3A_773] : memref<80x125xi32, #tpu.memory_space<vmem>> -> memref<1x125xi32, #tpu.memory_space<vmem>>
      %dma_start3A_775 = tpu.memref_squeeze %dma_start3A_774 : memref<1x125xi32, #tpu.memory_space<vmem>> -> memref<125xi32, #tpu.memory_space<vmem>>
      %dma_start3A_776 = arith.constant 0 : i32
      %dma_start3A_777 = arith.constant 0 : i32
      %dma_start3A_778 = tpu.memref_slice %arg10[%dma_start3A_776, %dma_start3A_777] : memref<10240x40xf32, #tpu.memory_space<vmem_shared>> -> memref<10240x40xf32, #tpu.memory_space<vmem_shared>>
      tpu.enqueue_indirect_dma source(%dma_start3A_772 : memref<125x40xf32, #tpu.memory_space<vmem>>) target(%dma_start3A_778 : memref<10240x40xf32, #tpu.memory_space<vmem_shared>>) offsets(%dma_start3A_775 : memref<125xi32, #tpu.memory_space<vmem>>) semaphore(%arg12 : memref<!tpu.dma_semaphore, #tpu.memory_space<semaphore_mem>>) {add = true}
      %sub3A_779 = arith.constant 8 : i32
      %sub3A_780 = arith.subi %add3A_756, %sub3A_779 : i32
      %ge3A_781 = arith.constant 0 : i32
      %ge3A_782 = arith.cmpi sge, %sub3A_780, %ge3A_781 : i32
      %convert_element_type3A_783 = arith.extui %ge3A_782 : i1 to i32
      %cond3A_784 = arith.constant 0 : i32
      %cond3A_785 = arith.cmpi ne, %convert_element_type3A_783, %cond3A_784 : i32
      scf.if %cond3A_785 {
        %dma_wait3A_831 = arith.constant 6 : i32
        %dma_wait3A_832 = arith.constant 0 : i32
        %dma_wait3A_833 = arith.constant 0 : i32
        %dma_wait3A_834 = tpu.memref_slice %arg9[%dma_wait3A_831, %dma_wait3A_832, %dma_wait3A_833] : memref<16x125x40xf32, #tpu.memory_space<vmem>> -> memref<1x125x40xf32, #tpu.memory_space<vmem>>
        %dma_wait3A_835 = tpu.memref_squeeze %dma_wait3A_834 : memref<1x125x40xf32, #tpu.memory_space<vmem>> -> memref<125x40xf32, #tpu.memory_space<vmem>>
        %dma_wait3A_836 = arith.constant 0 : i32
        %dma_wait3A_837 = tpu.memref_slice %arg8[%sub3A_780, %dma_wait3A_836] : memref<80x125xi32, #tpu.memory_space<vmem>> -> memref<1x125xi32, #tpu.memory_space<vmem>>
        %dma_wait3A_838 = tpu.memref_squeeze %dma_wait3A_837 : memref<1x125xi32, #tpu.memory_space<vmem>> -> memref<125xi32, #tpu.memory_space<vmem>>
        %dma_wait3A_839 = arith.constant 0 : i32
        %dma_wait3A_840 = arith.constant 0 : i32
        %dma_wait3A_841 = tpu.memref_slice %arg10[%dma_wait3A_839, %dma_wait3A_840] : memref<10240x40xf32, #tpu.memory_space<vmem_shared>> -> memref<10240x40xf32, #tpu.memory_space<vmem_shared>>
        tpu.wait_indirect_dma semaphore(%arg12 : memref<!tpu.dma_semaphore, #tpu.memory_space<semaphore_mem>>) src(%dma_wait3A_835 : memref<125x40xf32, #tpu.memory_space<vmem>>) dst(%dma_wait3A_841 : memref<10240x40xf32, #tpu.memory_space<vmem_shared>>)
      } else {
      }
      %add3A_786 = arith.constant 8 : i32
      %add3A_787 = arith.addi %add3A_756, %add3A_786 : i32
      %lt3A_788 = arith.constant 80 : i32
      %lt3A_789 = arith.cmpi slt, %add3A_787, %lt3A_788 : i32
      %convert_element_type3A_790 = arith.extui %lt3A_789 : i1 to i32
      %cond3A_791 = arith.constant 0 : i32
      %cond3A_792 = arith.cmpi ne, %convert_element_type3A_790, %cond3A_791 : i32
      scf.if %cond3A_792 {
        %dma_start3A_831 = arith.constant 6 : i32
        %dma_start3A_832 = arith.constant 0 : i32
        %dma_start3A_833 = arith.constant 0 : i32
        %dma_start3A_834 = tpu.memref_slice %arg9[%dma_start3A_831, %dma_start3A_832, %dma_start3A_833] : memref<16x125x40xf32, #tpu.memory_space<vmem>> -> memref<1x125x40xf32, #tpu.memory_space<vmem>>
        %dma_start3A_835 = tpu.memref_squeeze %dma_start3A_834 : memref<1x125x40xf32, #tpu.memory_space<vmem>> -> memref<125x40xf32, #tpu.memory_space<vmem>>
        %dma_start3A_836 = arith.constant 0 : i32
        %dma_start3A_837 = tpu.memref_slice %arg7[%add3A_787, %dma_start3A_836] : memref<80x125xi32, #tpu.memory_space<vmem>> -> memref<1x125xi32, #tpu.memory_space<vmem>>
        %dma_start3A_838 = tpu.memref_squeeze %dma_start3A_837 : memref<1x125xi32, #tpu.memory_space<vmem>> -> memref<125xi32, #tpu.memory_space<vmem>>
        %dma_start3A_839 = arith.constant 0 : i32
        %dma_start3A_840 = arith.constant 0 : i32
        %dma_start3A_841 = tpu.memref_slice %arg2[%dma_start3A_839, %dma_start3A_840] : memref<10000x40xf32, #tpu.memory_space<hbm>> -> memref<10000x40xf32, #tpu.memory_space<hbm>>
        tpu.enqueue_indirect_dma source(%dma_start3A_841 : memref<10000x40xf32, #tpu.memory_space<hbm>>) target(%dma_start3A_835 : memref<125x40xf32, #tpu.memory_space<vmem>>) offsets(%dma_start3A_838 : memref<125xi32, #tpu.memory_space<vmem>>) semaphore(%arg11 : memref<!tpu.dma_semaphore, #tpu.memory_space<semaphore_mem>>)
      } else {
      }
      %add3A_793 = arith.constant 15 : i32
      %add3A_794 = arith.addi %mul3A_227, %add3A_793 : i32
      %dma_wait3A_795 = arith.constant 15 : i32
      %dma_wait3A_796 = arith.constant 0 : i32
      %dma_wait3A_797 = arith.constant 0 : i32
      %dma_wait3A_798 = tpu.memref_slice %arg9[%dma_wait3A_795, %dma_wait3A_796, %dma_wait3A_797] : memref<16x125x40xf32, #tpu.memory_space<vmem>> -> memref<1x125x40xf32, #tpu.memory_space<vmem>>
      %dma_wait3A_799 = tpu.memref_squeeze %dma_wait3A_798 : memref<1x125x40xf32, #tpu.memory_space<vmem>> -> memref<125x40xf32, #tpu.memory_space<vmem>>
      %dma_wait3A_800 = arith.constant 0 : i32
      %dma_wait3A_801 = tpu.memref_slice %arg7[%add3A_794, %dma_wait3A_800] : memref<80x125xi32, #tpu.memory_space<vmem>> -> memref<1x125xi32, #tpu.memory_space<vmem>>
      %dma_wait3A_802 = tpu.memref_squeeze %dma_wait3A_801 : memref<1x125xi32, #tpu.memory_space<vmem>> -> memref<125xi32, #tpu.memory_space<vmem>>
      %dma_wait3A_803 = arith.constant 0 : i32
      %dma_wait3A_804 = arith.constant 0 : i32
      %dma_wait3A_805 = tpu.memref_slice %arg2[%dma_wait3A_803, %dma_wait3A_804] : memref<10000x40xf32, #tpu.memory_space<hbm>> -> memref<10000x40xf32, #tpu.memory_space<hbm>>
      tpu.wait_indirect_dma semaphore(%arg11 : memref<!tpu.dma_semaphore, #tpu.memory_space<semaphore_mem>>) src(%dma_wait3A_805 : memref<10000x40xf32, #tpu.memory_space<hbm>>) dst(%dma_wait3A_799 : memref<125x40xf32, #tpu.memory_space<vmem>>)
      %dma_start3A_806 = arith.constant 15 : i32
      %dma_start3A_807 = arith.constant 0 : i32
      %dma_start3A_808 = arith.constant 0 : i32
      %dma_start3A_809 = tpu.memref_slice %arg9[%dma_start3A_806, %dma_start3A_807, %dma_start3A_808] : memref<16x125x40xf32, #tpu.memory_space<vmem>> -> memref<1x125x40xf32, #tpu.memory_space<vmem>>
      %dma_start3A_810 = tpu.memref_squeeze %dma_start3A_809 : memref<1x125x40xf32, #tpu.memory_space<vmem>> -> memref<125x40xf32, #tpu.memory_space<vmem>>
      %dma_start3A_811 = arith.constant 0 : i32
      %dma_start3A_812 = tpu.memref_slice %arg8[%add3A_794, %dma_start3A_811] : memref<80x125xi32, #tpu.memory_space<vmem>> -> memref<1x125xi32, #tpu.memory_space<vmem>>
      %dma_start3A_813 = tpu.memref_squeeze %dma_start3A_812 : memref<1x125xi32, #tpu.memory_space<vmem>> -> memref<125xi32, #tpu.memory_space<vmem>>
      %dma_start3A_814 = arith.constant 0 : i32
      %dma_start3A_815 = arith.constant 0 : i32
      %dma_start3A_816 = tpu.memref_slice %arg10[%dma_start3A_814, %dma_start3A_815] : memref<10240x40xf32, #tpu.memory_space<vmem_shared>> -> memref<10240x40xf32, #tpu.memory_space<vmem_shared>>
      tpu.enqueue_indirect_dma source(%dma_start3A_810 : memref<125x40xf32, #tpu.memory_space<vmem>>) target(%dma_start3A_816 : memref<10240x40xf32, #tpu.memory_space<vmem_shared>>) offsets(%dma_start3A_813 : memref<125xi32, #tpu.memory_space<vmem>>) semaphore(%arg12 : memref<!tpu.dma_semaphore, #tpu.memory_space<semaphore_mem>>) {add = true}
      %sub3A_817 = arith.constant 8 : i32
      %sub3A_818 = arith.subi %add3A_794, %sub3A_817 : i32
      %ge3A_819 = arith.constant 0 : i32
      %ge3A_820 = arith.cmpi sge, %sub3A_818, %ge3A_819 : i32
      %convert_element_type3A_821 = arith.extui %ge3A_820 : i1 to i32
      %cond3A_822 = arith.constant 0 : i32
      %cond3A_823 = arith.cmpi ne, %convert_element_type3A_821, %cond3A_822 : i32
      scf.if %cond3A_823 {
        %dma_wait3A_831 = arith.constant 7 : i32
        %dma_wait3A_832 = arith.constant 0 : i32
        %dma_wait3A_833 = arith.constant 0 : i32
        %dma_wait3A_834 = tpu.memref_slice %arg9[%dma_wait3A_831, %dma_wait3A_832, %dma_wait3A_833] : memref<16x125x40xf32, #tpu.memory_space<vmem>> -> memref<1x125x40xf32, #tpu.memory_space<vmem>>
        %dma_wait3A_835 = tpu.memref_squeeze %dma_wait3A_834 : memref<1x125x40xf32, #tpu.memory_space<vmem>> -> memref<125x40xf32, #tpu.memory_space<vmem>>
        %dma_wait3A_836 = arith.constant 0 : i32
        %dma_wait3A_837 = tpu.memref_slice %arg8[%sub3A_818, %dma_wait3A_836] : memref<80x125xi32, #tpu.memory_space<vmem>> -> memref<1x125xi32, #tpu.memory_space<vmem>>
        %dma_wait3A_838 = tpu.memref_squeeze %dma_wait3A_837 : memref<1x125xi32, #tpu.memory_space<vmem>> -> memref<125xi32, #tpu.memory_space<vmem>>
        %dma_wait3A_839 = arith.constant 0 : i32
        %dma_wait3A_840 = arith.constant 0 : i32
        %dma_wait3A_841 = tpu.memref_slice %arg10[%dma_wait3A_839, %dma_wait3A_840] : memref<10240x40xf32, #tpu.memory_space<vmem_shared>> -> memref<10240x40xf32, #tpu.memory_space<vmem_shared>>
        tpu.wait_indirect_dma semaphore(%arg12 : memref<!tpu.dma_semaphore, #tpu.memory_space<semaphore_mem>>) src(%dma_wait3A_835 : memref<125x40xf32, #tpu.memory_space<vmem>>) dst(%dma_wait3A_841 : memref<10240x40xf32, #tpu.memory_space<vmem_shared>>)
      } else {
      }
      %add3A_824 = arith.constant 8 : i32
      %add3A_825 = arith.addi %add3A_794, %add3A_824 : i32
      %lt3A_826 = arith.constant 80 : i32
      %lt3A_827 = arith.cmpi slt, %add3A_825, %lt3A_826 : i32
      %convert_element_type3A_828 = arith.extui %lt3A_827 : i1 to i32
      %cond3A_829 = arith.constant 0 : i32
      %cond3A_830 = arith.cmpi ne, %convert_element_type3A_828, %cond3A_829 : i32
      scf.if %cond3A_830 {
        %dma_start3A_831 = arith.constant 7 : i32
        %dma_start3A_832 = arith.constant 0 : i32
        %dma_start3A_833 = arith.constant 0 : i32
        %dma_start3A_834 = tpu.memref_slice %arg9[%dma_start3A_831, %dma_start3A_832, %dma_start3A_833] : memref<16x125x40xf32, #tpu.memory_space<vmem>> -> memref<1x125x40xf32, #tpu.memory_space<vmem>>
        %dma_start3A_835 = tpu.memref_squeeze %dma_start3A_834 : memref<1x125x40xf32, #tpu.memory_space<vmem>> -> memref<125x40xf32, #tpu.memory_space<vmem>>
        %dma_start3A_836 = arith.constant 0 : i32
        %dma_start3A_837 = tpu.memref_slice %arg7[%add3A_825, %dma_start3A_836] : memref<80x125xi32, #tpu.memory_space<vmem>> -> memref<1x125xi32, #tpu.memory_space<vmem>>
        %dma_start3A_838 = tpu.memref_squeeze %dma_start3A_837 : memref<1x125xi32, #tpu.memory_space<vmem>> -> memref<125xi32, #tpu.memory_space<vmem>>
        %dma_start3A_839 = arith.constant 0 : i32
        %dma_start3A_840 = arith.constant 0 : i32
        %dma_start3A_841 = tpu.memref_slice %arg2[%dma_start3A_839, %dma_start3A_840] : memref<10000x40xf32, #tpu.memory_space<hbm>> -> memref<10000x40xf32, #tpu.memory_space<hbm>>
        tpu.enqueue_indirect_dma source(%dma_start3A_841 : memref<10000x40xf32, #tpu.memory_space<hbm>>) target(%dma_start3A_835 : memref<125x40xf32, #tpu.memory_space<vmem>>) offsets(%dma_start3A_838 : memref<125xi32, #tpu.memory_space<vmem>>) semaphore(%arg11 : memref<!tpu.dma_semaphore, #tpu.memory_space<semaphore_mem>>)
      } else {
      }
    }
    %scan3A_123 = arith.constant 5 : i32
    %dma_wait3A_124 = arith.constant 8 : i32
    %dma_wait3A_125 = arith.constant 72 : i32
    %dma_wait3A_126 = arith.constant 0 : i32
    %dma_wait3A_127 = arith.constant 0 : i32
    %dma_wait3A_128 = tpu.memref_slice %arg9[%dma_wait3A_124, %dma_wait3A_126, %dma_wait3A_127] : memref<16x125x40xf32, #tpu.memory_space<vmem>> -> memref<1x125x40xf32, #tpu.memory_space<vmem>>
    %dma_wait3A_129 = tpu.memref_squeeze %dma_wait3A_128 : memref<1x125x40xf32, #tpu.memory_space<vmem>> -> memref<125x40xf32, #tpu.memory_space<vmem>>
    %dma_wait3A_130 = arith.constant 0 : i32
    %dma_wait3A_131 = tpu.memref_slice %arg8[%dma_wait3A_125, %dma_wait3A_130] : memref<80x125xi32, #tpu.memory_space<vmem>> -> memref<1x125xi32, #tpu.memory_space<vmem>>
    %dma_wait3A_132 = tpu.memref_squeeze %dma_wait3A_131 : memref<1x125xi32, #tpu.memory_space<vmem>> -> memref<125xi32, #tpu.memory_space<vmem>>
    %dma_wait3A_133 = arith.constant 0 : i32
    %dma_wait3A_134 = arith.constant 0 : i32
    %dma_wait3A_135 = tpu.memref_slice %arg10[%dma_wait3A_133, %dma_wait3A_134] : memref<10240x40xf32, #tpu.memory_space<vmem_shared>> -> memref<10240x40xf32, #tpu.memory_space<vmem_shared>>
    tpu.wait_indirect_dma semaphore(%arg12 : memref<!tpu.dma_semaphore, #tpu.memory_space<semaphore_mem>>) src(%dma_wait3A_129 : memref<125x40xf32, #tpu.memory_space<vmem>>) dst(%dma_wait3A_135 : memref<10240x40xf32, #tpu.memory_space<vmem_shared>>)
    %dma_wait3A_136 = arith.constant 9 : i32
    %dma_wait3A_137 = arith.constant 73 : i32
    %dma_wait3A_138 = arith.constant 0 : i32
    %dma_wait3A_139 = arith.constant 0 : i32
    %dma_wait3A_140 = tpu.memref_slice %arg9[%dma_wait3A_136, %dma_wait3A_138, %dma_wait3A_139] : memref<16x125x40xf32, #tpu.memory_space<vmem>> -> memref<1x125x40xf32, #tpu.memory_space<vmem>>
    %dma_wait3A_141 = tpu.memref_squeeze %dma_wait3A_140 : memref<1x125x40xf32, #tpu.memory_space<vmem>> -> memref<125x40xf32, #tpu.memory_space<vmem>>
    %dma_wait3A_142 = arith.constant 0 : i32
    %dma_wait3A_143 = tpu.memref_slice %arg8[%dma_wait3A_137, %dma_wait3A_142] : memref<80x125xi32, #tpu.memory_space<vmem>> -> memref<1x125xi32, #tpu.memory_space<vmem>>
    %dma_wait3A_144 = tpu.memref_squeeze %dma_wait3A_143 : memref<1x125xi32, #tpu.memory_space<vmem>> -> memref<125xi32, #tpu.memory_space<vmem>>
    %dma_wait3A_145 = arith.constant 0 : i32
    %dma_wait3A_146 = arith.constant 0 : i32
    %dma_wait3A_147 = tpu.memref_slice %arg10[%dma_wait3A_145, %dma_wait3A_146] : memref<10240x40xf32, #tpu.memory_space<vmem_shared>> -> memref<10240x40xf32, #tpu.memory_space<vmem_shared>>
    tpu.wait_indirect_dma semaphore(%arg12 : memref<!tpu.dma_semaphore, #tpu.memory_space<semaphore_mem>>) src(%dma_wait3A_141 : memref<125x40xf32, #tpu.memory_space<vmem>>) dst(%dma_wait3A_147 : memref<10240x40xf32, #tpu.memory_space<vmem_shared>>)
    %dma_wait3A_148 = arith.constant 10 : i32
    %dma_wait3A_149 = arith.constant 74 : i32
    %dma_wait3A_150 = arith.constant 0 : i32
    %dma_wait3A_151 = arith.constant 0 : i32
    %dma_wait3A_152 = tpu.memref_slice %arg9[%dma_wait3A_148, %dma_wait3A_150, %dma_wait3A_151] : memref<16x125x40xf32, #tpu.memory_space<vmem>> -> memref<1x125x40xf32, #tpu.memory_space<vmem>>
    %dma_wait3A_153 = tpu.memref_squeeze %dma_wait3A_152 : memref<1x125x40xf32, #tpu.memory_space<vmem>> -> memref<125x40xf32, #tpu.memory_space<vmem>>
    %dma_wait3A_154 = arith.constant 0 : i32
    %dma_wait3A_155 = tpu.memref_slice %arg8[%dma_wait3A_149, %dma_wait3A_154] : memref<80x125xi32, #tpu.memory_space<vmem>> -> memref<1x125xi32, #tpu.memory_space<vmem>>
    %dma_wait3A_156 = tpu.memref_squeeze %dma_wait3A_155 : memref<1x125xi32, #tpu.memory_space<vmem>> -> memref<125xi32, #tpu.memory_space<vmem>>
    %dma_wait3A_157 = arith.constant 0 : i32
    %dma_wait3A_158 = arith.constant 0 : i32
    %dma_wait3A_159 = tpu.memref_slice %arg10[%dma_wait3A_157, %dma_wait3A_158] : memref<10240x40xf32, #tpu.memory_space<vmem_shared>> -> memref<10240x40xf32, #tpu.memory_space<vmem_shared>>
    tpu.wait_indirect_dma semaphore(%arg12 : memref<!tpu.dma_semaphore, #tpu.memory_space<semaphore_mem>>) src(%dma_wait3A_153 : memref<125x40xf32, #tpu.memory_space<vmem>>) dst(%dma_wait3A_159 : memref<10240x40xf32, #tpu.memory_space<vmem_shared>>)
    %dma_wait3A_160 = arith.constant 11 : i32
    %dma_wait3A_161 = arith.constant 75 : i32
    %dma_wait3A_162 = arith.constant 0 : i32
    %dma_wait3A_163 = arith.constant 0 : i32
    %dma_wait3A_164 = tpu.memref_slice %arg9[%dma_wait3A_160, %dma_wait3A_162, %dma_wait3A_163] : memref<16x125x40xf32, #tpu.memory_space<vmem>> -> memref<1x125x40xf32, #tpu.memory_space<vmem>>
    %dma_wait3A_165 = tpu.memref_squeeze %dma_wait3A_164 : memref<1x125x40xf32, #tpu.memory_space<vmem>> -> memref<125x40xf32, #tpu.memory_space<vmem>>
    %dma_wait3A_166 = arith.constant 0 : i32
    %dma_wait3A_167 = tpu.memref_slice %arg8[%dma_wait3A_161, %dma_wait3A_166] : memref<80x125xi32, #tpu.memory_space<vmem>> -> memref<1x125xi32, #tpu.memory_space<vmem>>
    %dma_wait3A_168 = tpu.memref_squeeze %dma_wait3A_167 : memref<1x125xi32, #tpu.memory_space<vmem>> -> memref<125xi32, #tpu.memory_space<vmem>>
    %dma_wait3A_169 = arith.constant 0 : i32
    %dma_wait3A_170 = arith.constant 0 : i32
    %dma_wait3A_171 = tpu.memref_slice %arg10[%dma_wait3A_169, %dma_wait3A_170] : memref<10240x40xf32, #tpu.memory_space<vmem_shared>> -> memref<10240x40xf32, #tpu.memory_space<vmem_shared>>
    tpu.wait_indirect_dma semaphore(%arg12 : memref<!tpu.dma_semaphore, #tpu.memory_space<semaphore_mem>>) src(%dma_wait3A_165 : memref<125x40xf32, #tpu.memory_space<vmem>>) dst(%dma_wait3A_171 : memref<10240x40xf32, #tpu.memory_space<vmem_shared>>)
    %dma_wait3A_172 = arith.constant 12 : i32
    %dma_wait3A_173 = arith.constant 76 : i32
    %dma_wait3A_174 = arith.constant 0 : i32
    %dma_wait3A_175 = arith.constant 0 : i32
    %dma_wait3A_176 = tpu.memref_slice %arg9[%dma_wait3A_172, %dma_wait3A_174, %dma_wait3A_175] : memref<16x125x40xf32, #tpu.memory_space<vmem>> -> memref<1x125x40xf32, #tpu.memory_space<vmem>>
    %dma_wait3A_177 = tpu.memref_squeeze %dma_wait3A_176 : memref<1x125x40xf32, #tpu.memory_space<vmem>> -> memref<125x40xf32, #tpu.memory_space<vmem>>
    %dma_wait3A_178 = arith.constant 0 : i32
    %dma_wait3A_179 = tpu.memref_slice %arg8[%dma_wait3A_173, %dma_wait3A_178] : memref<80x125xi32, #tpu.memory_space<vmem>> -> memref<1x125xi32, #tpu.memory_space<vmem>>
    %dma_wait3A_180 = tpu.memref_squeeze %dma_wait3A_179 : memref<1x125xi32, #tpu.memory_space<vmem>> -> memref<125xi32, #tpu.memory_space<vmem>>
    %dma_wait3A_181 = arith.constant 0 : i32
    %dma_wait3A_182 = arith.constant 0 : i32
    %dma_wait3A_183 = tpu.memref_slice %arg10[%dma_wait3A_181, %dma_wait3A_182] : memref<10240x40xf32, #tpu.memory_space<vmem_shared>> -> memref<10240x40xf32, #tpu.memory_space<vmem_shared>>
    tpu.wait_indirect_dma semaphore(%arg12 : memref<!tpu.dma_semaphore, #tpu.memory_space<semaphore_mem>>) src(%dma_wait3A_177 : memref<125x40xf32, #tpu.memory_space<vmem>>) dst(%dma_wait3A_183 : memref<10240x40xf32, #tpu.memory_space<vmem_shared>>)
    %dma_wait3A_184 = arith.constant 13 : i32
    %dma_wait3A_185 = arith.constant 77 : i32
    %dma_wait3A_186 = arith.constant 0 : i32
    %dma_wait3A_187 = arith.constant 0 : i32
    %dma_wait3A_188 = tpu.memref_slice %arg9[%dma_wait3A_184, %dma_wait3A_186, %dma_wait3A_187] : memref<16x125x40xf32, #tpu.memory_space<vmem>> -> memref<1x125x40xf32, #tpu.memory_space<vmem>>
    %dma_wait3A_189 = tpu.memref_squeeze %dma_wait3A_188 : memref<1x125x40xf32, #tpu.memory_space<vmem>> -> memref<125x40xf32, #tpu.memory_space<vmem>>
    %dma_wait3A_190 = arith.constant 0 : i32
    %dma_wait3A_191 = tpu.memref_slice %arg8[%dma_wait3A_185, %dma_wait3A_190] : memref<80x125xi32, #tpu.memory_space<vmem>> -> memref<1x125xi32, #tpu.memory_space<vmem>>
    %dma_wait3A_192 = tpu.memref_squeeze %dma_wait3A_191 : memref<1x125xi32, #tpu.memory_space<vmem>> -> memref<125xi32, #tpu.memory_space<vmem>>
    %dma_wait3A_193 = arith.constant 0 : i32
    %dma_wait3A_194 = arith.constant 0 : i32
    %dma_wait3A_195 = tpu.memref_slice %arg10[%dma_wait3A_193, %dma_wait3A_194] : memref<10240x40xf32, #tpu.memory_space<vmem_shared>> -> memref<10240x40xf32, #tpu.memory_space<vmem_shared>>
    tpu.wait_indirect_dma semaphore(%arg12 : memref<!tpu.dma_semaphore, #tpu.memory_space<semaphore_mem>>) src(%dma_wait3A_189 : memref<125x40xf32, #tpu.memory_space<vmem>>) dst(%dma_wait3A_195 : memref<10240x40xf32, #tpu.memory_space<vmem_shared>>)
    %dma_wait3A_196 = arith.constant 14 : i32
    %dma_wait3A_197 = arith.constant 78 : i32
    %dma_wait3A_198 = arith.constant 0 : i32
    %dma_wait3A_199 = arith.constant 0 : i32
    %dma_wait3A_200 = tpu.memref_slice %arg9[%dma_wait3A_196, %dma_wait3A_198, %dma_wait3A_199] : memref<16x125x40xf32, #tpu.memory_space<vmem>> -> memref<1x125x40xf32, #tpu.memory_space<vmem>>
    %dma_wait3A_201 = tpu.memref_squeeze %dma_wait3A_200 : memref<1x125x40xf32, #tpu.memory_space<vmem>> -> memref<125x40xf32, #tpu.memory_space<vmem>>
    %dma_wait3A_202 = arith.constant 0 : i32
    %dma_wait3A_203 = tpu.memref_slice %arg8[%dma_wait3A_197, %dma_wait3A_202] : memref<80x125xi32, #tpu.memory_space<vmem>> -> memref<1x125xi32, #tpu.memory_space<vmem>>
    %dma_wait3A_204 = tpu.memref_squeeze %dma_wait3A_203 : memref<1x125xi32, #tpu.memory_space<vmem>> -> memref<125xi32, #tpu.memory_space<vmem>>
    %dma_wait3A_205 = arith.constant 0 : i32
    %dma_wait3A_206 = arith.constant 0 : i32
    %dma_wait3A_207 = tpu.memref_slice %arg10[%dma_wait3A_205, %dma_wait3A_206] : memref<10240x40xf32, #tpu.memory_space<vmem_shared>> -> memref<10240x40xf32, #tpu.memory_space<vmem_shared>>
    tpu.wait_indirect_dma semaphore(%arg12 : memref<!tpu.dma_semaphore, #tpu.memory_space<semaphore_mem>>) src(%dma_wait3A_201 : memref<125x40xf32, #tpu.memory_space<vmem>>) dst(%dma_wait3A_207 : memref<10240x40xf32, #tpu.memory_space<vmem_shared>>)
    %dma_wait3A_208 = arith.constant 15 : i32
    %dma_wait3A_209 = arith.constant 79 : i32
    %dma_wait3A_210 = arith.constant 0 : i32
    %dma_wait3A_211 = arith.constant 0 : i32
    %dma_wait3A_212 = tpu.memref_slice %arg9[%dma_wait3A_208, %dma_wait3A_210, %dma_wait3A_211] : memref<16x125x40xf32, #tpu.memory_space<vmem>> -> memref<1x125x40xf32, #tpu.memory_space<vmem>>
    %dma_wait3A_213 = tpu.memref_squeeze %dma_wait3A_212 : memref<1x125x40xf32, #tpu.memory_space<vmem>> -> memref<125x40xf32, #tpu.memory_space<vmem>>
    %dma_wait3A_214 = arith.constant 0 : i32
    %dma_wait3A_215 = tpu.memref_slice %arg8[%dma_wait3A_209, %dma_wait3A_214] : memref<80x125xi32, #tpu.memory_space<vmem>> -> memref<1x125xi32, #tpu.memory_space<vmem>>
    %dma_wait3A_216 = tpu.memref_squeeze %dma_wait3A_215 : memref<1x125xi32, #tpu.memory_space<vmem>> -> memref<125xi32, #tpu.memory_space<vmem>>
    %dma_wait3A_217 = arith.constant 0 : i32
    %dma_wait3A_218 = arith.constant 0 : i32
    %dma_wait3A_219 = tpu.memref_slice %arg10[%dma_wait3A_217, %dma_wait3A_218] : memref<10240x40xf32, #tpu.memory_space<vmem_shared>> -> memref<10240x40xf32, #tpu.memory_space<vmem_shared>>
    tpu.wait_indirect_dma semaphore(%arg12 : memref<!tpu.dma_semaphore, #tpu.memory_space<semaphore_mem>>) src(%dma_wait3A_213 : memref<125x40xf32, #tpu.memory_space<vmem>>) dst(%dma_wait3A_219 : memref<10240x40xf32, #tpu.memory_space<vmem_shared>>)
    %barrier3A_220 = arith.constant 0 : index
    tpu.barrier barrier_id(%barrier3A_220)
    %mul3A_221 = arith.constant 640 : i32
    %mul3A_222 = arith.muli %arg1, %mul3A_221 : i32
    %mul3A_223 = arith.constant 640 : i32
    %mul3A_224 = arith.muli %arg1, %mul3A_223 : i32
    "tpu.region"() ({
      %run_scoped3A = tpu.sem_alloc : memref<!tpu.dma_semaphore, #tpu.memory_space<semaphore_mem>>
      %dma_start3A_225 = arith.constant 0 : i32
      %dma_start3A_226 = tpu.memref_slice %arg6[%arg0, %mul3A_224, %dma_start3A_225] : memref<2x10240x40xf32, #tpu.memory_space<hbm>> -> memref<1x640x40xf32, #tpu.memory_space<hbm>>
      %dma_start3A_227 = tpu.memref_squeeze %dma_start3A_226 : memref<1x640x40xf32, #tpu.memory_space<hbm>> -> memref<640x40xf32, #tpu.memory_space<hbm>>
      %dma_start3A_228 = arith.constant 0 : i32
      %dma_start3A_229 = tpu.memref_slice %arg10[%mul3A_222, %dma_start3A_228] : memref<10240x40xf32, #tpu.memory_space<vmem_shared>> -> memref<640x40xf32, #tpu.memory_space<vmem_shared>>
      tpu.enqueue_dma source(%dma_start3A_229 : memref<640x40xf32, #tpu.memory_space<vmem_shared>>) target(%dma_start3A_227 : memref<640x40xf32, #tpu.memory_space<hbm>>) target_semaphore(%run_scoped3A : memref<!tpu.dma_semaphore, #tpu.memory_space<semaphore_mem>>)
      %dma_wait3A_230 = arith.constant 0 : i32
      %dma_wait3A_231 = tpu.memref_slice %arg6[%arg0, %mul3A_224, %dma_wait3A_230] : memref<2x10240x40xf32, #tpu.memory_space<hbm>> -> memref<1x640x40xf32, #tpu.memory_space<hbm>>
      %dma_wait3A_232 = tpu.memref_squeeze %dma_wait3A_231 : memref<1x640x40xf32, #tpu.memory_space<hbm>> -> memref<640x40xf32, #tpu.memory_space<hbm>>
      %dma_wait3A_233 = arith.constant 0 : i32
      %dma_wait3A_234 = tpu.memref_slice %arg10[%mul3A_222, %dma_wait3A_233] : memref<10240x40xf32, #tpu.memory_space<vmem_shared>> -> memref<640x40xf32, #tpu.memory_space<vmem_shared>>
      tpu.wait_dma2 semaphore(%run_scoped3A : memref<!tpu.dma_semaphore, #tpu.memory_space<semaphore_mem>>) src(%dma_wait3A_234 : memref<640x40xf32, #tpu.memory_space<vmem_shared>>) dst(%dma_wait3A_232 : memref<640x40xf32, #tpu.memory_space<hbm>>)
      tpu.yield
    }) : () -> ()
    return
  }
}

module attributes {stable_mosaic.version = 14 : i64} {
  func.func @_tc_a_body(%arg0: memref<10000x128xf32, #tpu.memory_space<vmem>>, %arg1: memref<128x40xf32, #tpu.memory_space<vmem>>, %arg2: memref<128x40xf32, #tpu.memory_space<vmem>>, %arg3: memref<10000x40xf32, #tpu.memory_space<vmem>>, %arg4: memref<10000x40xf32, #tpu.memory_space<vmem>>) attributes {dimension_semantics = [], scalar_prefetch = 0 : i64, scratch_operands = 0 : i64, tpu.core_type = #tpu.core_type<tc>} {
    %get3A = arith.constant 0 : index
    %get3A_0 = arith.constant 0 : index
    %get3A_1 = vector.load %arg0[%get3A, %get3A_0] : memref<10000x128xf32, #tpu.memory_space<vmem>>, vector<10000x128xf32>
    %get3A_2 = arith.constant 0 : index
    %get3A_3 = arith.constant 0 : index
    %get3A_4 = vector.load %arg1[%get3A_2, %get3A_3] : memref<128x40xf32, #tpu.memory_space<vmem>>, vector<128x40xf32>
    %dot_general3A = arith.constant dense<0.000000e+00> : vector<10000x40xf32>
    %dot_general3A_5 = tpu.matmul %get3A_1, %get3A_4, %dot_general3A {dimension_numbers = #tpu.dot_dimension_numbers<[1], [0], [0], [1], [0, 0, 1, 1], [], []>, transpose_lhs_hint = false} : vector<10000x128xf32>, vector<128x40xf32>, vector<10000x40xf32> -> vector<10000x40xf32>
    %iota3A = tpu.iota {dimensions = array<i32: 1>} : vector<10000x40xi32>
    %eq3A = arith.constant 36 : i32
    %eq3A_6 = vector.broadcast %eq3A : i32 to vector<10000x40xi32>
    %eq3A_7 = arith.cmpi eq, %iota3A, %eq3A_6 : vector<10000x40xi32>
    %jit3A = arith.constant 1.000000e+00 : f32
    %broadcast_in_dim3A = vector.broadcast %jit3A : f32 to vector<10000x40xf32>
    %select_n3A = arith.select %eq3A_7, %broadcast_in_dim3A, %dot_general3A_5 : vector<10000x40xi1>, vector<10000x40xf32>
    %swap3A = arith.constant 0 : index
    %swap3A_8 = arith.constant 0 : index
    %swap3A_9 = vector.load %arg3[%swap3A, %swap3A_8] : memref<10000x40xf32, #tpu.memory_space<vmem>>, vector<10000x40xf32>
    tpu.vector_store %arg3[%swap3A, %swap3A_8], %select_n3A {strides = array<i32>} : memref<10000x40xf32, #tpu.memory_space<vmem>>, vector<10000x40xf32>,
    %get3A_10 = arith.constant 0 : index
    %get3A_11 = arith.constant 0 : index
    %get3A_12 = vector.load %arg2[%get3A_10, %get3A_11] : memref<128x40xf32, #tpu.memory_space<vmem>>, vector<128x40xf32>
    %dot_general3A_13 = arith.constant dense<0.000000e+00> : vector<10000x40xf32>
    %dot_general3A_14 = tpu.matmul %get3A_1, %get3A_12, %dot_general3A_13 {dimension_numbers = #tpu.dot_dimension_numbers<[1], [0], [0], [1], [0, 0, 1, 1], [], []>, transpose_lhs_hint = false} : vector<10000x128xf32>, vector<128x40xf32>, vector<10000x40xf32> -> vector<10000x40xf32>
    %swap3A_15 = arith.constant 0 : index
    %swap3A_16 = arith.constant 0 : index
    %swap3A_17 = vector.load %arg4[%swap3A_15, %swap3A_16] : memref<10000x40xf32, #tpu.memory_space<vmem>>, vector<10000x40xf32>
    tpu.vector_store %arg4[%swap3A_15, %swap3A_16], %dot_general3A_14 {strides = array<i32>} : memref<10000x40xf32, #tpu.memory_space<vmem>>, vector<10000x40xf32>,
    return
  }
}

module attributes {stable_mosaic.version = 14 : i64} {
  func.func @_tc_b_body(%arg0: memref<2x10240x40xf32, #tpu.memory_space<vmem>>, %arg1: memref<10000x40xf32, #tpu.memory_space<vmem>>, %arg2: memref<1x40xf32, #tpu.memory_space<vmem>>, %arg3: memref<40x40xf32, #tpu.memory_space<vmem>>, %arg4: memref<40x40xf32, #tpu.memory_space<vmem>>, %arg5: memref<40x1xf32, #tpu.memory_space<vmem>>, %arg6: memref<10000x40xf32, #tpu.memory_space<vmem>>, %arg7: memref<10000x40xf32, #tpu.memory_space<vmem>>, %arg8: memref<10000x1xf32, #tpu.memory_space<vmem>>) attributes {dimension_semantics = [], scalar_prefetch = 0 : i64, scratch_operands = 0 : i64, tpu.core_type = #tpu.core_type<tc>} {
    %get3A = arith.constant 0 : index
    %get3A_0 = arith.constant 0 : index
    %get3A_1 = arith.constant 0 : index
    %get3A_2 = vector.load %arg0[%get3A, %get3A_0, %get3A_1] : memref<2x10240x40xf32, #tpu.memory_space<vmem>>, vector<1x10000x40xf32>
    %get3A_3 = vector.shape_cast %get3A_2 : vector<1x10000x40xf32> to vector<10000x40xf32>
    %get3A_4 = arith.constant 1 : index
    %get3A_5 = arith.constant 0 : index
    %get3A_6 = arith.constant 0 : index
    %get3A_7 = vector.load %arg0[%get3A_4, %get3A_5, %get3A_6] : memref<2x10240x40xf32, #tpu.memory_space<vmem>>, vector<1x10000x40xf32>
    %get3A_8 = vector.shape_cast %get3A_7 : vector<1x10000x40xf32> to vector<10000x40xf32>
    %add3A = arith.addf %get3A_3, %get3A_8 : vector<10000x40xf32>
    %get3A_9 = arith.constant 0 : index
    %get3A_10 = arith.constant 0 : index
    %get3A_11 = vector.load %arg5[%get3A_9, %get3A_10] : memref<40x1xf32, #tpu.memory_space<vmem>>, vector<40x1xf32>
    %dot_general3A = arith.constant dense<0.000000e+00> : vector<10000x1xf32>
    %dot_general3A_12 = tpu.matmul %add3A, %get3A_11, %dot_general3A {dimension_numbers = #tpu.dot_dimension_numbers<[1], [0], [0], [1], [0, 0, 1, 1], [], []>, transpose_lhs_hint = false} : vector<10000x40xf32>, vector<40x1xf32>, vector<10000x1xf32> -> vector<10000x1xf32>
    %max3A = arith.constant 1.000000e+00 : f32
    %max3A_13 = vector.broadcast %max3A : f32 to vector<10000x1xf32>
    %max3A_14 = arith.maximumf %dot_general3A_12, %max3A_13 : vector<10000x1xf32>
    %div3A = vector.broadcast %max3A_14 : vector<10000x1xf32> to vector<10000x40xf32>
    %div3A_15 = arith.divf %add3A, %div3A : vector<10000x40xf32>
    %get3A_16 = arith.constant 0 : index
    %get3A_17 = arith.constant 0 : index
    %get3A_18 = vector.load %arg1[%get3A_16, %get3A_17] : memref<10000x40xf32, #tpu.memory_space<vmem>>, vector<10000x40xf32>
    %add3A_19 = arith.addf %div3A_15, %get3A_18 : vector<10000x40xf32>
    %get3A_20 = arith.constant 0 : index
    %get3A_21 = arith.constant 0 : index
    %get3A_22 = vector.load %arg2[%get3A_20, %get3A_21] : memref<1x40xf32, #tpu.memory_space<vmem>>, vector<1x40xf32>
    %add3A_23 = vector.broadcast %get3A_22 : vector<1x40xf32> to vector<10000x40xf32>
    %add3A_24 = arith.addf %add3A_19, %add3A_23 : vector<10000x40xf32>
    %max3A_25 = arith.constant 0.000000e+00 : f32
    %max3A_26 = vector.broadcast %max3A_25 : f32 to vector<10000x40xf32>
    %max3A_27 = arith.maximumf %add3A_24, %max3A_26 : vector<10000x40xf32>
    %get3A_28 = arith.constant 0 : index
    %get3A_29 = arith.constant 0 : index
    %get3A_30 = vector.load %arg3[%get3A_28, %get3A_29] : memref<40x40xf32, #tpu.memory_space<vmem>>, vector<40x40xf32>
    %dot_general3A_31 = arith.constant dense<0.000000e+00> : vector<10000x40xf32>
    %dot_general3A_32 = tpu.matmul %max3A_27, %get3A_30, %dot_general3A_31 {dimension_numbers = #tpu.dot_dimension_numbers<[1], [0], [0], [1], [0, 0, 1, 1], [], []>, transpose_lhs_hint = false} : vector<10000x40xf32>, vector<40x40xf32>, vector<10000x40xf32> -> vector<10000x40xf32>
    %swap3A = arith.constant 0 : index
    %swap3A_33 = arith.constant 0 : index
    %swap3A_34 = vector.load %arg6[%swap3A, %swap3A_33] : memref<10000x40xf32, #tpu.memory_space<vmem>>, vector<10000x40xf32>
    tpu.vector_store %arg6[%swap3A, %swap3A_33], %dot_general3A_32 {strides = array<i32>} : memref<10000x40xf32, #tpu.memory_space<vmem>>, vector<10000x40xf32>,
    %get3A_35 = arith.constant 0 : index
    %get3A_36 = arith.constant 0 : index
    %get3A_37 = vector.load %arg4[%get3A_35, %get3A_36] : memref<40x40xf32, #tpu.memory_space<vmem>>, vector<40x40xf32>
    %dot_general3A_38 = arith.constant dense<0.000000e+00> : vector<10000x40xf32>
    %dot_general3A_39 = tpu.matmul %max3A_27, %get3A_37, %dot_general3A_38 {dimension_numbers = #tpu.dot_dimension_numbers<[1], [0], [0], [1], [0, 0, 1, 1], [], []>, transpose_lhs_hint = false} : vector<10000x40xf32>, vector<40x40xf32>, vector<10000x40xf32> -> vector<10000x40xf32>
    %swap3A_40 = arith.constant 0 : index
    %swap3A_41 = arith.constant 0 : index
    %swap3A_42 = vector.load %arg7[%swap3A_40, %swap3A_41] : memref<10000x40xf32, #tpu.memory_space<vmem>>, vector<10000x40xf32>
    tpu.vector_store %arg7[%swap3A_40, %swap3A_41], %dot_general3A_39 {strides = array<i32>} : memref<10000x40xf32, #tpu.memory_space<vmem>>, vector<10000x40xf32>,
    %swap3A_43 = arith.constant 0 : index
    %swap3A_44 = arith.constant 0 : index
    %swap3A_45 = vector.load %arg8[%swap3A_43, %swap3A_44] : memref<10000x1xf32, #tpu.memory_space<vmem>>, vector<10000x1xf32>
    tpu.vector_store %arg8[%swap3A_43, %swap3A_44], %max3A_14 {strides = array<i32>} : memref<10000x1xf32, #tpu.memory_space<vmem>>, vector<10000x1xf32>,
    return
  }
}

module attributes {stable_mosaic.version = 14 : i64} {
  func.func @_tc_c_body(%arg0: memref<2x10240x40xf32, #tpu.memory_space<vmem>>, %arg1: memref<10000x40xf32, #tpu.memory_space<vmem>>, %arg2: memref<10000x1xf32, #tpu.memory_space<vmem>>, %arg3: memref<1x40xf32, #tpu.memory_space<vmem>>, %arg4: memref<10000x40xf32, #tpu.memory_space<vmem>>) attributes {dimension_semantics = [], scalar_prefetch = 0 : i64, scratch_operands = 0 : i64, tpu.core_type = #tpu.core_type<tc>} {
    %get3A = arith.constant 0 : index
    %get3A_0 = arith.constant 0 : index
    %get3A_1 = arith.constant 0 : index
    %get3A_2 = vector.load %arg0[%get3A, %get3A_0, %get3A_1] : memref<2x10240x40xf32, #tpu.memory_space<vmem>>, vector<1x10000x40xf32>
    %get3A_3 = vector.shape_cast %get3A_2 : vector<1x10000x40xf32> to vector<10000x40xf32>
    %get3A_4 = arith.constant 1 : index
    %get3A_5 = arith.constant 0 : index
    %get3A_6 = arith.constant 0 : index
    %get3A_7 = vector.load %arg0[%get3A_4, %get3A_5, %get3A_6] : memref<2x10240x40xf32, #tpu.memory_space<vmem>>, vector<1x10000x40xf32>
    %get3A_8 = vector.shape_cast %get3A_7 : vector<1x10000x40xf32> to vector<10000x40xf32>
    %add3A = arith.addf %get3A_3, %get3A_8 : vector<10000x40xf32>
    %get3A_9 = arith.constant 0 : index
    %get3A_10 = arith.constant 0 : index
    %get3A_11 = vector.load %arg2[%get3A_9, %get3A_10] : memref<10000x1xf32, #tpu.memory_space<vmem>>, vector<10000x1xf32>
    %div3A = vector.broadcast %get3A_11 : vector<10000x1xf32> to vector<10000x40xf32>
    %div3A_12 = arith.divf %add3A, %div3A : vector<10000x40xf32>
    %get3A_13 = arith.constant 0 : index
    %get3A_14 = arith.constant 0 : index
    %get3A_15 = vector.load %arg1[%get3A_13, %get3A_14] : memref<10000x40xf32, #tpu.memory_space<vmem>>, vector<10000x40xf32>
    %add3A_16 = arith.addf %div3A_12, %get3A_15 : vector<10000x40xf32>
    %get3A_17 = arith.constant 0 : index
    %get3A_18 = arith.constant 0 : index
    %get3A_19 = vector.load %arg3[%get3A_17, %get3A_18] : memref<1x40xf32, #tpu.memory_space<vmem>>, vector<1x40xf32>
    %add3A_20 = vector.broadcast %get3A_19 : vector<1x40xf32> to vector<10000x40xf32>
    %add3A_21 = arith.addf %add3A_16, %add3A_20 : vector<10000x40xf32>
    %swap3A = arith.constant 0 : index
    %swap3A_22 = arith.constant 0 : index
    %swap3A_23 = vector.load %arg4[%swap3A, %swap3A_22] : memref<10000x40xf32, #tpu.memory_space<vmem>>, vector<10000x40xf32>
    tpu.vector_store %arg4[%swap3A, %swap3A_22], %add3A_21 {strides = array<i32>} : memref<10000x40xf32, #tpu.memory_space<vmem>>, vector<10000x40xf32>,
    return
  }
}

</mosaic_0001>

<sc_bundles>
// kernel: kernel.10.cloned.1.call-start
scs
__scs_entry_jumppad:
0x0: {  	(pc) =	sbr.rel $0x88, $3  }
0x1: {  	(tag) =	ssettag $0x0;
	lr =	simm.s32 $0x1  }
0x2: {  	[smem:$0x3F99] =	sst lr;
	_ =	strace $0xD0000000  }
0x3: {  	_ = 	snop  }
0x4: {  	_ = 	snop  }
0x5: {  	_ = 	snop  }
0x6: {  	_ = 	snop  }
0x7: {  	_ = 	snop  }
__scs_overlays_trampoline_lowered:
0x8: {  	[smem:$0x3FA8] =	sst s0  }
0x9: {  	[smem:$0x3FA9] =	sst s1  }
0xa: {  	[smem:$0x3FAA] =	sst s2  }
0xb: {  	[smem:$0x3FAB] =	sst s3  }
0xc: {  	[smem:$0x3FAC] =	sst s4  }
0xd: {  	[smem:$0x3FAD] =	sst s5  }
0xe: {  	[smem:$0x3FAE] =	sst s6  }
0xf: {  	[smem:$0x3FAF] =	sst s7  }
0x10: {  	[smem:$0x3FB0] =	sst s8  }
0x11: {  	[smem:$0x3FB1] =	sst s9;
	s0 =	simm.s32 @!p0 $0x0  }
0x12: {  	s1 =	sld [smem:$0x3F97];
	s0 =	simm.s32 @p0 $0x1  }
0x13: {  	[smem:$0x3FB2] =	sst s0;
	s0 =	simm.s32 @!p1 $0x0  }
0x14: {  	s2 =	sld [smem:$0x3F96];
	s0 =	simm.s32 @p1 $0x1  }
0x15: {  	[smem:$0x3FB3] =	sst s0;
	s0 =	simm.s32 @!p2 $0x0  }
0x16: {  	s3 =	sld [smem:$0x3FDB];
	s0 =	simm.s32 @p2 $0x1  }
0x17: {  	s4 =	simm.s32 $0x1BF5;
	[smem:$0x3FB5] =	sst s0  }
0x18: {  	s0 =	sld [smem:$0x3F98];
	_ =	swait.ge [sflag:s4], $0x0  }
0x19: {  	s7 =	sld [smem:$0x3F99]  }
0x1a: {  	s8 =	sadd.s32 $0xFFFFE003, lr  }
0x1b: {  	s9 =	sadd.s32 $0xFFFFFEF7, lr;
	s5 =	simm.s32 $0xFFFFFFFF;
	p2 =	slt.u32 s8, $0xFFFFF086  }
0x1c: {  	p1 =	slt.u32 s9, $0xF7A;
	s5 =	simm.s32 @!p2 $0x0  }
0x1d: {  	s5 =	simm.s32 @p1 $0x1;
	p0 =	seq.s32 s7, s2  }
0x1e: {  	s7 =	smul.u32 @!p0 $0xF7A, s2;
	p2 =	seq.s32 @!p0 s5, $0x0  }
0x1f: {  	s9 =	smul.u32 $0xF7A, s1;
	s8 =	simm.s32 @!p0 $0x1BF5;
	p2 =	por !p2, p0  }
0x20: {  	[sflag:s8] =	ssyncset.s32 @!p0 $0xFFFFF086;
	s6 =	sadd.s32 @!p0 s3, s7;
	s7 =	simm.s32 @!p0 $0x108  }
0x21: {  	s3 =	sadd.s32 s3, s9;
	s6 =	sadd.s32 @!p0 $0x88, s6;
	s7 =	simm.s32 @p2 $0x1082  }
0x22: {  	[simem:s7], [sflag:s8] =	dma.local @!p0 [hbm:s6], $0xF7A  }
0x23: {  	s9 =	sor.u32 $0xD0000000, s2;
	s6 =	simm.s32 $0x108;
	_ =	swait.ge @!p0 [sflag:s8], $0x0  }
0x24: {  	s3 =	sadd.s32 $0x88, s3;
	s6 =	simm.s32 @!p1 $0x1082;
	[sflag:s4] =	ssyncset.s32 $0xFFFFF086  }
0x25: {  	[simem:s6], [sflag:s4] =	dma.local [hbm:s3], $0xF7A  }
0x26: {  	[smem:$0x3F99] =	sst s1;
	(tag) =	ssettag s2;
	_ =	strace s9  }
0x27: {  	s1 =	sld [smem:$0x3FA9]  }
0x28: {  	s2 =	sld [smem:$0x3FAA]  }
0x29: {  	s4 =	sld [smem:$0x3FAC]  }
0x2a: {  	p0 =	seq.s32 s5, $0x0;
	s5 =	sld [smem:$0x3FAD]  }
0x2b: {  	s6 =	sld [smem:$0x3FAE]  }
0x2c: {  	s7 =	sld [smem:$0x3FAF]  }
0x2d: {  	s3 =	simm.s32 $0x108;
	s8 =	sld [smem:$0x3FB0]  }
0x2e: {  	s3 =	simm.s32 @!p0 $0x1082;
	s9 =	sld [smem:$0x3FB1]  }
0x2f: {  	lr =	sadd.s32 s0, s3;
	s0 =	sld [smem:$0x3FA8]  }
0x30: {  	s3 =	sld [smem:$0x3FAB]  }
0x31: {  	[smem:$0x3FB4] =	sst s10  }
0x32: {  	s10 =	sld [smem:$0x3FB2];
	_ =	sdelay $0x3  }
0x33: {  	p0 =	seq.s32 s10, $0x1;
	s10 =	sld [smem:$0x3FB4];
	_ =	sdelay $0x3  }
0x34: {  	[smem:$0x3FB4] =	sst s10  }
0x35: {  	s10 =	sld [smem:$0x3FB3];
	_ =	sdelay $0x3  }
0x36: {  	p1 =	seq.s32 s10, $0x1;
	s10 =	sld [smem:$0x3FB4];
	_ =	sdelay $0x3  }
0x37: {  	[smem:$0x3FB4] =	sst s10  }
0x38: {  	s10 =	sld [smem:$0x3FB5]  }
0x39: {  	_ = 	snop;
	(pc) =	sbr.ind lr, $3  }
0x3a: {  	_ = 	snop  }
0x3b: {  	_ = 	snop  }
0x3c: {  	p2 =	seq.s32 s10, $0x1;
	s10 =	sld [smem:$0x3FB4]  }
0x3d: {  	_ =	shalt  }
0x3e: {  	_ =	shalt  }
0x3f: {  	_ =	shalt  }
0x40: {  	_ =	shalt  }
0x41: {  	_ =	shalt  }
0x42: {  	_ =	shalt  }
0x43: {  	_ =	shalt  }
0x44: {  	_ =	shalt  }
0x45: {  	_ =	shalt  }
0x46: {  	_ =	shalt  }
0x47: {  	_ =	shalt  }
0x48: {  	_ =	shalt  }
0x49: {  	_ =	shalt  }
0x4a: {  	_ =	shalt  }
0x4b: {  	_ =	shalt  }
0x4c: {  	_ =	shalt  }
0x4d: {  	_ =	shalt  }
0x4e: {  	_ =	shalt  }
0x4f: {  	_ =	shalt  }
0x50: {  	_ =	shalt  }
0x51: {  	_ =	shalt  }
0x52: {  	_ =	shalt  }
0x53: {  	_ =	shalt  }
0x54: {  	_ =	shalt  }
0x55: {  	_ =	shalt  }
0x56: {  	_ =	shalt  }
0x57: {  	_ =	shalt  }
0x58: {  	_ =	shalt  }
0x59: {  	_ =	shalt  }
0x5a: {  	_ =	shalt  }
0x5b: {  	_ =	shalt  }
0x5c: {  	_ =	shalt  }
0x5d: {  	_ =	shalt  }
0x5e: {  	_ =	shalt  }
0x5f: {  	_ =	shalt  }
0x60: {  	_ =	shalt  }
0x61: {  	_ =	shalt  }
0x62: {  	_ =	shalt  }
0x63: {  	_ =	shalt  }
0x64: {  	_ =	shalt  }
0x65: {  	_ =	shalt  }
0x66: {  	_ =	shalt  }
0x67: {  	_ =	shalt  }
0x68: {  	_ =	shalt  }
0x69: {  	_ =	shalt  }
0x6a: {  	_ =	shalt  }
0x6b: {  	_ =	shalt  }
0x6c: {  	_ =	shalt  }
0x6d: {  	_ =	shalt  }
0x6e: {  	_ =	shalt  }
0x6f: {  	_ =	shalt  }
0x70: {  	_ =	shalt  }
0x71: {  	_ =	shalt  }
0x72: {  	_ =	shalt  }
0x73: {  	_ =	shalt  }
0x74: {  	_ =	shalt  }
0x75: {  	_ =	shalt  }
0x76: {  	_ =	shalt  }
0x77: {  	_ =	shalt  }
0x78: {  	_ =	shalt  }
0x79: {  	_ =	shalt  }
0x7a: {  	_ =	shalt  }
0x7b: {  	_ =	shalt  }
0x7c: {  	_ =	shalt  }
0x7d: {  	_ =	shalt  }
0x7e: {  	_ =	shalt  }
0x7f: {  	_ =	shalt  }
0x80: {  	_ =	shalt  }
0x81: {  	_ =	shalt  }
0x82: {  	_ =	shalt  }
0x83: {  	_ =	shalt  }
0x84: {  	_ =	shalt  }
0x85: {  	_ =	shalt  }
0x86: {  	_ =	shalt  }
0x87: {  	_ =	shalt  }
.Lfunc_end0:
.L_simem_size_0:
called_computation.1_lowered:
.L_overlay_start_0:
0x88: {  	s2 =	sld [smem:$0x3FD9]  }
0x89: {  	s3 =	sld [smem:$0x3FFE];
	_ =	sdelay $0x1  }
0x8a: {  	s1 =	srdreg.scid  }
0x8b: {  	s0 =	sand.u32 $0x1, s1  }
0x8c: {  	s17 =	sshll.u32 s0, $0xA;
	s2 =	sadd.s32 s3, s2  }
0x8d: {  	s2 =	sadd.s32 s2, s17  }
0x8e: {  	[smem:$0x3FC0] =	sst s2  }
0x8f: {  	_ = 	snop  }
0x90: {  	s2 =	sld [smem:$0x3FD0];
	(tm) =	ssettm $0x1  }
0x91: {  	s18 =	sld [smem:$0x3FFB];
	_ =	sdelay $0x3  }
0x92: {  	_ =	strace s18  }
0x93: {  	s3 =	sld [smem:$0x3FFC];
	_ =	sdelay $0x3  }
0x94: {  	_ =	strace s3  }
0x95: {  	s3 =	sld [smem:$0x3FFD];
	_ =	sdelay $0x3  }
0x96: {  	_ =	strace s3  }
0x97: {  	_ =	strace $0x8FFFFFFF  }
0x98: {  	s19 =	sld [smem:$0x3FDB];
	_ =	sdelay $0x1  }
0x99: {  	s4 =	simm.s32 $_scs_section_size  }
0x9a: {  	s5 =	simm.s32 $_size__tile_overlayer_lowered;
	s6 =	simm.s32 $_tile_overlayer_lowered  }
0x9b: {  	s22 =	simm.s32 $0x1BFF;
	s21 =	sshll.u32 s6, $0x1;
	s3 =	sadd.s32 s4, s19  }
0x9c: {  	s7 =	simm.s32 $0x0;
	s20 =	sshll.u32 s5, $0x1;
	s5 =	sadd.s32 s21, s3  }
0x9d: {  	[timem:s7], [sflag:s22] =	dma.local [hbm:s5], s20  }
0x9e: {  	_ =	swait.ge [sflag:s22], s20  }
0x9f: {  	s4 =	ssub.s32 $0x0, s20;
	[sflag:s22] =	ssyncset.done $0x0  }
0xa0: {  	[sflag:s22] =	ssyncadd.s32 s4;
	_ =	sdelay $0x1  }
0xa1: {  	s23 =	simm.s32 $0x1B8B  }
0xa2: {  	_ =	swait.ge [sflag:s23], $0x1  }
0xa3: {  	[sflag:s23] =	ssyncset.done $0x0  }
0xa4: {  	s25 =	simm.s32 $0x1B8E;
	s24 =	sld [smem:$0x3FFE];
	[sflag:s23] =	ssyncadd.s32 $0xFFFFFFFF  }
0xa5: {  	s26 =	simm.s32 $execute0_lowered;
	[smem:$0x3FD2] =	sst s25  }
0xa6: {  	s5 =	sshll.u32 s26, $0x1;
	_ =	strace $0x80000049;
	[dreg:$0x1] =	wrdreg $0xFFFFFFFF  }
0xa7: {  	s28 =	simm.s32 $_size_execute0_lowered;
	s3 =	sadd.s32 s3, s5;
	[dreg:$0x0] =	wrdreg $0x0  }
0xa8: {  	s5 =	sshll.u32 s28, $0x1;
	[dreg:$0x2] =	wrdreg s3  }
0xa9: {  	[dreg:$0x3] =	wrdreg s5  }
0xaa: {  	[dreg:$0x4] =	wrdreg $0xC0  }
0xab: {  	_ =	task [dreg:s7], $0x5FFFF  }
0xac: {  	[dreg:$0x1] =	wrdreg $0xFFFFFFFF  }
0xad: {  	[dreg:$0x0] =	wrdreg $0x60  }
0xae: {  	[dreg:$0x2] =	wrdreg s2  }
0xaf: {  	[dreg:$0x3] =	wrdreg s24  }
0xb0: {  	[dreg:$0x4] =	wrdreg $0x188800  }
0xb1: {  	[dreg:$0x5] =	wrdreg $0x9  }
0xb2: {  	_ =	task.clear_ibuf [dreg:s7], $0x6FFFF;
	_ =	strace $0x90000049  }
0xb3: {  	s29 =	simm.s32 $0x9;
	_ =	strace $0x8000004B  }
0xb4: {  	_ =	swait.ge [sflag:s29], $0x1  }
0xb5: {  	[sflag:s29] =	ssyncadd.s32 $0xFFFFFFFF  }
0xb6: {  	_ =	strace $0x9000004B  }
0xb7: {  	_ =	sfence  }
0xb8: {  	s30 =	sld [smem:$0x0];
	_ =	sdelay $0x2  }
0xb9: {  	s31 =	sshll.u32 s1, $0xD;
	s1 =	sshrl.u32 s1, $0x2  }
0xba: {  	s3 =	sand.u32 $0x4000, s31;
	s1 =	sadd.s32 s1, s30  }
0xbb: {  	s0 =	sor.u32 s3, s0;
	s1 =	sshll.u32 s1, $0x11  }
0xbc: {  	s0 =	sor.u32 s1, s0  }
0xbd: {  	s0 =	sadd.s32 $0x8F2B, s0  }
0xbe: {  	[sflag:s0] =	ssyncadd.remote.s32 $0x1  }
0xbf: {  	_ =	sfence.sel $0xFFFF  }
0xc0: {  	[dreg:$0x0] =	wrdreg $0xFFFFFFFF;
	(pc) =	sbr.abs _section_cstart, $3  }
0xc1: {  	[dreg:$0x1] =	wrdreg $0xFFFFFFFF  }
0xc2: {  	_ =	task.clear_ibuf [dreg:s7], $0x2FFFF;
	_ =	strace $0x9FFFFFFF  }
0xc3: {  	(tm) =	ssettm $0x7FFFFFFF  }
tec
execute0_lowered:
.L_overlay_start_1:
0x0: {  	(tag) =	ssettag $0x1  }
0x1: {  	s2 =	rddreg [dreg:$0x0]  }
0x2: {  	s9 =	stileid.u32;
	s4 =	rddreg [dreg:$0x1]  }
0x3: {  	s0 =	srdreg.scid;
	s3 =	rddreg [dreg:$0x2]  }
0x4: {  	s6 =	simm.s32 $0x0;
	s15 =	simm.s32 $0x7D;
	s20 =	simm.s32 $0x7710  }
0x5: {  	s29 =	simm.s32 $0xC530;
	s31 =	simm.s32 $0xD8B8;
	s11 =	simm.s32 $0xFFC8  }
0x6: {  	s17 =	simm.s32 $0x11350;
	s19 =	simm.s32 $0x126D8;
	s21 =	simm.s32 $0x13A60  }
0x7: {  	s28 =	simm.s32 $0x174F8;
	s30 =	simm.s32 $0x2;
	s1 =	smul.u32 $0x28, s9  }
0x8: {  	s0 =	sand.u32 $0x1, s0;
	s5 =	smul.u32 $0x6400, s9;
	[smem:$0x7FF] =	sst s6  }
0x9: {  	s24 =	sshll.u32 s9, $0x6;
	s9 =	simm.s32 $0x4;
	s22 =	smul.u32 $0x64000, s0  }
0xa: {  	_ =	strace $0x8000004A;
	s1 =	sor.u32 s0, s1;
	s0 =	ssub.s32 $0x2, s0  }
0xb: {  	s7 =	sshrl.u32 s5, $0x3;
	s1 =	smul.u32 $0x500, s1;
	s6 =	sadd.s32 s5, s22  }
0xc: {  	s8 =	sshrl.u32 s0, $0x1;
	s7 =	sadd.s32 s7, s4;
	s5 =	sadd.s32 s5, s3  }
0xd: {  	s22 =	simm.s32 $0x8A98;
	s6 =	sshrl.u32 s6, $0x3;
	s25 =	sadd.s32 $0x15400, s7  }
0xe: {  	s0 =	ssub.s32 s0, s8;
	s8 =	sshrl.u32 s5, $0x3;
	[dreg:$0x6] =	wrdreg s25  }
0xf: {  	s1 =	sadd.s32 s1, s4;
	s0 =	smax.u32 s0, $0x1;
	[dreg:$0xa] =	wrdreg s8  }
0x10: {  	s4 =	sadd.s32 s6, s4;
	s6 =	sor.u32 $0x1C04, s24;
	[dreg:$0x9] =	wrdreg s0  }
.Ltmp0:
0x11: {  	s23 =	sadd.s32 $0xB400, s1;
	[dreg:$0x7] =	wrdreg s6;
	(pc) =	sbr.rel .LBB2_1-.Ltmp0, $4  }
0x12: {  	s5 =	simm.s32 $0x0;
	s1 =	sadd.s32 $0x1400, s1;
	[dreg:$0x4] =	wrdreg s23  }
0x13: {  	s24 =	simm.s32 $0x9E20;
	s26 =	sadd.s32 $0x21C00, s4;
	[dreg:$0x5] =	wrdreg s1  }
0x14: {  	s25 =	simm.s32 $0x16170;
	s0 =	simm.s32 $0xEC40;
	[dreg:$0x8] =	wrdreg s26  }
0x15: {  	s26 =	simm.s32 $0xB1A8;
	s1 =	simm.s32 $0x1;
	s23 =	simm.s32 $0x14DE8  }
.LBB2_4:
0x16: {  	_ =	swait.ge [sflag:s1], $0x1388  }
0x17: {  	[sflag:s1] =	ssyncset.done $0x0  }
0x18: {  	[sflag:s1] =	ssyncadd.s32 $0xFFFFEC78  }
0x19: {  	[spmem:s3] =	stream.indirect.scatter.add.f32 [tilespmem:s28], [sflag:$0x2], $0x28, s4, s15, $0xb8;
	[tilespmem:$0x1EC80] =	vst v63  }
0x1a: {  	_ =	swait.ge [sflag:s30], $0x1388  }
0x1b: {  	[sflag:s30] =	ssyncset.done $0x0  }
0x1c: {  	[sflag:s30] =	ssyncadd.s32 $0xFFFFEC78  }
0x1d: {  	_ =	swait.ge [sflag:s30], $0x1388  }
0x1e: {  	[sflag:s30] =	ssyncset.done $0x0  }
0x1f: {  	[sflag:s30] =	ssyncadd.s32 $0xFFFFEC78  }
0x20: {  	_ =	swait.ge [sflag:s30], $0x1388  }
0x21: {  	[sflag:s30] =	ssyncset.done $0x0  }
0x22: {  	[sflag:s30] =	ssyncadd.s32 $0xFFFFEC78  }
0x23: {  	_ =	swait.ge [sflag:s30], $0x1388  }
0x24: {  	[sflag:s30] =	ssyncset.done $0x0  }
0x25: {  	[sflag:s30] =	ssyncadd.s32 $0xFFFFEC78  }
0x26: {  	_ =	swait.ge [sflag:s30], $0x1388  }
0x27: {  	[sflag:s30] =	ssyncset.done $0x0  }
0x28: {  	[sflag:s30] =	ssyncadd.s32 $0xFFFFEC78  }
0x29: {  	_ =	swait.ge [sflag:s30], $0x1388  }
0x2a: {  	[sflag:s30] =	ssyncset.done $0x0  }
0x2b: {  	[sflag:s30] =	ssyncadd.s32 $0xFFFFEC78  }
0x2c: {  	_ =	swait.ge [sflag:s30], $0x1388  }
0x2d: {  	[sflag:s30] =	ssyncset.done $0x0  }
0x2e: {  	[sflag:s30] =	ssyncadd.s32 $0xFFFFEC78  }
0x2f: {  	_ =	swait.ge [sflag:s30], $0x1388  }
0x30: {  	[sflag:s30] =	ssyncset.done $0x0  }
0x31: {  	[sflag:s30] =	ssyncadd.s32 $0xFFFFEC78  }
0x32: {  	_ =	swait.ge [sflag:s30], $0x1388  }
0x33: {  	[sflag:s30] =	ssyncset.done $0x0  }
0x34: {  	[sflag:s30] =	ssyncadd.s32 $0xFFFFEC78  }
0x35: {  	[bflag:$0x0] =	sbarrier.arrive $0xFFFF  }
0x36: {  	s6 =	rddreg [dreg:$0x7]  }
0x37: {  	s16 =	rddreg [dreg:$0x8]  }
0x38: {  	s9 =	simm.s32 $0x4;
	s8 =	rddreg [dreg:$0xa]  }
0x39: {  	[hbm:s16], [sflag:s6] =	dma.local [spmem:s8], $0xC80  }
0x3a: {  	_ =	swait.ge [sflag:s9], $0xC80  }
0x3b: {  	s5 =	rddreg [dreg:$0xb]  }
0x3c: {  	s18 =	rddreg [dreg:$0x9];
	s5 =	sadd.s32 $0x1, s5  }
0x3d: {  	p0 =	sne.s32 s5, s18  }
.Ltmp1:
0x3e: {  	_ = 	snop;
	(pc) =	sbr.rel @!p0 .LBB2_5-.Ltmp1, $3  }
0x3f: {  	_ =	sdelay $0x1  }
0x40: {  	[sflag:s9] =	ssyncset.done $0x0  }
0x41: {  	[sflag:s9] =	ssyncadd.s32 $0xFFFFF380  }
.LBB2_1:
0x42: {  	[dreg:$0xb] =	wrdreg s5  }
0x43: {  	s14 =	rddreg [dreg:$0x4]  }
0x44: {  	s4 =	simm.s32 $0x0;
	s16 =	rddreg [dreg:$0x5]  }
0x45: {  	[tilespmem:s4], [sflag:$0x3] =	stream.linear.gather [hbm4b:s14+s4], $0x2800, $0x38;
	[tilespmem:$0x1EC80] =	vst v63  }
0x46: {  	s7 =	simm.s32 $0x2800;
	s18 =	rddreg [dreg:$0x6]  }
0x47: {  	[tilespmem:s7], [sflag:$0x3] =	stream.linear.gather [hbm4b:s16+s4], $0x2800, $0x38;
	[tilespmem:$0x1EC80] =	vst v63  }
0x48: {  	[spmem:s8], [sflag:s6] =	dma.local [hbm:s18], $0xC80  }
0x49: {  	_ =	swait.ge [sflag:s9], $0xC80  }
0x4a: {  	[sflag:s9] =	ssyncset.done $0x0  }
0x4b: {  	s6 =	simm.s32 $0x3;
	[sflag:s9] =	ssyncadd.s32 $0xFFFFF380  }
0x4c: {  	_ =	swait.ge [sflag:s6], $0x2800  }
0x4d: {  	[sflag:s6] =	ssyncset.done $0x0  }
0x4e: {  	[sflag:s6] =	ssyncadd.s32 $0xFFFFD800  }
0x4f: {  	_ =	swait.ge [sflag:s6], $0x2800  }
0x50: {  	[sflag:s6] =	ssyncset.done $0x0  }
0x51: {  	s7 =	simm.s32 $0x5000;
	[sflag:s6] =	ssyncadd.s32 $0xFFFFD800  }
0x52: {  	[tilespmem:s7], [sflag:$0x1] =	stream.indirect.gather [hbm4b:s2+s15], $0x28, s4, s15, $0xb8;
	[tilespmem:$0x1EC80] =	vst v63  }
0x53: {  	s8 =	simm.s32 $0x80;
	s9 =	simm.s32 $0x6388  }
0x54: {  	[tilespmem:s9], [sflag:$0x1] =	stream.indirect.gather [hbm4b:s2+s15], $0x28, s8, s15, $0xb8;
	[tilespmem:$0x1EC80] =	vst v63  }
0x55: {  	s10 =	simm.s32 $0x100  }
0x56: {  	[tilespmem:s20], [sflag:$0x1] =	stream.indirect.gather [hbm4b:s2+s15], $0x28, s10, s15, $0xb8;
	[tilespmem:$0x1EC80] =	vst v63  }
0x57: {  	s12 =	simm.s32 $0x180  }
0x58: {  	[tilespmem:s22], [sflag:$0x1] =	stream.indirect.gather [hbm4b:s2+s15], $0x28, s12, s15, $0xb8;
	[tilespmem:$0x1EC80] =	vst v63  }
0x59: {  	s13 =	simm.s32 $0x200  }
0x5a: {  	[tilespmem:s24], [sflag:$0x1] =	stream.indirect.gather [hbm4b:s2+s15], $0x28, s13, s15, $0xb8;
	[tilespmem:$0x1EC80] =	vst v63  }
0x5b: {  	s14 =	simm.s32 $0x280  }
0x5c: {  	[tilespmem:s26], [sflag:$0x1] =	stream.indirect.gather [hbm4b:s2+s15], $0x28, s14, s15, $0xb8;
	[tilespmem:$0x1EC80] =	vst v63  }
0x5d: {  	s16 =	simm.s32 $0x300  }
0x5e: {  	[tilespmem:s29], [sflag:$0x1] =	stream.indirect.gather [hbm4b:s2+s15], $0x28, s16, s15, $0xb8;
	[tilespmem:$0x1EC80] =	vst v63  }
0x5f: {  	s18 =	simm.s32 $0x380  }
0x60: {  	[tilespmem:s31], [sflag:$0x1] =	stream.indirect.gather [hbm4b:s2+s15], $0x28, s18, s15, $0xb8;
	[tilespmem:$0x1EC80] =	vst v63  }
0x61: {  	s6 =	simm.s32 $0x0;
	[bflag:$0x0] =	sbarrier.arrive $0xFFFF  }
.LBB2_2:
0x62: {  	_ =	swait.ge [sflag:s1], $0x1388  }
0x63: {  	s7 =	sshra.s32 s6, $0x2;
	s5 =	simm.s32 $0x5000;
	[sflag:s1] =	ssyncset.done $0x0  }
0x64: {  	p0 =	seq.s32 s6, $0x0;
	s4 =	sadd.s32 $0x2800, s7;
	[sflag:s1] =	ssyncadd.s32 $0xFFFFEC78  }
0x65: {  	[spmem:s3] =	stream.indirect.scatter.add.f32 [tilespmem:s5], [sflag:$0x2], $0x28, s4, s15, $0xb8;
	[tilespmem:$0x1EC80] =	vst v63  }
0x66: {  	s4 =	simm.s32 @!p0 $0x2  }
0x67: {  	_ =	swait.ge @!p0 [sflag:s4], $0x1388  }
0x68: {  	[sflag:s4] =	ssyncset.done @!p0 $0x0  }
0x69: {  	s16 =	sadd.s32 $0x400, s7;
	[sflag:s4] =	ssyncadd.s32 @!p0 $0xFFFFEC78  }
0x6a: {  	[tilespmem:s0], [sflag:$0x1] =	stream.indirect.gather [hbm4b:s2+s15], $0x28, s16, s15, $0xb8;
	[tilespmem:$0x1EC80] =	vst v63  }
0x6b: {  	_ =	swait.ge [sflag:s1], $0x1388  }
0x6c: {  	[sflag:s1] =	ssyncset.done $0x0  }
0x6d: {  	s8 =	simm.s32 $0x6388;
	s18 =	sadd.s32 $0x2880, s7;
	[sflag:s1] =	ssyncadd.s32 $0xFFFFEC78  }
0x6e: {  	[spmem:s3] =	stream.indirect.scatter.add.f32 [tilespmem:s8], [sflag:$0x2], $0x28, s18, s15, $0xb8;
	[tilespmem:$0x1EC80] =	vst v63  }
0x6f: {  	_ =	swait.ge @!p0 [sflag:s4], $0x1388  }
0x70: {  	[sflag:s4] =	ssyncset.done @!p0 $0x0  }
0x71: {  	s9 =	sadd.s32 $0x480, s7;
	[sflag:s4] =	ssyncadd.s32 @!p0 $0xFFFFEC78  }
0x72: {  	[tilespmem:s11], [sflag:$0x1] =	stream.indirect.gather [hbm4b:s2+s15], $0x28, s9, s15, $0xb8;
	[tilespmem:$0x1EC80] =	vst v63  }
0x73: {  	_ =	swait.ge [sflag:s1], $0x1388  }
0x74: {  	[sflag:s1] =	ssyncset.done $0x0  }
0x75: {  	s10 =	sadd.s32 $0x2900, s7;
	[sflag:s1] =	ssyncadd.s32 $0xFFFFEC78  }
0x76: {  	[spmem:s3] =	stream.indirect.scatter.add.f32 [tilespmem:s20], [sflag:$0x2], $0x28, s10, s15, $0xb8;
	[tilespmem:$0x1EC80] =	vst v63  }
0x77: {  	_ =	swait.ge @!p0 [sflag:s4], $0x1388  }
0x78: {  	[sflag:s4] =	ssyncset.done @!p0 $0x0  }
0x79: {  	s12 =	sadd.s32 $0x500, s7;
	[sflag:s4] =	ssyncadd.s32 @!p0 $0xFFFFEC78  }
0x7a: {  	[tilespmem:s17], [sflag:$0x1] =	stream.indirect.gather [hbm4b:s2+s15], $0x28, s12, s15, $0xb8;
	[tilespmem:$0x1EC80] =	vst v63  }
0x7b: {  	_ =	swait.ge [sflag:s1], $0x1388  }
0x7c: {  	[sflag:s1] =	ssyncset.done $0x0  }
0x7d: {  	s13 =	sadd.s32 $0x2980, s7;
	[sflag:s1] =	ssyncadd.s32 $0xFFFFEC78  }
0x7e: {  	[spmem:s3] =	stream.indirect.scatter.add.f32 [tilespmem:s22], [sflag:$0x2], $0x28, s13, s15, $0xb8;
	[tilespmem:$0x1EC80] =	vst v63  }
0x7f: {  	_ =	swait.ge @!p0 [sflag:s4], $0x1388  }
0x80: {  	[sflag:s4] =	ssyncset.done @!p0 $0x0  }
0x81: {  	s14 =	sadd.s32 $0x580, s7;
	[sflag:s4] =	ssyncadd.s32 @!p0 $0xFFFFEC78  }
0x82: {  	[tilespmem:s19], [sflag:$0x1] =	stream.indirect.gather [hbm4b:s2+s15], $0x28, s14, s15, $0xb8;
	[tilespmem:$0x1EC80] =	vst v63  }
0x83: {  	_ =	swait.ge [sflag:s1], $0x1388  }
0x84: {  	[sflag:s1] =	ssyncset.done $0x0  }
0x85: {  	s16 =	sadd.s32 $0x2A00, s7;
	[sflag:s1] =	ssyncadd.s32 $0xFFFFEC78  }
0x86: {  	[spmem:s3] =	stream.indirect.scatter.add.f32 [tilespmem:s24], [sflag:$0x2], $0x28, s16, s15, $0xb8;
	[tilespmem:$0x1EC80] =	vst v63  }
0x87: {  	_ =	swait.ge @!p0 [sflag:s4], $0x1388  }
0x88: {  	[sflag:s4] =	ssyncset.done @!p0 $0x0  }
0x89: {  	s18 =	sadd.s32 $0x600, s7;
	[sflag:s4] =	ssyncadd.s32 @!p0 $0xFFFFEC78  }
0x8a: {  	[tilespmem:s21], [sflag:$0x1] =	stream.indirect.gather [hbm4b:s2+s15], $0x28, s18, s15, $0xb8;
	[tilespmem:$0x1EC80] =	vst v63  }
0x8b: {  	_ =	swait.ge [sflag:s1], $0x1388  }
0x8c: {  	[sflag:s1] =	ssyncset.done $0x0  }
0x8d: {  	s8 =	sadd.s32 $0x2A80, s7;
	[sflag:s1] =	ssyncadd.s32 $0xFFFFEC78  }
0x8e: {  	[spmem:s3] =	stream.indirect.scatter.add.f32 [tilespmem:s26], [sflag:$0x2], $0x28, s8, s15, $0xb8;
	[tilespmem:$0x1EC80] =	vst v63  }
0x8f: {  	_ =	swait.ge @!p0 [sflag:s4], $0x1388  }
0x90: {  	[sflag:s4] =	ssyncset.done @!p0 $0x0  }
0x91: {  	s9 =	sadd.s32 $0x680, s7;
	[sflag:s4] =	ssyncadd.s32 @!p0 $0xFFFFEC78  }
0x92: {  	[tilespmem:s23], [sflag:$0x1] =	stream.indirect.gather [hbm4b:s2+s15], $0x28, s9, s15, $0xb8;
	[tilespmem:$0x1EC80] =	vst v63  }
0x93: {  	_ =	swait.ge [sflag:s1], $0x1388  }
0x94: {  	[sflag:s1] =	ssyncset.done $0x0  }
0x95: {  	s10 =	sadd.s32 $0x2B00, s7;
	[sflag:s1] =	ssyncadd.s32 $0xFFFFEC78  }
0x96: {  	[spmem:s3] =	stream.indirect.scatter.add.f32 [tilespmem:s29], [sflag:$0x2], $0x28, s10, s15, $0xb8;
	[tilespmem:$0x1EC80] =	vst v63  }
0x97: {  	_ =	swait.ge @!p0 [sflag:s4], $0x1388  }
0x98: {  	[sflag:s4] =	ssyncset.done @!p0 $0x0  }
0x99: {  	s12 =	sadd.s32 $0x700, s7;
	[sflag:s4] =	ssyncadd.s32 @!p0 $0xFFFFEC78  }
0x9a: {  	[tilespmem:s25], [sflag:$0x1] =	stream.indirect.gather [hbm4b:s2+s15], $0x28, s12, s15, $0xb8;
	[tilespmem:$0x1EC80] =	vst v63  }
0x9b: {  	_ =	swait.ge [sflag:s1], $0x1388  }
0x9c: {  	[sflag:s1] =	ssyncset.done $0x0  }
0x9d: {  	s13 =	sadd.s32 $0x2B80, s7;
	[sflag:s1] =	ssyncadd.s32 $0xFFFFEC78  }
0x9e: {  	[spmem:s3] =	stream.indirect.scatter.add.f32 [tilespmem:s31], [sflag:$0x2], $0x28, s13, s15, $0xb8;
	[tilespmem:$0x1EC80] =	vst v63  }
0x9f: {  	_ =	swait.ge @!p0 [sflag:s4], $0x1388  }
0xa0: {  	[sflag:s4] =	ssyncset.done @!p0 $0x0  }
0xa1: {  	s14 =	sadd.s32 $0x780, s7;
	[sflag:s4] =	ssyncadd.s32 @!p0 $0xFFFFEC78  }
0xa2: {  	[tilespmem:s28], [sflag:$0x1] =	stream.indirect.gather [hbm4b:s2+s15], $0x28, s14, s15, $0xb8;
	[tilespmem:$0x1EC80] =	vst v63  }
0xa3: {  	_ =	swait.ge [sflag:s1], $0x1388  }
0xa4: {  	[sflag:s1] =	ssyncset.done $0x0  }
0xa5: {  	s16 =	sadd.s32 $0x2C00, s7;
	[sflag:s1] =	ssyncadd.s32 $0xFFFFEC78  }
0xa6: {  	[spmem:s3] =	stream.indirect.scatter.add.f32 [tilespmem:s0], [sflag:$0x2], $0x28, s16, s15, $0xb8;
	[tilespmem:$0x1EC80] =	vst v63  }
0xa7: {  	_ =	swait.ge [sflag:s30], $0x1388  }
0xa8: {  	p0 =	seq.s32 s6, $0x8000;
	[sflag:s30] =	ssyncset.done $0x0  }
0xa9: {  	s4 =	simm.s32 @p0 $0x1;
	[sflag:s30] =	ssyncadd.s32 $0xFFFFEC78  }
0xaa: {  	s8 =	sshra.s32 @p0 s6, $0x2;
	_ =	swait.ge @p0 [sflag:s4], $0x1388  }
0xab: {  	s12 =	simm.s32 @p0 $0x7D;
	s9 =	simm.s32 @p0 $0xFFC8;
	[sflag:s4] =	ssyncset.done @p0 $0x0  }
0xac: {  	s13 =	simm.s32 @p0 $0x2;
	s5 =	sadd.s32 @p0 $0x2C80, s8;
	[sflag:s4] =	ssyncadd.s32 @p0 $0xFFFFEC78  }
0xad: {  	[spmem:s3] =	stream.indirect.scatter.add.f32 @p0 [tilespmem:s9], [sflag:$0x2], $0x28, s5, s12, $0xb8;
	[tilespmem:$0x1EC80] =	vst v63  }
0xae: {  	_ =	swait.ge @p0 [sflag:s13], $0x1388  }
0xaf: {  	s10 =	simm.s32 @!p0 $0x7D;
	s9 =	sshra.s32 @!p0 s6, $0x2;
	[sflag:s13] =	ssyncset.done @p0 $0x0  }
0xb0: {  	s14 =	simm.s32 @!p0 $0x5000;
	s5 =	sadd.s32 @!p0 $0x800, s9;
	[sflag:s13] =	ssyncadd.s32 @p0 $0xFFFFEC78  }
0xb1: {  	[tilespmem:s14], [sflag:$0x1] =	stream.indirect.gather @!p0 [hbm4b:s2+s10], $0x28, s5, s10, $0xb8;
	[tilespmem:$0x1EC80] =	vst v63  }
0xb2: {  	s14 =	simm.s32 @!p0 $0x1  }
0xb3: {  	_ =	swait.ge @!p0 [sflag:s14], $0x1388  }
0xb4: {  	[sflag:s14] =	ssyncset.done @!p0 $0x0  }
0xb5: {  	s16 =	simm.s32 @!p0 $0xFFC8;
	s5 =	sadd.s32 @!p0 $0x2C80, s9;
	[sflag:s14] =	ssyncadd.s32 @!p0 $0xFFFFEC78  }
0xb6: {  	[spmem:s3] =	stream.indirect.scatter.add.f32 @!p0 [tilespmem:s16], [sflag:$0x2], $0x28, s5, s10, $0xb8;
	[tilespmem:$0x1EC80] =	vst v63  }
0xb7: {  	s5 =	simm.s32 @!p0 $0x2  }
0xb8: {  	_ =	swait.ge @!p0 [sflag:s5], $0x1388  }
0xb9: {  	[sflag:s5] =	ssyncset.done @!p0 $0x0  }
0xba: {  	s18 =	simm.s32 @!p0 $0x6388;
	s16 =	sadd.s32 @!p0 $0x880, s9;
	[sflag:s5] =	ssyncadd.s32 @!p0 $0xFFFFEC78  }
0xbb: {  	[tilespmem:s18], [sflag:$0x1] =	stream.indirect.gather @!p0 [hbm4b:s2+s10], $0x28, s16, s10, $0xb8;
	[tilespmem:$0x1EC80] =	vst v63  }
0xbc: {  	_ =	swait.ge [sflag:s1], $0x1388  }
0xbd: {  	[sflag:s1] =	ssyncset.done $0x0  }
0xbe: {  	s18 =	sadd.s32 $0x2D00, s7;
	[sflag:s1] =	ssyncadd.s32 $0xFFFFEC78  }
0xbf: {  	[spmem:s3] =	stream.indirect.scatter.add.f32 [tilespmem:s17], [sflag:$0x2], $0x28, s18, s15, $0xb8;
	[tilespmem:$0x1EC80] =	vst v63  }
0xc0: {  	_ =	swait.ge [sflag:s30], $0x1388  }
0xc1: {  	[sflag:s30] =	ssyncset.done $0x0  }
0xc2: {  	[sflag:s30] =	ssyncadd.s32 $0xFFFFEC78  }
0xc3: {  	_ =	swait.ge @p0 [sflag:s4], $0x1388  }
0xc4: {  	[sflag:s4] =	ssyncset.done @p0 $0x0  }
0xc5: {  	s16 =	sadd.s32 @p0 $0x2D80, s8;
	s18 =	simm.s32 @p0 $0x126D8;
	[sflag:s4] =	ssyncadd.s32 @p0 $0xFFFFEC78  }
0xc6: {  	[spmem:s3] =	stream.indirect.scatter.add.f32 @p0 [tilespmem:s18], [sflag:$0x2], $0x28, s16, s12, $0xb8;
	[tilespmem:$0x1EC80] =	vst v63  }
0xc7: {  	_ =	swait.ge @p0 [sflag:s13], $0x1388  }
0xc8: {  	[sflag:s13] =	ssyncset.done @p0 $0x0  }
0xc9: {  	s16 =	sadd.s32 @!p0 $0x900, s9;
	s18 =	simm.s32 @!p0 $0x7710;
	[sflag:s13] =	ssyncadd.s32 @p0 $0xFFFFEC78  }
0xca: {  	[tilespmem:s18], [sflag:$0x1] =	stream.indirect.gather @!p0 [hbm4b:s2+s10], $0x28, s16, s10, $0xb8;
	[tilespmem:$0x1EC80] =	vst v63  }
0xcb: {  	_ =	swait.ge @!p0 [sflag:s14], $0x1388  }
0xcc: {  	[sflag:s14] =	ssyncset.done @!p0 $0x0  }
0xcd: {  	s16 =	sadd.s32 @!p0 $0x2D80, s9;
	s18 =	simm.s32 @!p0 $0x126D8;
	[sflag:s14] =	ssyncadd.s32 @!p0 $0xFFFFEC78  }
0xce: {  	[spmem:s3] =	stream.indirect.scatter.add.f32 @!p0 [tilespmem:s18], [sflag:$0x2], $0x28, s16, s10, $0xb8;
	[tilespmem:$0x1EC80] =	vst v63  }
0xcf: {  	_ =	swait.ge @!p0 [sflag:s5], $0x1388  }
0xd0: {  	[sflag:s5] =	ssyncset.done @!p0 $0x0  }
0xd1: {  	s16 =	sadd.s32 @!p0 $0x980, s9;
	s18 =	simm.s32 @!p0 $0x8A98;
	[sflag:s5] =	ssyncadd.s32 @!p0 $0xFFFFEC78  }
0xd2: {  	[tilespmem:s18], [sflag:$0x1] =	stream.indirect.gather @!p0 [hbm4b:s2+s10], $0x28, s16, s10, $0xb8;
	[tilespmem:$0x1EC80] =	vst v63  }
0xd3: {  	_ =	swait.ge [sflag:s1], $0x1388  }
0xd4: {  	[sflag:s1] =	ssyncset.done $0x0  }
0xd5: {  	s18 =	sadd.s32 $0x2E00, s7;
	[sflag:s1] =	ssyncadd.s32 $0xFFFFEC78  }
0xd6: {  	[spmem:s3] =	stream.indirect.scatter.add.f32 [tilespmem:s21], [sflag:$0x2], $0x28, s18, s15, $0xb8;
	[tilespmem:$0x1EC80] =	vst v63  }
0xd7: {  	_ =	swait.ge [sflag:s30], $0x1388  }
0xd8: {  	[sflag:s30] =	ssyncset.done $0x0  }
0xd9: {  	[sflag:s30] =	ssyncadd.s32 $0xFFFFEC78  }
0xda: {  	_ =	swait.ge @p0 [sflag:s4], $0x1388  }
0xdb: {  	[sflag:s4] =	ssyncset.done @p0 $0x0  }
0xdc: {  	[sflag:s4] =	ssyncadd.s32 @p0 $0xFFFFEC78;
	s4 =	sadd.s32 @p0 $0x2E80, s8;
	s8 =	simm.s32 @p0 $0x14DE8  }
0xdd: {  	[spmem:s3] =	stream.indirect.scatter.add.f32 @p0 [tilespmem:s8], [sflag:$0x2], $0x28, s4, s12, $0xb8;
	[tilespmem:$0x1EC80] =	vst v63  }
0xde: {  	_ =	swait.ge @p0 [sflag:s13], $0x1388  }
0xdf: {  	[sflag:s13] =	ssyncset.done @p0 $0x0  }
0xe0: {  	s4 =	sadd.s32 @!p0 $0xA00, s9;
	s8 =	simm.s32 @!p0 $0x9E20;
	[sflag:s13] =	ssyncadd.s32 @p0 $0xFFFFEC78  }
0xe1: {  	[tilespmem:s8], [sflag:$0x1] =	stream.indirect.gather @!p0 [hbm4b:s2+s10], $0x28, s4, s10, $0xb8;
	[tilespmem:$0x1EC80] =	vst v63  }
0xe2: {  	_ =	swait.ge @!p0 [sflag:s14], $0x1388  }
0xe3: {  	[sflag:s14] =	ssyncset.done @!p0 $0x0  }
0xe4: {  	s4 =	sadd.s32 @!p0 $0x2E80, s9;
	s8 =	simm.s32 @!p0 $0x14DE8;
	[sflag:s14] =	ssyncadd.s32 @!p0 $0xFFFFEC78  }
0xe5: {  	[spmem:s3] =	stream.indirect.scatter.add.f32 @!p0 [tilespmem:s8], [sflag:$0x2], $0x28, s4, s10, $0xb8;
	[tilespmem:$0x1EC80] =	vst v63  }
0xe6: {  	_ =	swait.ge @!p0 [sflag:s5], $0x1388  }
0xe7: {  	[sflag:s5] =	ssyncset.done @!p0 $0x0  }
0xe8: {  	s4 =	sadd.s32 @!p0 $0xA80, s9;
	[sflag:s5] =	ssyncadd.s32 @!p0 $0xFFFFEC78;
	s5 =	simm.s32 @!p0 $0xB1A8  }
0xe9: {  	[tilespmem:s5], [sflag:$0x1] =	stream.indirect.gather @!p0 [hbm4b:s2+s10], $0x28, s4, s10, $0xb8;
	[tilespmem:$0x1EC80] =	vst v63  }
0xea: {  	_ =	swait.ge [sflag:s1], $0x1388  }
0xeb: {  	[sflag:s1] =	ssyncset.done $0x0  }
.Ltmp2:
0xec: {  	s18 =	sadd.s32 $0x2F00, s7;
	[sflag:s1] =	ssyncadd.s32 $0xFFFFEC78;
	(pc) =	sbr.rel @p0 .LBB2_4-.Ltmp2, $4  }
0xed: {  	[spmem:s3] =	stream.indirect.scatter.add.f32 [tilespmem:s25], [sflag:$0x2], $0x28, s18, s15, $0xb8;
	[tilespmem:$0x1EC80] =	vst v63  }
0xee: {  	_ =	swait.ge [sflag:s30], $0x1388  }
0xef: {  	[sflag:s30] =	ssyncset.done $0x0  }
0xf0: {  	s4 =	sadd.s32 $0x2F80, s7;
	[sflag:s30] =	ssyncadd.s32 $0xFFFFEC78  }
0xf1: {  	s5 =	sadd.s32 $0xB00, s7  }
0xf2: {  	[tilespmem:s29], [sflag:$0x1] =	stream.indirect.gather [hbm4b:s2+s15], $0x28, s5, s15, $0xb8;
	[tilespmem:$0x1EC80] =	vst v63  }
0xf3: {  	_ =	swait.ge [sflag:s1], $0x1388  }
0xf4: {  	[sflag:s1] =	ssyncset.done $0x0  }
0xf5: {  	[sflag:s1] =	ssyncadd.s32 $0xFFFFEC78  }
0xf6: {  	[spmem:s3] =	stream.indirect.scatter.add.f32 [tilespmem:s28], [sflag:$0x2], $0x28, s4, s15, $0xb8;
	[tilespmem:$0x1EC80] =	vst v63  }
.Ltmp3:
0xf7: {  	_ = 	snop;
	(pc) =	sbr.rel .LBB2_2-.Ltmp3, $4  }
0xf8: {  	_ =	swait.ge [sflag:s30], $0x1388  }
0xf9: {  	[sflag:s30] =	ssyncset.done $0x0  }
0xfa: {  	s18 =	sadd.s32 $0xB80, s7;
	s6 =	sadd.s32 $0x2000, s6;
	[sflag:s30] =	ssyncadd.s32 $0xFFFFEC78  }
0xfb: {  	[tilespmem:s31], [sflag:$0x1] =	stream.indirect.gather [hbm4b:s2+s15], $0x28, s18, s15, $0xb8;
	[tilespmem:$0x1EC80] =	vst v63  }
.LBB2_5:
0xfc: {  	_ =	sfence.sel $0x180000  }
0xfd: {  	[bflag:$0x0] =	sbarrier.arrive $0xFFFF  }
0xfe: {  	_ =	strace $0x9000004A  }
0xff: {  	s0 =	stileid.u32;
	[bflag:$0x2] =	sbarrier.arrive $0xFFFF  }
0x100: {  	p0 =	sne.s32 s0, $0x0;
	s0 =	rddreg [dreg:$0x3]  }
0x101: {  	s0 =	sadd.s32 @!p0 $0x100000, s0  }
0x102: {  	[sflag:s0] =	ssyncadd.tile.s32 @!p0 $0x1;
	_ =	shalt  }
.Lfunc_end2:
_tile_overlayer_lowered:
.L_overlay_start_2:
0x103: {  	(tag) =	ssettag $0x2  }
0x104: {  	s0 =	rddreg [dreg:$0x0];
	s2 =	stileid.u32  }
0x105: {  	s1 =	rddreg [dreg:$0x1];
	p0 =	sne.s32 s2, $0x0  }
0x106: {  	s3 =	rddreg [dreg:$0x2];
	[bflag:$0x3] =	sbarrier.arrive $0xFFFF;
	s2 =	simm.s32 @!p0 $0x1C04  }
0x107: {  	[timem:s3], [sflag:s2] =	dma.local @!p0 [hbm:s0], s1  }
0x108: {  	s0 =	simm.s32 @!p0 $0x4  }
0x109: {  	_ =	swait.ge @!p0 [sflag:s0], s1  }
0x10a: {  	s1 =	ssub.s32 @!p0 $0x0, s1;
	[sflag:s0] =	ssyncset.done @!p0 $0x0  }
0x10b: {  	[sflag:s0] =	ssyncadd.s32 @!p0 s1  }
0x10c: {  	[bflag:$0x3] =	sbarrier.arrive $0xFFFF  }
0x10d: {  	_ =	shalt  }

// kernel: kernel.7.cloned.1.call-start
scs
__scs_entry_jumppad:
0x0: {  	(pc) =	sbr.rel $0x88, $3  }
0x1: {  	(tag) =	ssettag $0x0;
	lr =	simm.s32 $0x1  }
0x2: {  	[smem:$0x3F99] =	sst lr;
	_ =	strace $0xD0000000  }
0x3: {  	_ = 	snop  }
0x4: {  	_ = 	snop  }
0x5: {  	_ = 	snop  }
0x6: {  	_ = 	snop  }
0x7: {  	_ = 	snop  }
__scs_overlays_trampoline_lowered:
0x8: {  	[smem:$0x3FA8] =	sst s0  }
0x9: {  	[smem:$0x3FA9] =	sst s1  }
0xa: {  	[smem:$0x3FAA] =	sst s2  }
0xb: {  	[smem:$0x3FAB] =	sst s3  }
0xc: {  	[smem:$0x3FAC] =	sst s4  }
0xd: {  	[smem:$0x3FAD] =	sst s5  }
0xe: {  	[smem:$0x3FAE] =	sst s6  }
0xf: {  	[smem:$0x3FAF] =	sst s7  }
0x10: {  	[smem:$0x3FB0] =	sst s8  }
0x11: {  	[smem:$0x3FB1] =	sst s9;
	s0 =	simm.s32 @!p0 $0x0  }
0x12: {  	s1 =	sld [smem:$0x3F97];
	s0 =	simm.s32 @p0 $0x1  }
0x13: {  	[smem:$0x3FB2] =	sst s0;
	s0 =	simm.s32 @!p1 $0x0  }
0x14: {  	s2 =	sld [smem:$0x3F96];
	s0 =	simm.s32 @p1 $0x1  }
0x15: {  	[smem:$0x3FB3] =	sst s0;
	s0 =	simm.s32 @!p2 $0x0  }
0x16: {  	s3 =	sld [smem:$0x3FDB];
	s0 =	simm.s32 @p2 $0x1  }
0x17: {  	s4 =	simm.s32 $0x1BF5;
	[smem:$0x3FB5] =	sst s0  }
0x18: {  	s0 =	sld [smem:$0x3F98];
	_ =	swait.ge [sflag:s4], $0x0  }
0x19: {  	s7 =	sld [smem:$0x3F99]  }
0x1a: {  	s8 =	sadd.s32 $0xFFFFE003, lr  }
0x1b: {  	s9 =	sadd.s32 $0xFFFFFEF7, lr;
	s5 =	simm.s32 $0xFFFFFFFF;
	p2 =	slt.u32 s8, $0xFFFFF086  }
0x1c: {  	p1 =	slt.u32 s9, $0xF7A;
	s5 =	simm.s32 @!p2 $0x0  }
0x1d: {  	s5 =	simm.s32 @p1 $0x1;
	p0 =	seq.s32 s7, s2  }
0x1e: {  	s7 =	smul.u32 @!p0 $0xF7A, s2;
	p2 =	seq.s32 @!p0 s5, $0x0  }
0x1f: {  	s9 =	smul.u32 $0xF7A, s1;
	s8 =	simm.s32 @!p0 $0x1BF5;
	p2 =	por !p2, p0  }
0x20: {  	[sflag:s8] =	ssyncset.s32 @!p0 $0xFFFFF086;
	s6 =	sadd.s32 @!p0 s3, s7;
	s7 =	simm.s32 @!p0 $0x108  }
0x21: {  	s3 =	sadd.s32 s3, s9;
	s6 =	sadd.s32 @!p0 $0x88, s6;
	s7 =	simm.s32 @p2 $0x1082  }
0x22: {  	[simem:s7], [sflag:s8] =	dma.local @!p0 [hbm:s6], $0xF7A  }
0x23: {  	s9 =	sor.u32 $0xD0000000, s2;
	s6 =	simm.s32 $0x108;
	_ =	swait.ge @!p0 [sflag:s8], $0x0  }
0x24: {  	s3 =	sadd.s32 $0x88, s3;
	s6 =	simm.s32 @!p1 $0x1082;
	[sflag:s4] =	ssyncset.s32 $0xFFFFF086  }
0x25: {  	[simem:s6], [sflag:s4] =	dma.local [hbm:s3], $0xF7A  }
0x26: {  	[smem:$0x3F99] =	sst s1;
	(tag) =	ssettag s2;
	_ =	strace s9  }
0x27: {  	s1 =	sld [smem:$0x3FA9]  }
0x28: {  	s2 =	sld [smem:$0x3FAA]  }
0x29: {  	s4 =	sld [smem:$0x3FAC]  }
0x2a: {  	p0 =	seq.s32 s5, $0x0;
	s5 =	sld [smem:$0x3FAD]  }
0x2b: {  	s6 =	sld [smem:$0x3FAE]  }
0x2c: {  	s7 =	sld [smem:$0x3FAF]  }
0x2d: {  	s3 =	simm.s32 $0x108;
	s8 =	sld [smem:$0x3FB0]  }
0x2e: {  	s3 =	simm.s32 @!p0 $0x1082;
	s9 =	sld [smem:$0x3FB1]  }
0x2f: {  	lr =	sadd.s32 s0, s3;
	s0 =	sld [smem:$0x3FA8]  }
0x30: {  	s3 =	sld [smem:$0x3FAB]  }
0x31: {  	[smem:$0x3FB4] =	sst s10  }
0x32: {  	s10 =	sld [smem:$0x3FB2];
	_ =	sdelay $0x3  }
0x33: {  	p0 =	seq.s32 s10, $0x1;
	s10 =	sld [smem:$0x3FB4];
	_ =	sdelay $0x3  }
0x34: {  	[smem:$0x3FB4] =	sst s10  }
0x35: {  	s10 =	sld [smem:$0x3FB3];
	_ =	sdelay $0x3  }
0x36: {  	p1 =	seq.s32 s10, $0x1;
	s10 =	sld [smem:$0x3FB4];
	_ =	sdelay $0x3  }
0x37: {  	[smem:$0x3FB4] =	sst s10  }
0x38: {  	s10 =	sld [smem:$0x3FB5]  }
0x39: {  	_ = 	snop;
	(pc) =	sbr.ind lr, $3  }
0x3a: {  	_ = 	snop  }
0x3b: {  	_ = 	snop  }
0x3c: {  	p2 =	seq.s32 s10, $0x1;
	s10 =	sld [smem:$0x3FB4]  }
0x3d: {  	_ =	shalt  }
0x3e: {  	_ =	shalt  }
0x3f: {  	_ =	shalt  }
0x40: {  	_ =	shalt  }
0x41: {  	_ =	shalt  }
0x42: {  	_ =	shalt  }
0x43: {  	_ =	shalt  }
0x44: {  	_ =	shalt  }
0x45: {  	_ =	shalt  }
0x46: {  	_ =	shalt  }
0x47: {  	_ =	shalt  }
0x48: {  	_ =	shalt  }
0x49: {  	_ =	shalt  }
0x4a: {  	_ =	shalt  }
0x4b: {  	_ =	shalt  }
0x4c: {  	_ =	shalt  }
0x4d: {  	_ =	shalt  }
0x4e: {  	_ =	shalt  }
0x4f: {  	_ =	shalt  }
0x50: {  	_ =	shalt  }
0x51: {  	_ =	shalt  }
0x52: {  	_ =	shalt  }
0x53: {  	_ =	shalt  }
0x54: {  	_ =	shalt  }
0x55: {  	_ =	shalt  }
0x56: {  	_ =	shalt  }
0x57: {  	_ =	shalt  }
0x58: {  	_ =	shalt  }
0x59: {  	_ =	shalt  }
0x5a: {  	_ =	shalt  }
0x5b: {  	_ =	shalt  }
0x5c: {  	_ =	shalt  }
0x5d: {  	_ =	shalt  }
0x5e: {  	_ =	shalt  }
0x5f: {  	_ =	shalt  }
0x60: {  	_ =	shalt  }
0x61: {  	_ =	shalt  }
0x62: {  	_ =	shalt  }
0x63: {  	_ =	shalt  }
0x64: {  	_ =	shalt  }
0x65: {  	_ =	shalt  }
0x66: {  	_ =	shalt  }
0x67: {  	_ =	shalt  }
0x68: {  	_ =	shalt  }
0x69: {  	_ =	shalt  }
0x6a: {  	_ =	shalt  }
0x6b: {  	_ =	shalt  }
0x6c: {  	_ =	shalt  }
0x6d: {  	_ =	shalt  }
0x6e: {  	_ =	shalt  }
0x6f: {  	_ =	shalt  }
0x70: {  	_ =	shalt  }
0x71: {  	_ =	shalt  }
0x72: {  	_ =	shalt  }
0x73: {  	_ =	shalt  }
0x74: {  	_ =	shalt  }
0x75: {  	_ =	shalt  }
0x76: {  	_ =	shalt  }
0x77: {  	_ =	shalt  }
0x78: {  	_ =	shalt  }
0x79: {  	_ =	shalt  }
0x7a: {  	_ =	shalt  }
0x7b: {  	_ =	shalt  }
0x7c: {  	_ =	shalt  }
0x7d: {  	_ =	shalt  }
0x7e: {  	_ =	shalt  }
0x7f: {  	_ =	shalt  }
0x80: {  	_ =	shalt  }
0x81: {  	_ =	shalt  }
0x82: {  	_ =	shalt  }
0x83: {  	_ =	shalt  }
0x84: {  	_ =	shalt  }
0x85: {  	_ =	shalt  }
0x86: {  	_ =	shalt  }
0x87: {  	_ =	shalt  }
.Lfunc_end0:
.L_simem_size_0:
called_computation_lowered:
.L_overlay_start_0:
0x88: {  	s2 =	sld [smem:$0x3FD9]  }
0x89: {  	s3 =	sld [smem:$0x3FFE];
	_ =	sdelay $0x1  }
0x8a: {  	s1 =	srdreg.scid  }
0x8b: {  	s0 =	sand.u32 $0x1, s1  }
0x8c: {  	s17 =	sshll.u32 s0, $0xA;
	s2 =	sadd.s32 s3, s2  }
0x8d: {  	s2 =	sadd.s32 s2, s17  }
0x8e: {  	[smem:$0x3FC0] =	sst s2  }
0x8f: {  	_ = 	snop  }
0x90: {  	s2 =	sld [smem:$0x3FD0];
	(tm) =	ssettm $0x1  }
0x91: {  	s18 =	sld [smem:$0x3FFB];
	_ =	sdelay $0x3  }
0x92: {  	_ =	strace s18  }
0x93: {  	s3 =	sld [smem:$0x3FFC];
	_ =	sdelay $0x3  }
0x94: {  	_ =	strace s3  }
0x95: {  	s3 =	sld [smem:$0x3FFD];
	_ =	sdelay $0x3  }
0x96: {  	_ =	strace s3  }
0x97: {  	_ =	strace $0x8FFFFFFF  }
0x98: {  	s19 =	sld [smem:$0x3FDB];
	_ =	sdelay $0x1  }
0x99: {  	s4 =	simm.s32 $_scs_section_size  }
0x9a: {  	s5 =	simm.s32 $_size__tile_overlayer_lowered;
	s6 =	simm.s32 $_tile_overlayer_lowered  }
0x9b: {  	s22 =	simm.s32 $0x1BFF;
	s21 =	sshll.u32 s6, $0x1;
	s3 =	sadd.s32 s4, s19  }
0x9c: {  	s7 =	simm.s32 $0x0;
	s20 =	sshll.u32 s5, $0x1;
	s5 =	sadd.s32 s21, s3  }
0x9d: {  	[timem:s7], [sflag:s22] =	dma.local [hbm:s5], s20  }
0x9e: {  	_ =	swait.ge [sflag:s22], s20  }
0x9f: {  	s4 =	ssub.s32 $0x0, s20;
	[sflag:s22] =	ssyncset.done $0x0  }
0xa0: {  	[sflag:s22] =	ssyncadd.s32 s4;
	_ =	sdelay $0x1  }
0xa1: {  	s23 =	simm.s32 $0x1B8B  }
0xa2: {  	_ =	swait.ge [sflag:s23], $0x1  }
0xa3: {  	[sflag:s23] =	ssyncset.done $0x0  }
0xa4: {  	s25 =	simm.s32 $0x1B8E;
	s24 =	sld [smem:$0x3FFE];
	[sflag:s23] =	ssyncadd.s32 $0xFFFFFFFF  }
0xa5: {  	s26 =	simm.s32 $execute0_lowered;
	[smem:$0x3FD2] =	sst s25  }
0xa6: {  	s5 =	sshll.u32 s26, $0x1;
	_ =	strace $0x80000046;
	[dreg:$0x1] =	wrdreg $0xFFFFFFFF  }
0xa7: {  	s28 =	simm.s32 $_size_execute0_lowered;
	s3 =	sadd.s32 s3, s5;
	[dreg:$0x0] =	wrdreg $0x0  }
0xa8: {  	s5 =	sshll.u32 s28, $0x1;
	[dreg:$0x2] =	wrdreg s3  }
0xa9: {  	[dreg:$0x3] =	wrdreg s5  }
0xaa: {  	[dreg:$0x4] =	wrdreg $0xC0  }
0xab: {  	_ =	task [dreg:s7], $0x5FFFF  }
0xac: {  	[dreg:$0x1] =	wrdreg $0xFFFFFFFF  }
0xad: {  	[dreg:$0x0] =	wrdreg $0x60  }
0xae: {  	[dreg:$0x2] =	wrdreg s2  }
0xaf: {  	[dreg:$0x3] =	wrdreg s24  }
0xb0: {  	[dreg:$0x4] =	wrdreg $0x188800  }
0xb1: {  	[dreg:$0x5] =	wrdreg $0x9  }
0xb2: {  	_ =	task.clear_ibuf [dreg:s7], $0x6FFFF;
	_ =	strace $0x90000046  }
0xb3: {  	s29 =	simm.s32 $0x9;
	_ =	strace $0x80000048  }
0xb4: {  	_ =	swait.ge [sflag:s29], $0x1  }
0xb5: {  	[sflag:s29] =	ssyncadd.s32 $0xFFFFFFFF  }
0xb6: {  	_ =	strace $0x90000048  }
0xb7: {  	_ =	sfence  }
0xb8: {  	s30 =	sld [smem:$0x0];
	_ =	sdelay $0x2  }
0xb9: {  	s31 =	sshll.u32 s1, $0xD;
	s1 =	sshrl.u32 s1, $0x2  }
0xba: {  	s3 =	sand.u32 $0x4000, s31;
	s1 =	sadd.s32 s1, s30  }
0xbb: {  	s0 =	sor.u32 s3, s0;
	s1 =	sshll.u32 s1, $0x11  }
0xbc: {  	s0 =	sor.u32 s1, s0  }
0xbd: {  	s0 =	sadd.s32 $0x8F2B, s0  }
0xbe: {  	[sflag:s0] =	ssyncadd.remote.s32 $0x1  }
0xbf: {  	_ =	sfence.sel $0xFFFF  }
0xc0: {  	[dreg:$0x0] =	wrdreg $0xFFFFFFFF;
	(pc) =	sbr.abs _section_cstart, $3  }
0xc1: {  	[dreg:$0x1] =	wrdreg $0xFFFFFFFF  }
0xc2: {  	_ =	task.clear_ibuf [dreg:s7], $0x2FFFF;
	_ =	strace $0x9FFFFFFF  }
0xc3: {  	(tm) =	ssettm $0x7FFFFFFF  }
tec
execute0_lowered:
.L_overlay_start_1:
0x0: {  	(tag) =	ssettag $0x1  }
0x1: {  	s2 =	rddreg [dreg:$0x0]  }
0x2: {  	s9 =	stileid.u32;
	s4 =	rddreg [dreg:$0x1]  }
0x3: {  	s0 =	srdreg.scid;
	s3 =	rddreg [dreg:$0x2]  }
0x4: {  	s6 =	simm.s32 $0x0;
	s15 =	simm.s32 $0x7D;
	s20 =	simm.s32 $0x7710  }
0x5: {  	s29 =	simm.s32 $0xC530;
	s31 =	simm.s32 $0xD8B8;
	s11 =	simm.s32 $0xFFC8  }
0x6: {  	s17 =	simm.s32 $0x11350;
	s19 =	simm.s32 $0x126D8;
	s21 =	simm.s32 $0x13A60  }
0x7: {  	s28 =	simm.s32 $0x174F8;
	s30 =	simm.s32 $0x2;
	s1 =	smul.u32 $0x28, s9  }
0x8: {  	s0 =	sand.u32 $0x1, s0;
	s5 =	smul.u32 $0x6400, s9;
	[smem:$0x7FF] =	sst s6  }
0x9: {  	s24 =	sshll.u32 s9, $0x6;
	s9 =	simm.s32 $0x4;
	s22 =	smul.u32 $0x64000, s0  }
0xa: {  	_ =	strace $0x80000047;
	s1 =	sor.u32 s0, s1;
	s0 =	ssub.s32 $0x2, s0  }
0xb: {  	s7 =	sshrl.u32 s5, $0x3;
	s1 =	smul.u32 $0x500, s1;
	s6 =	sadd.s32 s5, s22  }
0xc: {  	s8 =	sshrl.u32 s0, $0x1;
	s7 =	sadd.s32 s7, s4;
	s5 =	sadd.s32 s5, s3  }
0xd: {  	s22 =	simm.s32 $0x8A98;
	s6 =	sshrl.u32 s6, $0x3;
	s25 =	sadd.s32 $0x15400, s7  }
0xe: {  	s0 =	ssub.s32 s0, s8;
	s8 =	sshrl.u32 s5, $0x3;
	[dreg:$0x6] =	wrdreg s25  }
0xf: {  	s1 =	sadd.s32 s1, s4;
	s0 =	smax.u32 s0, $0x1;
	[dreg:$0xa] =	wrdreg s8  }
0x10: {  	s4 =	sadd.s32 s6, s4;
	s6 =	sor.u32 $0x1C04, s24;
	[dreg:$0x9] =	wrdreg s0  }
.Ltmp0:
0x11: {  	s23 =	sadd.s32 $0xB400, s1;
	[dreg:$0x7] =	wrdreg s6;
	(pc) =	sbr.rel .LBB2_1-.Ltmp0, $4  }
0x12: {  	s5 =	simm.s32 $0x0;
	s1 =	sadd.s32 $0x1400, s1;
	[dreg:$0x4] =	wrdreg s23  }
0x13: {  	s24 =	simm.s32 $0x9E20;
	s26 =	sadd.s32 $0x21C00, s4;
	[dreg:$0x5] =	wrdreg s1  }
0x14: {  	s25 =	simm.s32 $0x16170;
	s0 =	simm.s32 $0xEC40;
	[dreg:$0x8] =	wrdreg s26  }
0x15: {  	s26 =	simm.s32 $0xB1A8;
	s1 =	simm.s32 $0x1;
	s23 =	simm.s32 $0x14DE8  }
.LBB2_4:
0x16: {  	_ =	swait.ge [sflag:s1], $0x1388  }
0x17: {  	[sflag:s1] =	ssyncset.done $0x0  }
0x18: {  	[sflag:s1] =	ssyncadd.s32 $0xFFFFEC78  }
0x19: {  	[spmem:s3] =	stream.indirect.scatter.add.f32 [tilespmem:s28], [sflag:$0x2], $0x28, s4, s15, $0xb8;
	[tilespmem:$0x1EC80] =	vst v63  }
0x1a: {  	_ =	swait.ge [sflag:s30], $0x1388  }
0x1b: {  	[sflag:s30] =	ssyncset.done $0x0  }
0x1c: {  	[sflag:s30] =	ssyncadd.s32 $0xFFFFEC78  }
0x1d: {  	_ =	swait.ge [sflag:s30], $0x1388  }
0x1e: {  	[sflag:s30] =	ssyncset.done $0x0  }
0x1f: {  	[sflag:s30] =	ssyncadd.s32 $0xFFFFEC78  }
0x20: {  	_ =	swait.ge [sflag:s30], $0x1388  }
0x21: {  	[sflag:s30] =	ssyncset.done $0x0  }
0x22: {  	[sflag:s30] =	ssyncadd.s32 $0xFFFFEC78  }
0x23: {  	_ =	swait.ge [sflag:s30], $0x1388  }
0x24: {  	[sflag:s30] =	ssyncset.done $0x0  }
0x25: {  	[sflag:s30] =	ssyncadd.s32 $0xFFFFEC78  }
0x26: {  	_ =	swait.ge [sflag:s30], $0x1388  }
0x27: {  	[sflag:s30] =	ssyncset.done $0x0  }
0x28: {  	[sflag:s30] =	ssyncadd.s32 $0xFFFFEC78  }
0x29: {  	_ =	swait.ge [sflag:s30], $0x1388  }
0x2a: {  	[sflag:s30] =	ssyncset.done $0x0  }
0x2b: {  	[sflag:s30] =	ssyncadd.s32 $0xFFFFEC78  }
0x2c: {  	_ =	swait.ge [sflag:s30], $0x1388  }
0x2d: {  	[sflag:s30] =	ssyncset.done $0x0  }
0x2e: {  	[sflag:s30] =	ssyncadd.s32 $0xFFFFEC78  }
0x2f: {  	_ =	swait.ge [sflag:s30], $0x1388  }
0x30: {  	[sflag:s30] =	ssyncset.done $0x0  }
0x31: {  	[sflag:s30] =	ssyncadd.s32 $0xFFFFEC78  }
0x32: {  	_ =	swait.ge [sflag:s30], $0x1388  }
0x33: {  	[sflag:s30] =	ssyncset.done $0x0  }
0x34: {  	[sflag:s30] =	ssyncadd.s32 $0xFFFFEC78  }
0x35: {  	[bflag:$0x0] =	sbarrier.arrive $0xFFFF  }
0x36: {  	s6 =	rddreg [dreg:$0x7]  }
0x37: {  	s16 =	rddreg [dreg:$0x8]  }
0x38: {  	s9 =	simm.s32 $0x4;
	s8 =	rddreg [dreg:$0xa]  }
0x39: {  	[hbm:s16], [sflag:s6] =	dma.local [spmem:s8], $0xC80  }
0x3a: {  	_ =	swait.ge [sflag:s9], $0xC80  }
0x3b: {  	s5 =	rddreg [dreg:$0xb]  }
0x3c: {  	s18 =	rddreg [dreg:$0x9];
	s5 =	sadd.s32 $0x1, s5  }
0x3d: {  	p0 =	sne.s32 s5, s18  }
.Ltmp1:
0x3e: {  	_ = 	snop;
	(pc) =	sbr.rel @!p0 .LBB2_5-.Ltmp1, $3  }
0x3f: {  	_ =	sdelay $0x1  }
0x40: {  	[sflag:s9] =	ssyncset.done $0x0  }
0x41: {  	[sflag:s9] =	ssyncadd.s32 $0xFFFFF380  }
.LBB2_1:
0x42: {  	[dreg:$0xb] =	wrdreg s5  }
0x43: {  	s14 =	rddreg [dreg:$0x4]  }
0x44: {  	s4 =	simm.s32 $0x0;
	s16 =	rddreg [dreg:$0x5]  }
0x45: {  	[tilespmem:s4], [sflag:$0x3] =	stream.linear.gather [hbm4b:s14+s4], $0x2800, $0x38;
	[tilespmem:$0x1EC80] =	vst v63  }
0x46: {  	s7 =	simm.s32 $0x2800;
	s18 =	rddreg [dreg:$0x6]  }
0x47: {  	[tilespmem:s7], [sflag:$0x3] =	stream.linear.gather [hbm4b:s16+s4], $0x2800, $0x38;
	[tilespmem:$0x1EC80] =	vst v63  }
0x48: {  	[spmem:s8], [sflag:s6] =	dma.local [hbm:s18], $0xC80  }
0x49: {  	_ =	swait.ge [sflag:s9], $0xC80  }
0x4a: {  	[sflag:s9] =	ssyncset.done $0x0  }
0x4b: {  	s6 =	simm.s32 $0x3;
	[sflag:s9] =	ssyncadd.s32 $0xFFFFF380  }
0x4c: {  	_ =	swait.ge [sflag:s6], $0x2800  }
0x4d: {  	[sflag:s6] =	ssyncset.done $0x0  }
0x4e: {  	[sflag:s6] =	ssyncadd.s32 $0xFFFFD800  }
0x4f: {  	_ =	swait.ge [sflag:s6], $0x2800  }
0x50: {  	[sflag:s6] =	ssyncset.done $0x0  }
0x51: {  	s7 =	simm.s32 $0x5000;
	[sflag:s6] =	ssyncadd.s32 $0xFFFFD800  }
0x52: {  	[tilespmem:s7], [sflag:$0x1] =	stream.indirect.gather [hbm4b:s2+s15], $0x28, s4, s15, $0xb8;
	[tilespmem:$0x1EC80] =	vst v63  }
0x53: {  	s8 =	simm.s32 $0x80;
	s9 =	simm.s32 $0x6388  }
0x54: {  	[tilespmem:s9], [sflag:$0x1] =	stream.indirect.gather [hbm4b:s2+s15], $0x28, s8, s15, $0xb8;
	[tilespmem:$0x1EC80] =	vst v63  }
0x55: {  	s10 =	simm.s32 $0x100  }
0x56: {  	[tilespmem:s20], [sflag:$0x1] =	stream.indirect.gather [hbm4b:s2+s15], $0x28, s10, s15, $0xb8;
	[tilespmem:$0x1EC80] =	vst v63  }
0x57: {  	s12 =	simm.s32 $0x180  }
0x58: {  	[tilespmem:s22], [sflag:$0x1] =	stream.indirect.gather [hbm4b:s2+s15], $0x28, s12, s15, $0xb8;
	[tilespmem:$0x1EC80] =	vst v63  }
0x59: {  	s13 =	simm.s32 $0x200  }
0x5a: {  	[tilespmem:s24], [sflag:$0x1] =	stream.indirect.gather [hbm4b:s2+s15], $0x28, s13, s15, $0xb8;
	[tilespmem:$0x1EC80] =	vst v63  }
0x5b: {  	s14 =	simm.s32 $0x280  }
0x5c: {  	[tilespmem:s26], [sflag:$0x1] =	stream.indirect.gather [hbm4b:s2+s15], $0x28, s14, s15, $0xb8;
	[tilespmem:$0x1EC80] =	vst v63  }
0x5d: {  	s16 =	simm.s32 $0x300  }
0x5e: {  	[tilespmem:s29], [sflag:$0x1] =	stream.indirect.gather [hbm4b:s2+s15], $0x28, s16, s15, $0xb8;
	[tilespmem:$0x1EC80] =	vst v63  }
0x5f: {  	s18 =	simm.s32 $0x380  }
0x60: {  	[tilespmem:s31], [sflag:$0x1] =	stream.indirect.gather [hbm4b:s2+s15], $0x28, s18, s15, $0xb8;
	[tilespmem:$0x1EC80] =	vst v63  }
0x61: {  	s6 =	simm.s32 $0x0;
	[bflag:$0x0] =	sbarrier.arrive $0xFFFF  }
.LBB2_2:
0x62: {  	_ =	swait.ge [sflag:s1], $0x1388  }
0x63: {  	s7 =	sshra.s32 s6, $0x2;
	s5 =	simm.s32 $0x5000;
	[sflag:s1] =	ssyncset.done $0x0  }
0x64: {  	p0 =	seq.s32 s6, $0x0;
	s4 =	sadd.s32 $0x2800, s7;
	[sflag:s1] =	ssyncadd.s32 $0xFFFFEC78  }
0x65: {  	[spmem:s3] =	stream.indirect.scatter.add.f32 [tilespmem:s5], [sflag:$0x2], $0x28, s4, s15, $0xb8;
	[tilespmem:$0x1EC80] =	vst v63  }
0x66: {  	s4 =	simm.s32 @!p0 $0x2  }
0x67: {  	_ =	swait.ge @!p0 [sflag:s4], $0x1388  }
0x68: {  	[sflag:s4] =	ssyncset.done @!p0 $0x0  }
0x69: {  	s16 =	sadd.s32 $0x400, s7;
	[sflag:s4] =	ssyncadd.s32 @!p0 $0xFFFFEC78  }
0x6a: {  	[tilespmem:s0], [sflag:$0x1] =	stream.indirect.gather [hbm4b:s2+s15], $0x28, s16, s15, $0xb8;
	[tilespmem:$0x1EC80] =	vst v63  }
0x6b: {  	_ =	swait.ge [sflag:s1], $0x1388  }
0x6c: {  	[sflag:s1] =	ssyncset.done $0x0  }
0x6d: {  	s8 =	simm.s32 $0x6388;
	s18 =	sadd.s32 $0x2880, s7;
	[sflag:s1] =	ssyncadd.s32 $0xFFFFEC78  }
0x6e: {  	[spmem:s3] =	stream.indirect.scatter.add.f32 [tilespmem:s8], [sflag:$0x2], $0x28, s18, s15, $0xb8;
	[tilespmem:$0x1EC80] =	vst v63  }
0x6f: {  	_ =	swait.ge @!p0 [sflag:s4], $0x1388  }
0x70: {  	[sflag:s4] =	ssyncset.done @!p0 $0x0  }
0x71: {  	s9 =	sadd.s32 $0x480, s7;
	[sflag:s4] =	ssyncadd.s32 @!p0 $0xFFFFEC78  }
0x72: {  	[tilespmem:s11], [sflag:$0x1] =	stream.indirect.gather [hbm4b:s2+s15], $0x28, s9, s15, $0xb8;
	[tilespmem:$0x1EC80] =	vst v63  }
0x73: {  	_ =	swait.ge [sflag:s1], $0x1388  }
0x74: {  	[sflag:s1] =	ssyncset.done $0x0  }
0x75: {  	s10 =	sadd.s32 $0x2900, s7;
	[sflag:s1] =	ssyncadd.s32 $0xFFFFEC78  }
0x76: {  	[spmem:s3] =	stream.indirect.scatter.add.f32 [tilespmem:s20], [sflag:$0x2], $0x28, s10, s15, $0xb8;
	[tilespmem:$0x1EC80] =	vst v63  }
0x77: {  	_ =	swait.ge @!p0 [sflag:s4], $0x1388  }
0x78: {  	[sflag:s4] =	ssyncset.done @!p0 $0x0  }
0x79: {  	s12 =	sadd.s32 $0x500, s7;
	[sflag:s4] =	ssyncadd.s32 @!p0 $0xFFFFEC78  }
0x7a: {  	[tilespmem:s17], [sflag:$0x1] =	stream.indirect.gather [hbm4b:s2+s15], $0x28, s12, s15, $0xb8;
	[tilespmem:$0x1EC80] =	vst v63  }
0x7b: {  	_ =	swait.ge [sflag:s1], $0x1388  }
0x7c: {  	[sflag:s1] =	ssyncset.done $0x0  }
0x7d: {  	s13 =	sadd.s32 $0x2980, s7;
	[sflag:s1] =	ssyncadd.s32 $0xFFFFEC78  }
0x7e: {  	[spmem:s3] =	stream.indirect.scatter.add.f32 [tilespmem:s22], [sflag:$0x2], $0x28, s13, s15, $0xb8;
	[tilespmem:$0x1EC80] =	vst v63  }
0x7f: {  	_ =	swait.ge @!p0 [sflag:s4], $0x1388  }
0x80: {  	[sflag:s4] =	ssyncset.done @!p0 $0x0  }
0x81: {  	s14 =	sadd.s32 $0x580, s7;
	[sflag:s4] =	ssyncadd.s32 @!p0 $0xFFFFEC78  }
0x82: {  	[tilespmem:s19], [sflag:$0x1] =	stream.indirect.gather [hbm4b:s2+s15], $0x28, s14, s15, $0xb8;
	[tilespmem:$0x1EC80] =	vst v63  }
0x83: {  	_ =	swait.ge [sflag:s1], $0x1388  }
0x84: {  	[sflag:s1] =	ssyncset.done $0x0  }
0x85: {  	s16 =	sadd.s32 $0x2A00, s7;
	[sflag:s1] =	ssyncadd.s32 $0xFFFFEC78  }
0x86: {  	[spmem:s3] =	stream.indirect.scatter.add.f32 [tilespmem:s24], [sflag:$0x2], $0x28, s16, s15, $0xb8;
	[tilespmem:$0x1EC80] =	vst v63  }
0x87: {  	_ =	swait.ge @!p0 [sflag:s4], $0x1388  }
0x88: {  	[sflag:s4] =	ssyncset.done @!p0 $0x0  }
0x89: {  	s18 =	sadd.s32 $0x600, s7;
	[sflag:s4] =	ssyncadd.s32 @!p0 $0xFFFFEC78  }
0x8a: {  	[tilespmem:s21], [sflag:$0x1] =	stream.indirect.gather [hbm4b:s2+s15], $0x28, s18, s15, $0xb8;
	[tilespmem:$0x1EC80] =	vst v63  }
0x8b: {  	_ =	swait.ge [sflag:s1], $0x1388  }
0x8c: {  	[sflag:s1] =	ssyncset.done $0x0  }
0x8d: {  	s8 =	sadd.s32 $0x2A80, s7;
	[sflag:s1] =	ssyncadd.s32 $0xFFFFEC78  }
0x8e: {  	[spmem:s3] =	stream.indirect.scatter.add.f32 [tilespmem:s26], [sflag:$0x2], $0x28, s8, s15, $0xb8;
	[tilespmem:$0x1EC80] =	vst v63  }
0x8f: {  	_ =	swait.ge @!p0 [sflag:s4], $0x1388  }
0x90: {  	[sflag:s4] =	ssyncset.done @!p0 $0x0  }
0x91: {  	s9 =	sadd.s32 $0x680, s7;
	[sflag:s4] =	ssyncadd.s32 @!p0 $0xFFFFEC78  }
0x92: {  	[tilespmem:s23], [sflag:$0x1] =	stream.indirect.gather [hbm4b:s2+s15], $0x28, s9, s15, $0xb8;
	[tilespmem:$0x1EC80] =	vst v63  }
0x93: {  	_ =	swait.ge [sflag:s1], $0x1388  }
0x94: {  	[sflag:s1] =	ssyncset.done $0x0  }
0x95: {  	s10 =	sadd.s32 $0x2B00, s7;
	[sflag:s1] =	ssyncadd.s32 $0xFFFFEC78  }
0x96: {  	[spmem:s3] =	stream.indirect.scatter.add.f32 [tilespmem:s29], [sflag:$0x2], $0x28, s10, s15, $0xb8;
	[tilespmem:$0x1EC80] =	vst v63  }
0x97: {  	_ =	swait.ge @!p0 [sflag:s4], $0x1388  }
0x98: {  	[sflag:s4] =	ssyncset.done @!p0 $0x0  }
0x99: {  	s12 =	sadd.s32 $0x700, s7;
	[sflag:s4] =	ssyncadd.s32 @!p0 $0xFFFFEC78  }
0x9a: {  	[tilespmem:s25], [sflag:$0x1] =	stream.indirect.gather [hbm4b:s2+s15], $0x28, s12, s15, $0xb8;
	[tilespmem:$0x1EC80] =	vst v63  }
0x9b: {  	_ =	swait.ge [sflag:s1], $0x1388  }
0x9c: {  	[sflag:s1] =	ssyncset.done $0x0  }
0x9d: {  	s13 =	sadd.s32 $0x2B80, s7;
	[sflag:s1] =	ssyncadd.s32 $0xFFFFEC78  }
0x9e: {  	[spmem:s3] =	stream.indirect.scatter.add.f32 [tilespmem:s31], [sflag:$0x2], $0x28, s13, s15, $0xb8;
	[tilespmem:$0x1EC80] =	vst v63  }
0x9f: {  	_ =	swait.ge @!p0 [sflag:s4], $0x1388  }
0xa0: {  	[sflag:s4] =	ssyncset.done @!p0 $0x0  }
0xa1: {  	s14 =	sadd.s32 $0x780, s7;
	[sflag:s4] =	ssyncadd.s32 @!p0 $0xFFFFEC78  }
0xa2: {  	[tilespmem:s28], [sflag:$0x1] =	stream.indirect.gather [hbm4b:s2+s15], $0x28, s14, s15, $0xb8;
	[tilespmem:$0x1EC80] =	vst v63  }
0xa3: {  	_ =	swait.ge [sflag:s1], $0x1388  }
0xa4: {  	[sflag:s1] =	ssyncset.done $0x0  }
0xa5: {  	s16 =	sadd.s32 $0x2C00, s7;
	[sflag:s1] =	ssyncadd.s32 $0xFFFFEC78  }
0xa6: {  	[spmem:s3] =	stream.indirect.scatter.add.f32 [tilespmem:s0], [sflag:$0x2], $0x28, s16, s15, $0xb8;
	[tilespmem:$0x1EC80] =	vst v63  }
0xa7: {  	_ =	swait.ge [sflag:s30], $0x1388  }
0xa8: {  	p0 =	seq.s32 s6, $0x8000;
	[sflag:s30] =	ssyncset.done $0x0  }
0xa9: {  	s4 =	simm.s32 @p0 $0x1;
	[sflag:s30] =	ssyncadd.s32 $0xFFFFEC78  }
0xaa: {  	s8 =	sshra.s32 @p0 s6, $0x2;
	_ =	swait.ge @p0 [sflag:s4], $0x1388  }
0xab: {  	s12 =	simm.s32 @p0 $0x7D;
	s9 =	simm.s32 @p0 $0xFFC8;
	[sflag:s4] =	ssyncset.done @p0 $0x0  }
0xac: {  	s13 =	simm.s32 @p0 $0x2;
	s5 =	sadd.s32 @p0 $0x2C80, s8;
	[sflag:s4] =	ssyncadd.s32 @p0 $0xFFFFEC78  }
0xad: {  	[spmem:s3] =	stream.indirect.scatter.add.f32 @p0 [tilespmem:s9], [sflag:$0x2], $0x28, s5, s12, $0xb8;
	[tilespmem:$0x1EC80] =	vst v63  }
0xae: {  	_ =	swait.ge @p0 [sflag:s13], $0x1388  }
0xaf: {  	s10 =	simm.s32 @!p0 $0x7D;
	s9 =	sshra.s32 @!p0 s6, $0x2;
	[sflag:s13] =	ssyncset.done @p0 $0x0  }
0xb0: {  	s14 =	simm.s32 @!p0 $0x5000;
	s5 =	sadd.s32 @!p0 $0x800, s9;
	[sflag:s13] =	ssyncadd.s32 @p0 $0xFFFFEC78  }
0xb1: {  	[tilespmem:s14], [sflag:$0x1] =	stream.indirect.gather @!p0 [hbm4b:s2+s10], $0x28, s5, s10, $0xb8;
	[tilespmem:$0x1EC80] =	vst v63  }
0xb2: {  	s14 =	simm.s32 @!p0 $0x1  }
0xb3: {  	_ =	swait.ge @!p0 [sflag:s14], $0x1388  }
0xb4: {  	[sflag:s14] =	ssyncset.done @!p0 $0x0  }
0xb5: {  	s16 =	simm.s32 @!p0 $0xFFC8;
	s5 =	sadd.s32 @!p0 $0x2C80, s9;
	[sflag:s14] =	ssyncadd.s32 @!p0 $0xFFFFEC78  }
0xb6: {  	[spmem:s3] =	stream.indirect.scatter.add.f32 @!p0 [tilespmem:s16], [sflag:$0x2], $0x28, s5, s10, $0xb8;
	[tilespmem:$0x1EC80] =	vst v63  }
0xb7: {  	s5 =	simm.s32 @!p0 $0x2  }
0xb8: {  	_ =	swait.ge @!p0 [sflag:s5], $0x1388  }
0xb9: {  	[sflag:s5] =	ssyncset.done @!p0 $0x0  }
0xba: {  	s18 =	simm.s32 @!p0 $0x6388;
	s16 =	sadd.s32 @!p0 $0x880, s9;
	[sflag:s5] =	ssyncadd.s32 @!p0 $0xFFFFEC78  }
0xbb: {  	[tilespmem:s18], [sflag:$0x1] =	stream.indirect.gather @!p0 [hbm4b:s2+s10], $0x28, s16, s10, $0xb8;
	[tilespmem:$0x1EC80] =	vst v63  }
0xbc: {  	_ =	swait.ge [sflag:s1], $0x1388  }
0xbd: {  	[sflag:s1] =	ssyncset.done $0x0  }
0xbe: {  	s18 =	sadd.s32 $0x2D00, s7;
	[sflag:s1] =	ssyncadd.s32 $0xFFFFEC78  }
0xbf: {  	[spmem:s3] =	stream.indirect.scatter.add.f32 [tilespmem:s17], [sflag:$0x2], $0x28, s18, s15, $0xb8;
	[tilespmem:$0x1EC80] =	vst v63  }
0xc0: {  	_ =	swait.ge [sflag:s30], $0x1388  }
0xc1: {  	[sflag:s30] =	ssyncset.done $0x0  }
0xc2: {  	[sflag:s30] =	ssyncadd.s32 $0xFFFFEC78  }
0xc3: {  	_ =	swait.ge @p0 [sflag:s4], $0x1388  }
0xc4: {  	[sflag:s4] =	ssyncset.done @p0 $0x0  }
0xc5: {  	s16 =	sadd.s32 @p0 $0x2D80, s8;
	s18 =	simm.s32 @p0 $0x126D8;
	[sflag:s4] =	ssyncadd.s32 @p0 $0xFFFFEC78  }
0xc6: {  	[spmem:s3] =	stream.indirect.scatter.add.f32 @p0 [tilespmem:s18], [sflag:$0x2], $0x28, s16, s12, $0xb8;
	[tilespmem:$0x1EC80] =	vst v63  }
0xc7: {  	_ =	swait.ge @p0 [sflag:s13], $0x1388  }
0xc8: {  	[sflag:s13] =	ssyncset.done @p0 $0x0  }
0xc9: {  	s16 =	sadd.s32 @!p0 $0x900, s9;
	s18 =	simm.s32 @!p0 $0x7710;
	[sflag:s13] =	ssyncadd.s32 @p0 $0xFFFFEC78  }
0xca: {  	[tilespmem:s18], [sflag:$0x1] =	stream.indirect.gather @!p0 [hbm4b:s2+s10], $0x28, s16, s10, $0xb8;
	[tilespmem:$0x1EC80] =	vst v63  }
0xcb: {  	_ =	swait.ge @!p0 [sflag:s14], $0x1388  }
0xcc: {  	[sflag:s14] =	ssyncset.done @!p0 $0x0  }
0xcd: {  	s16 =	sadd.s32 @!p0 $0x2D80, s9;
	s18 =	simm.s32 @!p0 $0x126D8;
	[sflag:s14] =	ssyncadd.s32 @!p0 $0xFFFFEC78  }
0xce: {  	[spmem:s3] =	stream.indirect.scatter.add.f32 @!p0 [tilespmem:s18], [sflag:$0x2], $0x28, s16, s10, $0xb8;
	[tilespmem:$0x1EC80] =	vst v63  }
0xcf: {  	_ =	swait.ge @!p0 [sflag:s5], $0x1388  }
0xd0: {  	[sflag:s5] =	ssyncset.done @!p0 $0x0  }
0xd1: {  	s16 =	sadd.s32 @!p0 $0x980, s9;
	s18 =	simm.s32 @!p0 $0x8A98;
	[sflag:s5] =	ssyncadd.s32 @!p0 $0xFFFFEC78  }
0xd2: {  	[tilespmem:s18], [sflag:$0x1] =	stream.indirect.gather @!p0 [hbm4b:s2+s10], $0x28, s16, s10, $0xb8;
	[tilespmem:$0x1EC80] =	vst v63  }
0xd3: {  	_ =	swait.ge [sflag:s1], $0x1388  }
0xd4: {  	[sflag:s1] =	ssyncset.done $0x0  }
0xd5: {  	s18 =	sadd.s32 $0x2E00, s7;
	[sflag:s1] =	ssyncadd.s32 $0xFFFFEC78  }
0xd6: {  	[spmem:s3] =	stream.indirect.scatter.add.f32 [tilespmem:s21], [sflag:$0x2], $0x28, s18, s15, $0xb8;
	[tilespmem:$0x1EC80] =	vst v63  }
0xd7: {  	_ =	swait.ge [sflag:s30], $0x1388  }
0xd8: {  	[sflag:s30] =	ssyncset.done $0x0  }
0xd9: {  	[sflag:s30] =	ssyncadd.s32 $0xFFFFEC78  }
0xda: {  	_ =	swait.ge @p0 [sflag:s4], $0x1388  }
0xdb: {  	[sflag:s4] =	ssyncset.done @p0 $0x0  }
0xdc: {  	[sflag:s4] =	ssyncadd.s32 @p0 $0xFFFFEC78;
	s4 =	sadd.s32 @p0 $0x2E80, s8;
	s8 =	simm.s32 @p0 $0x14DE8  }
0xdd: {  	[spmem:s3] =	stream.indirect.scatter.add.f32 @p0 [tilespmem:s8], [sflag:$0x2], $0x28, s4, s12, $0xb8;
	[tilespmem:$0x1EC80] =	vst v63  }
0xde: {  	_ =	swait.ge @p0 [sflag:s13], $0x1388  }
0xdf: {  	[sflag:s13] =	ssyncset.done @p0 $0x0  }
0xe0: {  	s4 =	sadd.s32 @!p0 $0xA00, s9;
	s8 =	simm.s32 @!p0 $0x9E20;
	[sflag:s13] =	ssyncadd.s32 @p0 $0xFFFFEC78  }
0xe1: {  	[tilespmem:s8], [sflag:$0x1] =	stream.indirect.gather @!p0 [hbm4b:s2+s10], $0x28, s4, s10, $0xb8;
	[tilespmem:$0x1EC80] =	vst v63  }
0xe2: {  	_ =	swait.ge @!p0 [sflag:s14], $0x1388  }
0xe3: {  	[sflag:s14] =	ssyncset.done @!p0 $0x0  }
0xe4: {  	s4 =	sadd.s32 @!p0 $0x2E80, s9;
	s8 =	simm.s32 @!p0 $0x14DE8;
	[sflag:s14] =	ssyncadd.s32 @!p0 $0xFFFFEC78  }
0xe5: {  	[spmem:s3] =	stream.indirect.scatter.add.f32 @!p0 [tilespmem:s8], [sflag:$0x2], $0x28, s4, s10, $0xb8;
	[tilespmem:$0x1EC80] =	vst v63  }
0xe6: {  	_ =	swait.ge @!p0 [sflag:s5], $0x1388  }
0xe7: {  	[sflag:s5] =	ssyncset.done @!p0 $0x0  }
0xe8: {  	s4 =	sadd.s32 @!p0 $0xA80, s9;
	[sflag:s5] =	ssyncadd.s32 @!p0 $0xFFFFEC78;
	s5 =	simm.s32 @!p0 $0xB1A8  }
0xe9: {  	[tilespmem:s5], [sflag:$0x1] =	stream.indirect.gather @!p0 [hbm4b:s2+s10], $0x28, s4, s10, $0xb8;
	[tilespmem:$0x1EC80] =	vst v63  }
0xea: {  	_ =	swait.ge [sflag:s1], $0x1388  }
0xeb: {  	[sflag:s1] =	ssyncset.done $0x0  }
.Ltmp2:
0xec: {  	s18 =	sadd.s32 $0x2F00, s7;
	[sflag:s1] =	ssyncadd.s32 $0xFFFFEC78;
	(pc) =	sbr.rel @p0 .LBB2_4-.Ltmp2, $4  }
0xed: {  	[spmem:s3] =	stream.indirect.scatter.add.f32 [tilespmem:s25], [sflag:$0x2], $0x28, s18, s15, $0xb8;
	[tilespmem:$0x1EC80] =	vst v63  }
0xee: {  	_ =	swait.ge [sflag:s30], $0x1388  }
0xef: {  	[sflag:s30] =	ssyncset.done $0x0  }
0xf0: {  	s4 =	sadd.s32 $0x2F80, s7;
	[sflag:s30] =	ssyncadd.s32 $0xFFFFEC78  }
0xf1: {  	s5 =	sadd.s32 $0xB00, s7  }
0xf2: {  	[tilespmem:s29], [sflag:$0x1] =	stream.indirect.gather [hbm4b:s2+s15], $0x28, s5, s15, $0xb8;
	[tilespmem:$0x1EC80] =	vst v63  }
0xf3: {  	_ =	swait.ge [sflag:s1], $0x1388  }
0xf4: {  	[sflag:s1] =	ssyncset.done $0x0  }
0xf5: {  	[sflag:s1] =	ssyncadd.s32 $0xFFFFEC78  }
0xf6: {  	[spmem:s3] =	stream.indirect.scatter.add.f32 [tilespmem:s28], [sflag:$0x2], $0x28, s4, s15, $0xb8;
	[tilespmem:$0x1EC80] =	vst v63  }
.Ltmp3:
0xf7: {  	_ = 	snop;
	(pc) =	sbr.rel .LBB2_2-.Ltmp3, $4  }
0xf8: {  	_ =	swait.ge [sflag:s30], $0x1388  }
0xf9: {  	[sflag:s30] =	ssyncset.done $0x0  }
0xfa: {  	s18 =	sadd.s32 $0xB80, s7;
	s6 =	sadd.s32 $0x2000, s6;
	[sflag:s30] =	ssyncadd.s32 $0xFFFFEC78  }
0xfb: {  	[tilespmem:s31], [sflag:$0x1] =	stream.indirect.gather [hbm4b:s2+s15], $0x28, s18, s15, $0xb8;
	[tilespmem:$0x1EC80] =	vst v63  }
.LBB2_5:
0xfc: {  	_ =	sfence.sel $0x180000  }
0xfd: {  	[bflag:$0x0] =	sbarrier.arrive $0xFFFF  }
0xfe: {  	_ =	strace $0x90000047  }
0xff: {  	s0 =	stileid.u32;
	[bflag:$0x2] =	sbarrier.arrive $0xFFFF  }
0x100: {  	p0 =	sne.s32 s0, $0x0;
	s0 =	rddreg [dreg:$0x3]  }
0x101: {  	s0 =	sadd.s32 @!p0 $0x100000, s0  }
0x102: {  	[sflag:s0] =	ssyncadd.tile.s32 @!p0 $0x1;
	_ =	shalt  }
.Lfunc_end2:
_tile_overlayer_lowered:
.L_overlay_start_2:
0x103: {  	(tag) =	ssettag $0x2  }
0x104: {  	s0 =	rddreg [dreg:$0x0];
	s2 =	stileid.u32  }
0x105: {  	s1 =	rddreg [dreg:$0x1];
	p0 =	sne.s32 s2, $0x0  }
0x106: {  	s3 =	rddreg [dreg:$0x2];
	[bflag:$0x3] =	sbarrier.arrive $0xFFFF;
	s2 =	simm.s32 @!p0 $0x1C04  }
0x107: {  	[timem:s3], [sflag:s2] =	dma.local @!p0 [hbm:s0], s1  }
0x108: {  	s0 =	simm.s32 @!p0 $0x4  }
0x109: {  	_ =	swait.ge @!p0 [sflag:s0], s1  }
0x10a: {  	s1 =	ssub.s32 @!p0 $0x0, s1;
	[sflag:s0] =	ssyncset.done @!p0 $0x0  }
0x10b: {  	[sflag:s0] =	ssyncadd.s32 @!p0 s1  }
0x10c: {  	[bflag:$0x3] =	sbarrier.arrive $0xFFFF  }
0x10d: {  	_ =	shalt  }

</sc_bundles>
